<compile_context>
chip_gen: v7x
topology: tpu7x:2x2x1
jax: 0.10.2.dev20260603
libtpu: 0.0.44.dev20260713+nightly
codegen_flags: <defaults>
</compile_context>

<pallas_src>
import functools

import jax
import jax.numpy as jnp
from jax import lax
from jax.experimental import pallas as pl
from jax.experimental.pallas import tpu as pltpu
from jax.experimental.pallas import tpu_sc as plsc

_D = 64
_K = 512
_B = 4
_HW = 576
_N = _B * _HW
_COMMIT = 0.25


def _vq_body(x_ref, w_ref, q_ref, idx_ref, loss_ref):
    w = w_ref[...]
    wsq = jnp.sum(w * w, axis=1, keepdims=True)
    nall = _B * _HW
    x = jnp.concatenate([x_ref[b] for b in range(_B)], axis=1)
    s = lax.dot_general(w, x, (((1,), (0,)), ((), ())),
                        preferred_element_type=jnp.float32,
                        precision=lax.Precision.HIGHEST)
    t = 0.5 * wsq - s
    iota_k = lax.broadcasted_iota(jnp.int32, (_K, nall), 0)
    m1 = jnp.min(t, axis=0, keepdims=True)
    k1 = jnp.min(jnp.where(t == m1, iota_k, _K), axis=0, keepdims=True)
    eq1 = iota_k == k1
    t2 = jnp.where(eq1, jnp.inf, t)
    m2 = jnp.min(t2, axis=0, keepdims=True)
    k2 = jnp.min(jnp.where(t2 == m2, iota_k, _K), axis=0, keepdims=True)
    oh1 = eq1.astype(jnp.float32)
    oh2 = (iota_k == k2).astype(jnp.float32)
    w1 = lax.dot_general(w, oh1, (((0,), (0,)), ((), ())),
                         preferred_element_type=jnp.float32,
                         precision=lax.Precision.HIGHEST)
    w2 = lax.dot_general(w, oh2, (((0,), (0,)), ((), ())),
                         preferred_element_type=jnp.float32,
                         precision=lax.Precision.HIGHEST)
    d1 = jnp.sum((x - w1) ** 2, axis=0, keepdims=True)
    d2 = jnp.sum((x - w2) ** 2, axis=0, keepdims=True)
    pick1 = (d1 < d2) | ((d1 == d2) & (k1 < k2))
    idx = jnp.where(pick1, k1, k2)
    q = jnp.where(pick1, w1, w2)
    idx_ref[0] = idx
    for b in range(_B):
        q_ref[b] = lax.slice(q, (0, b * _HW), (_D, (b + 1) * _HW))
    loss_ref[0, 0] = ((1.0 + _COMMIT) / (_N * _D)) * jnp.sum(
        jnp.where(pick1, d1, d2))


def _vq_call(x3, w, interpret=False):
    return pl.pallas_call(
        _vq_body,
        in_specs=[
            pl.BlockSpec((_B, _D, _HW), lambda: (0, 0, 0)),
            pl.BlockSpec((_K, _D), lambda: (0, 0)),
        ],
        out_specs=[
            pl.BlockSpec((_B, _D, _HW), lambda: (0, 0, 0)),
            pl.BlockSpec((1, 1, _B * _HW), lambda: (0, 0, 0)),
            pl.BlockSpec((1, 1), lambda: (0, 0), memory_space=pltpu.SMEM),
        ],
        out_shape=[
            jax.ShapeDtypeStruct((_B, _D, _HW), jnp.float32),
            jax.ShapeDtypeStruct((1, 1, _B * _HW), jnp.int32),
            jax.ShapeDtypeStruct((1, 1), jnp.float32),
        ],
        interpret=interpret,
    )(x3, w)


_NS = 16
_PER = _N // _NS
_HLEN = 16 * _K


def _ln16(v):
    u = plsc.bitcast(v, jnp.int32)
    e = lax.shift_right_arithmetic(u, 23) - 127
    m = plsc.bitcast((u & 0x7FFFFF) | 0x3F800000, jnp.float32)
    big = m > 1.4142135
    m = jnp.where(big, m * 0.5, m)
    e = jnp.where(big, e + 1, e)
    z = (m - 1.0) / (m + 1.0)
    z2 = z * z
    s = (1.0 / 9.0) * z2 + (1.0 / 7.0)
    s = s * z2 + 0.2
    s = s * z2 + (1.0 / 3.0)
    s = s * z2 + 1.0
    return e.astype(jnp.float32) * 0.6931471805599453 + 2.0 * z * s


def _hist_body(idx_hbm, zeros_hbm, perp_hbm, idx_v, hist_v, acc_v, part_sh,
               zsem):
    sid = lax.axis_index("s")
    base = sid * _PER
    zcopy = pltpu.make_async_copy(zeros_hbm, hist_v, zsem)
    zcopy.start()
    pltpu.sync_copy(idx_hbm.at[pl.ds(base, _PER)], idx_v)
    zcopy.wait()

    lane = lax.iota(jnp.int32, 16)
    ones = jnp.ones((16,), jnp.float32)
    for c in range(_PER // 16):
        iv = idx_v[pl.ds(c * 16, 16)]
        addr = lane * _K + iv
        plsc.addupdate_scatter(hist_v, [addr], ones)

    def _fold(c, carry):
        a = hist_v[pl.ds(c * 16, 16)]
        for r in range(1, 16):
            a = a + hist_v[pl.ds(r * _K + c * 16, 16)]
        hist_v[pl.ds(c * 16, 16)] = a
        return carry

    lax.fori_loop(0, _K // 16, _fold, 0)
    pltpu.sync_copy(hist_v.at[pl.ds(0, _K)], part_sh.at[sid])
    plsc.subcore_barrier()

    @pl.when(sid == 0)
    def _():
        pltpu.sync_copy(part_sh, acc_v)
        ent = jnp.zeros((16,), jnp.float32)
        for c in range(_K // 16):
            cnt = acc_v[0, pl.ds(c * 16, 16)]
            for r in range(1, 16):
                cnt = cnt + acc_v[r, pl.ds(c * 16, 16)]
            p = cnt * (1.0 / _N)
            ent = ent + p * _ln16(p + 1e-10)
        neg_ent = jnp.full((16,), -jnp.sum(ent), jnp.float32)
        hist_v[pl.ds(0, 16)] = jnp.exp(neg_ent)
        pltpu.sync_copy(hist_v.at[pl.ds(0, 16)], perp_hbm)


@functools.cache
def _hist_call():
    return pl.kernel(
        _hist_body,
        out_type=jax.ShapeDtypeStruct((16,), jnp.float32),
        mesh=plsc.VectorSubcoreMesh(
            core_axis_name="c", subcore_axis_name="s", num_cores=1),
        scratch_types=[
            pltpu.VMEM((_PER,), jnp.int32),
            pltpu.VMEM((_HLEN,), jnp.float32),
            pltpu.VMEM((_NS, _K), jnp.float32),
            pltpu.VMEM_SHARED((_NS, _K), jnp.float32),
            pltpu.SemaphoreType.DMA,
        ],
        compiler_params=pltpu.CompilerParams(needs_layout_passes=False),
    )


def kernel(inputs, w):
    x3 = inputs.reshape(_B, _D, _HW)
    q, idx, loss = _vq_call(x3, w)
    zeros = jnp.zeros((_HLEN,), jnp.float32)
    perp = _hist_call()(idx.reshape(_N), zeros)
    return (q.reshape(inputs.shape), loss[0, 0], perp[0])

# --- scband reference (transcript-rebuilt; emitter-appended) ---
"""Pipeline reference for scband-vector-quantizer-4432406249685 (READ-ONLY COPY).

The authoritative reference and input builder live on the scoring server;
editing this copy changes nothing except your own understanding.
"""

import jax, jax.numpy as jnp
import numpy as np

EMBEDDING_DIM = 64
NUM_EMBEDDINGS = 512
COMMITMENT_COST = 0.25


def setup_inputs(seed: int = 0) -> dict:
    key = jax.random.key(seed)
    k1, k2 = jax.random.split(key)
    inputs = jax.random.normal(k1, (4, EMBEDDING_DIM, 24, 24), dtype=jnp.float32)
    # nn.Embedding default init: N(0, 1)
    w = jax.random.normal(k2, (NUM_EMBEDDINGS, EMBEDDING_DIM), dtype=jnp.float32)
    return {"inputs": inputs, "w": w}


def reference(inputs, w):
    B, D, H, W = inputs.shape
    K = w.shape[0]
    # distances: [B, K, H, W] = sum over embedding dim of squared diff
    distances = jnp.sum((inputs[:, None, :, :, :] - w.reshape(1, K, D, 1, 1)) ** 2, axis=2)
    encoding_indices = jnp.argmax(-distances, axis=1)  # [B, H, W]
    quantized = w[encoding_indices]  # [B, H, W, D]
    # transpose(2,3) then transpose(1,2): [B,H,W,D] -> [B,D,H,W]
    quantized = jnp.transpose(quantized, (0, 3, 1, 2))
    assert quantized.shape == inputs.shape
    output_quantized = inputs + jax.lax.stop_gradient(quantized - inputs)
    e_latent_loss = jnp.mean((jax.lax.stop_gradient(quantized) - inputs) ** 2)
    q_latent_loss = jnp.mean((quantized - jax.lax.stop_gradient(inputs)) ** 2)
    loss = q_latent_loss + COMMITMENT_COST * e_latent_loss
    flat_idx = encoding_indices.reshape(-1)
    n = flat_idx.shape[0]
    encoding_onehot = jnp.zeros((n, K), dtype=jnp.float32).at[jnp.arange(n), flat_idx].set(1.0)
    avg_probs = jnp.mean(encoding_onehot, axis=0)
    perplexity = jnp.exp(-jnp.sum(avg_probs * jnp.log(avg_probs + 1e-10)))
    return (output_quantized, loss, perplexity)

if __name__ == "__main__":
    import jax
    _d = setup_inputs()
    print(jax.jit(kernel)(*tuple(_d.values())))

</pallas_src>

<mosaic_0001>
#map = affine_map<(d0, d1) -> (0)>
module attributes {stable_mosaic.version = 14 : i64} {
  func.func @_hist_body(%arg0: i32, %arg1: i32, %arg2: memref<2304xi32, #tpu.memory_space<hbm>>, %arg3: memref<8192xf32, #tpu.memory_space<hbm>>, %arg4: memref<16xf32, #tpu.memory_space<hbm>>, %arg5: memref<144xi32, #tpu.memory_space<vmem>>, %arg6: memref<8192xf32, #tpu.memory_space<vmem>>, %arg7: memref<16x512xf32, #tpu.memory_space<vmem>>, %arg8: memref<16x512xf32, #tpu.memory_space<vmem_shared>>, %arg9: memref<!tpu.dma_semaphore, #tpu.memory_space<semaphore_mem>>) attributes {dimension_semantics = [#tpu.dimension_semantics<core_parallel>, #tpu.dimension_semantics<subcore_parallel>], iteration_bounds = array<i64: 1, 16>, scalar_prefetch = 0 : i64, scratch_operands = 5 : i64, tpu.core_type = #tpu.core_type<sc_vector_subcore>, window_params = [{transform_indices = #map}, {transform_indices = #map}, {transform_indices = #map}]} {
    %mul3A = arith.constant 144 : i32
    %mul3A_0 = arith.muli %arg1, %mul3A : i32
    tpu.enqueue_dma source(%arg3 : memref<8192xf32, #tpu.memory_space<hbm>>) target(%arg6 : memref<8192xf32, #tpu.memory_space<vmem>>) target_semaphore(%arg9 : memref<!tpu.dma_semaphore, #tpu.memory_space<semaphore_mem>>)
    "tpu.region"() ({
      %run_scoped3A = tpu.sem_alloc : memref<!tpu.dma_semaphore, #tpu.memory_space<semaphore_mem>>
      %dma_start3A = tpu.memref_slice %arg2[%mul3A_0] : memref<2304xi32, #tpu.memory_space<hbm>> -> memref<144xi32, #tpu.memory_space<hbm>>
      %dma_start3A_61 = tpu.memref_slice %arg2[%mul3A_0] : memref<2304xi32, #tpu.memory_space<hbm>> -> memref<144xi32, #tpu.memory_space<hbm>>
      tpu.enqueue_dma source(%dma_start3A_61 : memref<144xi32, #tpu.memory_space<hbm>>) target(%arg5 : memref<144xi32, #tpu.memory_space<vmem>>) target_semaphore(%run_scoped3A : memref<!tpu.dma_semaphore, #tpu.memory_space<semaphore_mem>>)
      %dma_wait3A = tpu.memref_slice %arg2[%mul3A_0] : memref<2304xi32, #tpu.memory_space<hbm>> -> memref<144xi32, #tpu.memory_space<hbm>>
      %dma_wait3A_62 = tpu.memref_slice %arg2[%mul3A_0] : memref<2304xi32, #tpu.memory_space<hbm>> -> memref<144xi32, #tpu.memory_space<hbm>>
      tpu.wait_dma2 semaphore(%run_scoped3A : memref<!tpu.dma_semaphore, #tpu.memory_space<semaphore_mem>>) src(%dma_wait3A_62 : memref<144xi32, #tpu.memory_space<hbm>>) dst(%arg5 : memref<144xi32, #tpu.memory_space<vmem>>)
      tpu.yield
    }) : () -> ()
    tpu.wait_dma2 semaphore(%arg9 : memref<!tpu.dma_semaphore, #tpu.memory_space<semaphore_mem>>) src(%arg3 : memref<8192xf32, #tpu.memory_space<hbm>>) dst(%arg6 : memref<8192xf32, #tpu.memory_space<vmem>>)
    %iota3A = tpu.iota {dimensions = array<i32: 0>} : vector<16xi32>
    %broadcast_in_dim3A = arith.constant 1.000000e+00 : f32
    %broadcast_in_dim3A_1 = vector.broadcast %broadcast_in_dim3A : f32 to vector<16xf32>
    %get3A = arith.constant 0 : index
    %get3A_2 = tpu.vector_load %arg5[%get3A] {strides = array<i32>} : memref<144xi32, #tpu.memory_space<vmem>>, vector<16xi32>,
    %mul3A_3 = arith.constant 512 : i32
    %mul3A_4 = vector.broadcast %mul3A_3 : i32 to vector<16xi32>
    %mul3A_5 = arith.muli %iota3A, %mul3A_4 : vector<16xi32>
    %add3A = arith.addi %mul3A_5, %get3A_2 : vector<16xi32>
    tpu.vector_store_idx %arg6[%add3A], %broadcast_in_dim3A_1 {add = true} : memref<8192xf32, #tpu.memory_space<vmem>>[vector<16xi32>], vector<16xf32>,
    %get3A_6 = arith.constant 16 : index
    %get3A_7 = tpu.vector_load %arg5[%get3A_6] {strides = array<i32>} : memref<144xi32, #tpu.memory_space<vmem>>, vector<16xi32>,
    %mul3A_8 = arith.constant 512 : i32
    %mul3A_9 = vector.broadcast %mul3A_8 : i32 to vector<16xi32>
    %mul3A_10 = arith.muli %iota3A, %mul3A_9 : vector<16xi32>
    %add3A_11 = arith.addi %mul3A_10, %get3A_7 : vector<16xi32>
    tpu.vector_store_idx %arg6[%add3A_11], %broadcast_in_dim3A_1 {add = true} : memref<8192xf32, #tpu.memory_space<vmem>>[vector<16xi32>], vector<16xf32>,
    %get3A_12 = arith.constant 32 : index
    %get3A_13 = tpu.vector_load %arg5[%get3A_12] {strides = array<i32>} : memref<144xi32, #tpu.memory_space<vmem>>, vector<16xi32>,
    %mul3A_14 = arith.constant 512 : i32
    %mul3A_15 = vector.broadcast %mul3A_14 : i32 to vector<16xi32>
    %mul3A_16 = arith.muli %iota3A, %mul3A_15 : vector<16xi32>
    %add3A_17 = arith.addi %mul3A_16, %get3A_13 : vector<16xi32>
    tpu.vector_store_idx %arg6[%add3A_17], %broadcast_in_dim3A_1 {add = true} : memref<8192xf32, #tpu.memory_space<vmem>>[vector<16xi32>], vector<16xf32>,
    %get3A_18 = arith.constant 48 : index
    %get3A_19 = tpu.vector_load %arg5[%get3A_18] {strides = array<i32>} : memref<144xi32, #tpu.memory_space<vmem>>, vector<16xi32>,
    %mul3A_20 = arith.constant 512 : i32
    %mul3A_21 = vector.broadcast %mul3A_20 : i32 to vector<16xi32>
    %mul3A_22 = arith.muli %iota3A, %mul3A_21 : vector<16xi32>
    %add3A_23 = arith.addi %mul3A_22, %get3A_19 : vector<16xi32>
    tpu.vector_store_idx %arg6[%add3A_23], %broadcast_in_dim3A_1 {add = true} : memref<8192xf32, #tpu.memory_space<vmem>>[vector<16xi32>], vector<16xf32>,
    %get3A_24 = arith.constant 64 : index
    %get3A_25 = tpu.vector_load %arg5[%get3A_24] {strides = array<i32>} : memref<144xi32, #tpu.memory_space<vmem>>, vector<16xi32>,
    %mul3A_26 = arith.constant 512 : i32
    %mul3A_27 = vector.broadcast %mul3A_26 : i32 to vector<16xi32>
    %mul3A_28 = arith.muli %iota3A, %mul3A_27 : vector<16xi32>
    %add3A_29 = arith.addi %mul3A_28, %get3A_25 : vector<16xi32>
    tpu.vector_store_idx %arg6[%add3A_29], %broadcast_in_dim3A_1 {add = true} : memref<8192xf32, #tpu.memory_space<vmem>>[vector<16xi32>], vector<16xf32>,
    %get3A_30 = arith.constant 80 : index
    %get3A_31 = tpu.vector_load %arg5[%get3A_30] {strides = array<i32>} : memref<144xi32, #tpu.memory_space<vmem>>, vector<16xi32>,
    %mul3A_32 = arith.constant 512 : i32
    %mul3A_33 = vector.broadcast %mul3A_32 : i32 to vector<16xi32>
    %mul3A_34 = arith.muli %iota3A, %mul3A_33 : vector<16xi32>
    %add3A_35 = arith.addi %mul3A_34, %get3A_31 : vector<16xi32>
    tpu.vector_store_idx %arg6[%add3A_35], %broadcast_in_dim3A_1 {add = true} : memref<8192xf32, #tpu.memory_space<vmem>>[vector<16xi32>], vector<16xf32>,
    %get3A_36 = arith.constant 96 : index
    %get3A_37 = tpu.vector_load %arg5[%get3A_36] {strides = array<i32>} : memref<144xi32, #tpu.memory_space<vmem>>, vector<16xi32>,
    %mul3A_38 = arith.constant 512 : i32
    %mul3A_39 = vector.broadcast %mul3A_38 : i32 to vector<16xi32>
    %mul3A_40 = arith.muli %iota3A, %mul3A_39 : vector<16xi32>
    %add3A_41 = arith.addi %mul3A_40, %get3A_37 : vector<16xi32>
    tpu.vector_store_idx %arg6[%add3A_41], %broadcast_in_dim3A_1 {add = true} : memref<8192xf32, #tpu.memory_space<vmem>>[vector<16xi32>], vector<16xf32>,
    %get3A_42 = arith.constant 112 : index
    %get3A_43 = tpu.vector_load %arg5[%get3A_42] {strides = array<i32>} : memref<144xi32, #tpu.memory_space<vmem>>, vector<16xi32>,
    %mul3A_44 = arith.constant 512 : i32
    %mul3A_45 = vector.broadcast %mul3A_44 : i32 to vector<16xi32>
    %mul3A_46 = arith.muli %iota3A, %mul3A_45 : vector<16xi32>
    %add3A_47 = arith.addi %mul3A_46, %get3A_43 : vector<16xi32>
    tpu.vector_store_idx %arg6[%add3A_47], %broadcast_in_dim3A_1 {add = true} : memref<8192xf32, #tpu.memory_space<vmem>>[vector<16xi32>], vector<16xf32>,
    %get3A_48 = arith.constant 128 : index
    %get3A_49 = tpu.vector_load %arg5[%get3A_48] {strides = array<i32>} : memref<144xi32, #tpu.memory_space<vmem>>, vector<16xi32>,
    %mul3A_50 = arith.constant 512 : i32
    %mul3A_51 = vector.broadcast %mul3A_50 : i32 to vector<16xi32>
    %mul3A_52 = arith.muli %iota3A, %mul3A_51 : vector<16xi32>
    %add3A_53 = arith.addi %mul3A_52, %get3A_49 : vector<16xi32>
    tpu.vector_store_idx %arg6[%add3A_53], %broadcast_in_dim3A_1 {add = true} : memref<8192xf32, #tpu.memory_space<vmem>>[vector<16xi32>], vector<16xf32>,
    %scan3A = arith.constant 0 : i32
    %scan3A_54 = arith.constant 0 : i32
    %scan3A_55 = arith.constant 32 : i32
    %scan3A_56 = arith.addi %scan3A_54, %scan3A_55 : i32
    %scan3A_57 = arith.constant 1 : i32
    scf.for %scan3A_61 = %scan3A_54 to %scan3A_56 step %scan3A_57  : i32 {
      %mul3A_62 = arith.constant 16 : i32
      %mul3A_63 = arith.muli %scan3A_61, %mul3A_62 : i32
      %get3A_64 = arith.index_cast %mul3A_63 : i32 to index
      %get3A_65 = tpu.vector_load %arg6[%get3A_64] {strides = array<i32>} : memref<8192xf32, #tpu.memory_space<vmem>>, vector<16xf32>,
      %mul3A_66 = arith.constant 16 : i32
      %mul3A_67 = arith.muli %scan3A_61, %mul3A_66 : i32
      %add3A_68 = arith.constant 512 : i32
      %add3A_69 = arith.addi %add3A_68, %mul3A_67 : i32
      %get3A_70 = arith.index_cast %add3A_69 : i32 to index
      %get3A_71 = tpu.vector_load %arg6[%get3A_70] {strides = array<i32>} : memref<8192xf32, #tpu.memory_space<vmem>>, vector<16xf32>,
      %add3A_72 = arith.addf %get3A_65, %get3A_71 : vector<16xf32>
      %mul3A_73 = arith.constant 16 : i32
      %mul3A_74 = arith.muli %scan3A_61, %mul3A_73 : i32
      %add3A_75 = arith.constant 1024 : i32
      %add3A_76 = arith.addi %add3A_75, %mul3A_74 : i32
      %get3A_77 = arith.index_cast %add3A_76 : i32 to index
      %get3A_78 = tpu.vector_load %arg6[%get3A_77] {strides = array<i32>} : memref<8192xf32, #tpu.memory_space<vmem>>, vector<16xf32>,
      %add3A_79 = arith.addf %add3A_72, %get3A_78 : vector<16xf32>
      %mul3A_80 = arith.constant 16 : i32
      %mul3A_81 = arith.muli %scan3A_61, %mul3A_80 : i32
      %add3A_82 = arith.constant 1536 : i32
      %add3A_83 = arith.addi %add3A_82, %mul3A_81 : i32
      %get3A_84 = arith.index_cast %add3A_83 : i32 to index
      %get3A_85 = tpu.vector_load %arg6[%get3A_84] {strides = array<i32>} : memref<8192xf32, #tpu.memory_space<vmem>>, vector<16xf32>,
      %add3A_86 = arith.addf %add3A_79, %get3A_85 : vector<16xf32>
      %mul3A_87 = arith.constant 16 : i32
      %mul3A_88 = arith.muli %scan3A_61, %mul3A_87 : i32
      %add3A_89 = arith.constant 2048 : i32
      %add3A_90 = arith.addi %add3A_89, %mul3A_88 : i32
      %get3A_91 = arith.index_cast %add3A_90 : i32 to index
      %get3A_92 = tpu.vector_load %arg6[%get3A_91] {strides = array<i32>} : memref<8192xf32, #tpu.memory_space<vmem>>, vector<16xf32>,
      %add3A_93 = arith.addf %add3A_86, %get3A_92 : vector<16xf32>
      %mul3A_94 = arith.constant 16 : i32
      %mul3A_95 = arith.muli %scan3A_61, %mul3A_94 : i32
      %add3A_96 = arith.constant 2560 : i32
      %add3A_97 = arith.addi %add3A_96, %mul3A_95 : i32
      %get3A_98 = arith.index_cast %add3A_97 : i32 to index
      %get3A_99 = tpu.vector_load %arg6[%get3A_98] {strides = array<i32>} : memref<8192xf32, #tpu.memory_space<vmem>>, vector<16xf32>,
      %add3A_100 = arith.addf %add3A_93, %get3A_99 : vector<16xf32>
      %mul3A_101 = arith.constant 16 : i32
      %mul3A_102 = arith.muli %scan3A_61, %mul3A_101 : i32
      %add3A_103 = arith.constant 3072 : i32
      %add3A_104 = arith.addi %add3A_103, %mul3A_102 : i32
      %get3A_105 = arith.index_cast %add3A_104 : i32 to index
      %get3A_106 = tpu.vector_load %arg6[%get3A_105] {strides = array<i32>} : memref<8192xf32, #tpu.memory_space<vmem>>, vector<16xf32>,
      %add3A_107 = arith.addf %add3A_100, %get3A_106 : vector<16xf32>
      %mul3A_108 = arith.constant 16 : i32
      %mul3A_109 = arith.muli %scan3A_61, %mul3A_108 : i32
      %add3A_110 = arith.constant 3584 : i32
      %add3A_111 = arith.addi %add3A_110, %mul3A_109 : i32
      %get3A_112 = arith.index_cast %add3A_111 : i32 to index
      %get3A_113 = tpu.vector_load %arg6[%get3A_112] {strides = array<i32>} : memref<8192xf32, #tpu.memory_space<vmem>>, vector<16xf32>,
      %add3A_114 = arith.addf %add3A_107, %get3A_113 : vector<16xf32>
      %mul3A_115 = arith.constant 16 : i32
      %mul3A_116 = arith.muli %scan3A_61, %mul3A_115 : i32
      %add3A_117 = arith.constant 4096 : i32
      %add3A_118 = arith.addi %add3A_117, %mul3A_116 : i32
      %get3A_119 = arith.index_cast %add3A_118 : i32 to index
      %get3A_120 = tpu.vector_load %arg6[%get3A_119] {strides = array<i32>} : memref<8192xf32, #tpu.memory_space<vmem>>, vector<16xf32>,
      %add3A_121 = arith.addf %add3A_114, %get3A_120 : vector<16xf32>
      %mul3A_122 = arith.constant 16 : i32
      %mul3A_123 = arith.muli %scan3A_61, %mul3A_122 : i32
      %add3A_124 = arith.constant 4608 : i32
      %add3A_125 = arith.addi %add3A_124, %mul3A_123 : i32
      %get3A_126 = arith.index_cast %add3A_125 : i32 to index
      %get3A_127 = tpu.vector_load %arg6[%get3A_126] {strides = array<i32>} : memref<8192xf32, #tpu.memory_space<vmem>>, vector<16xf32>,
      %add3A_128 = arith.addf %add3A_121, %get3A_127 : vector<16xf32>
      %mul3A_129 = arith.constant 16 : i32
      %mul3A_130 = arith.muli %scan3A_61, %mul3A_129 : i32
      %add3A_131 = arith.constant 5120 : i32
      %add3A_132 = arith.addi %add3A_131, %mul3A_130 : i32
      %get3A_133 = arith.index_cast %add3A_132 : i32 to index
      %get3A_134 = tpu.vector_load %arg6[%get3A_133] {strides = array<i32>} : memref<8192xf32, #tpu.memory_space<vmem>>, vector<16xf32>,
      %add3A_135 = arith.addf %add3A_128, %get3A_134 : vector<16xf32>
      %mul3A_136 = arith.constant 16 : i32
      %mul3A_137 = arith.muli %scan3A_61, %mul3A_136 : i32
      %add3A_138 = arith.constant 5632 : i32
      %add3A_139 = arith.addi %add3A_138, %mul3A_137 : i32
      %get3A_140 = arith.index_cast %add3A_139 : i32 to index
      %get3A_141 = tpu.vector_load %arg6[%get3A_140] {strides = array<i32>} : memref<8192xf32, #tpu.memory_space<vmem>>, vector<16xf32>,
      %add3A_142 = arith.addf %add3A_135, %get3A_141 : vector<16xf32>
      %mul3A_143 = arith.constant 16 : i32
      %mul3A_144 = arith.muli %scan3A_61, %mul3A_143 : i32
      %add3A_145 = arith.constant 6144 : i32
      %add3A_146 = arith.addi %add3A_145, %mul3A_144 : i32
      %get3A_147 = arith.index_cast %add3A_146 : i32 to index
      %get3A_148 = tpu.vector_load %arg6[%get3A_147] {strides = array<i32>} : memref<8192xf32, #tpu.memory_space<vmem>>, vector<16xf32>,
      %add3A_149 = arith.addf %add3A_142, %get3A_148 : vector<16xf32>
      %mul3A_150 = arith.constant 16 : i32
      %mul3A_151 = arith.muli %scan3A_61, %mul3A_150 : i32
      %add3A_152 = arith.constant 6656 : i32
      %add3A_153 = arith.addi %add3A_152, %mul3A_151 : i32
      %get3A_154 = arith.index_cast %add3A_153 : i32 to index
      %get3A_155 = tpu.vector_load %arg6[%get3A_154] {strides = array<i32>} : memref<8192xf32, #tpu.memory_space<vmem>>, vector<16xf32>,
      %add3A_156 = arith.addf %add3A_149, %get3A_155 : vector<16xf32>
      %mul3A_157 = arith.constant 16 : i32
      %mul3A_158 = arith.muli %scan3A_61, %mul3A_157 : i32
      %add3A_159 = arith.constant 7168 : i32
      %add3A_160 = arith.addi %add3A_159, %mul3A_158 : i32
      %get3A_161 = arith.index_cast %add3A_160 : i32 to index
      %get3A_162 = tpu.vector_load %arg6[%get3A_161] {strides = array<i32>} : memref<8192xf32, #tpu.memory_space<vmem>>, vector<16xf32>,
      %add3A_163 = arith.addf %add3A_156, %get3A_162 : vector<16xf32>
      %mul3A_164 = arith.constant 16 : i32
      %mul3A_165 = arith.muli %scan3A_61, %mul3A_164 : i32
      %add3A_166 = arith.constant 7680 : i32
      %add3A_167 = arith.addi %add3A_166, %mul3A_165 : i32
      %get3A_168 = arith.index_cast %add3A_167 : i32 to index
      %get3A_169 = tpu.vector_load %arg6[%get3A_168] {strides = array<i32>} : memref<8192xf32, #tpu.memory_space<vmem>>, vector<16xf32>,
      %add3A_170 = arith.addf %add3A_163, %get3A_169 : vector<16xf32>
      %mul3A_171 = arith.constant 16 : i32
      %mul3A_172 = arith.muli %scan3A_61, %mul3A_171 : i32
      %swap3A = arith.index_cast %mul3A_172 : i32 to index
      %swap3A_173 = tpu.vector_load %arg6[%swap3A] {strides = array<i32>} : memref<8192xf32, #tpu.memory_space<vmem>>, vector<16xf32>,
      tpu.vector_store %arg6[%swap3A], %add3A_170 {strides = array<i32>} : memref<8192xf32, #tpu.memory_space<vmem>>, vector<16xf32>,
    }
    %scan3A_58 = arith.constant 32 : i32
    "tpu.region"() ({
      %run_scoped3A = tpu.sem_alloc : memref<!tpu.dma_semaphore, #tpu.memory_space<semaphore_mem>>
      %dma_start3A = arith.constant 0 : i32
      %dma_start3A_61 = tpu.memref_slice %arg6[%dma_start3A] : memref<8192xf32, #tpu.memory_space<vmem>> -> memref<512xf32, #tpu.memory_space<vmem>>
      %dma_start3A_62 = arith.constant 0 : i32
      %dma_start3A_63 = tpu.memref_slice %arg8[%arg1, %dma_start3A_62] : memref<16x512xf32, #tpu.memory_space<vmem_shared>> -> memref<1x512xf32, #tpu.memory_space<vmem_shared>>
      %dma_start3A_64 = tpu.memref_squeeze %dma_start3A_63 : memref<1x512xf32, #tpu.memory_space<vmem_shared>> -> memref<512xf32, #tpu.memory_space<vmem_shared>>
      %dma_start3A_65 = arith.constant 0 : i32
      %dma_start3A_66 = tpu.memref_slice %arg8[%arg1, %dma_start3A_65] : memref<16x512xf32, #tpu.memory_space<vmem_shared>> -> memref<1x512xf32, #tpu.memory_space<vmem_shared>>
      %dma_start3A_67 = tpu.memref_squeeze %dma_start3A_66 : memref<1x512xf32, #tpu.memory_space<vmem_shared>> -> memref<512xf32, #tpu.memory_space<vmem_shared>>
      %dma_start3A_68 = arith.constant 0 : i32
      %dma_start3A_69 = tpu.memref_slice %arg6[%dma_start3A_68] : memref<8192xf32, #tpu.memory_space<vmem>> -> memref<512xf32, #tpu.memory_space<vmem>>
      tpu.enqueue_dma source(%dma_start3A_69 : memref<512xf32, #tpu.memory_space<vmem>>) target(%dma_start3A_67 : memref<512xf32, #tpu.memory_space<vmem_shared>>) target_semaphore(%run_scoped3A : memref<!tpu.dma_semaphore, #tpu.memory_space<semaphore_mem>>)
      %dma_wait3A = arith.constant 0 : i32
      %dma_wait3A_70 = tpu.memref_slice %arg6[%dma_wait3A] : memref<8192xf32, #tpu.memory_space<vmem>> -> memref<512xf32, #tpu.memory_space<vmem>>
      %dma_wait3A_71 = arith.constant 0 : i32
      %dma_wait3A_72 = tpu.memref_slice %arg8[%arg1, %dma_wait3A_71] : memref<16x512xf32, #tpu.memory_space<vmem_shared>> -> memref<1x512xf32, #tpu.memory_space<vmem_shared>>
      %dma_wait3A_73 = tpu.memref_squeeze %dma_wait3A_72 : memref<1x512xf32, #tpu.memory_space<vmem_shared>> -> memref<512xf32, #tpu.memory_space<vmem_shared>>
      %dma_wait3A_74 = arith.constant 0 : i32
      %dma_wait3A_75 = tpu.memref_slice %arg8[%arg1, %dma_wait3A_74] : memref<16x512xf32, #tpu.memory_space<vmem_shared>> -> memref<1x512xf32, #tpu.memory_space<vmem_shared>>
      %dma_wait3A_76 = tpu.memref_squeeze %dma_wait3A_75 : memref<1x512xf32, #tpu.memory_space<vmem_shared>> -> memref<512xf32, #tpu.memory_space<vmem_shared>>
      %dma_wait3A_77 = arith.constant 0 : i32
      %dma_wait3A_78 = tpu.memref_slice %arg6[%dma_wait3A_77] : memref<8192xf32, #tpu.memory_space<vmem>> -> memref<512xf32, #tpu.memory_space<vmem>>
      tpu.wait_dma2 semaphore(%run_scoped3A : memref<!tpu.dma_semaphore, #tpu.memory_space<semaphore_mem>>) src(%dma_wait3A_78 : memref<512xf32, #tpu.memory_space<vmem>>) dst(%dma_wait3A_76 : memref<512xf32, #tpu.memory_space<vmem_shared>>)
      tpu.yield
    }) : () -> ()
    %barrier3A = arith.constant 0 : index
    tpu.barrier barrier_id(%barrier3A)
    %eq3A = arith.constant 0 : i32
    %eq3A_59 = arith.cmpi eq, %arg1, %eq3A : i32
    %convert_element_type3A = arith.extui %eq3A_59 : i1 to i32
    %cond3A = arith.constant 0 : i32
    %cond3A_60 = arith.cmpi ne, %convert_element_type3A, %cond3A : i32
    scf.if %cond3A_60 {
      "tpu.region"() ({
        %run_scoped3A = tpu.sem_alloc : memref<!tpu.dma_semaphore, #tpu.memory_space<semaphore_mem>>
        tpu.enqueue_dma source(%arg8 : memref<16x512xf32, #tpu.memory_space<vmem_shared>>) target(%arg7 : memref<16x512xf32, #tpu.memory_space<vmem>>) target_semaphore(%run_scoped3A : memref<!tpu.dma_semaphore, #tpu.memory_space<semaphore_mem>>)
        tpu.wait_dma2 semaphore(%run_scoped3A : memref<!tpu.dma_semaphore, #tpu.memory_space<semaphore_mem>>) src(%arg8 : memref<16x512xf32, #tpu.memory_space<vmem_shared>>) dst(%arg7 : memref<16x512xf32, #tpu.memory_space<vmem>>)
        tpu.yield
      }) : () -> ()
      %broadcast_in_dim3A_61 = arith.constant 0.000000e+00 : f32
      %broadcast_in_dim3A_62 = vector.broadcast %broadcast_in_dim3A_61 : f32 to vector<16xf32>
      %get3A_63 = arith.constant 0 : i32
      %get3A_64 = arith.index_cast %get3A_63 : i32 to index
      %get3A_65 = arith.constant 0 : index
      %get3A_66 = tpu.vector_load %arg7[%get3A_64, %get3A_65] {strides = array<i32>} : memref<16x512xf32, #tpu.memory_space<vmem>>, vector<16xf32>,
      %get3A_67 = arith.constant 1 : i32
      %get3A_68 = arith.index_cast %get3A_67 : i32 to index
      %get3A_69 = arith.constant 0 : index
      %get3A_70 = tpu.vector_load %arg7[%get3A_68, %get3A_69] {strides = array<i32>} : memref<16x512xf32, #tpu.memory_space<vmem>>, vector<16xf32>,
      %add3A_71 = arith.addf %get3A_66, %get3A_70 : vector<16xf32>
      %get3A_72 = arith.constant 2 : i32
      %get3A_73 = arith.index_cast %get3A_72 : i32 to index
      %get3A_74 = arith.constant 0 : index
      %get3A_75 = tpu.vector_load %arg7[%get3A_73, %get3A_74] {strides = array<i32>} : memref<16x512xf32, #tpu.memory_space<vmem>>, vector<16xf32>,
      %add3A_76 = arith.addf %add3A_71, %get3A_75 : vector<16xf32>
      %get3A_77 = arith.constant 3 : i32
      %get3A_78 = arith.index_cast %get3A_77 : i32 to index
      %get3A_79 = arith.constant 0 : index
      %get3A_80 = tpu.vector_load %arg7[%get3A_78, %get3A_79] {strides = array<i32>} : memref<16x512xf32, #tpu.memory_space<vmem>>, vector<16xf32>,
      %add3A_81 = arith.addf %add3A_76, %get3A_80 : vector<16xf32>
      %get3A_82 = arith.constant 4 : i32
      %get3A_83 = arith.index_cast %get3A_82 : i32 to index
      %get3A_84 = arith.constant 0 : index
      %get3A_85 = tpu.vector_load %arg7[%get3A_83, %get3A_84] {strides = array<i32>} : memref<16x512xf32, #tpu.memory_space<vmem>>, vector<16xf32>,
      %add3A_86 = arith.addf %add3A_81, %get3A_85 : vector<16xf32>
      %get3A_87 = arith.constant 5 : i32
      %get3A_88 = arith.index_cast %get3A_87 : i32 to index
      %get3A_89 = arith.constant 0 : index
      %get3A_90 = tpu.vector_load %arg7[%get3A_88, %get3A_89] {strides = array<i32>} : memref<16x512xf32, #tpu.memory_space<vmem>>, vector<16xf32>,
      %add3A_91 = arith.addf %add3A_86, %get3A_90 : vector<16xf32>
      %get3A_92 = arith.constant 6 : i32
      %get3A_93 = arith.index_cast %get3A_92 : i32 to index
      %get3A_94 = arith.constant 0 : index
      %get3A_95 = tpu.vector_load %arg7[%get3A_93, %get3A_94] {strides = array<i32>} : memref<16x512xf32, #tpu.memory_space<vmem>>, vector<16xf32>,
      %add3A_96 = arith.addf %add3A_91, %get3A_95 : vector<16xf32>
      %get3A_97 = arith.constant 7 : i32
      %get3A_98 = arith.index_cast %get3A_97 : i32 to index
      %get3A_99 = arith.constant 0 : index
      %get3A_100 = tpu.vector_load %arg7[%get3A_98, %get3A_99] {strides = array<i32>} : memref<16x512xf32, #tpu.memory_space<vmem>>, vector<16xf32>,
      %add3A_101 = arith.addf %add3A_96, %get3A_100 : vector<16xf32>
      %get3A_102 = arith.constant 8 : i32
      %get3A_103 = arith.index_cast %get3A_102 : i32 to index
      %get3A_104 = arith.constant 0 : index
      %get3A_105 = tpu.vector_load %arg7[%get3A_103, %get3A_104] {strides = array<i32>} : memref<16x512xf32, #tpu.memory_space<vmem>>, vector<16xf32>,
      %add3A_106 = arith.addf %add3A_101, %get3A_105 : vector<16xf32>
      %get3A_107 = arith.constant 9 : i32
      %get3A_108 = arith.index_cast %get3A_107 : i32 to index
      %get3A_109 = arith.constant 0 : index
      %get3A_110 = tpu.vector_load %arg7[%get3A_108, %get3A_109] {strides = array<i32>} : memref<16x512xf32, #tpu.memory_space<vmem>>, vector<16xf32>,
      %add3A_111 = arith.addf %add3A_106, %get3A_110 : vector<16xf32>
      %get3A_112 = arith.constant 10 : i32
      %get3A_113 = arith.index_cast %get3A_112 : i32 to index
      %get3A_114 = arith.constant 0 : index
      %get3A_115 = tpu.vector_load %arg7[%get3A_113, %get3A_114] {strides = array<i32>} : memref<16x512xf32, #tpu.memory_space<vmem>>, vector<16xf32>,
      %add3A_116 = arith.addf %add3A_111, %get3A_115 : vector<16xf32>
      %get3A_117 = arith.constant 11 : i32
      %get3A_118 = arith.index_cast %get3A_117 : i32 to index
      %get3A_119 = arith.constant 0 : index
      %get3A_120 = tpu.vector_load %arg7[%get3A_118, %get3A_119] {strides = array<i32>} : memref<16x512xf32, #tpu.memory_space<vmem>>, vector<16xf32>,
      %add3A_121 = arith.addf %add3A_116, %get3A_120 : vector<16xf32>
      %get3A_122 = arith.constant 12 : i32
      %get3A_123 = arith.index_cast %get3A_122 : i32 to index
      %get3A_124 = arith.constant 0 : index
      %get3A_125 = tpu.vector_load %arg7[%get3A_123, %get3A_124] {strides = array<i32>} : memref<16x512xf32, #tpu.memory_space<vmem>>, vector<16xf32>,
      %add3A_126 = arith.addf %add3A_121, %get3A_125 : vector<16xf32>
      %get3A_127 = arith.constant 13 : i32
      %get3A_128 = arith.index_cast %get3A_127 : i32 to index
      %get3A_129 = arith.constant 0 : index
      %get3A_130 = tpu.vector_load %arg7[%get3A_128, %get3A_129] {strides = array<i32>} : memref<16x512xf32, #tpu.memory_space<vmem>>, vector<16xf32>,
      %add3A_131 = arith.addf %add3A_126, %get3A_130 : vector<16xf32>
      %get3A_132 = arith.constant 14 : i32
      %get3A_133 = arith.index_cast %get3A_132 : i32 to index
      %get3A_134 = arith.constant 0 : index
      %get3A_135 = tpu.vector_load %arg7[%get3A_133, %get3A_134] {strides = array<i32>} : memref<16x512xf32, #tpu.memory_space<vmem>>, vector<16xf32>,
      %add3A_136 = arith.addf %add3A_131, %get3A_135 : vector<16xf32>
      %get3A_137 = arith.constant 15 : i32
      %get3A_138 = arith.index_cast %get3A_137 : i32 to index
      %get3A_139 = arith.constant 0 : index
      %get3A_140 = tpu.vector_load %arg7[%get3A_138, %get3A_139] {strides = array<i32>} : memref<16x512xf32, #tpu.memory_space<vmem>>, vector<16xf32>,
      %add3A_141 = arith.addf %add3A_136, %get3A_140 : vector<16xf32>
      %mul3A_142 = arith.constant 4.34027781E-4 : f32
      %mul3A_143 = vector.broadcast %mul3A_142 : f32 to vector<16xf32>
      %mul3A_144 = arith.mulf %add3A_141, %mul3A_143 : vector<16xf32>
      %add3A_145 = arith.constant 1.000000e-10 : f32
      %add3A_146 = vector.broadcast %add3A_145 : f32 to vector<16xf32>
      %add3A_147 = arith.addf %mul3A_144, %add3A_146 : vector<16xf32>
      %bitcast3A = vector.bitcast %add3A_147 : vector<16xf32> to vector<16xi32>
      %shift_right_arithmetic3A = arith.constant 23 : i32
      %shift_right_arithmetic3A_148 = vector.broadcast %shift_right_arithmetic3A : i32 to vector<16xi32>
      %shift_right_arithmetic3A_149 = arith.shrsi %bitcast3A, %shift_right_arithmetic3A_148 : vector<16xi32>
      %sub3A = arith.constant 127 : i32
      %sub3A_150 = vector.broadcast %sub3A : i32 to vector<16xi32>
      %sub3A_151 = arith.subi %shift_right_arithmetic3A_149, %sub3A_150 : vector<16xi32>
      %and3A = arith.constant 8388607 : i32
      %and3A_152 = vector.broadcast %and3A : i32 to vector<16xi32>
      %and3A_153 = arith.andi %bitcast3A, %and3A_152 : vector<16xi32>
      %or3A = arith.constant 1065353216 : i32
      %or3A_154 = vector.broadcast %or3A : i32 to vector<16xi32>
      %or3A_155 = arith.ori %and3A_153, %or3A_154 : vector<16xi32>
      %bitcast3A_156 = vector.bitcast %or3A_155 : vector<16xi32> to vector<16xf32>
      %gt3A = arith.constant 1.41421354 : f32
      %gt3A_157 = vector.broadcast %gt3A : f32 to vector<16xf32>
      %gt3A_158 = arith.cmpf ogt, %bitcast3A_156, %gt3A_157 : vector<16xf32>
      %mul3A_159 = arith.constant 5.000000e-01 : f32
      %mul3A_160 = vector.broadcast %mul3A_159 : f32 to vector<16xf32>
      %mul3A_161 = arith.mulf %bitcast3A_156, %mul3A_160 : vector<16xf32>
      %select_n3A = arith.select %gt3A_158, %mul3A_161, %bitcast3A_156 : vector<16xi1>, vector<16xf32>
      %add3A_162 = arith.constant 1 : i32
      %add3A_163 = vector.broadcast %add3A_162 : i32 to vector<16xi32>
      %add3A_164 = arith.addi %sub3A_151, %add3A_163 : vector<16xi32>
      %select_n3A_165 = arith.select %gt3A_158, %add3A_164, %sub3A_151 : vector<16xi1>, vector<16xi32>
      %sub3A_166 = arith.constant 1.000000e+00 : f32
      %sub3A_167 = vector.broadcast %sub3A_166 : f32 to vector<16xf32>
      %sub3A_168 = arith.subf %select_n3A, %sub3A_167 : vector<16xf32>
      %add3A_169 = arith.constant 1.000000e+00 : f32
      %add3A_170 = vector.broadcast %add3A_169 : f32 to vector<16xf32>
      %add3A_171 = arith.addf %select_n3A, %add3A_170 : vector<16xf32>
      %div3A = arith.divf %sub3A_168, %add3A_171 : vector<16xf32>
      %mul3A_172 = arith.mulf %div3A, %div3A : vector<16xf32>
      %mul3A_173 = arith.constant 0.111111112 : f32
      %mul3A_174 = vector.broadcast %mul3A_173 : f32 to vector<16xf32>
      %mul3A_175 = arith.mulf %mul3A_174, %mul3A_172 : vector<16xf32>
      %add3A_176 = arith.constant 0.142857149 : f32
      %add3A_177 = vector.broadcast %add3A_176 : f32 to vector<16xf32>
      %add3A_178 = arith.addf %mul3A_175, %add3A_177 : vector<16xf32>
      %mul3A_179 = arith.mulf %add3A_178, %mul3A_172 : vector<16xf32>
      %add3A_180 = arith.constant 2.000000e-01 : f32
      %add3A_181 = vector.broadcast %add3A_180 : f32 to vector<16xf32>
      %add3A_182 = arith.addf %mul3A_179, %add3A_181 : vector<16xf32>
      %mul3A_183 = arith.mulf %add3A_182, %mul3A_172 : vector<16xf32>
      %add3A_184 = arith.constant 0.333333343 : f32
      %add3A_185 = vector.broadcast %add3A_184 : f32 to vector<16xf32>
      %add3A_186 = arith.addf %mul3A_183, %add3A_185 : vector<16xf32>
      %mul3A_187 = arith.mulf %add3A_186, %mul3A_172 : vector<16xf32>
      %add3A_188 = arith.constant 1.000000e+00 : f32
      %add3A_189 = vector.broadcast %add3A_188 : f32 to vector<16xf32>
      %add3A_190 = arith.addf %mul3A_187, %add3A_189 : vector<16xf32>
      %convert_element_type3A_191 = arith.sitofp %select_n3A_165 : vector<16xi32> to vector<16xf32>
      %mul3A_192 = arith.constant 0.693147182 : f32
      %mul3A_193 = vector.broadcast %mul3A_192 : f32 to vector<16xf32>
      %mul3A_194 = arith.mulf %convert_element_type3A_191, %mul3A_193 : vector<16xf32>
      %mul3A_195 = arith.constant 2.000000e+00 : f32
      %mul3A_196 = vector.broadcast %mul3A_195 : f32 to vector<16xf32>
      %mul3A_197 = arith.mulf %mul3A_196, %div3A : vector<16xf32>
      %mul3A_198 = arith.mulf %mul3A_197, %add3A_190 : vector<16xf32>
      %add3A_199 = arith.addf %mul3A_194, %mul3A_198 : vector<16xf32>
      %mul3A_200 = arith.mulf %mul3A_144, %add3A_199 : vector<16xf32>
      %add3A_201 = arith.addf %broadcast_in_dim3A_62, %mul3A_200 : vector<16xf32>
      %get3A_202 = arith.constant 0 : i32
      %get3A_203 = arith.index_cast %get3A_202 : i32 to index
      %get3A_204 = arith.constant 16 : index
      %get3A_205 = tpu.vector_load %arg7[%get3A_203, %get3A_204] {strides = array<i32>} : memref<16x512xf32, #tpu.memory_space<vmem>>, vector<16xf32>,
      %get3A_206 = arith.constant 1 : i32
      %get3A_207 = arith.index_cast %get3A_206 : i32 to index
      %get3A_208 = arith.constant 16 : index
      %get3A_209 = tpu.vector_load %arg7[%get3A_207, %get3A_208] {strides = array<i32>} : memref<16x512xf32, #tpu.memory_space<vmem>>, vector<16xf32>,
      %add3A_210 = arith.addf %get3A_205, %get3A_209 : vector<16xf32>
      %get3A_211 = arith.constant 2 : i32
      %get3A_212 = arith.index_cast %get3A_211 : i32 to index
      %get3A_213 = arith.constant 16 : index
      %get3A_214 = tpu.vector_load %arg7[%get3A_212, %get3A_213] {strides = array<i32>} : memref<16x512xf32, #tpu.memory_space<vmem>>, vector<16xf32>,
      %add3A_215 = arith.addf %add3A_210, %get3A_214 : vector<16xf32>
      %get3A_216 = arith.constant 3 : i32
      %get3A_217 = arith.index_cast %get3A_216 : i32 to index
      %get3A_218 = arith.constant 16 : index
      %get3A_219 = tpu.vector_load %arg7[%get3A_217, %get3A_218] {strides = array<i32>} : memref<16x512xf32, #tpu.memory_space<vmem>>, vector<16xf32>,
      %add3A_220 = arith.addf %add3A_215, %get3A_219 : vector<16xf32>
      %get3A_221 = arith.constant 4 : i32
      %get3A_222 = arith.index_cast %get3A_221 : i32 to index
      %get3A_223 = arith.constant 16 : index
      %get3A_224 = tpu.vector_load %arg7[%get3A_222, %get3A_223] {strides = array<i32>} : memref<16x512xf32, #tpu.memory_space<vmem>>, vector<16xf32>,
      %add3A_225 = arith.addf %add3A_220, %get3A_224 : vector<16xf32>
      %get3A_226 = arith.constant 5 : i32
      %get3A_227 = arith.index_cast %get3A_226 : i32 to index
      %get3A_228 = arith.constant 16 : index
      %get3A_229 = tpu.vector_load %arg7[%get3A_227, %get3A_228] {strides = array<i32>} : memref<16x512xf32, #tpu.memory_space<vmem>>, vector<16xf32>,
      %add3A_230 = arith.addf %add3A_225, %get3A_229 : vector<16xf32>
      %get3A_231 = arith.constant 6 : i32
      %get3A_232 = arith.index_cast %get3A_231 : i32 to index
      %get3A_233 = arith.constant 16 : index
      %get3A_234 = tpu.vector_load %arg7[%get3A_232, %get3A_233] {strides = array<i32>} : memref<16x512xf32, #tpu.memory_space<vmem>>, vector<16xf32>,
      %add3A_235 = arith.addf %add3A_230, %get3A_234 : vector<16xf32>
      %get3A_236 = arith.constant 7 : i32
      %get3A_237 = arith.index_cast %get3A_236 : i32 to index
      %get3A_238 = arith.constant 16 : index
      %get3A_239 = tpu.vector_load %arg7[%get3A_237, %get3A_238] {strides = array<i32>} : memref<16x512xf32, #tpu.memory_space<vmem>>, vector<16xf32>,
      %add3A_240 = arith.addf %add3A_235, %get3A_239 : vector<16xf32>
      %get3A_241 = arith.constant 8 : i32
      %get3A_242 = arith.index_cast %get3A_241 : i32 to index
      %get3A_243 = arith.constant 16 : index
      %get3A_244 = tpu.vector_load %arg7[%get3A_242, %get3A_243] {strides = array<i32>} : memref<16x512xf32, #tpu.memory_space<vmem>>, vector<16xf32>,
      %add3A_245 = arith.addf %add3A_240, %get3A_244 : vector<16xf32>
      %get3A_246 = arith.constant 9 : i32
      %get3A_247 = arith.index_cast %get3A_246 : i32 to index
      %get3A_248 = arith.constant 16 : index
      %get3A_249 = tpu.vector_load %arg7[%get3A_247, %get3A_248] {strides = array<i32>} : memref<16x512xf32, #tpu.memory_space<vmem>>, vector<16xf32>,
      %add3A_250 = arith.addf %add3A_245, %get3A_249 : vector<16xf32>
      %get3A_251 = arith.constant 10 : i32
      %get3A_252 = arith.index_cast %get3A_251 : i32 to index
      %get3A_253 = arith.constant 16 : index
      %get3A_254 = tpu.vector_load %arg7[%get3A_252, %get3A_253] {strides = array<i32>} : memref<16x512xf32, #tpu.memory_space<vmem>>, vector<16xf32>,
      %add3A_255 = arith.addf %add3A_250, %get3A_254 : vector<16xf32>
      %get3A_256 = arith.constant 11 : i32
      %get3A_257 = arith.index_cast %get3A_256 : i32 to index
      %get3A_258 = arith.constant 16 : index
      %get3A_259 = tpu.vector_load %arg7[%get3A_257, %get3A_258] {strides = array<i32>} : memref<16x512xf32, #tpu.memory_space<vmem>>, vector<16xf32>,
      %add3A_260 = arith.addf %add3A_255, %get3A_259 : vector<16xf32>
      %get3A_261 = arith.constant 12 : i32
      %get3A_262 = arith.index_cast %get3A_261 : i32 to index
      %get3A_263 = arith.constant 16 : index
      %get3A_264 = tpu.vector_load %arg7[%get3A_262, %get3A_263] {strides = array<i32>} : memref<16x512xf32, #tpu.memory_space<vmem>>, vector<16xf32>,
      %add3A_265 = arith.addf %add3A_260, %get3A_264 : vector<16xf32>
      %get3A_266 = arith.constant 13 : i32
      %get3A_267 = arith.index_cast %get3A_266 : i32 to index
      %get3A_268 = arith.constant 16 : index
      %get3A_269 = tpu.vector_load %arg7[%get3A_267, %get3A_268] {strides = array<i32>} : memref<16x512xf32, #tpu.memory_space<vmem>>, vector<16xf32>,
      %add3A_270 = arith.addf %add3A_265, %get3A_269 : vector<16xf32>
      %get3A_271 = arith.constant 14 : i32
      %get3A_272 = arith.index_cast %get3A_271 : i32 to index
      %get3A_273 = arith.constant 16 : index
      %get3A_274 = tpu.vector_load %arg7[%get3A_272, %get3A_273] {strides = array<i32>} : memref<16x512xf32, #tpu.memory_space<vmem>>, vector<16xf32>,
      %add3A_275 = arith.addf %add3A_270, %get3A_274 : vector<16xf32>
      %get3A_276 = arith.constant 15 : i32
      %get3A_277 = arith.index_cast %get3A_276 : i32 to index
      %get3A_278 = arith.constant 16 : index
      %get3A_279 = tpu.vector_load %arg7[%get3A_277, %get3A_278] {strides = array<i32>} : memref<16x512xf32, #tpu.memory_space<vmem>>, vector<16xf32>,
      %add3A_280 = arith.addf %add3A_275, %get3A_279 : vector<16xf32>
      %mul3A_281 = arith.constant 4.34027781E-4 : f32
      %mul3A_282 = vector.broadcast %mul3A_281 : f32 to vector<16xf32>
      %mul3A_283 = arith.mulf %add3A_280, %mul3A_282 : vector<16xf32>
      %add3A_284 = arith.constant 1.000000e-10 : f32
      %add3A_285 = vector.broadcast %add3A_284 : f32 to vector<16xf32>
      %add3A_286 = arith.addf %mul3A_283, %add3A_285 : vector<16xf32>
      %bitcast3A_287 = vector.bitcast %add3A_286 : vector<16xf32> to vector<16xi32>
      %shift_right_arithmetic3A_288 = arith.constant 23 : i32
      %shift_right_arithmetic3A_289 = vector.broadcast %shift_right_arithmetic3A_288 : i32 to vector<16xi32>
      %shift_right_arithmetic3A_290 = arith.shrsi %bitcast3A_287, %shift_right_arithmetic3A_289 : vector<16xi32>
      %sub3A_291 = arith.constant 127 : i32
      %sub3A_292 = vector.broadcast %sub3A_291 : i32 to vector<16xi32>
      %sub3A_293 = arith.subi %shift_right_arithmetic3A_290, %sub3A_292 : vector<16xi32>
      %and3A_294 = arith.constant 8388607 : i32
      %and3A_295 = vector.broadcast %and3A_294 : i32 to vector<16xi32>
      %and3A_296 = arith.andi %bitcast3A_287, %and3A_295 : vector<16xi32>
      %or3A_297 = arith.constant 1065353216 : i32
      %or3A_298 = vector.broadcast %or3A_297 : i32 to vector<16xi32>
      %or3A_299 = arith.ori %and3A_296, %or3A_298 : vector<16xi32>
      %bitcast3A_300 = vector.bitcast %or3A_299 : vector<16xi32> to vector<16xf32>
      %gt3A_301 = arith.constant 1.41421354 : f32
      %gt3A_302 = vector.broadcast %gt3A_301 : f32 to vector<16xf32>
      %gt3A_303 = arith.cmpf ogt, %bitcast3A_300, %gt3A_302 : vector<16xf32>
      %mul3A_304 = arith.constant 5.000000e-01 : f32
      %mul3A_305 = vector.broadcast %mul3A_304 : f32 to vector<16xf32>
      %mul3A_306 = arith.mulf %bitcast3A_300, %mul3A_305 : vector<16xf32>
      %select_n3A_307 = arith.select %gt3A_303, %mul3A_306, %bitcast3A_300 : vector<16xi1>, vector<16xf32>
      %add3A_308 = arith.constant 1 : i32
      %add3A_309 = vector.broadcast %add3A_308 : i32 to vector<16xi32>
      %add3A_310 = arith.addi %sub3A_293, %add3A_309 : vector<16xi32>
      %select_n3A_311 = arith.select %gt3A_303, %add3A_310, %sub3A_293 : vector<16xi1>, vector<16xi32>
      %sub3A_312 = arith.constant 1.000000e+00 : f32
      %sub3A_313 = vector.broadcast %sub3A_312 : f32 to vector<16xf32>
      %sub3A_314 = arith.subf %select_n3A_307, %sub3A_313 : vector<16xf32>
      %add3A_315 = arith.constant 1.000000e+00 : f32
      %add3A_316 = vector.broadcast %add3A_315 : f32 to vector<16xf32>
      %add3A_317 = arith.addf %select_n3A_307, %add3A_316 : vector<16xf32>
      %div3A_318 = arith.divf %sub3A_314, %add3A_317 : vector<16xf32>
      %mul3A_319 = arith.mulf %div3A_318, %div3A_318 : vector<16xf32>
      %mul3A_320 = arith.constant 0.111111112 : f32
      %mul3A_321 = vector.broadcast %mul3A_320 : f32 to vector<16xf32>
      %mul3A_322 = arith.mulf %mul3A_321, %mul3A_319 : vector<16xf32>
      %add3A_323 = arith.constant 0.142857149 : f32
      %add3A_324 = vector.broadcast %add3A_323 : f32 to vector<16xf32>
      %add3A_325 = arith.addf %mul3A_322, %add3A_324 : vector<16xf32>
      %mul3A_326 = arith.mulf %add3A_325, %mul3A_319 : vector<16xf32>
      %add3A_327 = arith.constant 2.000000e-01 : f32
      %add3A_328 = vector.broadcast %add3A_327 : f32 to vector<16xf32>
      %add3A_329 = arith.addf %mul3A_326, %add3A_328 : vector<16xf32>
      %mul3A_330 = arith.mulf %add3A_329, %mul3A_319 : vector<16xf32>
      %add3A_331 = arith.constant 0.333333343 : f32
      %add3A_332 = vector.broadcast %add3A_331 : f32 to vector<16xf32>
      %add3A_333 = arith.addf %mul3A_330, %add3A_332 : vector<16xf32>
      %mul3A_334 = arith.mulf %add3A_333, %mul3A_319 : vector<16xf32>
      %add3A_335 = arith.constant 1.000000e+00 : f32
      %add3A_336 = vector.broadcast %add3A_335 : f32 to vector<16xf32>
      %add3A_337 = arith.addf %mul3A_334, %add3A_336 : vector<16xf32>
      %convert_element_type3A_338 = arith.sitofp %select_n3A_311 : vector<16xi32> to vector<16xf32>
      %mul3A_339 = arith.constant 0.693147182 : f32
      %mul3A_340 = vector.broadcast %mul3A_339 : f32 to vector<16xf32>
      %mul3A_341 = arith.mulf %convert_element_type3A_338, %mul3A_340 : vector<16xf32>
      %mul3A_342 = arith.constant 2.000000e+00 : f32
      %mul3A_343 = vector.broadcast %mul3A_342 : f32 to vector<16xf32>
      %mul3A_344 = arith.mulf %mul3A_343, %div3A_318 : vector<16xf32>
      %mul3A_345 = arith.mulf %mul3A_344, %add3A_337 : vector<16xf32>
      %add3A_346 = arith.addf %mul3A_341, %mul3A_345 : vector<16xf32>
      %mul3A_347 = arith.mulf %mul3A_283, %add3A_346 : vector<16xf32>
      %add3A_348 = arith.addf %add3A_201, %mul3A_347 : vector<16xf32>
      %get3A_349 = arith.constant 0 : i32
      %get3A_350 = arith.index_cast %get3A_349 : i32 to index
      %get3A_351 = arith.constant 32 : index
      %get3A_352 = tpu.vector_load %arg7[%get3A_350, %get3A_351] {strides = array<i32>} : memref<16x512xf32, #tpu.memory_space<vmem>>, vector<16xf32>,
      %get3A_353 = arith.constant 1 : i32
      %get3A_354 = arith.index_cast %get3A_353 : i32 to index
      %get3A_355 = arith.constant 32 : index
      %get3A_356 = tpu.vector_load %arg7[%get3A_354, %get3A_355] {strides = array<i32>} : memref<16x512xf32, #tpu.memory_space<vmem>>, vector<16xf32>,
      %add3A_357 = arith.addf %get3A_352, %get3A_356 : vector<16xf32>
      %get3A_358 = arith.constant 2 : i32
      %get3A_359 = arith.index_cast %get3A_358 : i32 to index
      %get3A_360 = arith.constant 32 : index
      %get3A_361 = tpu.vector_load %arg7[%get3A_359, %get3A_360] {strides = array<i32>} : memref<16x512xf32, #tpu.memory_space<vmem>>, vector<16xf32>,
      %add3A_362 = arith.addf %add3A_357, %get3A_361 : vector<16xf32>
      %get3A_363 = arith.constant 3 : i32
      %get3A_364 = arith.index_cast %get3A_363 : i32 to index
      %get3A_365 = arith.constant 32 : index
      %get3A_366 = tpu.vector_load %arg7[%get3A_364, %get3A_365] {strides = array<i32>} : memref<16x512xf32, #tpu.memory_space<vmem>>, vector<16xf32>,
      %add3A_367 = arith.addf %add3A_362, %get3A_366 : vector<16xf32>
      %get3A_368 = arith.constant 4 : i32
      %get3A_369 = arith.index_cast %get3A_368 : i32 to index
      %get3A_370 = arith.constant 32 : index
      %get3A_371 = tpu.vector_load %arg7[%get3A_369, %get3A_370] {strides = array<i32>} : memref<16x512xf32, #tpu.memory_space<vmem>>, vector<16xf32>,
      %add3A_372 = arith.addf %add3A_367, %get3A_371 : vector<16xf32>
      %get3A_373 = arith.constant 5 : i32
      %get3A_374 = arith.index_cast %get3A_373 : i32 to index
      %get3A_375 = arith.constant 32 : index
      %get3A_376 = tpu.vector_load %arg7[%get3A_374, %get3A_375] {strides = array<i32>} : memref<16x512xf32, #tpu.memory_space<vmem>>, vector<16xf32>,
      %add3A_377 = arith.addf %add3A_372, %get3A_376 : vector<16xf32>
      %get3A_378 = arith.constant 6 : i32
      %get3A_379 = arith.index_cast %get3A_378 : i32 to index
      %get3A_380 = arith.constant 32 : index
      %get3A_381 = tpu.vector_load %arg7[%get3A_379, %get3A_380] {strides = array<i32>} : memref<16x512xf32, #tpu.memory_space<vmem>>, vector<16xf32>,
      %add3A_382 = arith.addf %add3A_377, %get3A_381 : vector<16xf32>
      %get3A_383 = arith.constant 7 : i32
      %get3A_384 = arith.index_cast %get3A_383 : i32 to index
      %get3A_385 = arith.constant 32 : index
      %get3A_386 = tpu.vector_load %arg7[%get3A_384, %get3A_385] {strides = array<i32>} : memref<16x512xf32, #tpu.memory_space<vmem>>, vector<16xf32>,
      %add3A_387 = arith.addf %add3A_382, %get3A_386 : vector<16xf32>
      %get3A_388 = arith.constant 8 : i32
      %get3A_389 = arith.index_cast %get3A_388 : i32 to index
      %get3A_390 = arith.constant 32 : index
      %get3A_391 = tpu.vector_load %arg7[%get3A_389, %get3A_390] {strides = array<i32>} : memref<16x512xf32, #tpu.memory_space<vmem>>, vector<16xf32>,
      %add3A_392 = arith.addf %add3A_387, %get3A_391 : vector<16xf32>
      %get3A_393 = arith.constant 9 : i32
      %get3A_394 = arith.index_cast %get3A_393 : i32 to index
      %get3A_395 = arith.constant 32 : index
      %get3A_396 = tpu.vector_load %arg7[%get3A_394, %get3A_395] {strides = array<i32>} : memref<16x512xf32, #tpu.memory_space<vmem>>, vector<16xf32>,
      %add3A_397 = arith.addf %add3A_392, %get3A_396 : vector<16xf32>
      %get3A_398 = arith.constant 10 : i32
      %get3A_399 = arith.index_cast %get3A_398 : i32 to index
      %get3A_400 = arith.constant 32 : index
      %get3A_401 = tpu.vector_load %arg7[%get3A_399, %get3A_400] {strides = array<i32>} : memref<16x512xf32, #tpu.memory_space<vmem>>, vector<16xf32>,
      %add3A_402 = arith.addf %add3A_397, %get3A_401 : vector<16xf32>
      %get3A_403 = arith.constant 11 : i32
      %get3A_404 = arith.index_cast %get3A_403 : i32 to index
      %get3A_405 = arith.constant 32 : index
      %get3A_406 = tpu.vector_load %arg7[%get3A_404, %get3A_405] {strides = array<i32>} : memref<16x512xf32, #tpu.memory_space<vmem>>, vector<16xf32>,
      %add3A_407 = arith.addf %add3A_402, %get3A_406 : vector<16xf32>
      %get3A_408 = arith.constant 12 : i32
      %get3A_409 = arith.index_cast %get3A_408 : i32 to index
      %get3A_410 = arith.constant 32 : index
      %get3A_411 = tpu.vector_load %arg7[%get3A_409, %get3A_410] {strides = array<i32>} : memref<16x512xf32, #tpu.memory_space<vmem>>, vector<16xf32>,
      %add3A_412 = arith.addf %add3A_407, %get3A_411 : vector<16xf32>
      %get3A_413 = arith.constant 13 : i32
      %get3A_414 = arith.index_cast %get3A_413 : i32 to index
      %get3A_415 = arith.constant 32 : index
      %get3A_416 = tpu.vector_load %arg7[%get3A_414, %get3A_415] {strides = array<i32>} : memref<16x512xf32, #tpu.memory_space<vmem>>, vector<16xf32>,
      %add3A_417 = arith.addf %add3A_412, %get3A_416 : vector<16xf32>
      %get3A_418 = arith.constant 14 : i32
      %get3A_419 = arith.index_cast %get3A_418 : i32 to index
      %get3A_420 = arith.constant 32 : index
      %get3A_421 = tpu.vector_load %arg7[%get3A_419, %get3A_420] {strides = array<i32>} : memref<16x512xf32, #tpu.memory_space<vmem>>, vector<16xf32>,
      %add3A_422 = arith.addf %add3A_417, %get3A_421 : vector<16xf32>
      %get3A_423 = arith.constant 15 : i32
      %get3A_424 = arith.index_cast %get3A_423 : i32 to index
      %get3A_425 = arith.constant 32 : index
      %get3A_426 = tpu.vector_load %arg7[%get3A_424, %get3A_425] {strides = array<i32>} : memref<16x512xf32, #tpu.memory_space<vmem>>, vector<16xf32>,
      %add3A_427 = arith.addf %add3A_422, %get3A_426 : vector<16xf32>
      %mul3A_428 = arith.constant 4.34027781E-4 : f32
      %mul3A_429 = vector.broadcast %mul3A_428 : f32 to vector<16xf32>
      %mul3A_430 = arith.mulf %add3A_427, %mul3A_429 : vector<16xf32>
      %add3A_431 = arith.constant 1.000000e-10 : f32
      %add3A_432 = vector.broadcast %add3A_431 : f32 to vector<16xf32>
      %add3A_433 = arith.addf %mul3A_430, %add3A_432 : vector<16xf32>
      %bitcast3A_434 = vector.bitcast %add3A_433 : vector<16xf32> to vector<16xi32>
      %shift_right_arithmetic3A_435 = arith.constant 23 : i32
      %shift_right_arithmetic3A_436 = vector.broadcast %shift_right_arithmetic3A_435 : i32 to vector<16xi32>
      %shift_right_arithmetic3A_437 = arith.shrsi %bitcast3A_434, %shift_right_arithmetic3A_436 : vector<16xi32>
      %sub3A_438 = arith.constant 127 : i32
      %sub3A_439 = vector.broadcast %sub3A_438 : i32 to vector<16xi32>
      %sub3A_440 = arith.subi %shift_right_arithmetic3A_437, %sub3A_439 : vector<16xi32>
      %and3A_441 = arith.constant 8388607 : i32
      %and3A_442 = vector.broadcast %and3A_441 : i32 to vector<16xi32>
      %and3A_443 = arith.andi %bitcast3A_434, %and3A_442 : vector<16xi32>
      %or3A_444 = arith.constant 1065353216 : i32
      %or3A_445 = vector.broadcast %or3A_444 : i32 to vector<16xi32>
      %or3A_446 = arith.ori %and3A_443, %or3A_445 : vector<16xi32>
      %bitcast3A_447 = vector.bitcast %or3A_446 : vector<16xi32> to vector<16xf32>
      %gt3A_448 = arith.constant 1.41421354 : f32
      %gt3A_449 = vector.broadcast %gt3A_448 : f32 to vector<16xf32>
      %gt3A_450 = arith.cmpf ogt, %bitcast3A_447, %gt3A_449 : vector<16xf32>
      %mul3A_451 = arith.constant 5.000000e-01 : f32
      %mul3A_452 = vector.broadcast %mul3A_451 : f32 to vector<16xf32>
      %mul3A_453 = arith.mulf %bitcast3A_447, %mul3A_452 : vector<16xf32>
      %select_n3A_454 = arith.select %gt3A_450, %mul3A_453, %bitcast3A_447 : vector<16xi1>, vector<16xf32>
      %add3A_455 = arith.constant 1 : i32
      %add3A_456 = vector.broadcast %add3A_455 : i32 to vector<16xi32>
      %add3A_457 = arith.addi %sub3A_440, %add3A_456 : vector<16xi32>
      %select_n3A_458 = arith.select %gt3A_450, %add3A_457, %sub3A_440 : vector<16xi1>, vector<16xi32>
      %sub3A_459 = arith.constant 1.000000e+00 : f32
      %sub3A_460 = vector.broadcast %sub3A_459 : f32 to vector<16xf32>
      %sub3A_461 = arith.subf %select_n3A_454, %sub3A_460 : vector<16xf32>
      %add3A_462 = arith.constant 1.000000e+00 : f32
      %add3A_463 = vector.broadcast %add3A_462 : f32 to vector<16xf32>
      %add3A_464 = arith.addf %select_n3A_454, %add3A_463 : vector<16xf32>
      %div3A_465 = arith.divf %sub3A_461, %add3A_464 : vector<16xf32>
      %mul3A_466 = arith.mulf %div3A_465, %div3A_465 : vector<16xf32>
      %mul3A_467 = arith.constant 0.111111112 : f32
      %mul3A_468 = vector.broadcast %mul3A_467 : f32 to vector<16xf32>
      %mul3A_469 = arith.mulf %mul3A_468, %mul3A_466 : vector<16xf32>
      %add3A_470 = arith.constant 0.142857149 : f32
      %add3A_471 = vector.broadcast %add3A_470 : f32 to vector<16xf32>
      %add3A_472 = arith.addf %mul3A_469, %add3A_471 : vector<16xf32>
      %mul3A_473 = arith.mulf %add3A_472, %mul3A_466 : vector<16xf32>
      %add3A_474 = arith.constant 2.000000e-01 : f32
      %add3A_475 = vector.broadcast %add3A_474 : f32 to vector<16xf32>
      %add3A_476 = arith.addf %mul3A_473, %add3A_475 : vector<16xf32>
      %mul3A_477 = arith.mulf %add3A_476, %mul3A_466 : vector<16xf32>
      %add3A_478 = arith.constant 0.333333343 : f32
      %add3A_479 = vector.broadcast %add3A_478 : f32 to vector<16xf32>
      %add3A_480 = arith.addf %mul3A_477, %add3A_479 : vector<16xf32>
      %mul3A_481 = arith.mulf %add3A_480, %mul3A_466 : vector<16xf32>
      %add3A_482 = arith.constant 1.000000e+00 : f32
      %add3A_483 = vector.broadcast %add3A_482 : f32 to vector<16xf32>
      %add3A_484 = arith.addf %mul3A_481, %add3A_483 : vector<16xf32>
      %convert_element_type3A_485 = arith.sitofp %select_n3A_458 : vector<16xi32> to vector<16xf32>
      %mul3A_486 = arith.constant 0.693147182 : f32
      %mul3A_487 = vector.broadcast %mul3A_486 : f32 to vector<16xf32>
      %mul3A_488 = arith.mulf %convert_element_type3A_485, %mul3A_487 : vector<16xf32>
      %mul3A_489 = arith.constant 2.000000e+00 : f32
      %mul3A_490 = vector.broadcast %mul3A_489 : f32 to vector<16xf32>
      %mul3A_491 = arith.mulf %mul3A_490, %div3A_465 : vector<16xf32>
      %mul3A_492 = arith.mulf %mul3A_491, %add3A_484 : vector<16xf32>
      %add3A_493 = arith.addf %mul3A_488, %mul3A_492 : vector<16xf32>
      %mul3A_494 = arith.mulf %mul3A_430, %add3A_493 : vector<16xf32>
      %add3A_495 = arith.addf %add3A_348, %mul3A_494 : vector<16xf32>
      %get3A_496 = arith.constant 0 : i32
      %get3A_497 = arith.index_cast %get3A_496 : i32 to index
      %get3A_498 = arith.constant 48 : index
      %get3A_499 = tpu.vector_load %arg7[%get3A_497, %get3A_498] {strides = array<i32>} : memref<16x512xf32, #tpu.memory_space<vmem>>, vector<16xf32>,
      %get3A_500 = arith.constant 1 : i32
      %get3A_501 = arith.index_cast %get3A_500 : i32 to index
      %get3A_502 = arith.constant 48 : index
      %get3A_503 = tpu.vector_load %arg7[%get3A_501, %get3A_502] {strides = array<i32>} : memref<16x512xf32, #tpu.memory_space<vmem>>, vector<16xf32>,
      %add3A_504 = arith.addf %get3A_499, %get3A_503 : vector<16xf32>
      %get3A_505 = arith.constant 2 : i32
      %get3A_506 = arith.index_cast %get3A_505 : i32 to index
      %get3A_507 = arith.constant 48 : index
      %get3A_508 = tpu.vector_load %arg7[%get3A_506, %get3A_507] {strides = array<i32>} : memref<16x512xf32, #tpu.memory_space<vmem>>, vector<16xf32>,
      %add3A_509 = arith.addf %add3A_504, %get3A_508 : vector<16xf32>
      %get3A_510 = arith.constant 3 : i32
      %get3A_511 = arith.index_cast %get3A_510 : i32 to index
      %get3A_512 = arith.constant 48 : index
      %get3A_513 = tpu.vector_load %arg7[%get3A_511, %get3A_512] {strides = array<i32>} : memref<16x512xf32, #tpu.memory_space<vmem>>, vector<16xf32>,
      %add3A_514 = arith.addf %add3A_509, %get3A_513 : vector<16xf32>
      %get3A_515 = arith.constant 4 : i32
      %get3A_516 = arith.index_cast %get3A_515 : i32 to index
      %get3A_517 = arith.constant 48 : index
      %get3A_518 = tpu.vector_load %arg7[%get3A_516, %get3A_517] {strides = array<i32>} : memref<16x512xf32, #tpu.memory_space<vmem>>, vector<16xf32>,
      %add3A_519 = arith.addf %add3A_514, %get3A_518 : vector<16xf32>
      %get3A_520 = arith.constant 5 : i32
      %get3A_521 = arith.index_cast %get3A_520 : i32 to index
      %get3A_522 = arith.constant 48 : index
      %get3A_523 = tpu.vector_load %arg7[%get3A_521, %get3A_522] {strides = array<i32>} : memref<16x512xf32, #tpu.memory_space<vmem>>, vector<16xf32>,
      %add3A_524 = arith.addf %add3A_519, %get3A_523 : vector<16xf32>
      %get3A_525 = arith.constant 6 : i32
      %get3A_526 = arith.index_cast %get3A_525 : i32 to index
      %get3A_527 = arith.constant 48 : index
      %get3A_528 = tpu.vector_load %arg7[%get3A_526, %get3A_527] {strides = array<i32>} : memref<16x512xf32, #tpu.memory_space<vmem>>, vector<16xf32>,
      %add3A_529 = arith.addf %add3A_524, %get3A_528 : vector<16xf32>
      %get3A_530 = arith.constant 7 : i32
      %get3A_531 = arith.index_cast %get3A_530 : i32 to index
      %get3A_532 = arith.constant 48 : index
      %get3A_533 = tpu.vector_load %arg7[%get3A_531, %get3A_532] {strides = array<i32>} : memref<16x512xf32, #tpu.memory_space<vmem>>, vector<16xf32>,
      %add3A_534 = arith.addf %add3A_529, %get3A_533 : vector<16xf32>
      %get3A_535 = arith.constant 8 : i32
      %get3A_536 = arith.index_cast %get3A_535 : i32 to index
      %get3A_537 = arith.constant 48 : index
      %get3A_538 = tpu.vector_load %arg7[%get3A_536, %get3A_537] {strides = array<i32>} : memref<16x512xf32, #tpu.memory_space<vmem>>, vector<16xf32>,
      %add3A_539 = arith.addf %add3A_534, %get3A_538 : vector<16xf32>
      %get3A_540 = arith.constant 9 : i32
      %get3A_541 = arith.index_cast %get3A_540 : i32 to index
      %get3A_542 = arith.constant 48 : index
      %get3A_543 = tpu.vector_load %arg7[%get3A_541, %get3A_542] {strides = array<i32>} : memref<16x512xf32, #tpu.memory_space<vmem>>, vector<16xf32>,
      %add3A_544 = arith.addf %add3A_539, %get3A_543 : vector<16xf32>
      %get3A_545 = arith.constant 10 : i32
      %get3A_546 = arith.index_cast %get3A_545 : i32 to index
      %get3A_547 = arith.constant 48 : index
      %get3A_548 = tpu.vector_load %arg7[%get3A_546, %get3A_547] {strides = array<i32>} : memref<16x512xf32, #tpu.memory_space<vmem>>, vector<16xf32>,
      %add3A_549 = arith.addf %add3A_544, %get3A_548 : vector<16xf32>
      %get3A_550 = arith.constant 11 : i32
      %get3A_551 = arith.index_cast %get3A_550 : i32 to index
      %get3A_552 = arith.constant 48 : index
      %get3A_553 = tpu.vector_load %arg7[%get3A_551, %get3A_552] {strides = array<i32>} : memref<16x512xf32, #tpu.memory_space<vmem>>, vector<16xf32>,
      %add3A_554 = arith.addf %add3A_549, %get3A_553 : vector<16xf32>
      %get3A_555 = arith.constant 12 : i32
      %get3A_556 = arith.index_cast %get3A_555 : i32 to index
      %get3A_557 = arith.constant 48 : index
      %get3A_558 = tpu.vector_load %arg7[%get3A_556, %get3A_557] {strides = array<i32>} : memref<16x512xf32, #tpu.memory_space<vmem>>, vector<16xf32>,
      %add3A_559 = arith.addf %add3A_554, %get3A_558 : vector<16xf32>
      %get3A_560 = arith.constant 13 : i32
      %get3A_561 = arith.index_cast %get3A_560 : i32 to index
      %get3A_562 = arith.constant 48 : index
      %get3A_563 = tpu.vector_load %arg7[%get3A_561, %get3A_562] {strides = array<i32>} : memref<16x512xf32, #tpu.memory_space<vmem>>, vector<16xf32>,
      %add3A_564 = arith.addf %add3A_559, %get3A_563 : vector<16xf32>
      %get3A_565 = arith.constant 14 : i32
      %get3A_566 = arith.index_cast %get3A_565 : i32 to index
      %get3A_567 = arith.constant 48 : index
      %get3A_568 = tpu.vector_load %arg7[%get3A_566, %get3A_567] {strides = array<i32>} : memref<16x512xf32, #tpu.memory_space<vmem>>, vector<16xf32>,
      %add3A_569 = arith.addf %add3A_564, %get3A_568 : vector<16xf32>
      %get3A_570 = arith.constant 15 : i32
      %get3A_571 = arith.index_cast %get3A_570 : i32 to index
      %get3A_572 = arith.constant 48 : index
      %get3A_573 = tpu.vector_load %arg7[%get3A_571, %get3A_572] {strides = array<i32>} : memref<16x512xf32, #tpu.memory_space<vmem>>, vector<16xf32>,
      %add3A_574 = arith.addf %add3A_569, %get3A_573 : vector<16xf32>
      %mul3A_575 = arith.constant 4.34027781E-4 : f32
      %mul3A_576 = vector.broadcast %mul3A_575 : f32 to vector<16xf32>
      %mul3A_577 = arith.mulf %add3A_574, %mul3A_576 : vector<16xf32>
      %add3A_578 = arith.constant 1.000000e-10 : f32
      %add3A_579 = vector.broadcast %add3A_578 : f32 to vector<16xf32>
      %add3A_580 = arith.addf %mul3A_577, %add3A_579 : vector<16xf32>
      %bitcast3A_581 = vector.bitcast %add3A_580 : vector<16xf32> to vector<16xi32>
      %shift_right_arithmetic3A_582 = arith.constant 23 : i32
      %shift_right_arithmetic3A_583 = vector.broadcast %shift_right_arithmetic3A_582 : i32 to vector<16xi32>
      %shift_right_arithmetic3A_584 = arith.shrsi %bitcast3A_581, %shift_right_arithmetic3A_583 : vector<16xi32>
      %sub3A_585 = arith.constant 127 : i32
      %sub3A_586 = vector.broadcast %sub3A_585 : i32 to vector<16xi32>
      %sub3A_587 = arith.subi %shift_right_arithmetic3A_584, %sub3A_586 : vector<16xi32>
      %and3A_588 = arith.constant 8388607 : i32
      %and3A_589 = vector.broadcast %and3A_588 : i32 to vector<16xi32>
      %and3A_590 = arith.andi %bitcast3A_581, %and3A_589 : vector<16xi32>
      %or3A_591 = arith.constant 1065353216 : i32
      %or3A_592 = vector.broadcast %or3A_591 : i32 to vector<16xi32>
      %or3A_593 = arith.ori %and3A_590, %or3A_592 : vector<16xi32>
      %bitcast3A_594 = vector.bitcast %or3A_593 : vector<16xi32> to vector<16xf32>
      %gt3A_595 = arith.constant 1.41421354 : f32
      %gt3A_596 = vector.broadcast %gt3A_595 : f32 to vector<16xf32>
      %gt3A_597 = arith.cmpf ogt, %bitcast3A_594, %gt3A_596 : vector<16xf32>
      %mul3A_598 = arith.constant 5.000000e-01 : f32
      %mul3A_599 = vector.broadcast %mul3A_598 : f32 to vector<16xf32>
      %mul3A_600 = arith.mulf %bitcast3A_594, %mul3A_599 : vector<16xf32>
      %select_n3A_601 = arith.select %gt3A_597, %mul3A_600, %bitcast3A_594 : vector<16xi1>, vector<16xf32>
      %add3A_602 = arith.constant 1 : i32
      %add3A_603 = vector.broadcast %add3A_602 : i32 to vector<16xi32>
      %add3A_604 = arith.addi %sub3A_587, %add3A_603 : vector<16xi32>
      %select_n3A_605 = arith.select %gt3A_597, %add3A_604, %sub3A_587 : vector<16xi1>, vector<16xi32>
      %sub3A_606 = arith.constant 1.000000e+00 : f32
      %sub3A_607 = vector.broadcast %sub3A_606 : f32 to vector<16xf32>
      %sub3A_608 = arith.subf %select_n3A_601, %sub3A_607 : vector<16xf32>
      %add3A_609 = arith.constant 1.000000e+00 : f32
      %add3A_610 = vector.broadcast %add3A_609 : f32 to vector<16xf32>
      %add3A_611 = arith.addf %select_n3A_601, %add3A_610 : vector<16xf32>
      %div3A_612 = arith.divf %sub3A_608, %add3A_611 : vector<16xf32>
      %mul3A_613 = arith.mulf %div3A_612, %div3A_612 : vector<16xf32>
      %mul3A_614 = arith.constant 0.111111112 : f32
      %mul3A_615 = vector.broadcast %mul3A_614 : f32 to vector<16xf32>
      %mul3A_616 = arith.mulf %mul3A_615, %mul3A_613 : vector<16xf32>
      %add3A_617 = arith.constant 0.142857149 : f32
      %add3A_618 = vector.broadcast %add3A_617 : f32 to vector<16xf32>
      %add3A_619 = arith.addf %mul3A_616, %add3A_618 : vector<16xf32>
      %mul3A_620 = arith.mulf %add3A_619, %mul3A_613 : vector<16xf32>
      %add3A_621 = arith.constant 2.000000e-01 : f32
      %add3A_622 = vector.broadcast %add3A_621 : f32 to vector<16xf32>
      %add3A_623 = arith.addf %mul3A_620, %add3A_622 : vector<16xf32>
      %mul3A_624 = arith.mulf %add3A_623, %mul3A_613 : vector<16xf32>
      %add3A_625 = arith.constant 0.333333343 : f32
      %add3A_626 = vector.broadcast %add3A_625 : f32 to vector<16xf32>
      %add3A_627 = arith.addf %mul3A_624, %add3A_626 : vector<16xf32>
      %mul3A_628 = arith.mulf %add3A_627, %mul3A_613 : vector<16xf32>
      %add3A_629 = arith.constant 1.000000e+00 : f32
      %add3A_630 = vector.broadcast %add3A_629 : f32 to vector<16xf32>
      %add3A_631 = arith.addf %mul3A_628, %add3A_630 : vector<16xf32>
      %convert_element_type3A_632 = arith.sitofp %select_n3A_605 : vector<16xi32> to vector<16xf32>
      %mul3A_633 = arith.constant 0.693147182 : f32
      %mul3A_634 = vector.broadcast %mul3A_633 : f32 to vector<16xf32>
      %mul3A_635 = arith.mulf %convert_element_type3A_632, %mul3A_634 : vector<16xf32>
      %mul3A_636 = arith.constant 2.000000e+00 : f32
      %mul3A_637 = vector.broadcast %mul3A_636 : f32 to vector<16xf32>
      %mul3A_638 = arith.mulf %mul3A_637, %div3A_612 : vector<16xf32>
      %mul3A_639 = arith.mulf %mul3A_638, %add3A_631 : vector<16xf32>
      %add3A_640 = arith.addf %mul3A_635, %mul3A_639 : vector<16xf32>
      %mul3A_641 = arith.mulf %mul3A_577, %add3A_640 : vector<16xf32>
      %add3A_642 = arith.addf %add3A_495, %mul3A_641 : vector<16xf32>
      %get3A_643 = arith.constant 0 : i32
      %get3A_644 = arith.index_cast %get3A_643 : i32 to index
      %get3A_645 = arith.constant 64 : index
      %get3A_646 = tpu.vector_load %arg7[%get3A_644, %get3A_645] {strides = array<i32>} : memref<16x512xf32, #tpu.memory_space<vmem>>, vector<16xf32>,
      %get3A_647 = arith.constant 1 : i32
      %get3A_648 = arith.index_cast %get3A_647 : i32 to index
      %get3A_649 = arith.constant 64 : index
      %get3A_650 = tpu.vector_load %arg7[%get3A_648, %get3A_649] {strides = array<i32>} : memref<16x512xf32, #tpu.memory_space<vmem>>, vector<16xf32>,
      %add3A_651 = arith.addf %get3A_646, %get3A_650 : vector<16xf32>
      %get3A_652 = arith.constant 2 : i32
      %get3A_653 = arith.index_cast %get3A_652 : i32 to index
      %get3A_654 = arith.constant 64 : index
      %get3A_655 = tpu.vector_load %arg7[%get3A_653, %get3A_654] {strides = array<i32>} : memref<16x512xf32, #tpu.memory_space<vmem>>, vector<16xf32>,
      %add3A_656 = arith.addf %add3A_651, %get3A_655 : vector<16xf32>
      %get3A_657 = arith.constant 3 : i32
      %get3A_658 = arith.index_cast %get3A_657 : i32 to index
      %get3A_659 = arith.constant 64 : index
      %get3A_660 = tpu.vector_load %arg7[%get3A_658, %get3A_659] {strides = array<i32>} : memref<16x512xf32, #tpu.memory_space<vmem>>, vector<16xf32>,
      %add3A_661 = arith.addf %add3A_656, %get3A_660 : vector<16xf32>
      %get3A_662 = arith.constant 4 : i32
      %get3A_663 = arith.index_cast %get3A_662 : i32 to index
      %get3A_664 = arith.constant 64 : index
      %get3A_665 = tpu.vector_load %arg7[%get3A_663, %get3A_664] {strides = array<i32>} : memref<16x512xf32, #tpu.memory_space<vmem>>, vector<16xf32>,
      %add3A_666 = arith.addf %add3A_661, %get3A_665 : vector<16xf32>
      %get3A_667 = arith.constant 5 : i32
      %get3A_668 = arith.index_cast %get3A_667 : i32 to index
      %get3A_669 = arith.constant 64 : index
      %get3A_670 = tpu.vector_load %arg7[%get3A_668, %get3A_669] {strides = array<i32>} : memref<16x512xf32, #tpu.memory_space<vmem>>, vector<16xf32>,
      %add3A_671 = arith.addf %add3A_666, %get3A_670 : vector<16xf32>
      %get3A_672 = arith.constant 6 : i32
      %get3A_673 = arith.index_cast %get3A_672 : i32 to index
      %get3A_674 = arith.constant 64 : index
      %get3A_675 = tpu.vector_load %arg7[%get3A_673, %get3A_674] {strides = array<i32>} : memref<16x512xf32, #tpu.memory_space<vmem>>, vector<16xf32>,
      %add3A_676 = arith.addf %add3A_671, %get3A_675 : vector<16xf32>
      %get3A_677 = arith.constant 7 : i32
      %get3A_678 = arith.index_cast %get3A_677 : i32 to index
      %get3A_679 = arith.constant 64 : index
      %get3A_680 = tpu.vector_load %arg7[%get3A_678, %get3A_679] {strides = array<i32>} : memref<16x512xf32, #tpu.memory_space<vmem>>, vector<16xf32>,
      %add3A_681 = arith.addf %add3A_676, %get3A_680 : vector<16xf32>
      %get3A_682 = arith.constant 8 : i32
      %get3A_683 = arith.index_cast %get3A_682 : i32 to index
      %get3A_684 = arith.constant 64 : index
      %get3A_685 = tpu.vector_load %arg7[%get3A_683, %get3A_684] {strides = array<i32>} : memref<16x512xf32, #tpu.memory_space<vmem>>, vector<16xf32>,
      %add3A_686 = arith.addf %add3A_681, %get3A_685 : vector<16xf32>
      %get3A_687 = arith.constant 9 : i32
      %get3A_688 = arith.index_cast %get3A_687 : i32 to index
      %get3A_689 = arith.constant 64 : index
      %get3A_690 = tpu.vector_load %arg7[%get3A_688, %get3A_689] {strides = array<i32>} : memref<16x512xf32, #tpu.memory_space<vmem>>, vector<16xf32>,
      %add3A_691 = arith.addf %add3A_686, %get3A_690 : vector<16xf32>
      %get3A_692 = arith.constant 10 : i32
      %get3A_693 = arith.index_cast %get3A_692 : i32 to index
      %get3A_694 = arith.constant 64 : index
      %get3A_695 = tpu.vector_load %arg7[%get3A_693, %get3A_694] {strides = array<i32>} : memref<16x512xf32, #tpu.memory_space<vmem>>, vector<16xf32>,
      %add3A_696 = arith.addf %add3A_691, %get3A_695 : vector<16xf32>
      %get3A_697 = arith.constant 11 : i32
      %get3A_698 = arith.index_cast %get3A_697 : i32 to index
      %get3A_699 = arith.constant 64 : index
      %get3A_700 = tpu.vector_load %arg7[%get3A_698, %get3A_699] {strides = array<i32>} : memref<16x512xf32, #tpu.memory_space<vmem>>, vector<16xf32>,
      %add3A_701 = arith.addf %add3A_696, %get3A_700 : vector<16xf32>
      %get3A_702 = arith.constant 12 : i32
      %get3A_703 = arith.index_cast %get3A_702 : i32 to index
      %get3A_704 = arith.constant 64 : index
      %get3A_705 = tpu.vector_load %arg7[%get3A_703, %get3A_704] {strides = array<i32>} : memref<16x512xf32, #tpu.memory_space<vmem>>, vector<16xf32>,
      %add3A_706 = arith.addf %add3A_701, %get3A_705 : vector<16xf32>
      %get3A_707 = arith.constant 13 : i32
      %get3A_708 = arith.index_cast %get3A_707 : i32 to index
      %get3A_709 = arith.constant 64 : index
      %get3A_710 = tpu.vector_load %arg7[%get3A_708, %get3A_709] {strides = array<i32>} : memref<16x512xf32, #tpu.memory_space<vmem>>, vector<16xf32>,
      %add3A_711 = arith.addf %add3A_706, %get3A_710 : vector<16xf32>
      %get3A_712 = arith.constant 14 : i32
      %get3A_713 = arith.index_cast %get3A_712 : i32 to index
      %get3A_714 = arith.constant 64 : index
      %get3A_715 = tpu.vector_load %arg7[%get3A_713, %get3A_714] {strides = array<i32>} : memref<16x512xf32, #tpu.memory_space<vmem>>, vector<16xf32>,
      %add3A_716 = arith.addf %add3A_711, %get3A_715 : vector<16xf32>
      %get3A_717 = arith.constant 15 : i32
      %get3A_718 = arith.index_cast %get3A_717 : i32 to index
      %get3A_719 = arith.constant 64 : index
      %get3A_720 = tpu.vector_load %arg7[%get3A_718, %get3A_719] {strides = array<i32>} : memref<16x512xf32, #tpu.memory_space<vmem>>, vector<16xf32>,
      %add3A_721 = arith.addf %add3A_716, %get3A_720 : vector<16xf32>
      %mul3A_722 = arith.constant 4.34027781E-4 : f32
      %mul3A_723 = vector.broadcast %mul3A_722 : f32 to vector<16xf32>
      %mul3A_724 = arith.mulf %add3A_721, %mul3A_723 : vector<16xf32>
      %add3A_725 = arith.constant 1.000000e-10 : f32
      %add3A_726 = vector.broadcast %add3A_725 : f32 to vector<16xf32>
      %add3A_727 = arith.addf %mul3A_724, %add3A_726 : vector<16xf32>
      %bitcast3A_728 = vector.bitcast %add3A_727 : vector<16xf32> to vector<16xi32>
      %shift_right_arithmetic3A_729 = arith.constant 23 : i32
      %shift_right_arithmetic3A_730 = vector.broadcast %shift_right_arithmetic3A_729 : i32 to vector<16xi32>
      %shift_right_arithmetic3A_731 = arith.shrsi %bitcast3A_728, %shift_right_arithmetic3A_730 : vector<16xi32>
      %sub3A_732 = arith.constant 127 : i32
      %sub3A_733 = vector.broadcast %sub3A_732 : i32 to vector<16xi32>
      %sub3A_734 = arith.subi %shift_right_arithmetic3A_731, %sub3A_733 : vector<16xi32>
      %and3A_735 = arith.constant 8388607 : i32
      %and3A_736 = vector.broadcast %and3A_735 : i32 to vector<16xi32>
      %and3A_737 = arith.andi %bitcast3A_728, %and3A_736 : vector<16xi32>
      %or3A_738 = arith.constant 1065353216 : i32
      %or3A_739 = vector.broadcast %or3A_738 : i32 to vector<16xi32>
      %or3A_740 = arith.ori %and3A_737, %or3A_739 : vector<16xi32>
      %bitcast3A_741 = vector.bitcast %or3A_740 : vector<16xi32> to vector<16xf32>
      %gt3A_742 = arith.constant 1.41421354 : f32
      %gt3A_743 = vector.broadcast %gt3A_742 : f32 to vector<16xf32>
      %gt3A_744 = arith.cmpf ogt, %bitcast3A_741, %gt3A_743 : vector<16xf32>
      %mul3A_745 = arith.constant 5.000000e-01 : f32
      %mul3A_746 = vector.broadcast %mul3A_745 : f32 to vector<16xf32>
      %mul3A_747 = arith.mulf %bitcast3A_741, %mul3A_746 : vector<16xf32>
      %select_n3A_748 = arith.select %gt3A_744, %mul3A_747, %bitcast3A_741 : vector<16xi1>, vector<16xf32>
      %add3A_749 = arith.constant 1 : i32
      %add3A_750 = vector.broadcast %add3A_749 : i32 to vector<16xi32>
      %add3A_751 = arith.addi %sub3A_734, %add3A_750 : vector<16xi32>
      %select_n3A_752 = arith.select %gt3A_744, %add3A_751, %sub3A_734 : vector<16xi1>, vector<16xi32>
      %sub3A_753 = arith.constant 1.000000e+00 : f32
      %sub3A_754 = vector.broadcast %sub3A_753 : f32 to vector<16xf32>
      %sub3A_755 = arith.subf %select_n3A_748, %sub3A_754 : vector<16xf32>
      %add3A_756 = arith.constant 1.000000e+00 : f32
      %add3A_757 = vector.broadcast %add3A_756 : f32 to vector<16xf32>
      %add3A_758 = arith.addf %select_n3A_748, %add3A_757 : vector<16xf32>
      %div3A_759 = arith.divf %sub3A_755, %add3A_758 : vector<16xf32>
      %mul3A_760 = arith.mulf %div3A_759, %div3A_759 : vector<16xf32>
      %mul3A_761 = arith.constant 0.111111112 : f32
      %mul3A_762 = vector.broadcast %mul3A_761 : f32 to vector<16xf32>
      %mul3A_763 = arith.mulf %mul3A_762, %mul3A_760 : vector<16xf32>
      %add3A_764 = arith.constant 0.142857149 : f32
      %add3A_765 = vector.broadcast %add3A_764 : f32 to vector<16xf32>
      %add3A_766 = arith.addf %mul3A_763, %add3A_765 : vector<16xf32>
      %mul3A_767 = arith.mulf %add3A_766, %mul3A_760 : vector<16xf32>
      %add3A_768 = arith.constant 2.000000e-01 : f32
      %add3A_769 = vector.broadcast %add3A_768 : f32 to vector<16xf32>
      %add3A_770 = arith.addf %mul3A_767, %add3A_769 : vector<16xf32>
      %mul3A_771 = arith.mulf %add3A_770, %mul3A_760 : vector<16xf32>
      %add3A_772 = arith.constant 0.333333343 : f32
      %add3A_773 = vector.broadcast %add3A_772 : f32 to vector<16xf32>
      %add3A_774 = arith.addf %mul3A_771, %add3A_773 : vector<16xf32>
      %mul3A_775 = arith.mulf %add3A_774, %mul3A_760 : vector<16xf32>
      %add3A_776 = arith.constant 1.000000e+00 : f32
      %add3A_777 = vector.broadcast %add3A_776 : f32 to vector<16xf32>
      %add3A_778 = arith.addf %mul3A_775, %add3A_777 : vector<16xf32>
      %convert_element_type3A_779 = arith.sitofp %select_n3A_752 : vector<16xi32> to vector<16xf32>
      %mul3A_780 = arith.constant 0.693147182 : f32
      %mul3A_781 = vector.broadcast %mul3A_780 : f32 to vector<16xf32>
      %mul3A_782 = arith.mulf %convert_element_type3A_779, %mul3A_781 : vector<16xf32>
      %mul3A_783 = arith.constant 2.000000e+00 : f32
      %mul3A_784 = vector.broadcast %mul3A_783 : f32 to vector<16xf32>
      %mul3A_785 = arith.mulf %mul3A_784, %div3A_759 : vector<16xf32>
      %mul3A_786 = arith.mulf %mul3A_785, %add3A_778 : vector<16xf32>
      %add3A_787 = arith.addf %mul3A_782, %mul3A_786 : vector<16xf32>
      %mul3A_788 = arith.mulf %mul3A_724, %add3A_787 : vector<16xf32>
      %add3A_789 = arith.addf %add3A_642, %mul3A_788 : vector<16xf32>
      %get3A_790 = arith.constant 0 : i32
      %get3A_791 = arith.index_cast %get3A_790 : i32 to index
      %get3A_792 = arith.constant 80 : index
      %get3A_793 = tpu.vector_load %arg7[%get3A_791, %get3A_792] {strides = array<i32>} : memref<16x512xf32, #tpu.memory_space<vmem>>, vector<16xf32>,
      %get3A_794 = arith.constant 1 : i32
      %get3A_795 = arith.index_cast %get3A_794 : i32 to index
      %get3A_796 = arith.constant 80 : index
      %get3A_797 = tpu.vector_load %arg7[%get3A_795, %get3A_796] {strides = array<i32>} : memref<16x512xf32, #tpu.memory_space<vmem>>, vector<16xf32>,
      %add3A_798 = arith.addf %get3A_793, %get3A_797 : vector<16xf32>
      %get3A_799 = arith.constant 2 : i32
      %get3A_800 = arith.index_cast %get3A_799 : i32 to index
      %get3A_801 = arith.constant 80 : index
      %get3A_802 = tpu.vector_load %arg7[%get3A_800, %get3A_801] {strides = array<i32>} : memref<16x512xf32, #tpu.memory_space<vmem>>, vector<16xf32>,
      %add3A_803 = arith.addf %add3A_798, %get3A_802 : vector<16xf32>
      %get3A_804 = arith.constant 3 : i32
      %get3A_805 = arith.index_cast %get3A_804 : i32 to index
      %get3A_806 = arith.constant 80 : index
      %get3A_807 = tpu.vector_load %arg7[%get3A_805, %get3A_806] {strides = array<i32>} : memref<16x512xf32, #tpu.memory_space<vmem>>, vector<16xf32>,
      %add3A_808 = arith.addf %add3A_803, %get3A_807 : vector<16xf32>
      %get3A_809 = arith.constant 4 : i32
      %get3A_810 = arith.index_cast %get3A_809 : i32 to index
      %get3A_811 = arith.constant 80 : index
      %get3A_812 = tpu.vector_load %arg7[%get3A_810, %get3A_811] {strides = array<i32>} : memref<16x512xf32, #tpu.memory_space<vmem>>, vector<16xf32>,
      %add3A_813 = arith.addf %add3A_808, %get3A_812 : vector<16xf32>
      %get3A_814 = arith.constant 5 : i32
      %get3A_815 = arith.index_cast %get3A_814 : i32 to index
      %get3A_816 = arith.constant 80 : index
      %get3A_817 = tpu.vector_load %arg7[%get3A_815, %get3A_816] {strides = array<i32>} : memref<16x512xf32, #tpu.memory_space<vmem>>, vector<16xf32>,
      %add3A_818 = arith.addf %add3A_813, %get3A_817 : vector<16xf32>
      %get3A_819 = arith.constant 6 : i32
      %get3A_820 = arith.index_cast %get3A_819 : i32 to index
      %get3A_821 = arith.constant 80 : index
      %get3A_822 = tpu.vector_load %arg7[%get3A_820, %get3A_821] {strides = array<i32>} : memref<16x512xf32, #tpu.memory_space<vmem>>, vector<16xf32>,
      %add3A_823 = arith.addf %add3A_818, %get3A_822 : vector<16xf32>
      %get3A_824 = arith.constant 7 : i32
      %get3A_825 = arith.index_cast %get3A_824 : i32 to index
      %get3A_826 = arith.constant 80 : index
      %get3A_827 = tpu.vector_load %arg7[%get3A_825, %get3A_826] {strides = array<i32>} : memref<16x512xf32, #tpu.memory_space<vmem>>, vector<16xf32>,
      %add3A_828 = arith.addf %add3A_823, %get3A_827 : vector<16xf32>
      %get3A_829 = arith.constant 8 : i32
      %get3A_830 = arith.index_cast %get3A_829 : i32 to index
      %get3A_831 = arith.constant 80 : index
      %get3A_832 = tpu.vector_load %arg7[%get3A_830, %get3A_831] {strides = array<i32>} : memref<16x512xf32, #tpu.memory_space<vmem>>, vector<16xf32>,
      %add3A_833 = arith.addf %add3A_828, %get3A_832 : vector<16xf32>
      %get3A_834 = arith.constant 9 : i32
      %get3A_835 = arith.index_cast %get3A_834 : i32 to index
      %get3A_836 = arith.constant 80 : index
      %get3A_837 = tpu.vector_load %arg7[%get3A_835, %get3A_836] {strides = array<i32>} : memref<16x512xf32, #tpu.memory_space<vmem>>, vector<16xf32>,
      %add3A_838 = arith.addf %add3A_833, %get3A_837 : vector<16xf32>
      %get3A_839 = arith.constant 10 : i32
      %get3A_840 = arith.index_cast %get3A_839 : i32 to index
      %get3A_841 = arith.constant 80 : index
      %get3A_842 = tpu.vector_load %arg7[%get3A_840, %get3A_841] {strides = array<i32>} : memref<16x512xf32, #tpu.memory_space<vmem>>, vector<16xf32>,
      %add3A_843 = arith.addf %add3A_838, %get3A_842 : vector<16xf32>
      %get3A_844 = arith.constant 11 : i32
      %get3A_845 = arith.index_cast %get3A_844 : i32 to index
      %get3A_846 = arith.constant 80 : index
      %get3A_847 = tpu.vector_load %arg7[%get3A_845, %get3A_846] {strides = array<i32>} : memref<16x512xf32, #tpu.memory_space<vmem>>, vector<16xf32>,
      %add3A_848 = arith.addf %add3A_843, %get3A_847 : vector<16xf32>
      %get3A_849 = arith.constant 12 : i32
      %get3A_850 = arith.index_cast %get3A_849 : i32 to index
      %get3A_851 = arith.constant 80 : index
      %get3A_852 = tpu.vector_load %arg7[%get3A_850, %get3A_851] {strides = array<i32>} : memref<16x512xf32, #tpu.memory_space<vmem>>, vector<16xf32>,
      %add3A_853 = arith.addf %add3A_848, %get3A_852 : vector<16xf32>
      %get3A_854 = arith.constant 13 : i32
      %get3A_855 = arith.index_cast %get3A_854 : i32 to index
      %get3A_856 = arith.constant 80 : index
      %get3A_857 = tpu.vector_load %arg7[%get3A_855, %get3A_856] {strides = array<i32>} : memref<16x512xf32, #tpu.memory_space<vmem>>, vector<16xf32>,
      %add3A_858 = arith.addf %add3A_853, %get3A_857 : vector<16xf32>
      %get3A_859 = arith.constant 14 : i32
      %get3A_860 = arith.index_cast %get3A_859 : i32 to index
      %get3A_861 = arith.constant 80 : index
      %get3A_862 = tpu.vector_load %arg7[%get3A_860, %get3A_861] {strides = array<i32>} : memref<16x512xf32, #tpu.memory_space<vmem>>, vector<16xf32>,
      %add3A_863 = arith.addf %add3A_858, %get3A_862 : vector<16xf32>
      %get3A_864 = arith.constant 15 : i32
      %get3A_865 = arith.index_cast %get3A_864 : i32 to index
      %get3A_866 = arith.constant 80 : index
      %get3A_867 = tpu.vector_load %arg7[%get3A_865, %get3A_866] {strides = array<i32>} : memref<16x512xf32, #tpu.memory_space<vmem>>, vector<16xf32>,
      %add3A_868 = arith.addf %add3A_863, %get3A_867 : vector<16xf32>
      %mul3A_869 = arith.constant 4.34027781E-4 : f32
      %mul3A_870 = vector.broadcast %mul3A_869 : f32 to vector<16xf32>
      %mul3A_871 = arith.mulf %add3A_868, %mul3A_870 : vector<16xf32>
      %add3A_872 = arith.constant 1.000000e-10 : f32
      %add3A_873 = vector.broadcast %add3A_872 : f32 to vector<16xf32>
      %add3A_874 = arith.addf %mul3A_871, %add3A_873 : vector<16xf32>
      %bitcast3A_875 = vector.bitcast %add3A_874 : vector<16xf32> to vector<16xi32>
      %shift_right_arithmetic3A_876 = arith.constant 23 : i32
      %shift_right_arithmetic3A_877 = vector.broadcast %shift_right_arithmetic3A_876 : i32 to vector<16xi32>
      %shift_right_arithmetic3A_878 = arith.shrsi %bitcast3A_875, %shift_right_arithmetic3A_877 : vector<16xi32>
      %sub3A_879 = arith.constant 127 : i32
      %sub3A_880 = vector.broadcast %sub3A_879 : i32 to vector<16xi32>
      %sub3A_881 = arith.subi %shift_right_arithmetic3A_878, %sub3A_880 : vector<16xi32>
      %and3A_882 = arith.constant 8388607 : i32
      %and3A_883 = vector.broadcast %and3A_882 : i32 to vector<16xi32>
      %and3A_884 = arith.andi %bitcast3A_875, %and3A_883 : vector<16xi32>
      %or3A_885 = arith.constant 1065353216 : i32
      %or3A_886 = vector.broadcast %or3A_885 : i32 to vector<16xi32>
      %or3A_887 = arith.ori %and3A_884, %or3A_886 : vector<16xi32>
      %bitcast3A_888 = vector.bitcast %or3A_887 : vector<16xi32> to vector<16xf32>
      %gt3A_889 = arith.constant 1.41421354 : f32
      %gt3A_890 = vector.broadcast %gt3A_889 : f32 to vector<16xf32>
      %gt3A_891 = arith.cmpf ogt, %bitcast3A_888, %gt3A_890 : vector<16xf32>
      %mul3A_892 = arith.constant 5.000000e-01 : f32
      %mul3A_893 = vector.broadcast %mul3A_892 : f32 to vector<16xf32>
      %mul3A_894 = arith.mulf %bitcast3A_888, %mul3A_893 : vector<16xf32>
      %select_n3A_895 = arith.select %gt3A_891, %mul3A_894, %bitcast3A_888 : vector<16xi1>, vector<16xf32>
      %add3A_896 = arith.constant 1 : i32
      %add3A_897 = vector.broadcast %add3A_896 : i32 to vector<16xi32>
      %add3A_898 = arith.addi %sub3A_881, %add3A_897 : vector<16xi32>
      %select_n3A_899 = arith.select %gt3A_891, %add3A_898, %sub3A_881 : vector<16xi1>, vector<16xi32>
      %sub3A_900 = arith.constant 1.000000e+00 : f32
      %sub3A_901 = vector.broadcast %sub3A_900 : f32 to vector<16xf32>
      %sub3A_902 = arith.subf %select_n3A_895, %sub3A_901 : vector<16xf32>
      %add3A_903 = arith.constant 1.000000e+00 : f32
      %add3A_904 = vector.broadcast %add3A_903 : f32 to vector<16xf32>
      %add3A_905 = arith.addf %select_n3A_895, %add3A_904 : vector<16xf32>
      %div3A_906 = arith.divf %sub3A_902, %add3A_905 : vector<16xf32>
      %mul3A_907 = arith.mulf %div3A_906, %div3A_906 : vector<16xf32>
      %mul3A_908 = arith.constant 0.111111112 : f32
      %mul3A_909 = vector.broadcast %mul3A_908 : f32 to vector<16xf32>
      %mul3A_910 = arith.mulf %mul3A_909, %mul3A_907 : vector<16xf32>
      %add3A_911 = arith.constant 0.142857149 : f32
      %add3A_912 = vector.broadcast %add3A_911 : f32 to vector<16xf32>
      %add3A_913 = arith.addf %mul3A_910, %add3A_912 : vector<16xf32>
      %mul3A_914 = arith.mulf %add3A_913, %mul3A_907 : vector<16xf32>
      %add3A_915 = arith.constant 2.000000e-01 : f32
      %add3A_916 = vector.broadcast %add3A_915 : f32 to vector<16xf32>
      %add3A_917 = arith.addf %mul3A_914, %add3A_916 : vector<16xf32>
      %mul3A_918 = arith.mulf %add3A_917, %mul3A_907 : vector<16xf32>
      %add3A_919 = arith.constant 0.333333343 : f32
      %add3A_920 = vector.broadcast %add3A_919 : f32 to vector<16xf32>
      %add3A_921 = arith.addf %mul3A_918, %add3A_920 : vector<16xf32>
      %mul3A_922 = arith.mulf %add3A_921, %mul3A_907 : vector<16xf32>
      %add3A_923 = arith.constant 1.000000e+00 : f32
      %add3A_924 = vector.broadcast %add3A_923 : f32 to vector<16xf32>
      %add3A_925 = arith.addf %mul3A_922, %add3A_924 : vector<16xf32>
      %convert_element_type3A_926 = arith.sitofp %select_n3A_899 : vector<16xi32> to vector<16xf32>
      %mul3A_927 = arith.constant 0.693147182 : f32
      %mul3A_928 = vector.broadcast %mul3A_927 : f32 to vector<16xf32>
      %mul3A_929 = arith.mulf %convert_element_type3A_926, %mul3A_928 : vector<16xf32>
      %mul3A_930 = arith.constant 2.000000e+00 : f32
      %mul3A_931 = vector.broadcast %mul3A_930 : f32 to vector<16xf32>
      %mul3A_932 = arith.mulf %mul3A_931, %div3A_906 : vector<16xf32>
      %mul3A_933 = arith.mulf %mul3A_932, %add3A_925 : vector<16xf32>
      %add3A_934 = arith.addf %mul3A_929, %mul3A_933 : vector<16xf32>
      %mul3A_935 = arith.mulf %mul3A_871, %add3A_934 : vector<16xf32>
      %add3A_936 = arith.addf %add3A_789, %mul3A_935 : vector<16xf32>
      %get3A_937 = arith.constant 0 : i32
      %get3A_938 = arith.index_cast %get3A_937 : i32 to index
      %get3A_939 = arith.constant 96 : index
      %get3A_940 = tpu.vector_load %arg7[%get3A_938, %get3A_939] {strides = array<i32>} : memref<16x512xf32, #tpu.memory_space<vmem>>, vector<16xf32>,
      %get3A_941 = arith.constant 1 : i32
      %get3A_942 = arith.index_cast %get3A_941 : i32 to index
      %get3A_943 = arith.constant 96 : index
      %get3A_944 = tpu.vector_load %arg7[%get3A_942, %get3A_943] {strides = array<i32>} : memref<16x512xf32, #tpu.memory_space<vmem>>, vector<16xf32>,
      %add3A_945 = arith.addf %get3A_940, %get3A_944 : vector<16xf32>
      %get3A_946 = arith.constant 2 : i32
      %get3A_947 = arith.index_cast %get3A_946 : i32 to index
      %get3A_948 = arith.constant 96 : index
      %get3A_949 = tpu.vector_load %arg7[%get3A_947, %get3A_948] {strides = array<i32>} : memref<16x512xf32, #tpu.memory_space<vmem>>, vector<16xf32>,
      %add3A_950 = arith.addf %add3A_945, %get3A_949 : vector<16xf32>
      %get3A_951 = arith.constant 3 : i32
      %get3A_952 = arith.index_cast %get3A_951 : i32 to index
      %get3A_953 = arith.constant 96 : index
      %get3A_954 = tpu.vector_load %arg7[%get3A_952, %get3A_953] {strides = array<i32>} : memref<16x512xf32, #tpu.memory_space<vmem>>, vector<16xf32>,
      %add3A_955 = arith.addf %add3A_950, %get3A_954 : vector<16xf32>
      %get3A_956 = arith.constant 4 : i32
      %get3A_957 = arith.index_cast %get3A_956 : i32 to index
      %get3A_958 = arith.constant 96 : index
      %get3A_959 = tpu.vector_load %arg7[%get3A_957, %get3A_958] {strides = array<i32>} : memref<16x512xf32, #tpu.memory_space<vmem>>, vector<16xf32>,
      %add3A_960 = arith.addf %add3A_955, %get3A_959 : vector<16xf32>
      %get3A_961 = arith.constant 5 : i32
      %get3A_962 = arith.index_cast %get3A_961 : i32 to index
      %get3A_963 = arith.constant 96 : index
      %get3A_964 = tpu.vector_load %arg7[%get3A_962, %get3A_963] {strides = array<i32>} : memref<16x512xf32, #tpu.memory_space<vmem>>, vector<16xf32>,
      %add3A_965 = arith.addf %add3A_960, %get3A_964 : vector<16xf32>
      %get3A_966 = arith.constant 6 : i32
      %get3A_967 = arith.index_cast %get3A_966 : i32 to index
      %get3A_968 = arith.constant 96 : index
      %get3A_969 = tpu.vector_load %arg7[%get3A_967, %get3A_968] {strides = array<i32>} : memref<16x512xf32, #tpu.memory_space<vmem>>, vector<16xf32>,
      %add3A_970 = arith.addf %add3A_965, %get3A_969 : vector<16xf32>
      %get3A_971 = arith.constant 7 : i32
      %get3A_972 = arith.index_cast %get3A_971 : i32 to index
      %get3A_973 = arith.constant 96 : index
      %get3A_974 = tpu.vector_load %arg7[%get3A_972, %get3A_973] {strides = array<i32>} : memref<16x512xf32, #tpu.memory_space<vmem>>, vector<16xf32>,
      %add3A_975 = arith.addf %add3A_970, %get3A_974 : vector<16xf32>
      %get3A_976 = arith.constant 8 : i32
      %get3A_977 = arith.index_cast %get3A_976 : i32 to index
      %get3A_978 = arith.constant 96 : index
      %get3A_979 = tpu.vector_load %arg7[%get3A_977, %get3A_978] {strides = array<i32>} : memref<16x512xf32, #tpu.memory_space<vmem>>, vector<16xf32>,
      %add3A_980 = arith.addf %add3A_975, %get3A_979 : vector<16xf32>
      %get3A_981 = arith.constant 9 : i32
      %get3A_982 = arith.index_cast %get3A_981 : i32 to index
      %get3A_983 = arith.constant 96 : index
      %get3A_984 = tpu.vector_load %arg7[%get3A_982, %get3A_983] {strides = array<i32>} : memref<16x512xf32, #tpu.memory_space<vmem>>, vector<16xf32>,
      %add3A_985 = arith.addf %add3A_980, %get3A_984 : vector<16xf32>
      %get3A_986 = arith.constant 10 : i32
      %get3A_987 = arith.index_cast %get3A_986 : i32 to index
      %get3A_988 = arith.constant 96 : index
      %get3A_989 = tpu.vector_load %arg7[%get3A_987, %get3A_988] {strides = array<i32>} : memref<16x512xf32, #tpu.memory_space<vmem>>, vector<16xf32>,
      %add3A_990 = arith.addf %add3A_985, %get3A_989 : vector<16xf32>
      %get3A_991 = arith.constant 11 : i32
      %get3A_992 = arith.index_cast %get3A_991 : i32 to index
      %get3A_993 = arith.constant 96 : index
      %get3A_994 = tpu.vector_load %arg7[%get3A_992, %get3A_993] {strides = array<i32>} : memref<16x512xf32, #tpu.memory_space<vmem>>, vector<16xf32>,
      %add3A_995 = arith.addf %add3A_990, %get3A_994 : vector<16xf32>
      %get3A_996 = arith.constant 12 : i32
      %get3A_997 = arith.index_cast %get3A_996 : i32 to index
      %get3A_998 = arith.constant 96 : index
      %get3A_999 = tpu.vector_load %arg7[%get3A_997, %get3A_998] {strides = array<i32>} : memref<16x512xf32, #tpu.memory_space<vmem>>, vector<16xf32>,
      %add3A_1000 = arith.addf %add3A_995, %get3A_999 : vector<16xf32>
      %get3A_1001 = arith.constant 13 : i32
      %get3A_1002 = arith.index_cast %get3A_1001 : i32 to index
      %get3A_1003 = arith.constant 96 : index
      %get3A_1004 = tpu.vector_load %arg7[%get3A_1002, %get3A_1003] {strides = array<i32>} : memref<16x512xf32, #tpu.memory_space<vmem>>, vector<16xf32>,
      %add3A_1005 = arith.addf %add3A_1000, %get3A_1004 : vector<16xf32>
      %get3A_1006 = arith.constant 14 : i32
      %get3A_1007 = arith.index_cast %get3A_1006 : i32 to index
      %get3A_1008 = arith.constant 96 : index
      %get3A_1009 = tpu.vector_load %arg7[%get3A_1007, %get3A_1008] {strides = array<i32>} : memref<16x512xf32, #tpu.memory_space<vmem>>, vector<16xf32>,
      %add3A_1010 = arith.addf %add3A_1005, %get3A_1009 : vector<16xf32>
      %get3A_1011 = arith.constant 15 : i32
      %get3A_1012 = arith.index_cast %get3A_1011 : i32 to index
      %get3A_1013 = arith.constant 96 : index
      %get3A_1014 = tpu.vector_load %arg7[%get3A_1012, %get3A_1013] {strides = array<i32>} : memref<16x512xf32, #tpu.memory_space<vmem>>, vector<16xf32>,
      %add3A_1015 = arith.addf %add3A_1010, %get3A_1014 : vector<16xf32>
      %mul3A_1016 = arith.constant 4.34027781E-4 : f32
      %mul3A_1017 = vector.broadcast %mul3A_1016 : f32 to vector<16xf32>
      %mul3A_1018 = arith.mulf %add3A_1015, %mul3A_1017 : vector<16xf32>
      %add3A_1019 = arith.constant 1.000000e-10 : f32
      %add3A_1020 = vector.broadcast %add3A_1019 : f32 to vector<16xf32>
      %add3A_1021 = arith.addf %mul3A_1018, %add3A_1020 : vector<16xf32>
      %bitcast3A_1022 = vector.bitcast %add3A_1021 : vector<16xf32> to vector<16xi32>
      %shift_right_arithmetic3A_1023 = arith.constant 23 : i32
      %shift_right_arithmetic3A_1024 = vector.broadcast %shift_right_arithmetic3A_1023 : i32 to vector<16xi32>
      %shift_right_arithmetic3A_1025 = arith.shrsi %bitcast3A_1022, %shift_right_arithmetic3A_1024 : vector<16xi32>
      %sub3A_1026 = arith.constant 127 : i32
      %sub3A_1027 = vector.broadcast %sub3A_1026 : i32 to vector<16xi32>
      %sub3A_1028 = arith.subi %shift_right_arithmetic3A_1025, %sub3A_1027 : vector<16xi32>
      %and3A_1029 = arith.constant 8388607 : i32
      %and3A_1030 = vector.broadcast %and3A_1029 : i32 to vector<16xi32>
      %and3A_1031 = arith.andi %bitcast3A_1022, %and3A_1030 : vector<16xi32>
      %or3A_1032 = arith.constant 1065353216 : i32
      %or3A_1033 = vector.broadcast %or3A_1032 : i32 to vector<16xi32>
      %or3A_1034 = arith.ori %and3A_1031, %or3A_1033 : vector<16xi32>
      %bitcast3A_1035 = vector.bitcast %or3A_1034 : vector<16xi32> to vector<16xf32>
      %gt3A_1036 = arith.constant 1.41421354 : f32
      %gt3A_1037 = vector.broadcast %gt3A_1036 : f32 to vector<16xf32>
      %gt3A_1038 = arith.cmpf ogt, %bitcast3A_1035, %gt3A_1037 : vector<16xf32>
      %mul3A_1039 = arith.constant 5.000000e-01 : f32
      %mul3A_1040 = vector.broadcast %mul3A_1039 : f32 to vector<16xf32>
      %mul3A_1041 = arith.mulf %bitcast3A_1035, %mul3A_1040 : vector<16xf32>
      %select_n3A_1042 = arith.select %gt3A_1038, %mul3A_1041, %bitcast3A_1035 : vector<16xi1>, vector<16xf32>
      %add3A_1043 = arith.constant 1 : i32
      %add3A_1044 = vector.broadcast %add3A_1043 : i32 to vector<16xi32>
      %add3A_1045 = arith.addi %sub3A_1028, %add3A_1044 : vector<16xi32>
      %select_n3A_1046 = arith.select %gt3A_1038, %add3A_1045, %sub3A_1028 : vector<16xi1>, vector<16xi32>
      %sub3A_1047 = arith.constant 1.000000e+00 : f32
      %sub3A_1048 = vector.broadcast %sub3A_1047 : f32 to vector<16xf32>
      %sub3A_1049 = arith.subf %select_n3A_1042, %sub3A_1048 : vector<16xf32>
      %add3A_1050 = arith.constant 1.000000e+00 : f32
      %add3A_1051 = vector.broadcast %add3A_1050 : f32 to vector<16xf32>
      %add3A_1052 = arith.addf %select_n3A_1042, %add3A_1051 : vector<16xf32>
      %div3A_1053 = arith.divf %sub3A_1049, %add3A_1052 : vector<16xf32>
      %mul3A_1054 = arith.mulf %div3A_1053, %div3A_1053 : vector<16xf32>
      %mul3A_1055 = arith.constant 0.111111112 : f32
      %mul3A_1056 = vector.broadcast %mul3A_1055 : f32 to vector<16xf32>
      %mul3A_1057 = arith.mulf %mul3A_1056, %mul3A_1054 : vector<16xf32>
      %add3A_1058 = arith.constant 0.142857149 : f32
      %add3A_1059 = vector.broadcast %add3A_1058 : f32 to vector<16xf32>
      %add3A_1060 = arith.addf %mul3A_1057, %add3A_1059 : vector<16xf32>
      %mul3A_1061 = arith.mulf %add3A_1060, %mul3A_1054 : vector<16xf32>
      %add3A_1062 = arith.constant 2.000000e-01 : f32
      %add3A_1063 = vector.broadcast %add3A_1062 : f32 to vector<16xf32>
      %add3A_1064 = arith.addf %mul3A_1061, %add3A_1063 : vector<16xf32>
      %mul3A_1065 = arith.mulf %add3A_1064, %mul3A_1054 : vector<16xf32>
      %add3A_1066 = arith.constant 0.333333343 : f32
      %add3A_1067 = vector.broadcast %add3A_1066 : f32 to vector<16xf32>
      %add3A_1068 = arith.addf %mul3A_1065, %add3A_1067 : vector<16xf32>
      %mul3A_1069 = arith.mulf %add3A_1068, %mul3A_1054 : vector<16xf32>
      %add3A_1070 = arith.constant 1.000000e+00 : f32
      %add3A_1071 = vector.broadcast %add3A_1070 : f32 to vector<16xf32>
      %add3A_1072 = arith.addf %mul3A_1069, %add3A_1071 : vector<16xf32>
      %convert_element_type3A_1073 = arith.sitofp %select_n3A_1046 : vector<16xi32> to vector<16xf32>
      %mul3A_1074 = arith.constant 0.693147182 : f32
      %mul3A_1075 = vector.broadcast %mul3A_1074 : f32 to vector<16xf32>
      %mul3A_1076 = arith.mulf %convert_element_type3A_1073, %mul3A_1075 : vector<16xf32>
      %mul3A_1077 = arith.constant 2.000000e+00 : f32
      %mul3A_1078 = vector.broadcast %mul3A_1077 : f32 to vector<16xf32>
      %mul3A_1079 = arith.mulf %mul3A_1078, %div3A_1053 : vector<16xf32>
      %mul3A_1080 = arith.mulf %mul3A_1079, %add3A_1072 : vector<16xf32>
      %add3A_1081 = arith.addf %mul3A_1076, %mul3A_1080 : vector<16xf32>
      %mul3A_1082 = arith.mulf %mul3A_1018, %add3A_1081 : vector<16xf32>
      %add3A_1083 = arith.addf %add3A_936, %mul3A_1082 : vector<16xf32>
      %get3A_1084 = arith.constant 0 : i32
      %get3A_1085 = arith.index_cast %get3A_1084 : i32 to index
      %get3A_1086 = arith.constant 112 : index
      %get3A_1087 = tpu.vector_load %arg7[%get3A_1085, %get3A_1086] {strides = array<i32>} : memref<16x512xf32, #tpu.memory_space<vmem>>, vector<16xf32>,
      %get3A_1088 = arith.constant 1 : i32
      %get3A_1089 = arith.index_cast %get3A_1088 : i32 to index
      %get3A_1090 = arith.constant 112 : index
      %get3A_1091 = tpu.vector_load %arg7[%get3A_1089, %get3A_1090] {strides = array<i32>} : memref<16x512xf32, #tpu.memory_space<vmem>>, vector<16xf32>,
      %add3A_1092 = arith.addf %get3A_1087, %get3A_1091 : vector<16xf32>
      %get3A_1093 = arith.constant 2 : i32
      %get3A_1094 = arith.index_cast %get3A_1093 : i32 to index
      %get3A_1095 = arith.constant 112 : index
      %get3A_1096 = tpu.vector_load %arg7[%get3A_1094, %get3A_1095] {strides = array<i32>} : memref<16x512xf32, #tpu.memory_space<vmem>>, vector<16xf32>,
      %add3A_1097 = arith.addf %add3A_1092, %get3A_1096 : vector<16xf32>
      %get3A_1098 = arith.constant 3 : i32
      %get3A_1099 = arith.index_cast %get3A_1098 : i32 to index
      %get3A_1100 = arith.constant 112 : index
      %get3A_1101 = tpu.vector_load %arg7[%get3A_1099, %get3A_1100] {strides = array<i32>} : memref<16x512xf32, #tpu.memory_space<vmem>>, vector<16xf32>,
      %add3A_1102 = arith.addf %add3A_1097, %get3A_1101 : vector<16xf32>
      %get3A_1103 = arith.constant 4 : i32
      %get3A_1104 = arith.index_cast %get3A_1103 : i32 to index
      %get3A_1105 = arith.constant 112 : index
      %get3A_1106 = tpu.vector_load %arg7[%get3A_1104, %get3A_1105] {strides = array<i32>} : memref<16x512xf32, #tpu.memory_space<vmem>>, vector<16xf32>,
      %add3A_1107 = arith.addf %add3A_1102, %get3A_1106 : vector<16xf32>
      %get3A_1108 = arith.constant 5 : i32
      %get3A_1109 = arith.index_cast %get3A_1108 : i32 to index
      %get3A_1110 = arith.constant 112 : index
      %get3A_1111 = tpu.vector_load %arg7[%get3A_1109, %get3A_1110] {strides = array<i32>} : memref<16x512xf32, #tpu.memory_space<vmem>>, vector<16xf32>,
      %add3A_1112 = arith.addf %add3A_1107, %get3A_1111 : vector<16xf32>
      %get3A_1113 = arith.constant 6 : i32
      %get3A_1114 = arith.index_cast %get3A_1113 : i32 to index
      %get3A_1115 = arith.constant 112 : index
      %get3A_1116 = tpu.vector_load %arg7[%get3A_1114, %get3A_1115] {strides = array<i32>} : memref<16x512xf32, #tpu.memory_space<vmem>>, vector<16xf32>,
      %add3A_1117 = arith.addf %add3A_1112, %get3A_1116 : vector<16xf32>
      %get3A_1118 = arith.constant 7 : i32
      %get3A_1119 = arith.index_cast %get3A_1118 : i32 to index
      %get3A_1120 = arith.constant 112 : index
      %get3A_1121 = tpu.vector_load %arg7[%get3A_1119, %get3A_1120] {strides = array<i32>} : memref<16x512xf32, #tpu.memory_space<vmem>>, vector<16xf32>,
      %add3A_1122 = arith.addf %add3A_1117, %get3A_1121 : vector<16xf32>
      %get3A_1123 = arith.constant 8 : i32
      %get3A_1124 = arith.index_cast %get3A_1123 : i32 to index
      %get3A_1125 = arith.constant 112 : index
      %get3A_1126 = tpu.vector_load %arg7[%get3A_1124, %get3A_1125] {strides = array<i32>} : memref<16x512xf32, #tpu.memory_space<vmem>>, vector<16xf32>,
      %add3A_1127 = arith.addf %add3A_1122, %get3A_1126 : vector<16xf32>
      %get3A_1128 = arith.constant 9 : i32
      %get3A_1129 = arith.index_cast %get3A_1128 : i32 to index
      %get3A_1130 = arith.constant 112 : index
      %get3A_1131 = tpu.vector_load %arg7[%get3A_1129, %get3A_1130] {strides = array<i32>} : memref<16x512xf32, #tpu.memory_space<vmem>>, vector<16xf32>,
      %add3A_1132 = arith.addf %add3A_1127, %get3A_1131 : vector<16xf32>
      %get3A_1133 = arith.constant 10 : i32
      %get3A_1134 = arith.index_cast %get3A_1133 : i32 to index
      %get3A_1135 = arith.constant 112 : index
      %get3A_1136 = tpu.vector_load %arg7[%get3A_1134, %get3A_1135] {strides = array<i32>} : memref<16x512xf32, #tpu.memory_space<vmem>>, vector<16xf32>,
      %add3A_1137 = arith.addf %add3A_1132, %get3A_1136 : vector<16xf32>
      %get3A_1138 = arith.constant 11 : i32
      %get3A_1139 = arith.index_cast %get3A_1138 : i32 to index
      %get3A_1140 = arith.constant 112 : index
      %get3A_1141 = tpu.vector_load %arg7[%get3A_1139, %get3A_1140] {strides = array<i32>} : memref<16x512xf32, #tpu.memory_space<vmem>>, vector<16xf32>,
      %add3A_1142 = arith.addf %add3A_1137, %get3A_1141 : vector<16xf32>
      %get3A_1143 = arith.constant 12 : i32
      %get3A_1144 = arith.index_cast %get3A_1143 : i32 to index
      %get3A_1145 = arith.constant 112 : index
      %get3A_1146 = tpu.vector_load %arg7[%get3A_1144, %get3A_1145] {strides = array<i32>} : memref<16x512xf32, #tpu.memory_space<vmem>>, vector<16xf32>,
      %add3A_1147 = arith.addf %add3A_1142, %get3A_1146 : vector<16xf32>
      %get3A_1148 = arith.constant 13 : i32
      %get3A_1149 = arith.index_cast %get3A_1148 : i32 to index
      %get3A_1150 = arith.constant 112 : index
      %get3A_1151 = tpu.vector_load %arg7[%get3A_1149, %get3A_1150] {strides = array<i32>} : memref<16x512xf32, #tpu.memory_space<vmem>>, vector<16xf32>,
      %add3A_1152 = arith.addf %add3A_1147, %get3A_1151 : vector<16xf32>
      %get3A_1153 = arith.constant 14 : i32
      %get3A_1154 = arith.index_cast %get3A_1153 : i32 to index
      %get3A_1155 = arith.constant 112 : index
      %get3A_1156 = tpu.vector_load %arg7[%get3A_1154, %get3A_1155] {strides = array<i32>} : memref<16x512xf32, #tpu.memory_space<vmem>>, vector<16xf32>,
      %add3A_1157 = arith.addf %add3A_1152, %get3A_1156 : vector<16xf32>
      %get3A_1158 = arith.constant 15 : i32
      %get3A_1159 = arith.index_cast %get3A_1158 : i32 to index
      %get3A_1160 = arith.constant 112 : index
      %get3A_1161 = tpu.vector_load %arg7[%get3A_1159, %get3A_1160] {strides = array<i32>} : memref<16x512xf32, #tpu.memory_space<vmem>>, vector<16xf32>,
      %add3A_1162 = arith.addf %add3A_1157, %get3A_1161 : vector<16xf32>
      %mul3A_1163 = arith.constant 4.34027781E-4 : f32
      %mul3A_1164 = vector.broadcast %mul3A_1163 : f32 to vector<16xf32>
      %mul3A_1165 = arith.mulf %add3A_1162, %mul3A_1164 : vector<16xf32>
      %add3A_1166 = arith.constant 1.000000e-10 : f32
      %add3A_1167 = vector.broadcast %add3A_1166 : f32 to vector<16xf32>
      %add3A_1168 = arith.addf %mul3A_1165, %add3A_1167 : vector<16xf32>
      %bitcast3A_1169 = vector.bitcast %add3A_1168 : vector<16xf32> to vector<16xi32>
      %shift_right_arithmetic3A_1170 = arith.constant 23 : i32
      %shift_right_arithmetic3A_1171 = vector.broadcast %shift_right_arithmetic3A_1170 : i32 to vector<16xi32>
      %shift_right_arithmetic3A_1172 = arith.shrsi %bitcast3A_1169, %shift_right_arithmetic3A_1171 : vector<16xi32>
      %sub3A_1173 = arith.constant 127 : i32
      %sub3A_1174 = vector.broadcast %sub3A_1173 : i32 to vector<16xi32>
      %sub3A_1175 = arith.subi %shift_right_arithmetic3A_1172, %sub3A_1174 : vector<16xi32>
      %and3A_1176 = arith.constant 8388607 : i32
      %and3A_1177 = vector.broadcast %and3A_1176 : i32 to vector<16xi32>
      %and3A_1178 = arith.andi %bitcast3A_1169, %and3A_1177 : vector<16xi32>
      %or3A_1179 = arith.constant 1065353216 : i32
      %or3A_1180 = vector.broadcast %or3A_1179 : i32 to vector<16xi32>
      %or3A_1181 = arith.ori %and3A_1178, %or3A_1180 : vector<16xi32>
      %bitcast3A_1182 = vector.bitcast %or3A_1181 : vector<16xi32> to vector<16xf32>
      %gt3A_1183 = arith.constant 1.41421354 : f32
      %gt3A_1184 = vector.broadcast %gt3A_1183 : f32 to vector<16xf32>
      %gt3A_1185 = arith.cmpf ogt, %bitcast3A_1182, %gt3A_1184 : vector<16xf32>
      %mul3A_1186 = arith.constant 5.000000e-01 : f32
      %mul3A_1187 = vector.broadcast %mul3A_1186 : f32 to vector<16xf32>
      %mul3A_1188 = arith.mulf %bitcast3A_1182, %mul3A_1187 : vector<16xf32>
      %select_n3A_1189 = arith.select %gt3A_1185, %mul3A_1188, %bitcast3A_1182 : vector<16xi1>, vector<16xf32>
      %add3A_1190 = arith.constant 1 : i32
      %add3A_1191 = vector.broadcast %add3A_1190 : i32 to vector<16xi32>
      %add3A_1192 = arith.addi %sub3A_1175, %add3A_1191 : vector<16xi32>
      %select_n3A_1193 = arith.select %gt3A_1185, %add3A_1192, %sub3A_1175 : vector<16xi1>, vector<16xi32>
      %sub3A_1194 = arith.constant 1.000000e+00 : f32
      %sub3A_1195 = vector.broadcast %sub3A_1194 : f32 to vector<16xf32>
      %sub3A_1196 = arith.subf %select_n3A_1189, %sub3A_1195 : vector<16xf32>
      %add3A_1197 = arith.constant 1.000000e+00 : f32
      %add3A_1198 = vector.broadcast %add3A_1197 : f32 to vector<16xf32>
      %add3A_1199 = arith.addf %select_n3A_1189, %add3A_1198 : vector<16xf32>
      %div3A_1200 = arith.divf %sub3A_1196, %add3A_1199 : vector<16xf32>
      %mul3A_1201 = arith.mulf %div3A_1200, %div3A_1200 : vector<16xf32>
      %mul3A_1202 = arith.constant 0.111111112 : f32
      %mul3A_1203 = vector.broadcast %mul3A_1202 : f32 to vector<16xf32>
      %mul3A_1204 = arith.mulf %mul3A_1203, %mul3A_1201 : vector<16xf32>
      %add3A_1205 = arith.constant 0.142857149 : f32
      %add3A_1206 = vector.broadcast %add3A_1205 : f32 to vector<16xf32>
      %add3A_1207 = arith.addf %mul3A_1204, %add3A_1206 : vector<16xf32>
      %mul3A_1208 = arith.mulf %add3A_1207, %mul3A_1201 : vector<16xf32>
      %add3A_1209 = arith.constant 2.000000e-01 : f32
      %add3A_1210 = vector.broadcast %add3A_1209 : f32 to vector<16xf32>
      %add3A_1211 = arith.addf %mul3A_1208, %add3A_1210 : vector<16xf32>
      %mul3A_1212 = arith.mulf %add3A_1211, %mul3A_1201 : vector<16xf32>
      %add3A_1213 = arith.constant 0.333333343 : f32
      %add3A_1214 = vector.broadcast %add3A_1213 : f32 to vector<16xf32>
      %add3A_1215 = arith.addf %mul3A_1212, %add3A_1214 : vector<16xf32>
      %mul3A_1216 = arith.mulf %add3A_1215, %mul3A_1201 : vector<16xf32>
      %add3A_1217 = arith.constant 1.000000e+00 : f32
      %add3A_1218 = vector.broadcast %add3A_1217 : f32 to vector<16xf32>
      %add3A_1219 = arith.addf %mul3A_1216, %add3A_1218 : vector<16xf32>
      %convert_element_type3A_1220 = arith.sitofp %select_n3A_1193 : vector<16xi32> to vector<16xf32>
      %mul3A_1221 = arith.constant 0.693147182 : f32
      %mul3A_1222 = vector.broadcast %mul3A_1221 : f32 to vector<16xf32>
      %mul3A_1223 = arith.mulf %convert_element_type3A_1220, %mul3A_1222 : vector<16xf32>
      %mul3A_1224 = arith.constant 2.000000e+00 : f32
      %mul3A_1225 = vector.broadcast %mul3A_1224 : f32 to vector<16xf32>
      %mul3A_1226 = arith.mulf %mul3A_1225, %div3A_1200 : vector<16xf32>
      %mul3A_1227 = arith.mulf %mul3A_1226, %add3A_1219 : vector<16xf32>
      %add3A_1228 = arith.addf %mul3A_1223, %mul3A_1227 : vector<16xf32>
      %mul3A_1229 = arith.mulf %mul3A_1165, %add3A_1228 : vector<16xf32>
      %add3A_1230 = arith.addf %add3A_1083, %mul3A_1229 : vector<16xf32>
      %get3A_1231 = arith.constant 0 : i32
      %get3A_1232 = arith.index_cast %get3A_1231 : i32 to index
      %get3A_1233 = arith.constant 128 : index
      %get3A_1234 = tpu.vector_load %arg7[%get3A_1232, %get3A_1233] {strides = array<i32>} : memref<16x512xf32, #tpu.memory_space<vmem>>, vector<16xf32>,
      %get3A_1235 = arith.constant 1 : i32
      %get3A_1236 = arith.index_cast %get3A_1235 : i32 to index
      %get3A_1237 = arith.constant 128 : index
      %get3A_1238 = tpu.vector_load %arg7[%get3A_1236, %get3A_1237] {strides = array<i32>} : memref<16x512xf32, #tpu.memory_space<vmem>>, vector<16xf32>,
      %add3A_1239 = arith.addf %get3A_1234, %get3A_1238 : vector<16xf32>
      %get3A_1240 = arith.constant 2 : i32
      %get3A_1241 = arith.index_cast %get3A_1240 : i32 to index
      %get3A_1242 = arith.constant 128 : index
      %get3A_1243 = tpu.vector_load %arg7[%get3A_1241, %get3A_1242] {strides = array<i32>} : memref<16x512xf32, #tpu.memory_space<vmem>>, vector<16xf32>,
      %add3A_1244 = arith.addf %add3A_1239, %get3A_1243 : vector<16xf32>
      %get3A_1245 = arith.constant 3 : i32
      %get3A_1246 = arith.index_cast %get3A_1245 : i32 to index
      %get3A_1247 = arith.constant 128 : index
      %get3A_1248 = tpu.vector_load %arg7[%get3A_1246, %get3A_1247] {strides = array<i32>} : memref<16x512xf32, #tpu.memory_space<vmem>>, vector<16xf32>,
      %add3A_1249 = arith.addf %add3A_1244, %get3A_1248 : vector<16xf32>
      %get3A_1250 = arith.constant 4 : i32
      %get3A_1251 = arith.index_cast %get3A_1250 : i32 to index
      %get3A_1252 = arith.constant 128 : index
      %get3A_1253 = tpu.vector_load %arg7[%get3A_1251, %get3A_1252] {strides = array<i32>} : memref<16x512xf32, #tpu.memory_space<vmem>>, vector<16xf32>,
      %add3A_1254 = arith.addf %add3A_1249, %get3A_1253 : vector<16xf32>
      %get3A_1255 = arith.constant 5 : i32
      %get3A_1256 = arith.index_cast %get3A_1255 : i32 to index
      %get3A_1257 = arith.constant 128 : index
      %get3A_1258 = tpu.vector_load %arg7[%get3A_1256, %get3A_1257] {strides = array<i32>} : memref<16x512xf32, #tpu.memory_space<vmem>>, vector<16xf32>,
      %add3A_1259 = arith.addf %add3A_1254, %get3A_1258 : vector<16xf32>
      %get3A_1260 = arith.constant 6 : i32
      %get3A_1261 = arith.index_cast %get3A_1260 : i32 to index
      %get3A_1262 = arith.constant 128 : index
      %get3A_1263 = tpu.vector_load %arg7[%get3A_1261, %get3A_1262] {strides = array<i32>} : memref<16x512xf32, #tpu.memory_space<vmem>>, vector<16xf32>,
      %add3A_1264 = arith.addf %add3A_1259, %get3A_1263 : vector<16xf32>
      %get3A_1265 = arith.constant 7 : i32
      %get3A_1266 = arith.index_cast %get3A_1265 : i32 to index
      %get3A_1267 = arith.constant 128 : index
      %get3A_1268 = tpu.vector_load %arg7[%get3A_1266, %get3A_1267] {strides = array<i32>} : memref<16x512xf32, #tpu.memory_space<vmem>>, vector<16xf32>,
      %add3A_1269 = arith.addf %add3A_1264, %get3A_1268 : vector<16xf32>
      %get3A_1270 = arith.constant 8 : i32
      %get3A_1271 = arith.index_cast %get3A_1270 : i32 to index
      %get3A_1272 = arith.constant 128 : index
      %get3A_1273 = tpu.vector_load %arg7[%get3A_1271, %get3A_1272] {strides = array<i32>} : memref<16x512xf32, #tpu.memory_space<vmem>>, vector<16xf32>,
      %add3A_1274 = arith.addf %add3A_1269, %get3A_1273 : vector<16xf32>
      %get3A_1275 = arith.constant 9 : i32
      %get3A_1276 = arith.index_cast %get3A_1275 : i32 to index
      %get3A_1277 = arith.constant 128 : index
      %get3A_1278 = tpu.vector_load %arg7[%get3A_1276, %get3A_1277] {strides = array<i32>} : memref<16x512xf32, #tpu.memory_space<vmem>>, vector<16xf32>,
      %add3A_1279 = arith.addf %add3A_1274, %get3A_1278 : vector<16xf32>
      %get3A_1280 = arith.constant 10 : i32
      %get3A_1281 = arith.index_cast %get3A_1280 : i32 to index
      %get3A_1282 = arith.constant 128 : index
      %get3A_1283 = tpu.vector_load %arg7[%get3A_1281, %get3A_1282] {strides = array<i32>} : memref<16x512xf32, #tpu.memory_space<vmem>>, vector<16xf32>,
      %add3A_1284 = arith.addf %add3A_1279, %get3A_1283 : vector<16xf32>
      %get3A_1285 = arith.constant 11 : i32
      %get3A_1286 = arith.index_cast %get3A_1285 : i32 to index
      %get3A_1287 = arith.constant 128 : index
      %get3A_1288 = tpu.vector_load %arg7[%get3A_1286, %get3A_1287] {strides = array<i32>} : memref<16x512xf32, #tpu.memory_space<vmem>>, vector<16xf32>,
      %add3A_1289 = arith.addf %add3A_1284, %get3A_1288 : vector<16xf32>
      %get3A_1290 = arith.constant 12 : i32
      %get3A_1291 = arith.index_cast %get3A_1290 : i32 to index
      %get3A_1292 = arith.constant 128 : index
      %get3A_1293 = tpu.vector_load %arg7[%get3A_1291, %get3A_1292] {strides = array<i32>} : memref<16x512xf32, #tpu.memory_space<vmem>>, vector<16xf32>,
      %add3A_1294 = arith.addf %add3A_1289, %get3A_1293 : vector<16xf32>
      %get3A_1295 = arith.constant 13 : i32
      %get3A_1296 = arith.index_cast %get3A_1295 : i32 to index
      %get3A_1297 = arith.constant 128 : index
      %get3A_1298 = tpu.vector_load %arg7[%get3A_1296, %get3A_1297] {strides = array<i32>} : memref<16x512xf32, #tpu.memory_space<vmem>>, vector<16xf32>,
      %add3A_1299 = arith.addf %add3A_1294, %get3A_1298 : vector<16xf32>
      %get3A_1300 = arith.constant 14 : i32
      %get3A_1301 = arith.index_cast %get3A_1300 : i32 to index
      %get3A_1302 = arith.constant 128 : index
      %get3A_1303 = tpu.vector_load %arg7[%get3A_1301, %get3A_1302] {strides = array<i32>} : memref<16x512xf32, #tpu.memory_space<vmem>>, vector<16xf32>,
      %add3A_1304 = arith.addf %add3A_1299, %get3A_1303 : vector<16xf32>
      %get3A_1305 = arith.constant 15 : i32
      %get3A_1306 = arith.index_cast %get3A_1305 : i32 to index
      %get3A_1307 = arith.constant 128 : index
      %get3A_1308 = tpu.vector_load %arg7[%get3A_1306, %get3A_1307] {strides = array<i32>} : memref<16x512xf32, #tpu.memory_space<vmem>>, vector<16xf32>,
      %add3A_1309 = arith.addf %add3A_1304, %get3A_1308 : vector<16xf32>
      %mul3A_1310 = arith.constant 4.34027781E-4 : f32
      %mul3A_1311 = vector.broadcast %mul3A_1310 : f32 to vector<16xf32>
      %mul3A_1312 = arith.mulf %add3A_1309, %mul3A_1311 : vector<16xf32>
      %add3A_1313 = arith.constant 1.000000e-10 : f32
      %add3A_1314 = vector.broadcast %add3A_1313 : f32 to vector<16xf32>
      %add3A_1315 = arith.addf %mul3A_1312, %add3A_1314 : vector<16xf32>
      %bitcast3A_1316 = vector.bitcast %add3A_1315 : vector<16xf32> to vector<16xi32>
      %shift_right_arithmetic3A_1317 = arith.constant 23 : i32
      %shift_right_arithmetic3A_1318 = vector.broadcast %shift_right_arithmetic3A_1317 : i32 to vector<16xi32>
      %shift_right_arithmetic3A_1319 = arith.shrsi %bitcast3A_1316, %shift_right_arithmetic3A_1318 : vector<16xi32>
      %sub3A_1320 = arith.constant 127 : i32
      %sub3A_1321 = vector.broadcast %sub3A_1320 : i32 to vector<16xi32>
      %sub3A_1322 = arith.subi %shift_right_arithmetic3A_1319, %sub3A_1321 : vector<16xi32>
      %and3A_1323 = arith.constant 8388607 : i32
      %and3A_1324 = vector.broadcast %and3A_1323 : i32 to vector<16xi32>
      %and3A_1325 = arith.andi %bitcast3A_1316, %and3A_1324 : vector<16xi32>
      %or3A_1326 = arith.constant 1065353216 : i32
      %or3A_1327 = vector.broadcast %or3A_1326 : i32 to vector<16xi32>
      %or3A_1328 = arith.ori %and3A_1325, %or3A_1327 : vector<16xi32>
      %bitcast3A_1329 = vector.bitcast %or3A_1328 : vector<16xi32> to vector<16xf32>
      %gt3A_1330 = arith.constant 1.41421354 : f32
      %gt3A_1331 = vector.broadcast %gt3A_1330 : f32 to vector<16xf32>
      %gt3A_1332 = arith.cmpf ogt, %bitcast3A_1329, %gt3A_1331 : vector<16xf32>
      %mul3A_1333 = arith.constant 5.000000e-01 : f32
      %mul3A_1334 = vector.broadcast %mul3A_1333 : f32 to vector<16xf32>
      %mul3A_1335 = arith.mulf %bitcast3A_1329, %mul3A_1334 : vector<16xf32>
      %select_n3A_1336 = arith.select %gt3A_1332, %mul3A_1335, %bitcast3A_1329 : vector<16xi1>, vector<16xf32>
      %add3A_1337 = arith.constant 1 : i32
      %add3A_1338 = vector.broadcast %add3A_1337 : i32 to vector<16xi32>
      %add3A_1339 = arith.addi %sub3A_1322, %add3A_1338 : vector<16xi32>
      %select_n3A_1340 = arith.select %gt3A_1332, %add3A_1339, %sub3A_1322 : vector<16xi1>, vector<16xi32>
      %sub3A_1341 = arith.constant 1.000000e+00 : f32
      %sub3A_1342 = vector.broadcast %sub3A_1341 : f32 to vector<16xf32>
      %sub3A_1343 = arith.subf %select_n3A_1336, %sub3A_1342 : vector<16xf32>
      %add3A_1344 = arith.constant 1.000000e+00 : f32
      %add3A_1345 = vector.broadcast %add3A_1344 : f32 to vector<16xf32>
      %add3A_1346 = arith.addf %select_n3A_1336, %add3A_1345 : vector<16xf32>
      %div3A_1347 = arith.divf %sub3A_1343, %add3A_1346 : vector<16xf32>
      %mul3A_1348 = arith.mulf %div3A_1347, %div3A_1347 : vector<16xf32>
      %mul3A_1349 = arith.constant 0.111111112 : f32
      %mul3A_1350 = vector.broadcast %mul3A_1349 : f32 to vector<16xf32>
      %mul3A_1351 = arith.mulf %mul3A_1350, %mul3A_1348 : vector<16xf32>
      %add3A_1352 = arith.constant 0.142857149 : f32
      %add3A_1353 = vector.broadcast %add3A_1352 : f32 to vector<16xf32>
      %add3A_1354 = arith.addf %mul3A_1351, %add3A_1353 : vector<16xf32>
      %mul3A_1355 = arith.mulf %add3A_1354, %mul3A_1348 : vector<16xf32>
      %add3A_1356 = arith.constant 2.000000e-01 : f32
      %add3A_1357 = vector.broadcast %add3A_1356 : f32 to vector<16xf32>
      %add3A_1358 = arith.addf %mul3A_1355, %add3A_1357 : vector<16xf32>
      %mul3A_1359 = arith.mulf %add3A_1358, %mul3A_1348 : vector<16xf32>
      %add3A_1360 = arith.constant 0.333333343 : f32
      %add3A_1361 = vector.broadcast %add3A_1360 : f32 to vector<16xf32>
      %add3A_1362 = arith.addf %mul3A_1359, %add3A_1361 : vector<16xf32>
      %mul3A_1363 = arith.mulf %add3A_1362, %mul3A_1348 : vector<16xf32>
      %add3A_1364 = arith.constant 1.000000e+00 : f32
      %add3A_1365 = vector.broadcast %add3A_1364 : f32 to vector<16xf32>
      %add3A_1366 = arith.addf %mul3A_1363, %add3A_1365 : vector<16xf32>
      %convert_element_type3A_1367 = arith.sitofp %select_n3A_1340 : vector<16xi32> to vector<16xf32>
      %mul3A_1368 = arith.constant 0.693147182 : f32
      %mul3A_1369 = vector.broadcast %mul3A_1368 : f32 to vector<16xf32>
      %mul3A_1370 = arith.mulf %convert_element_type3A_1367, %mul3A_1369 : vector<16xf32>
      %mul3A_1371 = arith.constant 2.000000e+00 : f32
      %mul3A_1372 = vector.broadcast %mul3A_1371 : f32 to vector<16xf32>
      %mul3A_1373 = arith.mulf %mul3A_1372, %div3A_1347 : vector<16xf32>
      %mul3A_1374 = arith.mulf %mul3A_1373, %add3A_1366 : vector<16xf32>
      %add3A_1375 = arith.addf %mul3A_1370, %mul3A_1374 : vector<16xf32>
      %mul3A_1376 = arith.mulf %mul3A_1312, %add3A_1375 : vector<16xf32>
      %add3A_1377 = arith.addf %add3A_1230, %mul3A_1376 : vector<16xf32>
      %get3A_1378 = arith.constant 0 : i32
      %get3A_1379 = arith.index_cast %get3A_1378 : i32 to index
      %get3A_1380 = arith.constant 144 : index
      %get3A_1381 = tpu.vector_load %arg7[%get3A_1379, %get3A_1380] {strides = array<i32>} : memref<16x512xf32, #tpu.memory_space<vmem>>, vector<16xf32>,
      %get3A_1382 = arith.constant 1 : i32
      %get3A_1383 = arith.index_cast %get3A_1382 : i32 to index
      %get3A_1384 = arith.constant 144 : index
      %get3A_1385 = tpu.vector_load %arg7[%get3A_1383, %get3A_1384] {strides = array<i32>} : memref<16x512xf32, #tpu.memory_space<vmem>>, vector<16xf32>,
      %add3A_1386 = arith.addf %get3A_1381, %get3A_1385 : vector<16xf32>
      %get3A_1387 = arith.constant 2 : i32
      %get3A_1388 = arith.index_cast %get3A_1387 : i32 to index
      %get3A_1389 = arith.constant 144 : index
      %get3A_1390 = tpu.vector_load %arg7[%get3A_1388, %get3A_1389] {strides = array<i32>} : memref<16x512xf32, #tpu.memory_space<vmem>>, vector<16xf32>,
      %add3A_1391 = arith.addf %add3A_1386, %get3A_1390 : vector<16xf32>
      %get3A_1392 = arith.constant 3 : i32
      %get3A_1393 = arith.index_cast %get3A_1392 : i32 to index
      %get3A_1394 = arith.constant 144 : index
      %get3A_1395 = tpu.vector_load %arg7[%get3A_1393, %get3A_1394] {strides = array<i32>} : memref<16x512xf32, #tpu.memory_space<vmem>>, vector<16xf32>,
      %add3A_1396 = arith.addf %add3A_1391, %get3A_1395 : vector<16xf32>
      %get3A_1397 = arith.constant 4 : i32
      %get3A_1398 = arith.index_cast %get3A_1397 : i32 to index
      %get3A_1399 = arith.constant 144 : index
      %get3A_1400 = tpu.vector_load %arg7[%get3A_1398, %get3A_1399] {strides = array<i32>} : memref<16x512xf32, #tpu.memory_space<vmem>>, vector<16xf32>,
      %add3A_1401 = arith.addf %add3A_1396, %get3A_1400 : vector<16xf32>
      %get3A_1402 = arith.constant 5 : i32
      %get3A_1403 = arith.index_cast %get3A_1402 : i32 to index
      %get3A_1404 = arith.constant 144 : index
      %get3A_1405 = tpu.vector_load %arg7[%get3A_1403, %get3A_1404] {strides = array<i32>} : memref<16x512xf32, #tpu.memory_space<vmem>>, vector<16xf32>,
      %add3A_1406 = arith.addf %add3A_1401, %get3A_1405 : vector<16xf32>
      %get3A_1407 = arith.constant 6 : i32
      %get3A_1408 = arith.index_cast %get3A_1407 : i32 to index
      %get3A_1409 = arith.constant 144 : index
      %get3A_1410 = tpu.vector_load %arg7[%get3A_1408, %get3A_1409] {strides = array<i32>} : memref<16x512xf32, #tpu.memory_space<vmem>>, vector<16xf32>,
      %add3A_1411 = arith.addf %add3A_1406, %get3A_1410 : vector<16xf32>
      %get3A_1412 = arith.constant 7 : i32
      %get3A_1413 = arith.index_cast %get3A_1412 : i32 to index
      %get3A_1414 = arith.constant 144 : index
      %get3A_1415 = tpu.vector_load %arg7[%get3A_1413, %get3A_1414] {strides = array<i32>} : memref<16x512xf32, #tpu.memory_space<vmem>>, vector<16xf32>,
      %add3A_1416 = arith.addf %add3A_1411, %get3A_1415 : vector<16xf32>
      %get3A_1417 = arith.constant 8 : i32
      %get3A_1418 = arith.index_cast %get3A_1417 : i32 to index
      %get3A_1419 = arith.constant 144 : index
      %get3A_1420 = tpu.vector_load %arg7[%get3A_1418, %get3A_1419] {strides = array<i32>} : memref<16x512xf32, #tpu.memory_space<vmem>>, vector<16xf32>,
      %add3A_1421 = arith.addf %add3A_1416, %get3A_1420 : vector<16xf32>
      %get3A_1422 = arith.constant 9 : i32
      %get3A_1423 = arith.index_cast %get3A_1422 : i32 to index
      %get3A_1424 = arith.constant 144 : index
      %get3A_1425 = tpu.vector_load %arg7[%get3A_1423, %get3A_1424] {strides = array<i32>} : memref<16x512xf32, #tpu.memory_space<vmem>>, vector<16xf32>,
      %add3A_1426 = arith.addf %add3A_1421, %get3A_1425 : vector<16xf32>
      %get3A_1427 = arith.constant 10 : i32
      %get3A_1428 = arith.index_cast %get3A_1427 : i32 to index
      %get3A_1429 = arith.constant 144 : index
      %get3A_1430 = tpu.vector_load %arg7[%get3A_1428, %get3A_1429] {strides = array<i32>} : memref<16x512xf32, #tpu.memory_space<vmem>>, vector<16xf32>,
      %add3A_1431 = arith.addf %add3A_1426, %get3A_1430 : vector<16xf32>
      %get3A_1432 = arith.constant 11 : i32
      %get3A_1433 = arith.index_cast %get3A_1432 : i32 to index
      %get3A_1434 = arith.constant 144 : index
      %get3A_1435 = tpu.vector_load %arg7[%get3A_1433, %get3A_1434] {strides = array<i32>} : memref<16x512xf32, #tpu.memory_space<vmem>>, vector<16xf32>,
      %add3A_1436 = arith.addf %add3A_1431, %get3A_1435 : vector<16xf32>
      %get3A_1437 = arith.constant 12 : i32
      %get3A_1438 = arith.index_cast %get3A_1437 : i32 to index
      %get3A_1439 = arith.constant 144 : index
      %get3A_1440 = tpu.vector_load %arg7[%get3A_1438, %get3A_1439] {strides = array<i32>} : memref<16x512xf32, #tpu.memory_space<vmem>>, vector<16xf32>,
      %add3A_1441 = arith.addf %add3A_1436, %get3A_1440 : vector<16xf32>
      %get3A_1442 = arith.constant 13 : i32
      %get3A_1443 = arith.index_cast %get3A_1442 : i32 to index
      %get3A_1444 = arith.constant 144 : index
      %get3A_1445 = tpu.vector_load %arg7[%get3A_1443, %get3A_1444] {strides = array<i32>} : memref<16x512xf32, #tpu.memory_space<vmem>>, vector<16xf32>,
      %add3A_1446 = arith.addf %add3A_1441, %get3A_1445 : vector<16xf32>
      %get3A_1447 = arith.constant 14 : i32
      %get3A_1448 = arith.index_cast %get3A_1447 : i32 to index
      %get3A_1449 = arith.constant 144 : index
      %get3A_1450 = tpu.vector_load %arg7[%get3A_1448, %get3A_1449] {strides = array<i32>} : memref<16x512xf32, #tpu.memory_space<vmem>>, vector<16xf32>,
      %add3A_1451 = arith.addf %add3A_1446, %get3A_1450 : vector<16xf32>
      %get3A_1452 = arith.constant 15 : i32
      %get3A_1453 = arith.index_cast %get3A_1452 : i32 to index
      %get3A_1454 = arith.constant 144 : index
      %get3A_1455 = tpu.vector_load %arg7[%get3A_1453, %get3A_1454] {strides = array<i32>} : memref<16x512xf32, #tpu.memory_space<vmem>>, vector<16xf32>,
      %add3A_1456 = arith.addf %add3A_1451, %get3A_1455 : vector<16xf32>
      %mul3A_1457 = arith.constant 4.34027781E-4 : f32
      %mul3A_1458 = vector.broadcast %mul3A_1457 : f32 to vector<16xf32>
      %mul3A_1459 = arith.mulf %add3A_1456, %mul3A_1458 : vector<16xf32>
      %add3A_1460 = arith.constant 1.000000e-10 : f32
      %add3A_1461 = vector.broadcast %add3A_1460 : f32 to vector<16xf32>
      %add3A_1462 = arith.addf %mul3A_1459, %add3A_1461 : vector<16xf32>
      %bitcast3A_1463 = vector.bitcast %add3A_1462 : vector<16xf32> to vector<16xi32>
      %shift_right_arithmetic3A_1464 = arith.constant 23 : i32
      %shift_right_arithmetic3A_1465 = vector.broadcast %shift_right_arithmetic3A_1464 : i32 to vector<16xi32>
      %shift_right_arithmetic3A_1466 = arith.shrsi %bitcast3A_1463, %shift_right_arithmetic3A_1465 : vector<16xi32>
      %sub3A_1467 = arith.constant 127 : i32
      %sub3A_1468 = vector.broadcast %sub3A_1467 : i32 to vector<16xi32>
      %sub3A_1469 = arith.subi %shift_right_arithmetic3A_1466, %sub3A_1468 : vector<16xi32>
      %and3A_1470 = arith.constant 8388607 : i32
      %and3A_1471 = vector.broadcast %and3A_1470 : i32 to vector<16xi32>
      %and3A_1472 = arith.andi %bitcast3A_1463, %and3A_1471 : vector<16xi32>
      %or3A_1473 = arith.constant 1065353216 : i32
      %or3A_1474 = vector.broadcast %or3A_1473 : i32 to vector<16xi32>
      %or3A_1475 = arith.ori %and3A_1472, %or3A_1474 : vector<16xi32>
      %bitcast3A_1476 = vector.bitcast %or3A_1475 : vector<16xi32> to vector<16xf32>
      %gt3A_1477 = arith.constant 1.41421354 : f32
      %gt3A_1478 = vector.broadcast %gt3A_1477 : f32 to vector<16xf32>
      %gt3A_1479 = arith.cmpf ogt, %bitcast3A_1476, %gt3A_1478 : vector<16xf32>
      %mul3A_1480 = arith.constant 5.000000e-01 : f32
      %mul3A_1481 = vector.broadcast %mul3A_1480 : f32 to vector<16xf32>
      %mul3A_1482 = arith.mulf %bitcast3A_1476, %mul3A_1481 : vector<16xf32>
      %select_n3A_1483 = arith.select %gt3A_1479, %mul3A_1482, %bitcast3A_1476 : vector<16xi1>, vector<16xf32>
      %add3A_1484 = arith.constant 1 : i32
      %add3A_1485 = vector.broadcast %add3A_1484 : i32 to vector<16xi32>
      %add3A_1486 = arith.addi %sub3A_1469, %add3A_1485 : vector<16xi32>
      %select_n3A_1487 = arith.select %gt3A_1479, %add3A_1486, %sub3A_1469 : vector<16xi1>, vector<16xi32>
      %sub3A_1488 = arith.constant 1.000000e+00 : f32
      %sub3A_1489 = vector.broadcast %sub3A_1488 : f32 to vector<16xf32>
      %sub3A_1490 = arith.subf %select_n3A_1483, %sub3A_1489 : vector<16xf32>
      %add3A_1491 = arith.constant 1.000000e+00 : f32
      %add3A_1492 = vector.broadcast %add3A_1491 : f32 to vector<16xf32>
      %add3A_1493 = arith.addf %select_n3A_1483, %add3A_1492 : vector<16xf32>
      %div3A_1494 = arith.divf %sub3A_1490, %add3A_1493 : vector<16xf32>
      %mul3A_1495 = arith.mulf %div3A_1494, %div3A_1494 : vector<16xf32>
      %mul3A_1496 = arith.constant 0.111111112 : f32
      %mul3A_1497 = vector.broadcast %mul3A_1496 : f32 to vector<16xf32>
      %mul3A_1498 = arith.mulf %mul3A_1497, %mul3A_1495 : vector<16xf32>
      %add3A_1499 = arith.constant 0.142857149 : f32
      %add3A_1500 = vector.broadcast %add3A_1499 : f32 to vector<16xf32>
      %add3A_1501 = arith.addf %mul3A_1498, %add3A_1500 : vector<16xf32>
      %mul3A_1502 = arith.mulf %add3A_1501, %mul3A_1495 : vector<16xf32>
      %add3A_1503 = arith.constant 2.000000e-01 : f32
      %add3A_1504 = vector.broadcast %add3A_1503 : f32 to vector<16xf32>
      %add3A_1505 = arith.addf %mul3A_1502, %add3A_1504 : vector<16xf32>
      %mul3A_1506 = arith.mulf %add3A_1505, %mul3A_1495 : vector<16xf32>
      %add3A_1507 = arith.constant 0.333333343 : f32
      %add3A_1508 = vector.broadcast %add3A_1507 : f32 to vector<16xf32>
      %add3A_1509 = arith.addf %mul3A_1506, %add3A_1508 : vector<16xf32>
      %mul3A_1510 = arith.mulf %add3A_1509, %mul3A_1495 : vector<16xf32>
      %add3A_1511 = arith.constant 1.000000e+00 : f32
      %add3A_1512 = vector.broadcast %add3A_1511 : f32 to vector<16xf32>
      %add3A_1513 = arith.addf %mul3A_1510, %add3A_1512 : vector<16xf32>
      %convert_element_type3A_1514 = arith.sitofp %select_n3A_1487 : vector<16xi32> to vector<16xf32>
      %mul3A_1515 = arith.constant 0.693147182 : f32
      %mul3A_1516 = vector.broadcast %mul3A_1515 : f32 to vector<16xf32>
      %mul3A_1517 = arith.mulf %convert_element_type3A_1514, %mul3A_1516 : vector<16xf32>
      %mul3A_1518 = arith.constant 2.000000e+00 : f32
      %mul3A_1519 = vector.broadcast %mul3A_1518 : f32 to vector<16xf32>
      %mul3A_1520 = arith.mulf %mul3A_1519, %div3A_1494 : vector<16xf32>
      %mul3A_1521 = arith.mulf %mul3A_1520, %add3A_1513 : vector<16xf32>
      %add3A_1522 = arith.addf %mul3A_1517, %mul3A_1521 : vector<16xf32>
      %mul3A_1523 = arith.mulf %mul3A_1459, %add3A_1522 : vector<16xf32>
      %add3A_1524 = arith.addf %add3A_1377, %mul3A_1523 : vector<16xf32>
      %get3A_1525 = arith.constant 0 : i32
      %get3A_1526 = arith.index_cast %get3A_1525 : i32 to index
      %get3A_1527 = arith.constant 160 : index
      %get3A_1528 = tpu.vector_load %arg7[%get3A_1526, %get3A_1527] {strides = array<i32>} : memref<16x512xf32, #tpu.memory_space<vmem>>, vector<16xf32>,
      %get3A_1529 = arith.constant 1 : i32
      %get3A_1530 = arith.index_cast %get3A_1529 : i32 to index
      %get3A_1531 = arith.constant 160 : index
      %get3A_1532 = tpu.vector_load %arg7[%get3A_1530, %get3A_1531] {strides = array<i32>} : memref<16x512xf32, #tpu.memory_space<vmem>>, vector<16xf32>,
      %add3A_1533 = arith.addf %get3A_1528, %get3A_1532 : vector<16xf32>
      %get3A_1534 = arith.constant 2 : i32
      %get3A_1535 = arith.index_cast %get3A_1534 : i32 to index
      %get3A_1536 = arith.constant 160 : index
      %get3A_1537 = tpu.vector_load %arg7[%get3A_1535, %get3A_1536] {strides = array<i32>} : memref<16x512xf32, #tpu.memory_space<vmem>>, vector<16xf32>,
      %add3A_1538 = arith.addf %add3A_1533, %get3A_1537 : vector<16xf32>
      %get3A_1539 = arith.constant 3 : i32
      %get3A_1540 = arith.index_cast %get3A_1539 : i32 to index
      %get3A_1541 = arith.constant 160 : index
      %get3A_1542 = tpu.vector_load %arg7[%get3A_1540, %get3A_1541] {strides = array<i32>} : memref<16x512xf32, #tpu.memory_space<vmem>>, vector<16xf32>,
      %add3A_1543 = arith.addf %add3A_1538, %get3A_1542 : vector<16xf32>
      %get3A_1544 = arith.constant 4 : i32
      %get3A_1545 = arith.index_cast %get3A_1544 : i32 to index
      %get3A_1546 = arith.constant 160 : index
      %get3A_1547 = tpu.vector_load %arg7[%get3A_1545, %get3A_1546] {strides = array<i32>} : memref<16x512xf32, #tpu.memory_space<vmem>>, vector<16xf32>,
      %add3A_1548 = arith.addf %add3A_1543, %get3A_1547 : vector<16xf32>
      %get3A_1549 = arith.constant 5 : i32
      %get3A_1550 = arith.index_cast %get3A_1549 : i32 to index
      %get3A_1551 = arith.constant 160 : index
      %get3A_1552 = tpu.vector_load %arg7[%get3A_1550, %get3A_1551] {strides = array<i32>} : memref<16x512xf32, #tpu.memory_space<vmem>>, vector<16xf32>,
      %add3A_1553 = arith.addf %add3A_1548, %get3A_1552 : vector<16xf32>
      %get3A_1554 = arith.constant 6 : i32
      %get3A_1555 = arith.index_cast %get3A_1554 : i32 to index
      %get3A_1556 = arith.constant 160 : index
      %get3A_1557 = tpu.vector_load %arg7[%get3A_1555, %get3A_1556] {strides = array<i32>} : memref<16x512xf32, #tpu.memory_space<vmem>>, vector<16xf32>,
      %add3A_1558 = arith.addf %add3A_1553, %get3A_1557 : vector<16xf32>
      %get3A_1559 = arith.constant 7 : i32
      %get3A_1560 = arith.index_cast %get3A_1559 : i32 to index
      %get3A_1561 = arith.constant 160 : index
      %get3A_1562 = tpu.vector_load %arg7[%get3A_1560, %get3A_1561] {strides = array<i32>} : memref<16x512xf32, #tpu.memory_space<vmem>>, vector<16xf32>,
      %add3A_1563 = arith.addf %add3A_1558, %get3A_1562 : vector<16xf32>
      %get3A_1564 = arith.constant 8 : i32
      %get3A_1565 = arith.index_cast %get3A_1564 : i32 to index
      %get3A_1566 = arith.constant 160 : index
      %get3A_1567 = tpu.vector_load %arg7[%get3A_1565, %get3A_1566] {strides = array<i32>} : memref<16x512xf32, #tpu.memory_space<vmem>>, vector<16xf32>,
      %add3A_1568 = arith.addf %add3A_1563, %get3A_1567 : vector<16xf32>
      %get3A_1569 = arith.constant 9 : i32
      %get3A_1570 = arith.index_cast %get3A_1569 : i32 to index
      %get3A_1571 = arith.constant 160 : index
      %get3A_1572 = tpu.vector_load %arg7[%get3A_1570, %get3A_1571] {strides = array<i32>} : memref<16x512xf32, #tpu.memory_space<vmem>>, vector<16xf32>,
      %add3A_1573 = arith.addf %add3A_1568, %get3A_1572 : vector<16xf32>
      %get3A_1574 = arith.constant 10 : i32
      %get3A_1575 = arith.index_cast %get3A_1574 : i32 to index
      %get3A_1576 = arith.constant 160 : index
      %get3A_1577 = tpu.vector_load %arg7[%get3A_1575, %get3A_1576] {strides = array<i32>} : memref<16x512xf32, #tpu.memory_space<vmem>>, vector<16xf32>,
      %add3A_1578 = arith.addf %add3A_1573, %get3A_1577 : vector<16xf32>
      %get3A_1579 = arith.constant 11 : i32
      %get3A_1580 = arith.index_cast %get3A_1579 : i32 to index
      %get3A_1581 = arith.constant 160 : index
      %get3A_1582 = tpu.vector_load %arg7[%get3A_1580, %get3A_1581] {strides = array<i32>} : memref<16x512xf32, #tpu.memory_space<vmem>>, vector<16xf32>,
      %add3A_1583 = arith.addf %add3A_1578, %get3A_1582 : vector<16xf32>
      %get3A_1584 = arith.constant 12 : i32
      %get3A_1585 = arith.index_cast %get3A_1584 : i32 to index
      %get3A_1586 = arith.constant 160 : index
      %get3A_1587 = tpu.vector_load %arg7[%get3A_1585, %get3A_1586] {strides = array<i32>} : memref<16x512xf32, #tpu.memory_space<vmem>>, vector<16xf32>,
      %add3A_1588 = arith.addf %add3A_1583, %get3A_1587 : vector<16xf32>
      %get3A_1589 = arith.constant 13 : i32
      %get3A_1590 = arith.index_cast %get3A_1589 : i32 to index
      %get3A_1591 = arith.constant 160 : index
      %get3A_1592 = tpu.vector_load %arg7[%get3A_1590, %get3A_1591] {strides = array<i32>} : memref<16x512xf32, #tpu.memory_space<vmem>>, vector<16xf32>,
      %add3A_1593 = arith.addf %add3A_1588, %get3A_1592 : vector<16xf32>
      %get3A_1594 = arith.constant 14 : i32
      %get3A_1595 = arith.index_cast %get3A_1594 : i32 to index
      %get3A_1596 = arith.constant 160 : index
      %get3A_1597 = tpu.vector_load %arg7[%get3A_1595, %get3A_1596] {strides = array<i32>} : memref<16x512xf32, #tpu.memory_space<vmem>>, vector<16xf32>,
      %add3A_1598 = arith.addf %add3A_1593, %get3A_1597 : vector<16xf32>
      %get3A_1599 = arith.constant 15 : i32
      %get3A_1600 = arith.index_cast %get3A_1599 : i32 to index
      %get3A_1601 = arith.constant 160 : index
      %get3A_1602 = tpu.vector_load %arg7[%get3A_1600, %get3A_1601] {strides = array<i32>} : memref<16x512xf32, #tpu.memory_space<vmem>>, vector<16xf32>,
      %add3A_1603 = arith.addf %add3A_1598, %get3A_1602 : vector<16xf32>
      %mul3A_1604 = arith.constant 4.34027781E-4 : f32
      %mul3A_1605 = vector.broadcast %mul3A_1604 : f32 to vector<16xf32>
      %mul3A_1606 = arith.mulf %add3A_1603, %mul3A_1605 : vector<16xf32>
      %add3A_1607 = arith.constant 1.000000e-10 : f32
      %add3A_1608 = vector.broadcast %add3A_1607 : f32 to vector<16xf32>
      %add3A_1609 = arith.addf %mul3A_1606, %add3A_1608 : vector<16xf32>
      %bitcast3A_1610 = vector.bitcast %add3A_1609 : vector<16xf32> to vector<16xi32>
      %shift_right_arithmetic3A_1611 = arith.constant 23 : i32
      %shift_right_arithmetic3A_1612 = vector.broadcast %shift_right_arithmetic3A_1611 : i32 to vector<16xi32>
      %shift_right_arithmetic3A_1613 = arith.shrsi %bitcast3A_1610, %shift_right_arithmetic3A_1612 : vector<16xi32>
      %sub3A_1614 = arith.constant 127 : i32
      %sub3A_1615 = vector.broadcast %sub3A_1614 : i32 to vector<16xi32>
      %sub3A_1616 = arith.subi %shift_right_arithmetic3A_1613, %sub3A_1615 : vector<16xi32>
      %and3A_1617 = arith.constant 8388607 : i32
      %and3A_1618 = vector.broadcast %and3A_1617 : i32 to vector<16xi32>
      %and3A_1619 = arith.andi %bitcast3A_1610, %and3A_1618 : vector<16xi32>
      %or3A_1620 = arith.constant 1065353216 : i32
      %or3A_1621 = vector.broadcast %or3A_1620 : i32 to vector<16xi32>
      %or3A_1622 = arith.ori %and3A_1619, %or3A_1621 : vector<16xi32>
      %bitcast3A_1623 = vector.bitcast %or3A_1622 : vector<16xi32> to vector<16xf32>
      %gt3A_1624 = arith.constant 1.41421354 : f32
      %gt3A_1625 = vector.broadcast %gt3A_1624 : f32 to vector<16xf32>
      %gt3A_1626 = arith.cmpf ogt, %bitcast3A_1623, %gt3A_1625 : vector<16xf32>
      %mul3A_1627 = arith.constant 5.000000e-01 : f32
      %mul3A_1628 = vector.broadcast %mul3A_1627 : f32 to vector<16xf32>
      %mul3A_1629 = arith.mulf %bitcast3A_1623, %mul3A_1628 : vector<16xf32>
      %select_n3A_1630 = arith.select %gt3A_1626, %mul3A_1629, %bitcast3A_1623 : vector<16xi1>, vector<16xf32>
      %add3A_1631 = arith.constant 1 : i32
      %add3A_1632 = vector.broadcast %add3A_1631 : i32 to vector<16xi32>
      %add3A_1633 = arith.addi %sub3A_1616, %add3A_1632 : vector<16xi32>
      %select_n3A_1634 = arith.select %gt3A_1626, %add3A_1633, %sub3A_1616 : vector<16xi1>, vector<16xi32>
      %sub3A_1635 = arith.constant 1.000000e+00 : f32
      %sub3A_1636 = vector.broadcast %sub3A_1635 : f32 to vector<16xf32>
      %sub3A_1637 = arith.subf %select_n3A_1630, %sub3A_1636 : vector<16xf32>
      %add3A_1638 = arith.constant 1.000000e+00 : f32
      %add3A_1639 = vector.broadcast %add3A_1638 : f32 to vector<16xf32>
      %add3A_1640 = arith.addf %select_n3A_1630, %add3A_1639 : vector<16xf32>
      %div3A_1641 = arith.divf %sub3A_1637, %add3A_1640 : vector<16xf32>
      %mul3A_1642 = arith.mulf %div3A_1641, %div3A_1641 : vector<16xf32>
      %mul3A_1643 = arith.constant 0.111111112 : f32
      %mul3A_1644 = vector.broadcast %mul3A_1643 : f32 to vector<16xf32>
      %mul3A_1645 = arith.mulf %mul3A_1644, %mul3A_1642 : vector<16xf32>
      %add3A_1646 = arith.constant 0.142857149 : f32
      %add3A_1647 = vector.broadcast %add3A_1646 : f32 to vector<16xf32>
      %add3A_1648 = arith.addf %mul3A_1645, %add3A_1647 : vector<16xf32>
      %mul3A_1649 = arith.mulf %add3A_1648, %mul3A_1642 : vector<16xf32>
      %add3A_1650 = arith.constant 2.000000e-01 : f32
      %add3A_1651 = vector.broadcast %add3A_1650 : f32 to vector<16xf32>
      %add3A_1652 = arith.addf %mul3A_1649, %add3A_1651 : vector<16xf32>
      %mul3A_1653 = arith.mulf %add3A_1652, %mul3A_1642 : vector<16xf32>
      %add3A_1654 = arith.constant 0.333333343 : f32
      %add3A_1655 = vector.broadcast %add3A_1654 : f32 to vector<16xf32>
      %add3A_1656 = arith.addf %mul3A_1653, %add3A_1655 : vector<16xf32>
      %mul3A_1657 = arith.mulf %add3A_1656, %mul3A_1642 : vector<16xf32>
      %add3A_1658 = arith.constant 1.000000e+00 : f32
      %add3A_1659 = vector.broadcast %add3A_1658 : f32 to vector<16xf32>
      %add3A_1660 = arith.addf %mul3A_1657, %add3A_1659 : vector<16xf32>
      %convert_element_type3A_1661 = arith.sitofp %select_n3A_1634 : vector<16xi32> to vector<16xf32>
      %mul3A_1662 = arith.constant 0.693147182 : f32
      %mul3A_1663 = vector.broadcast %mul3A_1662 : f32 to vector<16xf32>
      %mul3A_1664 = arith.mulf %convert_element_type3A_1661, %mul3A_1663 : vector<16xf32>
      %mul3A_1665 = arith.constant 2.000000e+00 : f32
      %mul3A_1666 = vector.broadcast %mul3A_1665 : f32 to vector<16xf32>
      %mul3A_1667 = arith.mulf %mul3A_1666, %div3A_1641 : vector<16xf32>
      %mul3A_1668 = arith.mulf %mul3A_1667, %add3A_1660 : vector<16xf32>
      %add3A_1669 = arith.addf %mul3A_1664, %mul3A_1668 : vector<16xf32>
      %mul3A_1670 = arith.mulf %mul3A_1606, %add3A_1669 : vector<16xf32>
      %add3A_1671 = arith.addf %add3A_1524, %mul3A_1670 : vector<16xf32>
      %get3A_1672 = arith.constant 0 : i32
      %get3A_1673 = arith.index_cast %get3A_1672 : i32 to index
      %get3A_1674 = arith.constant 176 : index
      %get3A_1675 = tpu.vector_load %arg7[%get3A_1673, %get3A_1674] {strides = array<i32>} : memref<16x512xf32, #tpu.memory_space<vmem>>, vector<16xf32>,
      %get3A_1676 = arith.constant 1 : i32
      %get3A_1677 = arith.index_cast %get3A_1676 : i32 to index
      %get3A_1678 = arith.constant 176 : index
      %get3A_1679 = tpu.vector_load %arg7[%get3A_1677, %get3A_1678] {strides = array<i32>} : memref<16x512xf32, #tpu.memory_space<vmem>>, vector<16xf32>,
      %add3A_1680 = arith.addf %get3A_1675, %get3A_1679 : vector<16xf32>
      %get3A_1681 = arith.constant 2 : i32
      %get3A_1682 = arith.index_cast %get3A_1681 : i32 to index
      %get3A_1683 = arith.constant 176 : index
      %get3A_1684 = tpu.vector_load %arg7[%get3A_1682, %get3A_1683] {strides = array<i32>} : memref<16x512xf32, #tpu.memory_space<vmem>>, vector<16xf32>,
      %add3A_1685 = arith.addf %add3A_1680, %get3A_1684 : vector<16xf32>
      %get3A_1686 = arith.constant 3 : i32
      %get3A_1687 = arith.index_cast %get3A_1686 : i32 to index
      %get3A_1688 = arith.constant 176 : index
      %get3A_1689 = tpu.vector_load %arg7[%get3A_1687, %get3A_1688] {strides = array<i32>} : memref<16x512xf32, #tpu.memory_space<vmem>>, vector<16xf32>,
      %add3A_1690 = arith.addf %add3A_1685, %get3A_1689 : vector<16xf32>
      %get3A_1691 = arith.constant 4 : i32
      %get3A_1692 = arith.index_cast %get3A_1691 : i32 to index
      %get3A_1693 = arith.constant 176 : index
      %get3A_1694 = tpu.vector_load %arg7[%get3A_1692, %get3A_1693] {strides = array<i32>} : memref<16x512xf32, #tpu.memory_space<vmem>>, vector<16xf32>,
      %add3A_1695 = arith.addf %add3A_1690, %get3A_1694 : vector<16xf32>
      %get3A_1696 = arith.constant 5 : i32
      %get3A_1697 = arith.index_cast %get3A_1696 : i32 to index
      %get3A_1698 = arith.constant 176 : index
      %get3A_1699 = tpu.vector_load %arg7[%get3A_1697, %get3A_1698] {strides = array<i32>} : memref<16x512xf32, #tpu.memory_space<vmem>>, vector<16xf32>,
      %add3A_1700 = arith.addf %add3A_1695, %get3A_1699 : vector<16xf32>
      %get3A_1701 = arith.constant 6 : i32
      %get3A_1702 = arith.index_cast %get3A_1701 : i32 to index
      %get3A_1703 = arith.constant 176 : index
      %get3A_1704 = tpu.vector_load %arg7[%get3A_1702, %get3A_1703] {strides = array<i32>} : memref<16x512xf32, #tpu.memory_space<vmem>>, vector<16xf32>,
      %add3A_1705 = arith.addf %add3A_1700, %get3A_1704 : vector<16xf32>
      %get3A_1706 = arith.constant 7 : i32
      %get3A_1707 = arith.index_cast %get3A_1706 : i32 to index
      %get3A_1708 = arith.constant 176 : index
      %get3A_1709 = tpu.vector_load %arg7[%get3A_1707, %get3A_1708] {strides = array<i32>} : memref<16x512xf32, #tpu.memory_space<vmem>>, vector<16xf32>,
      %add3A_1710 = arith.addf %add3A_1705, %get3A_1709 : vector<16xf32>
      %get3A_1711 = arith.constant 8 : i32
      %get3A_1712 = arith.index_cast %get3A_1711 : i32 to index
      %get3A_1713 = arith.constant 176 : index
      %get3A_1714 = tpu.vector_load %arg7[%get3A_1712, %get3A_1713] {strides = array<i32>} : memref<16x512xf32, #tpu.memory_space<vmem>>, vector<16xf32>,
      %add3A_1715 = arith.addf %add3A_1710, %get3A_1714 : vector<16xf32>
      %get3A_1716 = arith.constant 9 : i32
      %get3A_1717 = arith.index_cast %get3A_1716 : i32 to index
      %get3A_1718 = arith.constant 176 : index
      %get3A_1719 = tpu.vector_load %arg7[%get3A_1717, %get3A_1718] {strides = array<i32>} : memref<16x512xf32, #tpu.memory_space<vmem>>, vector<16xf32>,
      %add3A_1720 = arith.addf %add3A_1715, %get3A_1719 : vector<16xf32>
      %get3A_1721 = arith.constant 10 : i32
      %get3A_1722 = arith.index_cast %get3A_1721 : i32 to index
      %get3A_1723 = arith.constant 176 : index
      %get3A_1724 = tpu.vector_load %arg7[%get3A_1722, %get3A_1723] {strides = array<i32>} : memref<16x512xf32, #tpu.memory_space<vmem>>, vector<16xf32>,
      %add3A_1725 = arith.addf %add3A_1720, %get3A_1724 : vector<16xf32>
      %get3A_1726 = arith.constant 11 : i32
      %get3A_1727 = arith.index_cast %get3A_1726 : i32 to index
      %get3A_1728 = arith.constant 176 : index
      %get3A_1729 = tpu.vector_load %arg7[%get3A_1727, %get3A_1728] {strides = array<i32>} : memref<16x512xf32, #tpu.memory_space<vmem>>, vector<16xf32>,
      %add3A_1730 = arith.addf %add3A_1725, %get3A_1729 : vector<16xf32>
      %get3A_1731 = arith.constant 12 : i32
      %get3A_1732 = arith.index_cast %get3A_1731 : i32 to index
      %get3A_1733 = arith.constant 176 : index
      %get3A_1734 = tpu.vector_load %arg7[%get3A_1732, %get3A_1733] {strides = array<i32>} : memref<16x512xf32, #tpu.memory_space<vmem>>, vector<16xf32>,
      %add3A_1735 = arith.addf %add3A_1730, %get3A_1734 : vector<16xf32>
      %get3A_1736 = arith.constant 13 : i32
      %get3A_1737 = arith.index_cast %get3A_1736 : i32 to index
      %get3A_1738 = arith.constant 176 : index
      %get3A_1739 = tpu.vector_load %arg7[%get3A_1737, %get3A_1738] {strides = array<i32>} : memref<16x512xf32, #tpu.memory_space<vmem>>, vector<16xf32>,
      %add3A_1740 = arith.addf %add3A_1735, %get3A_1739 : vector<16xf32>
      %get3A_1741 = arith.constant 14 : i32
      %get3A_1742 = arith.index_cast %get3A_1741 : i32 to index
      %get3A_1743 = arith.constant 176 : index
      %get3A_1744 = tpu.vector_load %arg7[%get3A_1742, %get3A_1743] {strides = array<i32>} : memref<16x512xf32, #tpu.memory_space<vmem>>, vector<16xf32>,
      %add3A_1745 = arith.addf %add3A_1740, %get3A_1744 : vector<16xf32>
      %get3A_1746 = arith.constant 15 : i32
      %get3A_1747 = arith.index_cast %get3A_1746 : i32 to index
      %get3A_1748 = arith.constant 176 : index
      %get3A_1749 = tpu.vector_load %arg7[%get3A_1747, %get3A_1748] {strides = array<i32>} : memref<16x512xf32, #tpu.memory_space<vmem>>, vector<16xf32>,
      %add3A_1750 = arith.addf %add3A_1745, %get3A_1749 : vector<16xf32>
      %mul3A_1751 = arith.constant 4.34027781E-4 : f32
      %mul3A_1752 = vector.broadcast %mul3A_1751 : f32 to vector<16xf32>
      %mul3A_1753 = arith.mulf %add3A_1750, %mul3A_1752 : vector<16xf32>
      %add3A_1754 = arith.constant 1.000000e-10 : f32
      %add3A_1755 = vector.broadcast %add3A_1754 : f32 to vector<16xf32>
      %add3A_1756 = arith.addf %mul3A_1753, %add3A_1755 : vector<16xf32>
      %bitcast3A_1757 = vector.bitcast %add3A_1756 : vector<16xf32> to vector<16xi32>
      %shift_right_arithmetic3A_1758 = arith.constant 23 : i32
      %shift_right_arithmetic3A_1759 = vector.broadcast %shift_right_arithmetic3A_1758 : i32 to vector<16xi32>
      %shift_right_arithmetic3A_1760 = arith.shrsi %bitcast3A_1757, %shift_right_arithmetic3A_1759 : vector<16xi32>
      %sub3A_1761 = arith.constant 127 : i32
      %sub3A_1762 = vector.broadcast %sub3A_1761 : i32 to vector<16xi32>
      %sub3A_1763 = arith.subi %shift_right_arithmetic3A_1760, %sub3A_1762 : vector<16xi32>
      %and3A_1764 = arith.constant 8388607 : i32
      %and3A_1765 = vector.broadcast %and3A_1764 : i32 to vector<16xi32>
      %and3A_1766 = arith.andi %bitcast3A_1757, %and3A_1765 : vector<16xi32>
      %or3A_1767 = arith.constant 1065353216 : i32
      %or3A_1768 = vector.broadcast %or3A_1767 : i32 to vector<16xi32>
      %or3A_1769 = arith.ori %and3A_1766, %or3A_1768 : vector<16xi32>
      %bitcast3A_1770 = vector.bitcast %or3A_1769 : vector<16xi32> to vector<16xf32>
      %gt3A_1771 = arith.constant 1.41421354 : f32
      %gt3A_1772 = vector.broadcast %gt3A_1771 : f32 to vector<16xf32>
      %gt3A_1773 = arith.cmpf ogt, %bitcast3A_1770, %gt3A_1772 : vector<16xf32>
      %mul3A_1774 = arith.constant 5.000000e-01 : f32
      %mul3A_1775 = vector.broadcast %mul3A_1774 : f32 to vector<16xf32>
      %mul3A_1776 = arith.mulf %bitcast3A_1770, %mul3A_1775 : vector<16xf32>
      %select_n3A_1777 = arith.select %gt3A_1773, %mul3A_1776, %bitcast3A_1770 : vector<16xi1>, vector<16xf32>
      %add3A_1778 = arith.constant 1 : i32
      %add3A_1779 = vector.broadcast %add3A_1778 : i32 to vector<16xi32>
      %add3A_1780 = arith.addi %sub3A_1763, %add3A_1779 : vector<16xi32>
      %select_n3A_1781 = arith.select %gt3A_1773, %add3A_1780, %sub3A_1763 : vector<16xi1>, vector<16xi32>
      %sub3A_1782 = arith.constant 1.000000e+00 : f32
      %sub3A_1783 = vector.broadcast %sub3A_1782 : f32 to vector<16xf32>
      %sub3A_1784 = arith.subf %select_n3A_1777, %sub3A_1783 : vector<16xf32>
      %add3A_1785 = arith.constant 1.000000e+00 : f32
      %add3A_1786 = vector.broadcast %add3A_1785 : f32 to vector<16xf32>
      %add3A_1787 = arith.addf %select_n3A_1777, %add3A_1786 : vector<16xf32>
      %div3A_1788 = arith.divf %sub3A_1784, %add3A_1787 : vector<16xf32>
      %mul3A_1789 = arith.mulf %div3A_1788, %div3A_1788 : vector<16xf32>
      %mul3A_1790 = arith.constant 0.111111112 : f32
      %mul3A_1791 = vector.broadcast %mul3A_1790 : f32 to vector<16xf32>
      %mul3A_1792 = arith.mulf %mul3A_1791, %mul3A_1789 : vector<16xf32>
      %add3A_1793 = arith.constant 0.142857149 : f32
      %add3A_1794 = vector.broadcast %add3A_1793 : f32 to vector<16xf32>
      %add3A_1795 = arith.addf %mul3A_1792, %add3A_1794 : vector<16xf32>
      %mul3A_1796 = arith.mulf %add3A_1795, %mul3A_1789 : vector<16xf32>
      %add3A_1797 = arith.constant 2.000000e-01 : f32
      %add3A_1798 = vector.broadcast %add3A_1797 : f32 to vector<16xf32>
      %add3A_1799 = arith.addf %mul3A_1796, %add3A_1798 : vector<16xf32>
      %mul3A_1800 = arith.mulf %add3A_1799, %mul3A_1789 : vector<16xf32>
      %add3A_1801 = arith.constant 0.333333343 : f32
      %add3A_1802 = vector.broadcast %add3A_1801 : f32 to vector<16xf32>
      %add3A_1803 = arith.addf %mul3A_1800, %add3A_1802 : vector<16xf32>
      %mul3A_1804 = arith.mulf %add3A_1803, %mul3A_1789 : vector<16xf32>
      %add3A_1805 = arith.constant 1.000000e+00 : f32
      %add3A_1806 = vector.broadcast %add3A_1805 : f32 to vector<16xf32>
      %add3A_1807 = arith.addf %mul3A_1804, %add3A_1806 : vector<16xf32>
      %convert_element_type3A_1808 = arith.sitofp %select_n3A_1781 : vector<16xi32> to vector<16xf32>
      %mul3A_1809 = arith.constant 0.693147182 : f32
      %mul3A_1810 = vector.broadcast %mul3A_1809 : f32 to vector<16xf32>
      %mul3A_1811 = arith.mulf %convert_element_type3A_1808, %mul3A_1810 : vector<16xf32>
      %mul3A_1812 = arith.constant 2.000000e+00 : f32
      %mul3A_1813 = vector.broadcast %mul3A_1812 : f32 to vector<16xf32>
      %mul3A_1814 = arith.mulf %mul3A_1813, %div3A_1788 : vector<16xf32>
      %mul3A_1815 = arith.mulf %mul3A_1814, %add3A_1807 : vector<16xf32>
      %add3A_1816 = arith.addf %mul3A_1811, %mul3A_1815 : vector<16xf32>
      %mul3A_1817 = arith.mulf %mul3A_1753, %add3A_1816 : vector<16xf32>
      %add3A_1818 = arith.addf %add3A_1671, %mul3A_1817 : vector<16xf32>
      %get3A_1819 = arith.constant 0 : i32
      %get3A_1820 = arith.index_cast %get3A_1819 : i32 to index
      %get3A_1821 = arith.constant 192 : index
      %get3A_1822 = tpu.vector_load %arg7[%get3A_1820, %get3A_1821] {strides = array<i32>} : memref<16x512xf32, #tpu.memory_space<vmem>>, vector<16xf32>,
      %get3A_1823 = arith.constant 1 : i32
      %get3A_1824 = arith.index_cast %get3A_1823 : i32 to index
      %get3A_1825 = arith.constant 192 : index
      %get3A_1826 = tpu.vector_load %arg7[%get3A_1824, %get3A_1825] {strides = array<i32>} : memref<16x512xf32, #tpu.memory_space<vmem>>, vector<16xf32>,
      %add3A_1827 = arith.addf %get3A_1822, %get3A_1826 : vector<16xf32>
      %get3A_1828 = arith.constant 2 : i32
      %get3A_1829 = arith.index_cast %get3A_1828 : i32 to index
      %get3A_1830 = arith.constant 192 : index
      %get3A_1831 = tpu.vector_load %arg7[%get3A_1829, %get3A_1830] {strides = array<i32>} : memref<16x512xf32, #tpu.memory_space<vmem>>, vector<16xf32>,
      %add3A_1832 = arith.addf %add3A_1827, %get3A_1831 : vector<16xf32>
      %get3A_1833 = arith.constant 3 : i32
      %get3A_1834 = arith.index_cast %get3A_1833 : i32 to index
      %get3A_1835 = arith.constant 192 : index
      %get3A_1836 = tpu.vector_load %arg7[%get3A_1834, %get3A_1835] {strides = array<i32>} : memref<16x512xf32, #tpu.memory_space<vmem>>, vector<16xf32>,
      %add3A_1837 = arith.addf %add3A_1832, %get3A_1836 : vector<16xf32>
      %get3A_1838 = arith.constant 4 : i32
      %get3A_1839 = arith.index_cast %get3A_1838 : i32 to index
      %get3A_1840 = arith.constant 192 : index
      %get3A_1841 = tpu.vector_load %arg7[%get3A_1839, %get3A_1840] {strides = array<i32>} : memref<16x512xf32, #tpu.memory_space<vmem>>, vector<16xf32>,
      %add3A_1842 = arith.addf %add3A_1837, %get3A_1841 : vector<16xf32>
      %get3A_1843 = arith.constant 5 : i32
      %get3A_1844 = arith.index_cast %get3A_1843 : i32 to index
      %get3A_1845 = arith.constant 192 : index
      %get3A_1846 = tpu.vector_load %arg7[%get3A_1844, %get3A_1845] {strides = array<i32>} : memref<16x512xf32, #tpu.memory_space<vmem>>, vector<16xf32>,
      %add3A_1847 = arith.addf %add3A_1842, %get3A_1846 : vector<16xf32>
      %get3A_1848 = arith.constant 6 : i32
      %get3A_1849 = arith.index_cast %get3A_1848 : i32 to index
      %get3A_1850 = arith.constant 192 : index
      %get3A_1851 = tpu.vector_load %arg7[%get3A_1849, %get3A_1850] {strides = array<i32>} : memref<16x512xf32, #tpu.memory_space<vmem>>, vector<16xf32>,
      %add3A_1852 = arith.addf %add3A_1847, %get3A_1851 : vector<16xf32>
      %get3A_1853 = arith.constant 7 : i32
      %get3A_1854 = arith.index_cast %get3A_1853 : i32 to index
      %get3A_1855 = arith.constant 192 : index
      %get3A_1856 = tpu.vector_load %arg7[%get3A_1854, %get3A_1855] {strides = array<i32>} : memref<16x512xf32, #tpu.memory_space<vmem>>, vector<16xf32>,
      %add3A_1857 = arith.addf %add3A_1852, %get3A_1856 : vector<16xf32>
      %get3A_1858 = arith.constant 8 : i32
      %get3A_1859 = arith.index_cast %get3A_1858 : i32 to index
      %get3A_1860 = arith.constant 192 : index
      %get3A_1861 = tpu.vector_load %arg7[%get3A_1859, %get3A_1860] {strides = array<i32>} : memref<16x512xf32, #tpu.memory_space<vmem>>, vector<16xf32>,
      %add3A_1862 = arith.addf %add3A_1857, %get3A_1861 : vector<16xf32>
      %get3A_1863 = arith.constant 9 : i32
      %get3A_1864 = arith.index_cast %get3A_1863 : i32 to index
      %get3A_1865 = arith.constant 192 : index
      %get3A_1866 = tpu.vector_load %arg7[%get3A_1864, %get3A_1865] {strides = array<i32>} : memref<16x512xf32, #tpu.memory_space<vmem>>, vector<16xf32>,
      %add3A_1867 = arith.addf %add3A_1862, %get3A_1866 : vector<16xf32>
      %get3A_1868 = arith.constant 10 : i32
      %get3A_1869 = arith.index_cast %get3A_1868 : i32 to index
      %get3A_1870 = arith.constant 192 : index
      %get3A_1871 = tpu.vector_load %arg7[%get3A_1869, %get3A_1870] {strides = array<i32>} : memref<16x512xf32, #tpu.memory_space<vmem>>, vector<16xf32>,
      %add3A_1872 = arith.addf %add3A_1867, %get3A_1871 : vector<16xf32>
      %get3A_1873 = arith.constant 11 : i32
      %get3A_1874 = arith.index_cast %get3A_1873 : i32 to index
      %get3A_1875 = arith.constant 192 : index
      %get3A_1876 = tpu.vector_load %arg7[%get3A_1874, %get3A_1875] {strides = array<i32>} : memref<16x512xf32, #tpu.memory_space<vmem>>, vector<16xf32>,
      %add3A_1877 = arith.addf %add3A_1872, %get3A_1876 : vector<16xf32>
      %get3A_1878 = arith.constant 12 : i32
      %get3A_1879 = arith.index_cast %get3A_1878 : i32 to index
      %get3A_1880 = arith.constant 192 : index
      %get3A_1881 = tpu.vector_load %arg7[%get3A_1879, %get3A_1880] {strides = array<i32>} : memref<16x512xf32, #tpu.memory_space<vmem>>, vector<16xf32>,
      %add3A_1882 = arith.addf %add3A_1877, %get3A_1881 : vector<16xf32>
      %get3A_1883 = arith.constant 13 : i32
      %get3A_1884 = arith.index_cast %get3A_1883 : i32 to index
      %get3A_1885 = arith.constant 192 : index
      %get3A_1886 = tpu.vector_load %arg7[%get3A_1884, %get3A_1885] {strides = array<i32>} : memref<16x512xf32, #tpu.memory_space<vmem>>, vector<16xf32>,
      %add3A_1887 = arith.addf %add3A_1882, %get3A_1886 : vector<16xf32>
      %get3A_1888 = arith.constant 14 : i32
      %get3A_1889 = arith.index_cast %get3A_1888 : i32 to index
      %get3A_1890 = arith.constant 192 : index
      %get3A_1891 = tpu.vector_load %arg7[%get3A_1889, %get3A_1890] {strides = array<i32>} : memref<16x512xf32, #tpu.memory_space<vmem>>, vector<16xf32>,
      %add3A_1892 = arith.addf %add3A_1887, %get3A_1891 : vector<16xf32>
      %get3A_1893 = arith.constant 15 : i32
      %get3A_1894 = arith.index_cast %get3A_1893 : i32 to index
      %get3A_1895 = arith.constant 192 : index
      %get3A_1896 = tpu.vector_load %arg7[%get3A_1894, %get3A_1895] {strides = array<i32>} : memref<16x512xf32, #tpu.memory_space<vmem>>, vector<16xf32>,
      %add3A_1897 = arith.addf %add3A_1892, %get3A_1896 : vector<16xf32>
      %mul3A_1898 = arith.constant 4.34027781E-4 : f32
      %mul3A_1899 = vector.broadcast %mul3A_1898 : f32 to vector<16xf32>
      %mul3A_1900 = arith.mulf %add3A_1897, %mul3A_1899 : vector<16xf32>
      %add3A_1901 = arith.constant 1.000000e-10 : f32
      %add3A_1902 = vector.broadcast %add3A_1901 : f32 to vector<16xf32>
      %add3A_1903 = arith.addf %mul3A_1900, %add3A_1902 : vector<16xf32>
      %bitcast3A_1904 = vector.bitcast %add3A_1903 : vector<16xf32> to vector<16xi32>
      %shift_right_arithmetic3A_1905 = arith.constant 23 : i32
      %shift_right_arithmetic3A_1906 = vector.broadcast %shift_right_arithmetic3A_1905 : i32 to vector<16xi32>
      %shift_right_arithmetic3A_1907 = arith.shrsi %bitcast3A_1904, %shift_right_arithmetic3A_1906 : vector<16xi32>
      %sub3A_1908 = arith.constant 127 : i32
      %sub3A_1909 = vector.broadcast %sub3A_1908 : i32 to vector<16xi32>
      %sub3A_1910 = arith.subi %shift_right_arithmetic3A_1907, %sub3A_1909 : vector<16xi32>
      %and3A_1911 = arith.constant 8388607 : i32
      %and3A_1912 = vector.broadcast %and3A_1911 : i32 to vector<16xi32>
      %and3A_1913 = arith.andi %bitcast3A_1904, %and3A_1912 : vector<16xi32>
      %or3A_1914 = arith.constant 1065353216 : i32
      %or3A_1915 = vector.broadcast %or3A_1914 : i32 to vector<16xi32>
      %or3A_1916 = arith.ori %and3A_1913, %or3A_1915 : vector<16xi32>
      %bitcast3A_1917 = vector.bitcast %or3A_1916 : vector<16xi32> to vector<16xf32>
      %gt3A_1918 = arith.constant 1.41421354 : f32
      %gt3A_1919 = vector.broadcast %gt3A_1918 : f32 to vector<16xf32>
      %gt3A_1920 = arith.cmpf ogt, %bitcast3A_1917, %gt3A_1919 : vector<16xf32>
      %mul3A_1921 = arith.constant 5.000000e-01 : f32
      %mul3A_1922 = vector.broadcast %mul3A_1921 : f32 to vector<16xf32>
      %mul3A_1923 = arith.mulf %bitcast3A_1917, %mul3A_1922 : vector<16xf32>
      %select_n3A_1924 = arith.select %gt3A_1920, %mul3A_1923, %bitcast3A_1917 : vector<16xi1>, vector<16xf32>
      %add3A_1925 = arith.constant 1 : i32
      %add3A_1926 = vector.broadcast %add3A_1925 : i32 to vector<16xi32>
      %add3A_1927 = arith.addi %sub3A_1910, %add3A_1926 : vector<16xi32>
      %select_n3A_1928 = arith.select %gt3A_1920, %add3A_1927, %sub3A_1910 : vector<16xi1>, vector<16xi32>
      %sub3A_1929 = arith.constant 1.000000e+00 : f32
      %sub3A_1930 = vector.broadcast %sub3A_1929 : f32 to vector<16xf32>
      %sub3A_1931 = arith.subf %select_n3A_1924, %sub3A_1930 : vector<16xf32>
      %add3A_1932 = arith.constant 1.000000e+00 : f32
      %add3A_1933 = vector.broadcast %add3A_1932 : f32 to vector<16xf32>
      %add3A_1934 = arith.addf %select_n3A_1924, %add3A_1933 : vector<16xf32>
      %div3A_1935 = arith.divf %sub3A_1931, %add3A_1934 : vector<16xf32>
      %mul3A_1936 = arith.mulf %div3A_1935, %div3A_1935 : vector<16xf32>
      %mul3A_1937 = arith.constant 0.111111112 : f32
      %mul3A_1938 = vector.broadcast %mul3A_1937 : f32 to vector<16xf32>
      %mul3A_1939 = arith.mulf %mul3A_1938, %mul3A_1936 : vector<16xf32>
      %add3A_1940 = arith.constant 0.142857149 : f32
      %add3A_1941 = vector.broadcast %add3A_1940 : f32 to vector<16xf32>
      %add3A_1942 = arith.addf %mul3A_1939, %add3A_1941 : vector<16xf32>
      %mul3A_1943 = arith.mulf %add3A_1942, %mul3A_1936 : vector<16xf32>
      %add3A_1944 = arith.constant 2.000000e-01 : f32
      %add3A_1945 = vector.broadcast %add3A_1944 : f32 to vector<16xf32>
      %add3A_1946 = arith.addf %mul3A_1943, %add3A_1945 : vector<16xf32>
      %mul3A_1947 = arith.mulf %add3A_1946, %mul3A_1936 : vector<16xf32>
      %add3A_1948 = arith.constant 0.333333343 : f32
      %add3A_1949 = vector.broadcast %add3A_1948 : f32 to vector<16xf32>
      %add3A_1950 = arith.addf %mul3A_1947, %add3A_1949 : vector<16xf32>
      %mul3A_1951 = arith.mulf %add3A_1950, %mul3A_1936 : vector<16xf32>
      %add3A_1952 = arith.constant 1.000000e+00 : f32
      %add3A_1953 = vector.broadcast %add3A_1952 : f32 to vector<16xf32>
      %add3A_1954 = arith.addf %mul3A_1951, %add3A_1953 : vector<16xf32>
      %convert_element_type3A_1955 = arith.sitofp %select_n3A_1928 : vector<16xi32> to vector<16xf32>
      %mul3A_1956 = arith.constant 0.693147182 : f32
      %mul3A_1957 = vector.broadcast %mul3A_1956 : f32 to vector<16xf32>
      %mul3A_1958 = arith.mulf %convert_element_type3A_1955, %mul3A_1957 : vector<16xf32>
      %mul3A_1959 = arith.constant 2.000000e+00 : f32
      %mul3A_1960 = vector.broadcast %mul3A_1959 : f32 to vector<16xf32>
      %mul3A_1961 = arith.mulf %mul3A_1960, %div3A_1935 : vector<16xf32>
      %mul3A_1962 = arith.mulf %mul3A_1961, %add3A_1954 : vector<16xf32>
      %add3A_1963 = arith.addf %mul3A_1958, %mul3A_1962 : vector<16xf32>
      %mul3A_1964 = arith.mulf %mul3A_1900, %add3A_1963 : vector<16xf32>
      %add3A_1965 = arith.addf %add3A_1818, %mul3A_1964 : vector<16xf32>
      %get3A_1966 = arith.constant 0 : i32
      %get3A_1967 = arith.index_cast %get3A_1966 : i32 to index
      %get3A_1968 = arith.constant 208 : index
      %get3A_1969 = tpu.vector_load %arg7[%get3A_1967, %get3A_1968] {strides = array<i32>} : memref<16x512xf32, #tpu.memory_space<vmem>>, vector<16xf32>,
      %get3A_1970 = arith.constant 1 : i32
      %get3A_1971 = arith.index_cast %get3A_1970 : i32 to index
      %get3A_1972 = arith.constant 208 : index
      %get3A_1973 = tpu.vector_load %arg7[%get3A_1971, %get3A_1972] {strides = array<i32>} : memref<16x512xf32, #tpu.memory_space<vmem>>, vector<16xf32>,
      %add3A_1974 = arith.addf %get3A_1969, %get3A_1973 : vector<16xf32>
      %get3A_1975 = arith.constant 2 : i32
      %get3A_1976 = arith.index_cast %get3A_1975 : i32 to index
      %get3A_1977 = arith.constant 208 : index
      %get3A_1978 = tpu.vector_load %arg7[%get3A_1976, %get3A_1977] {strides = array<i32>} : memref<16x512xf32, #tpu.memory_space<vmem>>, vector<16xf32>,
      %add3A_1979 = arith.addf %add3A_1974, %get3A_1978 : vector<16xf32>
      %get3A_1980 = arith.constant 3 : i32
      %get3A_1981 = arith.index_cast %get3A_1980 : i32 to index
      %get3A_1982 = arith.constant 208 : index
      %get3A_1983 = tpu.vector_load %arg7[%get3A_1981, %get3A_1982] {strides = array<i32>} : memref<16x512xf32, #tpu.memory_space<vmem>>, vector<16xf32>,
      %add3A_1984 = arith.addf %add3A_1979, %get3A_1983 : vector<16xf32>
      %get3A_1985 = arith.constant 4 : i32
      %get3A_1986 = arith.index_cast %get3A_1985 : i32 to index
      %get3A_1987 = arith.constant 208 : index
      %get3A_1988 = tpu.vector_load %arg7[%get3A_1986, %get3A_1987] {strides = array<i32>} : memref<16x512xf32, #tpu.memory_space<vmem>>, vector<16xf32>,
      %add3A_1989 = arith.addf %add3A_1984, %get3A_1988 : vector<16xf32>
      %get3A_1990 = arith.constant 5 : i32
      %get3A_1991 = arith.index_cast %get3A_1990 : i32 to index
      %get3A_1992 = arith.constant 208 : index
      %get3A_1993 = tpu.vector_load %arg7[%get3A_1991, %get3A_1992] {strides = array<i32>} : memref<16x512xf32, #tpu.memory_space<vmem>>, vector<16xf32>,
      %add3A_1994 = arith.addf %add3A_1989, %get3A_1993 : vector<16xf32>
      %get3A_1995 = arith.constant 6 : i32
      %get3A_1996 = arith.index_cast %get3A_1995 : i32 to index
      %get3A_1997 = arith.constant 208 : index
      %get3A_1998 = tpu.vector_load %arg7[%get3A_1996, %get3A_1997] {strides = array<i32>} : memref<16x512xf32, #tpu.memory_space<vmem>>, vector<16xf32>,
      %add3A_1999 = arith.addf %add3A_1994, %get3A_1998 : vector<16xf32>
      %get3A_2000 = arith.constant 7 : i32
      %get3A_2001 = arith.index_cast %get3A_2000 : i32 to index
      %get3A_2002 = arith.constant 208 : index
      %get3A_2003 = tpu.vector_load %arg7[%get3A_2001, %get3A_2002] {strides = array<i32>} : memref<16x512xf32, #tpu.memory_space<vmem>>, vector<16xf32>,
      %add3A_2004 = arith.addf %add3A_1999, %get3A_2003 : vector<16xf32>
      %get3A_2005 = arith.constant 8 : i32
      %get3A_2006 = arith.index_cast %get3A_2005 : i32 to index
      %get3A_2007 = arith.constant 208 : index
      %get3A_2008 = tpu.vector_load %arg7[%get3A_2006, %get3A_2007] {strides = array<i32>} : memref<16x512xf32, #tpu.memory_space<vmem>>, vector<16xf32>,
      %add3A_2009 = arith.addf %add3A_2004, %get3A_2008 : vector<16xf32>
      %get3A_2010 = arith.constant 9 : i32
      %get3A_2011 = arith.index_cast %get3A_2010 : i32 to index
      %get3A_2012 = arith.constant 208 : index
      %get3A_2013 = tpu.vector_load %arg7[%get3A_2011, %get3A_2012] {strides = array<i32>} : memref<16x512xf32, #tpu.memory_space<vmem>>, vector<16xf32>,
      %add3A_2014 = arith.addf %add3A_2009, %get3A_2013 : vector<16xf32>
      %get3A_2015 = arith.constant 10 : i32
      %get3A_2016 = arith.index_cast %get3A_2015 : i32 to index
      %get3A_2017 = arith.constant 208 : index
      %get3A_2018 = tpu.vector_load %arg7[%get3A_2016, %get3A_2017] {strides = array<i32>} : memref<16x512xf32, #tpu.memory_space<vmem>>, vector<16xf32>,
      %add3A_2019 = arith.addf %add3A_2014, %get3A_2018 : vector<16xf32>
      %get3A_2020 = arith.constant 11 : i32
      %get3A_2021 = arith.index_cast %get3A_2020 : i32 to index
      %get3A_2022 = arith.constant 208 : index
      %get3A_2023 = tpu.vector_load %arg7[%get3A_2021, %get3A_2022] {strides = array<i32>} : memref<16x512xf32, #tpu.memory_space<vmem>>, vector<16xf32>,
      %add3A_2024 = arith.addf %add3A_2019, %get3A_2023 : vector<16xf32>
      %get3A_2025 = arith.constant 12 : i32
      %get3A_2026 = arith.index_cast %get3A_2025 : i32 to index
      %get3A_2027 = arith.constant 208 : index
      %get3A_2028 = tpu.vector_load %arg7[%get3A_2026, %get3A_2027] {strides = array<i32>} : memref<16x512xf32, #tpu.memory_space<vmem>>, vector<16xf32>,
      %add3A_2029 = arith.addf %add3A_2024, %get3A_2028 : vector<16xf32>
      %get3A_2030 = arith.constant 13 : i32
      %get3A_2031 = arith.index_cast %get3A_2030 : i32 to index
      %get3A_2032 = arith.constant 208 : index
      %get3A_2033 = tpu.vector_load %arg7[%get3A_2031, %get3A_2032] {strides = array<i32>} : memref<16x512xf32, #tpu.memory_space<vmem>>, vector<16xf32>,
      %add3A_2034 = arith.addf %add3A_2029, %get3A_2033 : vector<16xf32>
      %get3A_2035 = arith.constant 14 : i32
      %get3A_2036 = arith.index_cast %get3A_2035 : i32 to index
      %get3A_2037 = arith.constant 208 : index
      %get3A_2038 = tpu.vector_load %arg7[%get3A_2036, %get3A_2037] {strides = array<i32>} : memref<16x512xf32, #tpu.memory_space<vmem>>, vector<16xf32>,
      %add3A_2039 = arith.addf %add3A_2034, %get3A_2038 : vector<16xf32>
      %get3A_2040 = arith.constant 15 : i32
      %get3A_2041 = arith.index_cast %get3A_2040 : i32 to index
      %get3A_2042 = arith.constant 208 : index
      %get3A_2043 = tpu.vector_load %arg7[%get3A_2041, %get3A_2042] {strides = array<i32>} : memref<16x512xf32, #tpu.memory_space<vmem>>, vector<16xf32>,
      %add3A_2044 = arith.addf %add3A_2039, %get3A_2043 : vector<16xf32>
      %mul3A_2045 = arith.constant 4.34027781E-4 : f32
      %mul3A_2046 = vector.broadcast %mul3A_2045 : f32 to vector<16xf32>
      %mul3A_2047 = arith.mulf %add3A_2044, %mul3A_2046 : vector<16xf32>
      %add3A_2048 = arith.constant 1.000000e-10 : f32
      %add3A_2049 = vector.broadcast %add3A_2048 : f32 to vector<16xf32>
      %add3A_2050 = arith.addf %mul3A_2047, %add3A_2049 : vector<16xf32>
      %bitcast3A_2051 = vector.bitcast %add3A_2050 : vector<16xf32> to vector<16xi32>
      %shift_right_arithmetic3A_2052 = arith.constant 23 : i32
      %shift_right_arithmetic3A_2053 = vector.broadcast %shift_right_arithmetic3A_2052 : i32 to vector<16xi32>
      %shift_right_arithmetic3A_2054 = arith.shrsi %bitcast3A_2051, %shift_right_arithmetic3A_2053 : vector<16xi32>
      %sub3A_2055 = arith.constant 127 : i32
      %sub3A_2056 = vector.broadcast %sub3A_2055 : i32 to vector<16xi32>
      %sub3A_2057 = arith.subi %shift_right_arithmetic3A_2054, %sub3A_2056 : vector<16xi32>
      %and3A_2058 = arith.constant 8388607 : i32
      %and3A_2059 = vector.broadcast %and3A_2058 : i32 to vector<16xi32>
      %and3A_2060 = arith.andi %bitcast3A_2051, %and3A_2059 : vector<16xi32>
      %or3A_2061 = arith.constant 1065353216 : i32
      %or3A_2062 = vector.broadcast %or3A_2061 : i32 to vector<16xi32>
      %or3A_2063 = arith.ori %and3A_2060, %or3A_2062 : vector<16xi32>
      %bitcast3A_2064 = vector.bitcast %or3A_2063 : vector<16xi32> to vector<16xf32>
      %gt3A_2065 = arith.constant 1.41421354 : f32
      %gt3A_2066 = vector.broadcast %gt3A_2065 : f32 to vector<16xf32>
      %gt3A_2067 = arith.cmpf ogt, %bitcast3A_2064, %gt3A_2066 : vector<16xf32>
      %mul3A_2068 = arith.constant 5.000000e-01 : f32
      %mul3A_2069 = vector.broadcast %mul3A_2068 : f32 to vector<16xf32>
      %mul3A_2070 = arith.mulf %bitcast3A_2064, %mul3A_2069 : vector<16xf32>
      %select_n3A_2071 = arith.select %gt3A_2067, %mul3A_2070, %bitcast3A_2064 : vector<16xi1>, vector<16xf32>
      %add3A_2072 = arith.constant 1 : i32
      %add3A_2073 = vector.broadcast %add3A_2072 : i32 to vector<16xi32>
      %add3A_2074 = arith.addi %sub3A_2057, %add3A_2073 : vector<16xi32>
      %select_n3A_2075 = arith.select %gt3A_2067, %add3A_2074, %sub3A_2057 : vector<16xi1>, vector<16xi32>
      %sub3A_2076 = arith.constant 1.000000e+00 : f32
      %sub3A_2077 = vector.broadcast %sub3A_2076 : f32 to vector<16xf32>
      %sub3A_2078 = arith.subf %select_n3A_2071, %sub3A_2077 : vector<16xf32>
      %add3A_2079 = arith.constant 1.000000e+00 : f32
      %add3A_2080 = vector.broadcast %add3A_2079 : f32 to vector<16xf32>
      %add3A_2081 = arith.addf %select_n3A_2071, %add3A_2080 : vector<16xf32>
      %div3A_2082 = arith.divf %sub3A_2078, %add3A_2081 : vector<16xf32>
      %mul3A_2083 = arith.mulf %div3A_2082, %div3A_2082 : vector<16xf32>
      %mul3A_2084 = arith.constant 0.111111112 : f32
      %mul3A_2085 = vector.broadcast %mul3A_2084 : f32 to vector<16xf32>
      %mul3A_2086 = arith.mulf %mul3A_2085, %mul3A_2083 : vector<16xf32>
      %add3A_2087 = arith.constant 0.142857149 : f32
      %add3A_2088 = vector.broadcast %add3A_2087 : f32 to vector<16xf32>
      %add3A_2089 = arith.addf %mul3A_2086, %add3A_2088 : vector<16xf32>
      %mul3A_2090 = arith.mulf %add3A_2089, %mul3A_2083 : vector<16xf32>
      %add3A_2091 = arith.constant 2.000000e-01 : f32
      %add3A_2092 = vector.broadcast %add3A_2091 : f32 to vector<16xf32>
      %add3A_2093 = arith.addf %mul3A_2090, %add3A_2092 : vector<16xf32>
      %mul3A_2094 = arith.mulf %add3A_2093, %mul3A_2083 : vector<16xf32>
      %add3A_2095 = arith.constant 0.333333343 : f32
      %add3A_2096 = vector.broadcast %add3A_2095 : f32 to vector<16xf32>
      %add3A_2097 = arith.addf %mul3A_2094, %add3A_2096 : vector<16xf32>
      %mul3A_2098 = arith.mulf %add3A_2097, %mul3A_2083 : vector<16xf32>
      %add3A_2099 = arith.constant 1.000000e+00 : f32
      %add3A_2100 = vector.broadcast %add3A_2099 : f32 to vector<16xf32>
      %add3A_2101 = arith.addf %mul3A_2098, %add3A_2100 : vector<16xf32>
      %convert_element_type3A_2102 = arith.sitofp %select_n3A_2075 : vector<16xi32> to vector<16xf32>
      %mul3A_2103 = arith.constant 0.693147182 : f32
      %mul3A_2104 = vector.broadcast %mul3A_2103 : f32 to vector<16xf32>
      %mul3A_2105 = arith.mulf %convert_element_type3A_2102, %mul3A_2104 : vector<16xf32>
      %mul3A_2106 = arith.constant 2.000000e+00 : f32
      %mul3A_2107 = vector.broadcast %mul3A_2106 : f32 to vector<16xf32>
      %mul3A_2108 = arith.mulf %mul3A_2107, %div3A_2082 : vector<16xf32>
      %mul3A_2109 = arith.mulf %mul3A_2108, %add3A_2101 : vector<16xf32>
      %add3A_2110 = arith.addf %mul3A_2105, %mul3A_2109 : vector<16xf32>
      %mul3A_2111 = arith.mulf %mul3A_2047, %add3A_2110 : vector<16xf32>
      %add3A_2112 = arith.addf %add3A_1965, %mul3A_2111 : vector<16xf32>
      %get3A_2113 = arith.constant 0 : i32
      %get3A_2114 = arith.index_cast %get3A_2113 : i32 to index
      %get3A_2115 = arith.constant 224 : index
      %get3A_2116 = tpu.vector_load %arg7[%get3A_2114, %get3A_2115] {strides = array<i32>} : memref<16x512xf32, #tpu.memory_space<vmem>>, vector<16xf32>,
      %get3A_2117 = arith.constant 1 : i32
      %get3A_2118 = arith.index_cast %get3A_2117 : i32 to index
      %get3A_2119 = arith.constant 224 : index
      %get3A_2120 = tpu.vector_load %arg7[%get3A_2118, %get3A_2119] {strides = array<i32>} : memref<16x512xf32, #tpu.memory_space<vmem>>, vector<16xf32>,
      %add3A_2121 = arith.addf %get3A_2116, %get3A_2120 : vector<16xf32>
      %get3A_2122 = arith.constant 2 : i32
      %get3A_2123 = arith.index_cast %get3A_2122 : i32 to index
      %get3A_2124 = arith.constant 224 : index
      %get3A_2125 = tpu.vector_load %arg7[%get3A_2123, %get3A_2124] {strides = array<i32>} : memref<16x512xf32, #tpu.memory_space<vmem>>, vector<16xf32>,
      %add3A_2126 = arith.addf %add3A_2121, %get3A_2125 : vector<16xf32>
      %get3A_2127 = arith.constant 3 : i32
      %get3A_2128 = arith.index_cast %get3A_2127 : i32 to index
      %get3A_2129 = arith.constant 224 : index
      %get3A_2130 = tpu.vector_load %arg7[%get3A_2128, %get3A_2129] {strides = array<i32>} : memref<16x512xf32, #tpu.memory_space<vmem>>, vector<16xf32>,
      %add3A_2131 = arith.addf %add3A_2126, %get3A_2130 : vector<16xf32>
      %get3A_2132 = arith.constant 4 : i32
      %get3A_2133 = arith.index_cast %get3A_2132 : i32 to index
      %get3A_2134 = arith.constant 224 : index
      %get3A_2135 = tpu.vector_load %arg7[%get3A_2133, %get3A_2134] {strides = array<i32>} : memref<16x512xf32, #tpu.memory_space<vmem>>, vector<16xf32>,
      %add3A_2136 = arith.addf %add3A_2131, %get3A_2135 : vector<16xf32>
      %get3A_2137 = arith.constant 5 : i32
      %get3A_2138 = arith.index_cast %get3A_2137 : i32 to index
      %get3A_2139 = arith.constant 224 : index
      %get3A_2140 = tpu.vector_load %arg7[%get3A_2138, %get3A_2139] {strides = array<i32>} : memref<16x512xf32, #tpu.memory_space<vmem>>, vector<16xf32>,
      %add3A_2141 = arith.addf %add3A_2136, %get3A_2140 : vector<16xf32>
      %get3A_2142 = arith.constant 6 : i32
      %get3A_2143 = arith.index_cast %get3A_2142 : i32 to index
      %get3A_2144 = arith.constant 224 : index
      %get3A_2145 = tpu.vector_load %arg7[%get3A_2143, %get3A_2144] {strides = array<i32>} : memref<16x512xf32, #tpu.memory_space<vmem>>, vector<16xf32>,
      %add3A_2146 = arith.addf %add3A_2141, %get3A_2145 : vector<16xf32>
      %get3A_2147 = arith.constant 7 : i32
      %get3A_2148 = arith.index_cast %get3A_2147 : i32 to index
      %get3A_2149 = arith.constant 224 : index
      %get3A_2150 = tpu.vector_load %arg7[%get3A_2148, %get3A_2149] {strides = array<i32>} : memref<16x512xf32, #tpu.memory_space<vmem>>, vector<16xf32>,
      %add3A_2151 = arith.addf %add3A_2146, %get3A_2150 : vector<16xf32>
      %get3A_2152 = arith.constant 8 : i32
      %get3A_2153 = arith.index_cast %get3A_2152 : i32 to index
      %get3A_2154 = arith.constant 224 : index
      %get3A_2155 = tpu.vector_load %arg7[%get3A_2153, %get3A_2154] {strides = array<i32>} : memref<16x512xf32, #tpu.memory_space<vmem>>, vector<16xf32>,
      %add3A_2156 = arith.addf %add3A_2151, %get3A_2155 : vector<16xf32>
      %get3A_2157 = arith.constant 9 : i32
      %get3A_2158 = arith.index_cast %get3A_2157 : i32 to index
      %get3A_2159 = arith.constant 224 : index
      %get3A_2160 = tpu.vector_load %arg7[%get3A_2158, %get3A_2159] {strides = array<i32>} : memref<16x512xf32, #tpu.memory_space<vmem>>, vector<16xf32>,
      %add3A_2161 = arith.addf %add3A_2156, %get3A_2160 : vector<16xf32>
      %get3A_2162 = arith.constant 10 : i32
      %get3A_2163 = arith.index_cast %get3A_2162 : i32 to index
      %get3A_2164 = arith.constant 224 : index
      %get3A_2165 = tpu.vector_load %arg7[%get3A_2163, %get3A_2164] {strides = array<i32>} : memref<16x512xf32, #tpu.memory_space<vmem>>, vector<16xf32>,
      %add3A_2166 = arith.addf %add3A_2161, %get3A_2165 : vector<16xf32>
      %get3A_2167 = arith.constant 11 : i32
      %get3A_2168 = arith.index_cast %get3A_2167 : i32 to index
      %get3A_2169 = arith.constant 224 : index
      %get3A_2170 = tpu.vector_load %arg7[%get3A_2168, %get3A_2169] {strides = array<i32>} : memref<16x512xf32, #tpu.memory_space<vmem>>, vector<16xf32>,
      %add3A_2171 = arith.addf %add3A_2166, %get3A_2170 : vector<16xf32>
      %get3A_2172 = arith.constant 12 : i32
      %get3A_2173 = arith.index_cast %get3A_2172 : i32 to index
      %get3A_2174 = arith.constant 224 : index
      %get3A_2175 = tpu.vector_load %arg7[%get3A_2173, %get3A_2174] {strides = array<i32>} : memref<16x512xf32, #tpu.memory_space<vmem>>, vector<16xf32>,
      %add3A_2176 = arith.addf %add3A_2171, %get3A_2175 : vector<16xf32>
      %get3A_2177 = arith.constant 13 : i32
      %get3A_2178 = arith.index_cast %get3A_2177 : i32 to index
      %get3A_2179 = arith.constant 224 : index
      %get3A_2180 = tpu.vector_load %arg7[%get3A_2178, %get3A_2179] {strides = array<i32>} : memref<16x512xf32, #tpu.memory_space<vmem>>, vector<16xf32>,
      %add3A_2181 = arith.addf %add3A_2176, %get3A_2180 : vector<16xf32>
      %get3A_2182 = arith.constant 14 : i32
      %get3A_2183 = arith.index_cast %get3A_2182 : i32 to index
      %get3A_2184 = arith.constant 224 : index
      %get3A_2185 = tpu.vector_load %arg7[%get3A_2183, %get3A_2184] {strides = array<i32>} : memref<16x512xf32, #tpu.memory_space<vmem>>, vector<16xf32>,
      %add3A_2186 = arith.addf %add3A_2181, %get3A_2185 : vector<16xf32>
      %get3A_2187 = arith.constant 15 : i32
      %get3A_2188 = arith.index_cast %get3A_2187 : i32 to index
      %get3A_2189 = arith.constant 224 : index
      %get3A_2190 = tpu.vector_load %arg7[%get3A_2188, %get3A_2189] {strides = array<i32>} : memref<16x512xf32, #tpu.memory_space<vmem>>, vector<16xf32>,
      %add3A_2191 = arith.addf %add3A_2186, %get3A_2190 : vector<16xf32>
      %mul3A_2192 = arith.constant 4.34027781E-4 : f32
      %mul3A_2193 = vector.broadcast %mul3A_2192 : f32 to vector<16xf32>
      %mul3A_2194 = arith.mulf %add3A_2191, %mul3A_2193 : vector<16xf32>
      %add3A_2195 = arith.constant 1.000000e-10 : f32
      %add3A_2196 = vector.broadcast %add3A_2195 : f32 to vector<16xf32>
      %add3A_2197 = arith.addf %mul3A_2194, %add3A_2196 : vector<16xf32>
      %bitcast3A_2198 = vector.bitcast %add3A_2197 : vector<16xf32> to vector<16xi32>
      %shift_right_arithmetic3A_2199 = arith.constant 23 : i32
      %shift_right_arithmetic3A_2200 = vector.broadcast %shift_right_arithmetic3A_2199 : i32 to vector<16xi32>
      %shift_right_arithmetic3A_2201 = arith.shrsi %bitcast3A_2198, %shift_right_arithmetic3A_2200 : vector<16xi32>
      %sub3A_2202 = arith.constant 127 : i32
      %sub3A_2203 = vector.broadcast %sub3A_2202 : i32 to vector<16xi32>
      %sub3A_2204 = arith.subi %shift_right_arithmetic3A_2201, %sub3A_2203 : vector<16xi32>
      %and3A_2205 = arith.constant 8388607 : i32
      %and3A_2206 = vector.broadcast %and3A_2205 : i32 to vector<16xi32>
      %and3A_2207 = arith.andi %bitcast3A_2198, %and3A_2206 : vector<16xi32>
      %or3A_2208 = arith.constant 1065353216 : i32
      %or3A_2209 = vector.broadcast %or3A_2208 : i32 to vector<16xi32>
      %or3A_2210 = arith.ori %and3A_2207, %or3A_2209 : vector<16xi32>
      %bitcast3A_2211 = vector.bitcast %or3A_2210 : vector<16xi32> to vector<16xf32>
      %gt3A_2212 = arith.constant 1.41421354 : f32
      %gt3A_2213 = vector.broadcast %gt3A_2212 : f32 to vector<16xf32>
      %gt3A_2214 = arith.cmpf ogt, %bitcast3A_2211, %gt3A_2213 : vector<16xf32>
      %mul3A_2215 = arith.constant 5.000000e-01 : f32
      %mul3A_2216 = vector.broadcast %mul3A_2215 : f32 to vector<16xf32>
      %mul3A_2217 = arith.mulf %bitcast3A_2211, %mul3A_2216 : vector<16xf32>
      %select_n3A_2218 = arith.select %gt3A_2214, %mul3A_2217, %bitcast3A_2211 : vector<16xi1>, vector<16xf32>
      %add3A_2219 = arith.constant 1 : i32
      %add3A_2220 = vector.broadcast %add3A_2219 : i32 to vector<16xi32>
      %add3A_2221 = arith.addi %sub3A_2204, %add3A_2220 : vector<16xi32>
      %select_n3A_2222 = arith.select %gt3A_2214, %add3A_2221, %sub3A_2204 : vector<16xi1>, vector<16xi32>
      %sub3A_2223 = arith.constant 1.000000e+00 : f32
      %sub3A_2224 = vector.broadcast %sub3A_2223 : f32 to vector<16xf32>
      %sub3A_2225 = arith.subf %select_n3A_2218, %sub3A_2224 : vector<16xf32>
      %add3A_2226 = arith.constant 1.000000e+00 : f32
      %add3A_2227 = vector.broadcast %add3A_2226 : f32 to vector<16xf32>
      %add3A_2228 = arith.addf %select_n3A_2218, %add3A_2227 : vector<16xf32>
      %div3A_2229 = arith.divf %sub3A_2225, %add3A_2228 : vector<16xf32>
      %mul3A_2230 = arith.mulf %div3A_2229, %div3A_2229 : vector<16xf32>
      %mul3A_2231 = arith.constant 0.111111112 : f32
      %mul3A_2232 = vector.broadcast %mul3A_2231 : f32 to vector<16xf32>
      %mul3A_2233 = arith.mulf %mul3A_2232, %mul3A_2230 : vector<16xf32>
      %add3A_2234 = arith.constant 0.142857149 : f32
      %add3A_2235 = vector.broadcast %add3A_2234 : f32 to vector<16xf32>
      %add3A_2236 = arith.addf %mul3A_2233, %add3A_2235 : vector<16xf32>
      %mul3A_2237 = arith.mulf %add3A_2236, %mul3A_2230 : vector<16xf32>
      %add3A_2238 = arith.constant 2.000000e-01 : f32
      %add3A_2239 = vector.broadcast %add3A_2238 : f32 to vector<16xf32>
      %add3A_2240 = arith.addf %mul3A_2237, %add3A_2239 : vector<16xf32>
      %mul3A_2241 = arith.mulf %add3A_2240, %mul3A_2230 : vector<16xf32>
      %add3A_2242 = arith.constant 0.333333343 : f32
      %add3A_2243 = vector.broadcast %add3A_2242 : f32 to vector<16xf32>
      %add3A_2244 = arith.addf %mul3A_2241, %add3A_2243 : vector<16xf32>
      %mul3A_2245 = arith.mulf %add3A_2244, %mul3A_2230 : vector<16xf32>
      %add3A_2246 = arith.constant 1.000000e+00 : f32
      %add3A_2247 = vector.broadcast %add3A_2246 : f32 to vector<16xf32>
      %add3A_2248 = arith.addf %mul3A_2245, %add3A_2247 : vector<16xf32>
      %convert_element_type3A_2249 = arith.sitofp %select_n3A_2222 : vector<16xi32> to vector<16xf32>
      %mul3A_2250 = arith.constant 0.693147182 : f32
      %mul3A_2251 = vector.broadcast %mul3A_2250 : f32 to vector<16xf32>
      %mul3A_2252 = arith.mulf %convert_element_type3A_2249, %mul3A_2251 : vector<16xf32>
      %mul3A_2253 = arith.constant 2.000000e+00 : f32
      %mul3A_2254 = vector.broadcast %mul3A_2253 : f32 to vector<16xf32>
      %mul3A_2255 = arith.mulf %mul3A_2254, %div3A_2229 : vector<16xf32>
      %mul3A_2256 = arith.mulf %mul3A_2255, %add3A_2248 : vector<16xf32>
      %add3A_2257 = arith.addf %mul3A_2252, %mul3A_2256 : vector<16xf32>
      %mul3A_2258 = arith.mulf %mul3A_2194, %add3A_2257 : vector<16xf32>
      %add3A_2259 = arith.addf %add3A_2112, %mul3A_2258 : vector<16xf32>
      %get3A_2260 = arith.constant 0 : i32
      %get3A_2261 = arith.index_cast %get3A_2260 : i32 to index
      %get3A_2262 = arith.constant 240 : index
      %get3A_2263 = tpu.vector_load %arg7[%get3A_2261, %get3A_2262] {strides = array<i32>} : memref<16x512xf32, #tpu.memory_space<vmem>>, vector<16xf32>,
      %get3A_2264 = arith.constant 1 : i32
      %get3A_2265 = arith.index_cast %get3A_2264 : i32 to index
      %get3A_2266 = arith.constant 240 : index
      %get3A_2267 = tpu.vector_load %arg7[%get3A_2265, %get3A_2266] {strides = array<i32>} : memref<16x512xf32, #tpu.memory_space<vmem>>, vector<16xf32>,
      %add3A_2268 = arith.addf %get3A_2263, %get3A_2267 : vector<16xf32>
      %get3A_2269 = arith.constant 2 : i32
      %get3A_2270 = arith.index_cast %get3A_2269 : i32 to index
      %get3A_2271 = arith.constant 240 : index
      %get3A_2272 = tpu.vector_load %arg7[%get3A_2270, %get3A_2271] {strides = array<i32>} : memref<16x512xf32, #tpu.memory_space<vmem>>, vector<16xf32>,
      %add3A_2273 = arith.addf %add3A_2268, %get3A_2272 : vector<16xf32>
      %get3A_2274 = arith.constant 3 : i32
      %get3A_2275 = arith.index_cast %get3A_2274 : i32 to index
      %get3A_2276 = arith.constant 240 : index
      %get3A_2277 = tpu.vector_load %arg7[%get3A_2275, %get3A_2276] {strides = array<i32>} : memref<16x512xf32, #tpu.memory_space<vmem>>, vector<16xf32>,
      %add3A_2278 = arith.addf %add3A_2273, %get3A_2277 : vector<16xf32>
      %get3A_2279 = arith.constant 4 : i32
      %get3A_2280 = arith.index_cast %get3A_2279 : i32 to index
      %get3A_2281 = arith.constant 240 : index
      %get3A_2282 = tpu.vector_load %arg7[%get3A_2280, %get3A_2281] {strides = array<i32>} : memref<16x512xf32, #tpu.memory_space<vmem>>, vector<16xf32>,
      %add3A_2283 = arith.addf %add3A_2278, %get3A_2282 : vector<16xf32>
      %get3A_2284 = arith.constant 5 : i32
      %get3A_2285 = arith.index_cast %get3A_2284 : i32 to index
      %get3A_2286 = arith.constant 240 : index
      %get3A_2287 = tpu.vector_load %arg7[%get3A_2285, %get3A_2286] {strides = array<i32>} : memref<16x512xf32, #tpu.memory_space<vmem>>, vector<16xf32>,
      %add3A_2288 = arith.addf %add3A_2283, %get3A_2287 : vector<16xf32>
      %get3A_2289 = arith.constant 6 : i32
      %get3A_2290 = arith.index_cast %get3A_2289 : i32 to index
      %get3A_2291 = arith.constant 240 : index
      %get3A_2292 = tpu.vector_load %arg7[%get3A_2290, %get3A_2291] {strides = array<i32>} : memref<16x512xf32, #tpu.memory_space<vmem>>, vector<16xf32>,
      %add3A_2293 = arith.addf %add3A_2288, %get3A_2292 : vector<16xf32>
      %get3A_2294 = arith.constant 7 : i32
      %get3A_2295 = arith.index_cast %get3A_2294 : i32 to index
      %get3A_2296 = arith.constant 240 : index
      %get3A_2297 = tpu.vector_load %arg7[%get3A_2295, %get3A_2296] {strides = array<i32>} : memref<16x512xf32, #tpu.memory_space<vmem>>, vector<16xf32>,
      %add3A_2298 = arith.addf %add3A_2293, %get3A_2297 : vector<16xf32>
      %get3A_2299 = arith.constant 8 : i32
      %get3A_2300 = arith.index_cast %get3A_2299 : i32 to index
      %get3A_2301 = arith.constant 240 : index
      %get3A_2302 = tpu.vector_load %arg7[%get3A_2300, %get3A_2301] {strides = array<i32>} : memref<16x512xf32, #tpu.memory_space<vmem>>, vector<16xf32>,
      %add3A_2303 = arith.addf %add3A_2298, %get3A_2302 : vector<16xf32>
      %get3A_2304 = arith.constant 9 : i32
      %get3A_2305 = arith.index_cast %get3A_2304 : i32 to index
      %get3A_2306 = arith.constant 240 : index
      %get3A_2307 = tpu.vector_load %arg7[%get3A_2305, %get3A_2306] {strides = array<i32>} : memref<16x512xf32, #tpu.memory_space<vmem>>, vector<16xf32>,
      %add3A_2308 = arith.addf %add3A_2303, %get3A_2307 : vector<16xf32>
      %get3A_2309 = arith.constant 10 : i32
      %get3A_2310 = arith.index_cast %get3A_2309 : i32 to index
      %get3A_2311 = arith.constant 240 : index
      %get3A_2312 = tpu.vector_load %arg7[%get3A_2310, %get3A_2311] {strides = array<i32>} : memref<16x512xf32, #tpu.memory_space<vmem>>, vector<16xf32>,
      %add3A_2313 = arith.addf %add3A_2308, %get3A_2312 : vector<16xf32>
      %get3A_2314 = arith.constant 11 : i32
      %get3A_2315 = arith.index_cast %get3A_2314 : i32 to index
      %get3A_2316 = arith.constant 240 : index
      %get3A_2317 = tpu.vector_load %arg7[%get3A_2315, %get3A_2316] {strides = array<i32>} : memref<16x512xf32, #tpu.memory_space<vmem>>, vector<16xf32>,
      %add3A_2318 = arith.addf %add3A_2313, %get3A_2317 : vector<16xf32>
      %get3A_2319 = arith.constant 12 : i32
      %get3A_2320 = arith.index_cast %get3A_2319 : i32 to index
      %get3A_2321 = arith.constant 240 : index
      %get3A_2322 = tpu.vector_load %arg7[%get3A_2320, %get3A_2321] {strides = array<i32>} : memref<16x512xf32, #tpu.memory_space<vmem>>, vector<16xf32>,
      %add3A_2323 = arith.addf %add3A_2318, %get3A_2322 : vector<16xf32>
      %get3A_2324 = arith.constant 13 : i32
      %get3A_2325 = arith.index_cast %get3A_2324 : i32 to index
      %get3A_2326 = arith.constant 240 : index
      %get3A_2327 = tpu.vector_load %arg7[%get3A_2325, %get3A_2326] {strides = array<i32>} : memref<16x512xf32, #tpu.memory_space<vmem>>, vector<16xf32>,
      %add3A_2328 = arith.addf %add3A_2323, %get3A_2327 : vector<16xf32>
      %get3A_2329 = arith.constant 14 : i32
      %get3A_2330 = arith.index_cast %get3A_2329 : i32 to index
      %get3A_2331 = arith.constant 240 : index
      %get3A_2332 = tpu.vector_load %arg7[%get3A_2330, %get3A_2331] {strides = array<i32>} : memref<16x512xf32, #tpu.memory_space<vmem>>, vector<16xf32>,
      %add3A_2333 = arith.addf %add3A_2328, %get3A_2332 : vector<16xf32>
      %get3A_2334 = arith.constant 15 : i32
      %get3A_2335 = arith.index_cast %get3A_2334 : i32 to index
      %get3A_2336 = arith.constant 240 : index
      %get3A_2337 = tpu.vector_load %arg7[%get3A_2335, %get3A_2336] {strides = array<i32>} : memref<16x512xf32, #tpu.memory_space<vmem>>, vector<16xf32>,
      %add3A_2338 = arith.addf %add3A_2333, %get3A_2337 : vector<16xf32>
      %mul3A_2339 = arith.constant 4.34027781E-4 : f32
      %mul3A_2340 = vector.broadcast %mul3A_2339 : f32 to vector<16xf32>
      %mul3A_2341 = arith.mulf %add3A_2338, %mul3A_2340 : vector<16xf32>
      %add3A_2342 = arith.constant 1.000000e-10 : f32
      %add3A_2343 = vector.broadcast %add3A_2342 : f32 to vector<16xf32>
      %add3A_2344 = arith.addf %mul3A_2341, %add3A_2343 : vector<16xf32>
      %bitcast3A_2345 = vector.bitcast %add3A_2344 : vector<16xf32> to vector<16xi32>
      %shift_right_arithmetic3A_2346 = arith.constant 23 : i32
      %shift_right_arithmetic3A_2347 = vector.broadcast %shift_right_arithmetic3A_2346 : i32 to vector<16xi32>
      %shift_right_arithmetic3A_2348 = arith.shrsi %bitcast3A_2345, %shift_right_arithmetic3A_2347 : vector<16xi32>
      %sub3A_2349 = arith.constant 127 : i32
      %sub3A_2350 = vector.broadcast %sub3A_2349 : i32 to vector<16xi32>
      %sub3A_2351 = arith.subi %shift_right_arithmetic3A_2348, %sub3A_2350 : vector<16xi32>
      %and3A_2352 = arith.constant 8388607 : i32
      %and3A_2353 = vector.broadcast %and3A_2352 : i32 to vector<16xi32>
      %and3A_2354 = arith.andi %bitcast3A_2345, %and3A_2353 : vector<16xi32>
      %or3A_2355 = arith.constant 1065353216 : i32
      %or3A_2356 = vector.broadcast %or3A_2355 : i32 to vector<16xi32>
      %or3A_2357 = arith.ori %and3A_2354, %or3A_2356 : vector<16xi32>
      %bitcast3A_2358 = vector.bitcast %or3A_2357 : vector<16xi32> to vector<16xf32>
      %gt3A_2359 = arith.constant 1.41421354 : f32
      %gt3A_2360 = vector.broadcast %gt3A_2359 : f32 to vector<16xf32>
      %gt3A_2361 = arith.cmpf ogt, %bitcast3A_2358, %gt3A_2360 : vector<16xf32>
      %mul3A_2362 = arith.constant 5.000000e-01 : f32
      %mul3A_2363 = vector.broadcast %mul3A_2362 : f32 to vector<16xf32>
      %mul3A_2364 = arith.mulf %bitcast3A_2358, %mul3A_2363 : vector<16xf32>
      %select_n3A_2365 = arith.select %gt3A_2361, %mul3A_2364, %bitcast3A_2358 : vector<16xi1>, vector<16xf32>
      %add3A_2366 = arith.constant 1 : i32
      %add3A_2367 = vector.broadcast %add3A_2366 : i32 to vector<16xi32>
      %add3A_2368 = arith.addi %sub3A_2351, %add3A_2367 : vector<16xi32>
      %select_n3A_2369 = arith.select %gt3A_2361, %add3A_2368, %sub3A_2351 : vector<16xi1>, vector<16xi32>
      %sub3A_2370 = arith.constant 1.000000e+00 : f32
      %sub3A_2371 = vector.broadcast %sub3A_2370 : f32 to vector<16xf32>
      %sub3A_2372 = arith.subf %select_n3A_2365, %sub3A_2371 : vector<16xf32>
      %add3A_2373 = arith.constant 1.000000e+00 : f32
      %add3A_2374 = vector.broadcast %add3A_2373 : f32 to vector<16xf32>
      %add3A_2375 = arith.addf %select_n3A_2365, %add3A_2374 : vector<16xf32>
      %div3A_2376 = arith.divf %sub3A_2372, %add3A_2375 : vector<16xf32>
      %mul3A_2377 = arith.mulf %div3A_2376, %div3A_2376 : vector<16xf32>
      %mul3A_2378 = arith.constant 0.111111112 : f32
      %mul3A_2379 = vector.broadcast %mul3A_2378 : f32 to vector<16xf32>
      %mul3A_2380 = arith.mulf %mul3A_2379, %mul3A_2377 : vector<16xf32>
      %add3A_2381 = arith.constant 0.142857149 : f32
      %add3A_2382 = vector.broadcast %add3A_2381 : f32 to vector<16xf32>
      %add3A_2383 = arith.addf %mul3A_2380, %add3A_2382 : vector<16xf32>
      %mul3A_2384 = arith.mulf %add3A_2383, %mul3A_2377 : vector<16xf32>
      %add3A_2385 = arith.constant 2.000000e-01 : f32
      %add3A_2386 = vector.broadcast %add3A_2385 : f32 to vector<16xf32>
      %add3A_2387 = arith.addf %mul3A_2384, %add3A_2386 : vector<16xf32>
      %mul3A_2388 = arith.mulf %add3A_2387, %mul3A_2377 : vector<16xf32>
      %add3A_2389 = arith.constant 0.333333343 : f32
      %add3A_2390 = vector.broadcast %add3A_2389 : f32 to vector<16xf32>
      %add3A_2391 = arith.addf %mul3A_2388, %add3A_2390 : vector<16xf32>
      %mul3A_2392 = arith.mulf %add3A_2391, %mul3A_2377 : vector<16xf32>
      %add3A_2393 = arith.constant 1.000000e+00 : f32
      %add3A_2394 = vector.broadcast %add3A_2393 : f32 to vector<16xf32>
      %add3A_2395 = arith.addf %mul3A_2392, %add3A_2394 : vector<16xf32>
      %convert_element_type3A_2396 = arith.sitofp %select_n3A_2369 : vector<16xi32> to vector<16xf32>
      %mul3A_2397 = arith.constant 0.693147182 : f32
      %mul3A_2398 = vector.broadcast %mul3A_2397 : f32 to vector<16xf32>
      %mul3A_2399 = arith.mulf %convert_element_type3A_2396, %mul3A_2398 : vector<16xf32>
      %mul3A_2400 = arith.constant 2.000000e+00 : f32
      %mul3A_2401 = vector.broadcast %mul3A_2400 : f32 to vector<16xf32>
      %mul3A_2402 = arith.mulf %mul3A_2401, %div3A_2376 : vector<16xf32>
      %mul3A_2403 = arith.mulf %mul3A_2402, %add3A_2395 : vector<16xf32>
      %add3A_2404 = arith.addf %mul3A_2399, %mul3A_2403 : vector<16xf32>
      %mul3A_2405 = arith.mulf %mul3A_2341, %add3A_2404 : vector<16xf32>
      %add3A_2406 = arith.addf %add3A_2259, %mul3A_2405 : vector<16xf32>
      %get3A_2407 = arith.constant 0 : i32
      %get3A_2408 = arith.index_cast %get3A_2407 : i32 to index
      %get3A_2409 = arith.constant 256 : index
      %get3A_2410 = tpu.vector_load %arg7[%get3A_2408, %get3A_2409] {strides = array<i32>} : memref<16x512xf32, #tpu.memory_space<vmem>>, vector<16xf32>,
      %get3A_2411 = arith.constant 1 : i32
      %get3A_2412 = arith.index_cast %get3A_2411 : i32 to index
      %get3A_2413 = arith.constant 256 : index
      %get3A_2414 = tpu.vector_load %arg7[%get3A_2412, %get3A_2413] {strides = array<i32>} : memref<16x512xf32, #tpu.memory_space<vmem>>, vector<16xf32>,
      %add3A_2415 = arith.addf %get3A_2410, %get3A_2414 : vector<16xf32>
      %get3A_2416 = arith.constant 2 : i32
      %get3A_2417 = arith.index_cast %get3A_2416 : i32 to index
      %get3A_2418 = arith.constant 256 : index
      %get3A_2419 = tpu.vector_load %arg7[%get3A_2417, %get3A_2418] {strides = array<i32>} : memref<16x512xf32, #tpu.memory_space<vmem>>, vector<16xf32>,
      %add3A_2420 = arith.addf %add3A_2415, %get3A_2419 : vector<16xf32>
      %get3A_2421 = arith.constant 3 : i32
      %get3A_2422 = arith.index_cast %get3A_2421 : i32 to index
      %get3A_2423 = arith.constant 256 : index
      %get3A_2424 = tpu.vector_load %arg7[%get3A_2422, %get3A_2423] {strides = array<i32>} : memref<16x512xf32, #tpu.memory_space<vmem>>, vector<16xf32>,
      %add3A_2425 = arith.addf %add3A_2420, %get3A_2424 : vector<16xf32>
      %get3A_2426 = arith.constant 4 : i32
      %get3A_2427 = arith.index_cast %get3A_2426 : i32 to index
      %get3A_2428 = arith.constant 256 : index
      %get3A_2429 = tpu.vector_load %arg7[%get3A_2427, %get3A_2428] {strides = array<i32>} : memref<16x512xf32, #tpu.memory_space<vmem>>, vector<16xf32>,
      %add3A_2430 = arith.addf %add3A_2425, %get3A_2429 : vector<16xf32>
      %get3A_2431 = arith.constant 5 : i32
      %get3A_2432 = arith.index_cast %get3A_2431 : i32 to index
      %get3A_2433 = arith.constant 256 : index
      %get3A_2434 = tpu.vector_load %arg7[%get3A_2432, %get3A_2433] {strides = array<i32>} : memref<16x512xf32, #tpu.memory_space<vmem>>, vector<16xf32>,
      %add3A_2435 = arith.addf %add3A_2430, %get3A_2434 : vector<16xf32>
      %get3A_2436 = arith.constant 6 : i32
      %get3A_2437 = arith.index_cast %get3A_2436 : i32 to index
      %get3A_2438 = arith.constant 256 : index
      %get3A_2439 = tpu.vector_load %arg7[%get3A_2437, %get3A_2438] {strides = array<i32>} : memref<16x512xf32, #tpu.memory_space<vmem>>, vector<16xf32>,
      %add3A_2440 = arith.addf %add3A_2435, %get3A_2439 : vector<16xf32>
      %get3A_2441 = arith.constant 7 : i32
      %get3A_2442 = arith.index_cast %get3A_2441 : i32 to index
      %get3A_2443 = arith.constant 256 : index
      %get3A_2444 = tpu.vector_load %arg7[%get3A_2442, %get3A_2443] {strides = array<i32>} : memref<16x512xf32, #tpu.memory_space<vmem>>, vector<16xf32>,
      %add3A_2445 = arith.addf %add3A_2440, %get3A_2444 : vector<16xf32>
      %get3A_2446 = arith.constant 8 : i32
      %get3A_2447 = arith.index_cast %get3A_2446 : i32 to index
      %get3A_2448 = arith.constant 256 : index
      %get3A_2449 = tpu.vector_load %arg7[%get3A_2447, %get3A_2448] {strides = array<i32>} : memref<16x512xf32, #tpu.memory_space<vmem>>, vector<16xf32>,
      %add3A_2450 = arith.addf %add3A_2445, %get3A_2449 : vector<16xf32>
      %get3A_2451 = arith.constant 9 : i32
      %get3A_2452 = arith.index_cast %get3A_2451 : i32 to index
      %get3A_2453 = arith.constant 256 : index
      %get3A_2454 = tpu.vector_load %arg7[%get3A_2452, %get3A_2453] {strides = array<i32>} : memref<16x512xf32, #tpu.memory_space<vmem>>, vector<16xf32>,
      %add3A_2455 = arith.addf %add3A_2450, %get3A_2454 : vector<16xf32>
      %get3A_2456 = arith.constant 10 : i32
      %get3A_2457 = arith.index_cast %get3A_2456 : i32 to index
      %get3A_2458 = arith.constant 256 : index
      %get3A_2459 = tpu.vector_load %arg7[%get3A_2457, %get3A_2458] {strides = array<i32>} : memref<16x512xf32, #tpu.memory_space<vmem>>, vector<16xf32>,
      %add3A_2460 = arith.addf %add3A_2455, %get3A_2459 : vector<16xf32>
      %get3A_2461 = arith.constant 11 : i32
      %get3A_2462 = arith.index_cast %get3A_2461 : i32 to index
      %get3A_2463 = arith.constant 256 : index
      %get3A_2464 = tpu.vector_load %arg7[%get3A_2462, %get3A_2463] {strides = array<i32>} : memref<16x512xf32, #tpu.memory_space<vmem>>, vector<16xf32>,
      %add3A_2465 = arith.addf %add3A_2460, %get3A_2464 : vector<16xf32>
      %get3A_2466 = arith.constant 12 : i32
      %get3A_2467 = arith.index_cast %get3A_2466 : i32 to index
      %get3A_2468 = arith.constant 256 : index
      %get3A_2469 = tpu.vector_load %arg7[%get3A_2467, %get3A_2468] {strides = array<i32>} : memref<16x512xf32, #tpu.memory_space<vmem>>, vector<16xf32>,
      %add3A_2470 = arith.addf %add3A_2465, %get3A_2469 : vector<16xf32>
      %get3A_2471 = arith.constant 13 : i32
      %get3A_2472 = arith.index_cast %get3A_2471 : i32 to index
      %get3A_2473 = arith.constant 256 : index
      %get3A_2474 = tpu.vector_load %arg7[%get3A_2472, %get3A_2473] {strides = array<i32>} : memref<16x512xf32, #tpu.memory_space<vmem>>, vector<16xf32>,
      %add3A_2475 = arith.addf %add3A_2470, %get3A_2474 : vector<16xf32>
      %get3A_2476 = arith.constant 14 : i32
      %get3A_2477 = arith.index_cast %get3A_2476 : i32 to index
      %get3A_2478 = arith.constant 256 : index
      %get3A_2479 = tpu.vector_load %arg7[%get3A_2477, %get3A_2478] {strides = array<i32>} : memref<16x512xf32, #tpu.memory_space<vmem>>, vector<16xf32>,
      %add3A_2480 = arith.addf %add3A_2475, %get3A_2479 : vector<16xf32>
      %get3A_2481 = arith.constant 15 : i32
      %get3A_2482 = arith.index_cast %get3A_2481 : i32 to index
      %get3A_2483 = arith.constant 256 : index
      %get3A_2484 = tpu.vector_load %arg7[%get3A_2482, %get3A_2483] {strides = array<i32>} : memref<16x512xf32, #tpu.memory_space<vmem>>, vector<16xf32>,
      %add3A_2485 = arith.addf %add3A_2480, %get3A_2484 : vector<16xf32>
      %mul3A_2486 = arith.constant 4.34027781E-4 : f32
      %mul3A_2487 = vector.broadcast %mul3A_2486 : f32 to vector<16xf32>
      %mul3A_2488 = arith.mulf %add3A_2485, %mul3A_2487 : vector<16xf32>
      %add3A_2489 = arith.constant 1.000000e-10 : f32
      %add3A_2490 = vector.broadcast %add3A_2489 : f32 to vector<16xf32>
      %add3A_2491 = arith.addf %mul3A_2488, %add3A_2490 : vector<16xf32>
      %bitcast3A_2492 = vector.bitcast %add3A_2491 : vector<16xf32> to vector<16xi32>
      %shift_right_arithmetic3A_2493 = arith.constant 23 : i32
      %shift_right_arithmetic3A_2494 = vector.broadcast %shift_right_arithmetic3A_2493 : i32 to vector<16xi32>
      %shift_right_arithmetic3A_2495 = arith.shrsi %bitcast3A_2492, %shift_right_arithmetic3A_2494 : vector<16xi32>
      %sub3A_2496 = arith.constant 127 : i32
      %sub3A_2497 = vector.broadcast %sub3A_2496 : i32 to vector<16xi32>
      %sub3A_2498 = arith.subi %shift_right_arithmetic3A_2495, %sub3A_2497 : vector<16xi32>
      %and3A_2499 = arith.constant 8388607 : i32
      %and3A_2500 = vector.broadcast %and3A_2499 : i32 to vector<16xi32>
      %and3A_2501 = arith.andi %bitcast3A_2492, %and3A_2500 : vector<16xi32>
      %or3A_2502 = arith.constant 1065353216 : i32
      %or3A_2503 = vector.broadcast %or3A_2502 : i32 to vector<16xi32>
      %or3A_2504 = arith.ori %and3A_2501, %or3A_2503 : vector<16xi32>
      %bitcast3A_2505 = vector.bitcast %or3A_2504 : vector<16xi32> to vector<16xf32>
      %gt3A_2506 = arith.constant 1.41421354 : f32
      %gt3A_2507 = vector.broadcast %gt3A_2506 : f32 to vector<16xf32>
      %gt3A_2508 = arith.cmpf ogt, %bitcast3A_2505, %gt3A_2507 : vector<16xf32>
      %mul3A_2509 = arith.constant 5.000000e-01 : f32
      %mul3A_2510 = vector.broadcast %mul3A_2509 : f32 to vector<16xf32>
      %mul3A_2511 = arith.mulf %bitcast3A_2505, %mul3A_2510 : vector<16xf32>
      %select_n3A_2512 = arith.select %gt3A_2508, %mul3A_2511, %bitcast3A_2505 : vector<16xi1>, vector<16xf32>
      %add3A_2513 = arith.constant 1 : i32
      %add3A_2514 = vector.broadcast %add3A_2513 : i32 to vector<16xi32>
      %add3A_2515 = arith.addi %sub3A_2498, %add3A_2514 : vector<16xi32>
      %select_n3A_2516 = arith.select %gt3A_2508, %add3A_2515, %sub3A_2498 : vector<16xi1>, vector<16xi32>
      %sub3A_2517 = arith.constant 1.000000e+00 : f32
      %sub3A_2518 = vector.broadcast %sub3A_2517 : f32 to vector<16xf32>
      %sub3A_2519 = arith.subf %select_n3A_2512, %sub3A_2518 : vector<16xf32>
      %add3A_2520 = arith.constant 1.000000e+00 : f32
      %add3A_2521 = vector.broadcast %add3A_2520 : f32 to vector<16xf32>
      %add3A_2522 = arith.addf %select_n3A_2512, %add3A_2521 : vector<16xf32>
      %div3A_2523 = arith.divf %sub3A_2519, %add3A_2522 : vector<16xf32>
      %mul3A_2524 = arith.mulf %div3A_2523, %div3A_2523 : vector<16xf32>
      %mul3A_2525 = arith.constant 0.111111112 : f32
      %mul3A_2526 = vector.broadcast %mul3A_2525 : f32 to vector<16xf32>
      %mul3A_2527 = arith.mulf %mul3A_2526, %mul3A_2524 : vector<16xf32>
      %add3A_2528 = arith.constant 0.142857149 : f32
      %add3A_2529 = vector.broadcast %add3A_2528 : f32 to vector<16xf32>
      %add3A_2530 = arith.addf %mul3A_2527, %add3A_2529 : vector<16xf32>
      %mul3A_2531 = arith.mulf %add3A_2530, %mul3A_2524 : vector<16xf32>
      %add3A_2532 = arith.constant 2.000000e-01 : f32
      %add3A_2533 = vector.broadcast %add3A_2532 : f32 to vector<16xf32>
      %add3A_2534 = arith.addf %mul3A_2531, %add3A_2533 : vector<16xf32>
      %mul3A_2535 = arith.mulf %add3A_2534, %mul3A_2524 : vector<16xf32>
      %add3A_2536 = arith.constant 0.333333343 : f32
      %add3A_2537 = vector.broadcast %add3A_2536 : f32 to vector<16xf32>
      %add3A_2538 = arith.addf %mul3A_2535, %add3A_2537 : vector<16xf32>
      %mul3A_2539 = arith.mulf %add3A_2538, %mul3A_2524 : vector<16xf32>
      %add3A_2540 = arith.constant 1.000000e+00 : f32
      %add3A_2541 = vector.broadcast %add3A_2540 : f32 to vector<16xf32>
      %add3A_2542 = arith.addf %mul3A_2539, %add3A_2541 : vector<16xf32>
      %convert_element_type3A_2543 = arith.sitofp %select_n3A_2516 : vector<16xi32> to vector<16xf32>
      %mul3A_2544 = arith.constant 0.693147182 : f32
      %mul3A_2545 = vector.broadcast %mul3A_2544 : f32 to vector<16xf32>
      %mul3A_2546 = arith.mulf %convert_element_type3A_2543, %mul3A_2545 : vector<16xf32>
      %mul3A_2547 = arith.constant 2.000000e+00 : f32
      %mul3A_2548 = vector.broadcast %mul3A_2547 : f32 to vector<16xf32>
      %mul3A_2549 = arith.mulf %mul3A_2548, %div3A_2523 : vector<16xf32>
      %mul3A_2550 = arith.mulf %mul3A_2549, %add3A_2542 : vector<16xf32>
      %add3A_2551 = arith.addf %mul3A_2546, %mul3A_2550 : vector<16xf32>
      %mul3A_2552 = arith.mulf %mul3A_2488, %add3A_2551 : vector<16xf32>
      %add3A_2553 = arith.addf %add3A_2406, %mul3A_2552 : vector<16xf32>
      %get3A_2554 = arith.constant 0 : i32
      %get3A_2555 = arith.index_cast %get3A_2554 : i32 to index
      %get3A_2556 = arith.constant 272 : index
      %get3A_2557 = tpu.vector_load %arg7[%get3A_2555, %get3A_2556] {strides = array<i32>} : memref<16x512xf32, #tpu.memory_space<vmem>>, vector<16xf32>,
      %get3A_2558 = arith.constant 1 : i32
      %get3A_2559 = arith.index_cast %get3A_2558 : i32 to index
      %get3A_2560 = arith.constant 272 : index
      %get3A_2561 = tpu.vector_load %arg7[%get3A_2559, %get3A_2560] {strides = array<i32>} : memref<16x512xf32, #tpu.memory_space<vmem>>, vector<16xf32>,
      %add3A_2562 = arith.addf %get3A_2557, %get3A_2561 : vector<16xf32>
      %get3A_2563 = arith.constant 2 : i32
      %get3A_2564 = arith.index_cast %get3A_2563 : i32 to index
      %get3A_2565 = arith.constant 272 : index
      %get3A_2566 = tpu.vector_load %arg7[%get3A_2564, %get3A_2565] {strides = array<i32>} : memref<16x512xf32, #tpu.memory_space<vmem>>, vector<16xf32>,
      %add3A_2567 = arith.addf %add3A_2562, %get3A_2566 : vector<16xf32>
      %get3A_2568 = arith.constant 3 : i32
      %get3A_2569 = arith.index_cast %get3A_2568 : i32 to index
      %get3A_2570 = arith.constant 272 : index
      %get3A_2571 = tpu.vector_load %arg7[%get3A_2569, %get3A_2570] {strides = array<i32>} : memref<16x512xf32, #tpu.memory_space<vmem>>, vector<16xf32>,
      %add3A_2572 = arith.addf %add3A_2567, %get3A_2571 : vector<16xf32>
      %get3A_2573 = arith.constant 4 : i32
      %get3A_2574 = arith.index_cast %get3A_2573 : i32 to index
      %get3A_2575 = arith.constant 272 : index
      %get3A_2576 = tpu.vector_load %arg7[%get3A_2574, %get3A_2575] {strides = array<i32>} : memref<16x512xf32, #tpu.memory_space<vmem>>, vector<16xf32>,
      %add3A_2577 = arith.addf %add3A_2572, %get3A_2576 : vector<16xf32>
      %get3A_2578 = arith.constant 5 : i32
      %get3A_2579 = arith.index_cast %get3A_2578 : i32 to index
      %get3A_2580 = arith.constant 272 : index
      %get3A_2581 = tpu.vector_load %arg7[%get3A_2579, %get3A_2580] {strides = array<i32>} : memref<16x512xf32, #tpu.memory_space<vmem>>, vector<16xf32>,
      %add3A_2582 = arith.addf %add3A_2577, %get3A_2581 : vector<16xf32>
      %get3A_2583 = arith.constant 6 : i32
      %get3A_2584 = arith.index_cast %get3A_2583 : i32 to index
      %get3A_2585 = arith.constant 272 : index
      %get3A_2586 = tpu.vector_load %arg7[%get3A_2584, %get3A_2585] {strides = array<i32>} : memref<16x512xf32, #tpu.memory_space<vmem>>, vector<16xf32>,
      %add3A_2587 = arith.addf %add3A_2582, %get3A_2586 : vector<16xf32>
      %get3A_2588 = arith.constant 7 : i32
      %get3A_2589 = arith.index_cast %get3A_2588 : i32 to index
      %get3A_2590 = arith.constant 272 : index
      %get3A_2591 = tpu.vector_load %arg7[%get3A_2589, %get3A_2590] {strides = array<i32>} : memref<16x512xf32, #tpu.memory_space<vmem>>, vector<16xf32>,
      %add3A_2592 = arith.addf %add3A_2587, %get3A_2591 : vector<16xf32>
      %get3A_2593 = arith.constant 8 : i32
      %get3A_2594 = arith.index_cast %get3A_2593 : i32 to index
      %get3A_2595 = arith.constant 272 : index
      %get3A_2596 = tpu.vector_load %arg7[%get3A_2594, %get3A_2595] {strides = array<i32>} : memref<16x512xf32, #tpu.memory_space<vmem>>, vector<16xf32>,
      %add3A_2597 = arith.addf %add3A_2592, %get3A_2596 : vector<16xf32>
      %get3A_2598 = arith.constant 9 : i32
      %get3A_2599 = arith.index_cast %get3A_2598 : i32 to index
      %get3A_2600 = arith.constant 272 : index
      %get3A_2601 = tpu.vector_load %arg7[%get3A_2599, %get3A_2600] {strides = array<i32>} : memref<16x512xf32, #tpu.memory_space<vmem>>, vector<16xf32>,
      %add3A_2602 = arith.addf %add3A_2597, %get3A_2601 : vector<16xf32>
      %get3A_2603 = arith.constant 10 : i32
      %get3A_2604 = arith.index_cast %get3A_2603 : i32 to index
      %get3A_2605 = arith.constant 272 : index
      %get3A_2606 = tpu.vector_load %arg7[%get3A_2604, %get3A_2605] {strides = array<i32>} : memref<16x512xf32, #tpu.memory_space<vmem>>, vector<16xf32>,
      %add3A_2607 = arith.addf %add3A_2602, %get3A_2606 : vector<16xf32>
      %get3A_2608 = arith.constant 11 : i32
      %get3A_2609 = arith.index_cast %get3A_2608 : i32 to index
      %get3A_2610 = arith.constant 272 : index
      %get3A_2611 = tpu.vector_load %arg7[%get3A_2609, %get3A_2610] {strides = array<i32>} : memref<16x512xf32, #tpu.memory_space<vmem>>, vector<16xf32>,
      %add3A_2612 = arith.addf %add3A_2607, %get3A_2611 : vector<16xf32>
      %get3A_2613 = arith.constant 12 : i32
      %get3A_2614 = arith.index_cast %get3A_2613 : i32 to index
      %get3A_2615 = arith.constant 272 : index
      %get3A_2616 = tpu.vector_load %arg7[%get3A_2614, %get3A_2615] {strides = array<i32>} : memref<16x512xf32, #tpu.memory_space<vmem>>, vector<16xf32>,
      %add3A_2617 = arith.addf %add3A_2612, %get3A_2616 : vector<16xf32>
      %get3A_2618 = arith.constant 13 : i32
      %get3A_2619 = arith.index_cast %get3A_2618 : i32 to index
      %get3A_2620 = arith.constant 272 : index
      %get3A_2621 = tpu.vector_load %arg7[%get3A_2619, %get3A_2620] {strides = array<i32>} : memref<16x512xf32, #tpu.memory_space<vmem>>, vector<16xf32>,
      %add3A_2622 = arith.addf %add3A_2617, %get3A_2621 : vector<16xf32>
      %get3A_2623 = arith.constant 14 : i32
      %get3A_2624 = arith.index_cast %get3A_2623 : i32 to index
      %get3A_2625 = arith.constant 272 : index
      %get3A_2626 = tpu.vector_load %arg7[%get3A_2624, %get3A_2625] {strides = array<i32>} : memref<16x512xf32, #tpu.memory_space<vmem>>, vector<16xf32>,
      %add3A_2627 = arith.addf %add3A_2622, %get3A_2626 : vector<16xf32>
      %get3A_2628 = arith.constant 15 : i32
      %get3A_2629 = arith.index_cast %get3A_2628 : i32 to index
      %get3A_2630 = arith.constant 272 : index
      %get3A_2631 = tpu.vector_load %arg7[%get3A_2629, %get3A_2630] {strides = array<i32>} : memref<16x512xf32, #tpu.memory_space<vmem>>, vector<16xf32>,
      %add3A_2632 = arith.addf %add3A_2627, %get3A_2631 : vector<16xf32>
      %mul3A_2633 = arith.constant 4.34027781E-4 : f32
      %mul3A_2634 = vector.broadcast %mul3A_2633 : f32 to vector<16xf32>
      %mul3A_2635 = arith.mulf %add3A_2632, %mul3A_2634 : vector<16xf32>
      %add3A_2636 = arith.constant 1.000000e-10 : f32
      %add3A_2637 = vector.broadcast %add3A_2636 : f32 to vector<16xf32>
      %add3A_2638 = arith.addf %mul3A_2635, %add3A_2637 : vector<16xf32>
      %bitcast3A_2639 = vector.bitcast %add3A_2638 : vector<16xf32> to vector<16xi32>
      %shift_right_arithmetic3A_2640 = arith.constant 23 : i32
      %shift_right_arithmetic3A_2641 = vector.broadcast %shift_right_arithmetic3A_2640 : i32 to vector<16xi32>
      %shift_right_arithmetic3A_2642 = arith.shrsi %bitcast3A_2639, %shift_right_arithmetic3A_2641 : vector<16xi32>
      %sub3A_2643 = arith.constant 127 : i32
      %sub3A_2644 = vector.broadcast %sub3A_2643 : i32 to vector<16xi32>
      %sub3A_2645 = arith.subi %shift_right_arithmetic3A_2642, %sub3A_2644 : vector<16xi32>
      %and3A_2646 = arith.constant 8388607 : i32
      %and3A_2647 = vector.broadcast %and3A_2646 : i32 to vector<16xi32>
      %and3A_2648 = arith.andi %bitcast3A_2639, %and3A_2647 : vector<16xi32>
      %or3A_2649 = arith.constant 1065353216 : i32
      %or3A_2650 = vector.broadcast %or3A_2649 : i32 to vector<16xi32>
      %or3A_2651 = arith.ori %and3A_2648, %or3A_2650 : vector<16xi32>
      %bitcast3A_2652 = vector.bitcast %or3A_2651 : vector<16xi32> to vector<16xf32>
      %gt3A_2653 = arith.constant 1.41421354 : f32
      %gt3A_2654 = vector.broadcast %gt3A_2653 : f32 to vector<16xf32>
      %gt3A_2655 = arith.cmpf ogt, %bitcast3A_2652, %gt3A_2654 : vector<16xf32>
      %mul3A_2656 = arith.constant 5.000000e-01 : f32
      %mul3A_2657 = vector.broadcast %mul3A_2656 : f32 to vector<16xf32>
      %mul3A_2658 = arith.mulf %bitcast3A_2652, %mul3A_2657 : vector<16xf32>
      %select_n3A_2659 = arith.select %gt3A_2655, %mul3A_2658, %bitcast3A_2652 : vector<16xi1>, vector<16xf32>
      %add3A_2660 = arith.constant 1 : i32
      %add3A_2661 = vector.broadcast %add3A_2660 : i32 to vector<16xi32>
      %add3A_2662 = arith.addi %sub3A_2645, %add3A_2661 : vector<16xi32>
      %select_n3A_2663 = arith.select %gt3A_2655, %add3A_2662, %sub3A_2645 : vector<16xi1>, vector<16xi32>
      %sub3A_2664 = arith.constant 1.000000e+00 : f32
      %sub3A_2665 = vector.broadcast %sub3A_2664 : f32 to vector<16xf32>
      %sub3A_2666 = arith.subf %select_n3A_2659, %sub3A_2665 : vector<16xf32>
      %add3A_2667 = arith.constant 1.000000e+00 : f32
      %add3A_2668 = vector.broadcast %add3A_2667 : f32 to vector<16xf32>
      %add3A_2669 = arith.addf %select_n3A_2659, %add3A_2668 : vector<16xf32>
      %div3A_2670 = arith.divf %sub3A_2666, %add3A_2669 : vector<16xf32>
      %mul3A_2671 = arith.mulf %div3A_2670, %div3A_2670 : vector<16xf32>
      %mul3A_2672 = arith.constant 0.111111112 : f32
      %mul3A_2673 = vector.broadcast %mul3A_2672 : f32 to vector<16xf32>
      %mul3A_2674 = arith.mulf %mul3A_2673, %mul3A_2671 : vector<16xf32>
      %add3A_2675 = arith.constant 0.142857149 : f32
      %add3A_2676 = vector.broadcast %add3A_2675 : f32 to vector<16xf32>
      %add3A_2677 = arith.addf %mul3A_2674, %add3A_2676 : vector<16xf32>
      %mul3A_2678 = arith.mulf %add3A_2677, %mul3A_2671 : vector<16xf32>
      %add3A_2679 = arith.constant 2.000000e-01 : f32
      %add3A_2680 = vector.broadcast %add3A_2679 : f32 to vector<16xf32>
      %add3A_2681 = arith.addf %mul3A_2678, %add3A_2680 : vector<16xf32>
      %mul3A_2682 = arith.mulf %add3A_2681, %mul3A_2671 : vector<16xf32>
      %add3A_2683 = arith.constant 0.333333343 : f32
      %add3A_2684 = vector.broadcast %add3A_2683 : f32 to vector<16xf32>
      %add3A_2685 = arith.addf %mul3A_2682, %add3A_2684 : vector<16xf32>
      %mul3A_2686 = arith.mulf %add3A_2685, %mul3A_2671 : vector<16xf32>
      %add3A_2687 = arith.constant 1.000000e+00 : f32
      %add3A_2688 = vector.broadcast %add3A_2687 : f32 to vector<16xf32>
      %add3A_2689 = arith.addf %mul3A_2686, %add3A_2688 : vector<16xf32>
      %convert_element_type3A_2690 = arith.sitofp %select_n3A_2663 : vector<16xi32> to vector<16xf32>
      %mul3A_2691 = arith.constant 0.693147182 : f32
      %mul3A_2692 = vector.broadcast %mul3A_2691 : f32 to vector<16xf32>
      %mul3A_2693 = arith.mulf %convert_element_type3A_2690, %mul3A_2692 : vector<16xf32>
      %mul3A_2694 = arith.constant 2.000000e+00 : f32
      %mul3A_2695 = vector.broadcast %mul3A_2694 : f32 to vector<16xf32>
      %mul3A_2696 = arith.mulf %mul3A_2695, %div3A_2670 : vector<16xf32>
      %mul3A_2697 = arith.mulf %mul3A_2696, %add3A_2689 : vector<16xf32>
      %add3A_2698 = arith.addf %mul3A_2693, %mul3A_2697 : vector<16xf32>
      %mul3A_2699 = arith.mulf %mul3A_2635, %add3A_2698 : vector<16xf32>
      %add3A_2700 = arith.addf %add3A_2553, %mul3A_2699 : vector<16xf32>
      %get3A_2701 = arith.constant 0 : i32
      %get3A_2702 = arith.index_cast %get3A_2701 : i32 to index
      %get3A_2703 = arith.constant 288 : index
      %get3A_2704 = tpu.vector_load %arg7[%get3A_2702, %get3A_2703] {strides = array<i32>} : memref<16x512xf32, #tpu.memory_space<vmem>>, vector<16xf32>,
      %get3A_2705 = arith.constant 1 : i32
      %get3A_2706 = arith.index_cast %get3A_2705 : i32 to index
      %get3A_2707 = arith.constant 288 : index
      %get3A_2708 = tpu.vector_load %arg7[%get3A_2706, %get3A_2707] {strides = array<i32>} : memref<16x512xf32, #tpu.memory_space<vmem>>, vector<16xf32>,
      %add3A_2709 = arith.addf %get3A_2704, %get3A_2708 : vector<16xf32>
      %get3A_2710 = arith.constant 2 : i32
      %get3A_2711 = arith.index_cast %get3A_2710 : i32 to index
      %get3A_2712 = arith.constant 288 : index
      %get3A_2713 = tpu.vector_load %arg7[%get3A_2711, %get3A_2712] {strides = array<i32>} : memref<16x512xf32, #tpu.memory_space<vmem>>, vector<16xf32>,
      %add3A_2714 = arith.addf %add3A_2709, %get3A_2713 : vector<16xf32>
      %get3A_2715 = arith.constant 3 : i32
      %get3A_2716 = arith.index_cast %get3A_2715 : i32 to index
      %get3A_2717 = arith.constant 288 : index
      %get3A_2718 = tpu.vector_load %arg7[%get3A_2716, %get3A_2717] {strides = array<i32>} : memref<16x512xf32, #tpu.memory_space<vmem>>, vector<16xf32>,
      %add3A_2719 = arith.addf %add3A_2714, %get3A_2718 : vector<16xf32>
      %get3A_2720 = arith.constant 4 : i32
      %get3A_2721 = arith.index_cast %get3A_2720 : i32 to index
      %get3A_2722 = arith.constant 288 : index
      %get3A_2723 = tpu.vector_load %arg7[%get3A_2721, %get3A_2722] {strides = array<i32>} : memref<16x512xf32, #tpu.memory_space<vmem>>, vector<16xf32>,
      %add3A_2724 = arith.addf %add3A_2719, %get3A_2723 : vector<16xf32>
      %get3A_2725 = arith.constant 5 : i32
      %get3A_2726 = arith.index_cast %get3A_2725 : i32 to index
      %get3A_2727 = arith.constant 288 : index
      %get3A_2728 = tpu.vector_load %arg7[%get3A_2726, %get3A_2727] {strides = array<i32>} : memref<16x512xf32, #tpu.memory_space<vmem>>, vector<16xf32>,
      %add3A_2729 = arith.addf %add3A_2724, %get3A_2728 : vector<16xf32>
      %get3A_2730 = arith.constant 6 : i32
      %get3A_2731 = arith.index_cast %get3A_2730 : i32 to index
      %get3A_2732 = arith.constant 288 : index
      %get3A_2733 = tpu.vector_load %arg7[%get3A_2731, %get3A_2732] {strides = array<i32>} : memref<16x512xf32, #tpu.memory_space<vmem>>, vector<16xf32>,
      %add3A_2734 = arith.addf %add3A_2729, %get3A_2733 : vector<16xf32>
      %get3A_2735 = arith.constant 7 : i32
      %get3A_2736 = arith.index_cast %get3A_2735 : i32 to index
      %get3A_2737 = arith.constant 288 : index
      %get3A_2738 = tpu.vector_load %arg7[%get3A_2736, %get3A_2737] {strides = array<i32>} : memref<16x512xf32, #tpu.memory_space<vmem>>, vector<16xf32>,
      %add3A_2739 = arith.addf %add3A_2734, %get3A_2738 : vector<16xf32>
      %get3A_2740 = arith.constant 8 : i32
      %get3A_2741 = arith.index_cast %get3A_2740 : i32 to index
      %get3A_2742 = arith.constant 288 : index
      %get3A_2743 = tpu.vector_load %arg7[%get3A_2741, %get3A_2742] {strides = array<i32>} : memref<16x512xf32, #tpu.memory_space<vmem>>, vector<16xf32>,
      %add3A_2744 = arith.addf %add3A_2739, %get3A_2743 : vector<16xf32>
      %get3A_2745 = arith.constant 9 : i32
      %get3A_2746 = arith.index_cast %get3A_2745 : i32 to index
      %get3A_2747 = arith.constant 288 : index
      %get3A_2748 = tpu.vector_load %arg7[%get3A_2746, %get3A_2747] {strides = array<i32>} : memref<16x512xf32, #tpu.memory_space<vmem>>, vector<16xf32>,
      %add3A_2749 = arith.addf %add3A_2744, %get3A_2748 : vector<16xf32>
      %get3A_2750 = arith.constant 10 : i32
      %get3A_2751 = arith.index_cast %get3A_2750 : i32 to index
      %get3A_2752 = arith.constant 288 : index
      %get3A_2753 = tpu.vector_load %arg7[%get3A_2751, %get3A_2752] {strides = array<i32>} : memref<16x512xf32, #tpu.memory_space<vmem>>, vector<16xf32>,
      %add3A_2754 = arith.addf %add3A_2749, %get3A_2753 : vector<16xf32>
      %get3A_2755 = arith.constant 11 : i32
      %get3A_2756 = arith.index_cast %get3A_2755 : i32 to index
      %get3A_2757 = arith.constant 288 : index
      %get3A_2758 = tpu.vector_load %arg7[%get3A_2756, %get3A_2757] {strides = array<i32>} : memref<16x512xf32, #tpu.memory_space<vmem>>, vector<16xf32>,
      %add3A_2759 = arith.addf %add3A_2754, %get3A_2758 : vector<16xf32>
      %get3A_2760 = arith.constant 12 : i32
      %get3A_2761 = arith.index_cast %get3A_2760 : i32 to index
      %get3A_2762 = arith.constant 288 : index
      %get3A_2763 = tpu.vector_load %arg7[%get3A_2761, %get3A_2762] {strides = array<i32>} : memref<16x512xf32, #tpu.memory_space<vmem>>, vector<16xf32>,
      %add3A_2764 = arith.addf %add3A_2759, %get3A_2763 : vector<16xf32>
      %get3A_2765 = arith.constant 13 : i32
      %get3A_2766 = arith.index_cast %get3A_2765 : i32 to index
      %get3A_2767 = arith.constant 288 : index
      %get3A_2768 = tpu.vector_load %arg7[%get3A_2766, %get3A_2767] {strides = array<i32>} : memref<16x512xf32, #tpu.memory_space<vmem>>, vector<16xf32>,
      %add3A_2769 = arith.addf %add3A_2764, %get3A_2768 : vector<16xf32>
      %get3A_2770 = arith.constant 14 : i32
      %get3A_2771 = arith.index_cast %get3A_2770 : i32 to index
      %get3A_2772 = arith.constant 288 : index
      %get3A_2773 = tpu.vector_load %arg7[%get3A_2771, %get3A_2772] {strides = array<i32>} : memref<16x512xf32, #tpu.memory_space<vmem>>, vector<16xf32>,
      %add3A_2774 = arith.addf %add3A_2769, %get3A_2773 : vector<16xf32>
      %get3A_2775 = arith.constant 15 : i32
      %get3A_2776 = arith.index_cast %get3A_2775 : i32 to index
      %get3A_2777 = arith.constant 288 : index
      %get3A_2778 = tpu.vector_load %arg7[%get3A_2776, %get3A_2777] {strides = array<i32>} : memref<16x512xf32, #tpu.memory_space<vmem>>, vector<16xf32>,
      %add3A_2779 = arith.addf %add3A_2774, %get3A_2778 : vector<16xf32>
      %mul3A_2780 = arith.constant 4.34027781E-4 : f32
      %mul3A_2781 = vector.broadcast %mul3A_2780 : f32 to vector<16xf32>
      %mul3A_2782 = arith.mulf %add3A_2779, %mul3A_2781 : vector<16xf32>
      %add3A_2783 = arith.constant 1.000000e-10 : f32
      %add3A_2784 = vector.broadcast %add3A_2783 : f32 to vector<16xf32>
      %add3A_2785 = arith.addf %mul3A_2782, %add3A_2784 : vector<16xf32>
      %bitcast3A_2786 = vector.bitcast %add3A_2785 : vector<16xf32> to vector<16xi32>
      %shift_right_arithmetic3A_2787 = arith.constant 23 : i32
      %shift_right_arithmetic3A_2788 = vector.broadcast %shift_right_arithmetic3A_2787 : i32 to vector<16xi32>
      %shift_right_arithmetic3A_2789 = arith.shrsi %bitcast3A_2786, %shift_right_arithmetic3A_2788 : vector<16xi32>
      %sub3A_2790 = arith.constant 127 : i32
      %sub3A_2791 = vector.broadcast %sub3A_2790 : i32 to vector<16xi32>
      %sub3A_2792 = arith.subi %shift_right_arithmetic3A_2789, %sub3A_2791 : vector<16xi32>
      %and3A_2793 = arith.constant 8388607 : i32
      %and3A_2794 = vector.broadcast %and3A_2793 : i32 to vector<16xi32>
      %and3A_2795 = arith.andi %bitcast3A_2786, %and3A_2794 : vector<16xi32>
      %or3A_2796 = arith.constant 1065353216 : i32
      %or3A_2797 = vector.broadcast %or3A_2796 : i32 to vector<16xi32>
      %or3A_2798 = arith.ori %and3A_2795, %or3A_2797 : vector<16xi32>
      %bitcast3A_2799 = vector.bitcast %or3A_2798 : vector<16xi32> to vector<16xf32>
      %gt3A_2800 = arith.constant 1.41421354 : f32
      %gt3A_2801 = vector.broadcast %gt3A_2800 : f32 to vector<16xf32>
      %gt3A_2802 = arith.cmpf ogt, %bitcast3A_2799, %gt3A_2801 : vector<16xf32>
      %mul3A_2803 = arith.constant 5.000000e-01 : f32
      %mul3A_2804 = vector.broadcast %mul3A_2803 : f32 to vector<16xf32>
      %mul3A_2805 = arith.mulf %bitcast3A_2799, %mul3A_2804 : vector<16xf32>
      %select_n3A_2806 = arith.select %gt3A_2802, %mul3A_2805, %bitcast3A_2799 : vector<16xi1>, vector<16xf32>
      %add3A_2807 = arith.constant 1 : i32
      %add3A_2808 = vector.broadcast %add3A_2807 : i32 to vector<16xi32>
      %add3A_2809 = arith.addi %sub3A_2792, %add3A_2808 : vector<16xi32>
      %select_n3A_2810 = arith.select %gt3A_2802, %add3A_2809, %sub3A_2792 : vector<16xi1>, vector<16xi32>
      %sub3A_2811 = arith.constant 1.000000e+00 : f32
      %sub3A_2812 = vector.broadcast %sub3A_2811 : f32 to vector<16xf32>
      %sub3A_2813 = arith.subf %select_n3A_2806, %sub3A_2812 : vector<16xf32>
      %add3A_2814 = arith.constant 1.000000e+00 : f32
      %add3A_2815 = vector.broadcast %add3A_2814 : f32 to vector<16xf32>
      %add3A_2816 = arith.addf %select_n3A_2806, %add3A_2815 : vector<16xf32>
      %div3A_2817 = arith.divf %sub3A_2813, %add3A_2816 : vector<16xf32>
      %mul3A_2818 = arith.mulf %div3A_2817, %div3A_2817 : vector<16xf32>
      %mul3A_2819 = arith.constant 0.111111112 : f32
      %mul3A_2820 = vector.broadcast %mul3A_2819 : f32 to vector<16xf32>
      %mul3A_2821 = arith.mulf %mul3A_2820, %mul3A_2818 : vector<16xf32>
      %add3A_2822 = arith.constant 0.142857149 : f32
      %add3A_2823 = vector.broadcast %add3A_2822 : f32 to vector<16xf32>
      %add3A_2824 = arith.addf %mul3A_2821, %add3A_2823 : vector<16xf32>
      %mul3A_2825 = arith.mulf %add3A_2824, %mul3A_2818 : vector<16xf32>
      %add3A_2826 = arith.constant 2.000000e-01 : f32
      %add3A_2827 = vector.broadcast %add3A_2826 : f32 to vector<16xf32>
      %add3A_2828 = arith.addf %mul3A_2825, %add3A_2827 : vector<16xf32>
      %mul3A_2829 = arith.mulf %add3A_2828, %mul3A_2818 : vector<16xf32>
      %add3A_2830 = arith.constant 0.333333343 : f32
      %add3A_2831 = vector.broadcast %add3A_2830 : f32 to vector<16xf32>
      %add3A_2832 = arith.addf %mul3A_2829, %add3A_2831 : vector<16xf32>
      %mul3A_2833 = arith.mulf %add3A_2832, %mul3A_2818 : vector<16xf32>
      %add3A_2834 = arith.constant 1.000000e+00 : f32
      %add3A_2835 = vector.broadcast %add3A_2834 : f32 to vector<16xf32>
      %add3A_2836 = arith.addf %mul3A_2833, %add3A_2835 : vector<16xf32>
      %convert_element_type3A_2837 = arith.sitofp %select_n3A_2810 : vector<16xi32> to vector<16xf32>
      %mul3A_2838 = arith.constant 0.693147182 : f32
      %mul3A_2839 = vector.broadcast %mul3A_2838 : f32 to vector<16xf32>
      %mul3A_2840 = arith.mulf %convert_element_type3A_2837, %mul3A_2839 : vector<16xf32>
      %mul3A_2841 = arith.constant 2.000000e+00 : f32
      %mul3A_2842 = vector.broadcast %mul3A_2841 : f32 to vector<16xf32>
      %mul3A_2843 = arith.mulf %mul3A_2842, %div3A_2817 : vector<16xf32>
      %mul3A_2844 = arith.mulf %mul3A_2843, %add3A_2836 : vector<16xf32>
      %add3A_2845 = arith.addf %mul3A_2840, %mul3A_2844 : vector<16xf32>
      %mul3A_2846 = arith.mulf %mul3A_2782, %add3A_2845 : vector<16xf32>
      %add3A_2847 = arith.addf %add3A_2700, %mul3A_2846 : vector<16xf32>
      %get3A_2848 = arith.constant 0 : i32
      %get3A_2849 = arith.index_cast %get3A_2848 : i32 to index
      %get3A_2850 = arith.constant 304 : index
      %get3A_2851 = tpu.vector_load %arg7[%get3A_2849, %get3A_2850] {strides = array<i32>} : memref<16x512xf32, #tpu.memory_space<vmem>>, vector<16xf32>,
      %get3A_2852 = arith.constant 1 : i32
      %get3A_2853 = arith.index_cast %get3A_2852 : i32 to index
      %get3A_2854 = arith.constant 304 : index
      %get3A_2855 = tpu.vector_load %arg7[%get3A_2853, %get3A_2854] {strides = array<i32>} : memref<16x512xf32, #tpu.memory_space<vmem>>, vector<16xf32>,
      %add3A_2856 = arith.addf %get3A_2851, %get3A_2855 : vector<16xf32>
      %get3A_2857 = arith.constant 2 : i32
      %get3A_2858 = arith.index_cast %get3A_2857 : i32 to index
      %get3A_2859 = arith.constant 304 : index
      %get3A_2860 = tpu.vector_load %arg7[%get3A_2858, %get3A_2859] {strides = array<i32>} : memref<16x512xf32, #tpu.memory_space<vmem>>, vector<16xf32>,
      %add3A_2861 = arith.addf %add3A_2856, %get3A_2860 : vector<16xf32>
      %get3A_2862 = arith.constant 3 : i32
      %get3A_2863 = arith.index_cast %get3A_2862 : i32 to index
      %get3A_2864 = arith.constant 304 : index
      %get3A_2865 = tpu.vector_load %arg7[%get3A_2863, %get3A_2864] {strides = array<i32>} : memref<16x512xf32, #tpu.memory_space<vmem>>, vector<16xf32>,
      %add3A_2866 = arith.addf %add3A_2861, %get3A_2865 : vector<16xf32>
      %get3A_2867 = arith.constant 4 : i32
      %get3A_2868 = arith.index_cast %get3A_2867 : i32 to index
      %get3A_2869 = arith.constant 304 : index
      %get3A_2870 = tpu.vector_load %arg7[%get3A_2868, %get3A_2869] {strides = array<i32>} : memref<16x512xf32, #tpu.memory_space<vmem>>, vector<16xf32>,
      %add3A_2871 = arith.addf %add3A_2866, %get3A_2870 : vector<16xf32>
      %get3A_2872 = arith.constant 5 : i32
      %get3A_2873 = arith.index_cast %get3A_2872 : i32 to index
      %get3A_2874 = arith.constant 304 : index
      %get3A_2875 = tpu.vector_load %arg7[%get3A_2873, %get3A_2874] {strides = array<i32>} : memref<16x512xf32, #tpu.memory_space<vmem>>, vector<16xf32>,
      %add3A_2876 = arith.addf %add3A_2871, %get3A_2875 : vector<16xf32>
      %get3A_2877 = arith.constant 6 : i32
      %get3A_2878 = arith.index_cast %get3A_2877 : i32 to index
      %get3A_2879 = arith.constant 304 : index
      %get3A_2880 = tpu.vector_load %arg7[%get3A_2878, %get3A_2879] {strides = array<i32>} : memref<16x512xf32, #tpu.memory_space<vmem>>, vector<16xf32>,
      %add3A_2881 = arith.addf %add3A_2876, %get3A_2880 : vector<16xf32>
      %get3A_2882 = arith.constant 7 : i32
      %get3A_2883 = arith.index_cast %get3A_2882 : i32 to index
      %get3A_2884 = arith.constant 304 : index
      %get3A_2885 = tpu.vector_load %arg7[%get3A_2883, %get3A_2884] {strides = array<i32>} : memref<16x512xf32, #tpu.memory_space<vmem>>, vector<16xf32>,
      %add3A_2886 = arith.addf %add3A_2881, %get3A_2885 : vector<16xf32>
      %get3A_2887 = arith.constant 8 : i32
      %get3A_2888 = arith.index_cast %get3A_2887 : i32 to index
      %get3A_2889 = arith.constant 304 : index
      %get3A_2890 = tpu.vector_load %arg7[%get3A_2888, %get3A_2889] {strides = array<i32>} : memref<16x512xf32, #tpu.memory_space<vmem>>, vector<16xf32>,
      %add3A_2891 = arith.addf %add3A_2886, %get3A_2890 : vector<16xf32>
      %get3A_2892 = arith.constant 9 : i32
      %get3A_2893 = arith.index_cast %get3A_2892 : i32 to index
      %get3A_2894 = arith.constant 304 : index
      %get3A_2895 = tpu.vector_load %arg7[%get3A_2893, %get3A_2894] {strides = array<i32>} : memref<16x512xf32, #tpu.memory_space<vmem>>, vector<16xf32>,
      %add3A_2896 = arith.addf %add3A_2891, %get3A_2895 : vector<16xf32>
      %get3A_2897 = arith.constant 10 : i32
      %get3A_2898 = arith.index_cast %get3A_2897 : i32 to index
      %get3A_2899 = arith.constant 304 : index
      %get3A_2900 = tpu.vector_load %arg7[%get3A_2898, %get3A_2899] {strides = array<i32>} : memref<16x512xf32, #tpu.memory_space<vmem>>, vector<16xf32>,
      %add3A_2901 = arith.addf %add3A_2896, %get3A_2900 : vector<16xf32>
      %get3A_2902 = arith.constant 11 : i32
      %get3A_2903 = arith.index_cast %get3A_2902 : i32 to index
      %get3A_2904 = arith.constant 304 : index
      %get3A_2905 = tpu.vector_load %arg7[%get3A_2903, %get3A_2904] {strides = array<i32>} : memref<16x512xf32, #tpu.memory_space<vmem>>, vector<16xf32>,
      %add3A_2906 = arith.addf %add3A_2901, %get3A_2905 : vector<16xf32>
      %get3A_2907 = arith.constant 12 : i32
      %get3A_2908 = arith.index_cast %get3A_2907 : i32 to index
      %get3A_2909 = arith.constant 304 : index
      %get3A_2910 = tpu.vector_load %arg7[%get3A_2908, %get3A_2909] {strides = array<i32>} : memref<16x512xf32, #tpu.memory_space<vmem>>, vector<16xf32>,
      %add3A_2911 = arith.addf %add3A_2906, %get3A_2910 : vector<16xf32>
      %get3A_2912 = arith.constant 13 : i32
      %get3A_2913 = arith.index_cast %get3A_2912 : i32 to index
      %get3A_2914 = arith.constant 304 : index
      %get3A_2915 = tpu.vector_load %arg7[%get3A_2913, %get3A_2914] {strides = array<i32>} : memref<16x512xf32, #tpu.memory_space<vmem>>, vector<16xf32>,
      %add3A_2916 = arith.addf %add3A_2911, %get3A_2915 : vector<16xf32>
      %get3A_2917 = arith.constant 14 : i32
      %get3A_2918 = arith.index_cast %get3A_2917 : i32 to index
      %get3A_2919 = arith.constant 304 : index
      %get3A_2920 = tpu.vector_load %arg7[%get3A_2918, %get3A_2919] {strides = array<i32>} : memref<16x512xf32, #tpu.memory_space<vmem>>, vector<16xf32>,
      %add3A_2921 = arith.addf %add3A_2916, %get3A_2920 : vector<16xf32>
      %get3A_2922 = arith.constant 15 : i32
      %get3A_2923 = arith.index_cast %get3A_2922 : i32 to index
      %get3A_2924 = arith.constant 304 : index
      %get3A_2925 = tpu.vector_load %arg7[%get3A_2923, %get3A_2924] {strides = array<i32>} : memref<16x512xf32, #tpu.memory_space<vmem>>, vector<16xf32>,
      %add3A_2926 = arith.addf %add3A_2921, %get3A_2925 : vector<16xf32>
      %mul3A_2927 = arith.constant 4.34027781E-4 : f32
      %mul3A_2928 = vector.broadcast %mul3A_2927 : f32 to vector<16xf32>
      %mul3A_2929 = arith.mulf %add3A_2926, %mul3A_2928 : vector<16xf32>
      %add3A_2930 = arith.constant 1.000000e-10 : f32
      %add3A_2931 = vector.broadcast %add3A_2930 : f32 to vector<16xf32>
      %add3A_2932 = arith.addf %mul3A_2929, %add3A_2931 : vector<16xf32>
      %bitcast3A_2933 = vector.bitcast %add3A_2932 : vector<16xf32> to vector<16xi32>
      %shift_right_arithmetic3A_2934 = arith.constant 23 : i32
      %shift_right_arithmetic3A_2935 = vector.broadcast %shift_right_arithmetic3A_2934 : i32 to vector<16xi32>
      %shift_right_arithmetic3A_2936 = arith.shrsi %bitcast3A_2933, %shift_right_arithmetic3A_2935 : vector<16xi32>
      %sub3A_2937 = arith.constant 127 : i32
      %sub3A_2938 = vector.broadcast %sub3A_2937 : i32 to vector<16xi32>
      %sub3A_2939 = arith.subi %shift_right_arithmetic3A_2936, %sub3A_2938 : vector<16xi32>
      %and3A_2940 = arith.constant 8388607 : i32
      %and3A_2941 = vector.broadcast %and3A_2940 : i32 to vector<16xi32>
      %and3A_2942 = arith.andi %bitcast3A_2933, %and3A_2941 : vector<16xi32>
      %or3A_2943 = arith.constant 1065353216 : i32
      %or3A_2944 = vector.broadcast %or3A_2943 : i32 to vector<16xi32>
      %or3A_2945 = arith.ori %and3A_2942, %or3A_2944 : vector<16xi32>
      %bitcast3A_2946 = vector.bitcast %or3A_2945 : vector<16xi32> to vector<16xf32>
      %gt3A_2947 = arith.constant 1.41421354 : f32
      %gt3A_2948 = vector.broadcast %gt3A_2947 : f32 to vector<16xf32>
      %gt3A_2949 = arith.cmpf ogt, %bitcast3A_2946, %gt3A_2948 : vector<16xf32>
      %mul3A_2950 = arith.constant 5.000000e-01 : f32
      %mul3A_2951 = vector.broadcast %mul3A_2950 : f32 to vector<16xf32>
      %mul3A_2952 = arith.mulf %bitcast3A_2946, %mul3A_2951 : vector<16xf32>
      %select_n3A_2953 = arith.select %gt3A_2949, %mul3A_2952, %bitcast3A_2946 : vector<16xi1>, vector<16xf32>
      %add3A_2954 = arith.constant 1 : i32
      %add3A_2955 = vector.broadcast %add3A_2954 : i32 to vector<16xi32>
      %add3A_2956 = arith.addi %sub3A_2939, %add3A_2955 : vector<16xi32>
      %select_n3A_2957 = arith.select %gt3A_2949, %add3A_2956, %sub3A_2939 : vector<16xi1>, vector<16xi32>
      %sub3A_2958 = arith.constant 1.000000e+00 : f32
      %sub3A_2959 = vector.broadcast %sub3A_2958 : f32 to vector<16xf32>
      %sub3A_2960 = arith.subf %select_n3A_2953, %sub3A_2959 : vector<16xf32>
      %add3A_2961 = arith.constant 1.000000e+00 : f32
      %add3A_2962 = vector.broadcast %add3A_2961 : f32 to vector<16xf32>
      %add3A_2963 = arith.addf %select_n3A_2953, %add3A_2962 : vector<16xf32>
      %div3A_2964 = arith.divf %sub3A_2960, %add3A_2963 : vector<16xf32>
      %mul3A_2965 = arith.mulf %div3A_2964, %div3A_2964 : vector<16xf32>
      %mul3A_2966 = arith.constant 0.111111112 : f32
      %mul3A_2967 = vector.broadcast %mul3A_2966 : f32 to vector<16xf32>
      %mul3A_2968 = arith.mulf %mul3A_2967, %mul3A_2965 : vector<16xf32>
      %add3A_2969 = arith.constant 0.142857149 : f32
      %add3A_2970 = vector.broadcast %add3A_2969 : f32 to vector<16xf32>
      %add3A_2971 = arith.addf %mul3A_2968, %add3A_2970 : vector<16xf32>
      %mul3A_2972 = arith.mulf %add3A_2971, %mul3A_2965 : vector<16xf32>
      %add3A_2973 = arith.constant 2.000000e-01 : f32
      %add3A_2974 = vector.broadcast %add3A_2973 : f32 to vector<16xf32>
      %add3A_2975 = arith.addf %mul3A_2972, %add3A_2974 : vector<16xf32>
      %mul3A_2976 = arith.mulf %add3A_2975, %mul3A_2965 : vector<16xf32>
      %add3A_2977 = arith.constant 0.333333343 : f32
      %add3A_2978 = vector.broadcast %add3A_2977 : f32 to vector<16xf32>
      %add3A_2979 = arith.addf %mul3A_2976, %add3A_2978 : vector<16xf32>
      %mul3A_2980 = arith.mulf %add3A_2979, %mul3A_2965 : vector<16xf32>
      %add3A_2981 = arith.constant 1.000000e+00 : f32
      %add3A_2982 = vector.broadcast %add3A_2981 : f32 to vector<16xf32>
      %add3A_2983 = arith.addf %mul3A_2980, %add3A_2982 : vector<16xf32>
      %convert_element_type3A_2984 = arith.sitofp %select_n3A_2957 : vector<16xi32> to vector<16xf32>
      %mul3A_2985 = arith.constant 0.693147182 : f32
      %mul3A_2986 = vector.broadcast %mul3A_2985 : f32 to vector<16xf32>
      %mul3A_2987 = arith.mulf %convert_element_type3A_2984, %mul3A_2986 : vector<16xf32>
      %mul3A_2988 = arith.constant 2.000000e+00 : f32
      %mul3A_2989 = vector.broadcast %mul3A_2988 : f32 to vector<16xf32>
      %mul3A_2990 = arith.mulf %mul3A_2989, %div3A_2964 : vector<16xf32>
      %mul3A_2991 = arith.mulf %mul3A_2990, %add3A_2983 : vector<16xf32>
      %add3A_2992 = arith.addf %mul3A_2987, %mul3A_2991 : vector<16xf32>
      %mul3A_2993 = arith.mulf %mul3A_2929, %add3A_2992 : vector<16xf32>
      %add3A_2994 = arith.addf %add3A_2847, %mul3A_2993 : vector<16xf32>
      %get3A_2995 = arith.constant 0 : i32
      %get3A_2996 = arith.index_cast %get3A_2995 : i32 to index
      %get3A_2997 = arith.constant 320 : index
      %get3A_2998 = tpu.vector_load %arg7[%get3A_2996, %get3A_2997] {strides = array<i32>} : memref<16x512xf32, #tpu.memory_space<vmem>>, vector<16xf32>,
      %get3A_2999 = arith.constant 1 : i32
      %get3A_3000 = arith.index_cast %get3A_2999 : i32 to index
      %get3A_3001 = arith.constant 320 : index
      %get3A_3002 = tpu.vector_load %arg7[%get3A_3000, %get3A_3001] {strides = array<i32>} : memref<16x512xf32, #tpu.memory_space<vmem>>, vector<16xf32>,
      %add3A_3003 = arith.addf %get3A_2998, %get3A_3002 : vector<16xf32>
      %get3A_3004 = arith.constant 2 : i32
      %get3A_3005 = arith.index_cast %get3A_3004 : i32 to index
      %get3A_3006 = arith.constant 320 : index
      %get3A_3007 = tpu.vector_load %arg7[%get3A_3005, %get3A_3006] {strides = array<i32>} : memref<16x512xf32, #tpu.memory_space<vmem>>, vector<16xf32>,
      %add3A_3008 = arith.addf %add3A_3003, %get3A_3007 : vector<16xf32>
      %get3A_3009 = arith.constant 3 : i32
      %get3A_3010 = arith.index_cast %get3A_3009 : i32 to index
      %get3A_3011 = arith.constant 320 : index
      %get3A_3012 = tpu.vector_load %arg7[%get3A_3010, %get3A_3011] {strides = array<i32>} : memref<16x512xf32, #tpu.memory_space<vmem>>, vector<16xf32>,
      %add3A_3013 = arith.addf %add3A_3008, %get3A_3012 : vector<16xf32>
      %get3A_3014 = arith.constant 4 : i32
      %get3A_3015 = arith.index_cast %get3A_3014 : i32 to index
      %get3A_3016 = arith.constant 320 : index
      %get3A_3017 = tpu.vector_load %arg7[%get3A_3015, %get3A_3016] {strides = array<i32>} : memref<16x512xf32, #tpu.memory_space<vmem>>, vector<16xf32>,
      %add3A_3018 = arith.addf %add3A_3013, %get3A_3017 : vector<16xf32>
      %get3A_3019 = arith.constant 5 : i32
      %get3A_3020 = arith.index_cast %get3A_3019 : i32 to index
      %get3A_3021 = arith.constant 320 : index
      %get3A_3022 = tpu.vector_load %arg7[%get3A_3020, %get3A_3021] {strides = array<i32>} : memref<16x512xf32, #tpu.memory_space<vmem>>, vector<16xf32>,
      %add3A_3023 = arith.addf %add3A_3018, %get3A_3022 : vector<16xf32>
      %get3A_3024 = arith.constant 6 : i32
      %get3A_3025 = arith.index_cast %get3A_3024 : i32 to index
      %get3A_3026 = arith.constant 320 : index
      %get3A_3027 = tpu.vector_load %arg7[%get3A_3025, %get3A_3026] {strides = array<i32>} : memref<16x512xf32, #tpu.memory_space<vmem>>, vector<16xf32>,
      %add3A_3028 = arith.addf %add3A_3023, %get3A_3027 : vector<16xf32>
      %get3A_3029 = arith.constant 7 : i32
      %get3A_3030 = arith.index_cast %get3A_3029 : i32 to index
      %get3A_3031 = arith.constant 320 : index
      %get3A_3032 = tpu.vector_load %arg7[%get3A_3030, %get3A_3031] {strides = array<i32>} : memref<16x512xf32, #tpu.memory_space<vmem>>, vector<16xf32>,
      %add3A_3033 = arith.addf %add3A_3028, %get3A_3032 : vector<16xf32>
      %get3A_3034 = arith.constant 8 : i32
      %get3A_3035 = arith.index_cast %get3A_3034 : i32 to index
      %get3A_3036 = arith.constant 320 : index
      %get3A_3037 = tpu.vector_load %arg7[%get3A_3035, %get3A_3036] {strides = array<i32>} : memref<16x512xf32, #tpu.memory_space<vmem>>, vector<16xf32>,
      %add3A_3038 = arith.addf %add3A_3033, %get3A_3037 : vector<16xf32>
      %get3A_3039 = arith.constant 9 : i32
      %get3A_3040 = arith.index_cast %get3A_3039 : i32 to index
      %get3A_3041 = arith.constant 320 : index
      %get3A_3042 = tpu.vector_load %arg7[%get3A_3040, %get3A_3041] {strides = array<i32>} : memref<16x512xf32, #tpu.memory_space<vmem>>, vector<16xf32>,
      %add3A_3043 = arith.addf %add3A_3038, %get3A_3042 : vector<16xf32>
      %get3A_3044 = arith.constant 10 : i32
      %get3A_3045 = arith.index_cast %get3A_3044 : i32 to index
      %get3A_3046 = arith.constant 320 : index
      %get3A_3047 = tpu.vector_load %arg7[%get3A_3045, %get3A_3046] {strides = array<i32>} : memref<16x512xf32, #tpu.memory_space<vmem>>, vector<16xf32>,
      %add3A_3048 = arith.addf %add3A_3043, %get3A_3047 : vector<16xf32>
      %get3A_3049 = arith.constant 11 : i32
      %get3A_3050 = arith.index_cast %get3A_3049 : i32 to index
      %get3A_3051 = arith.constant 320 : index
      %get3A_3052 = tpu.vector_load %arg7[%get3A_3050, %get3A_3051] {strides = array<i32>} : memref<16x512xf32, #tpu.memory_space<vmem>>, vector<16xf32>,
      %add3A_3053 = arith.addf %add3A_3048, %get3A_3052 : vector<16xf32>
      %get3A_3054 = arith.constant 12 : i32
      %get3A_3055 = arith.index_cast %get3A_3054 : i32 to index
      %get3A_3056 = arith.constant 320 : index
      %get3A_3057 = tpu.vector_load %arg7[%get3A_3055, %get3A_3056] {strides = array<i32>} : memref<16x512xf32, #tpu.memory_space<vmem>>, vector<16xf32>,
      %add3A_3058 = arith.addf %add3A_3053, %get3A_3057 : vector<16xf32>
      %get3A_3059 = arith.constant 13 : i32
      %get3A_3060 = arith.index_cast %get3A_3059 : i32 to index
      %get3A_3061 = arith.constant 320 : index
      %get3A_3062 = tpu.vector_load %arg7[%get3A_3060, %get3A_3061] {strides = array<i32>} : memref<16x512xf32, #tpu.memory_space<vmem>>, vector<16xf32>,
      %add3A_3063 = arith.addf %add3A_3058, %get3A_3062 : vector<16xf32>
      %get3A_3064 = arith.constant 14 : i32
      %get3A_3065 = arith.index_cast %get3A_3064 : i32 to index
      %get3A_3066 = arith.constant 320 : index
      %get3A_3067 = tpu.vector_load %arg7[%get3A_3065, %get3A_3066] {strides = array<i32>} : memref<16x512xf32, #tpu.memory_space<vmem>>, vector<16xf32>,
      %add3A_3068 = arith.addf %add3A_3063, %get3A_3067 : vector<16xf32>
      %get3A_3069 = arith.constant 15 : i32
      %get3A_3070 = arith.index_cast %get3A_3069 : i32 to index
      %get3A_3071 = arith.constant 320 : index
      %get3A_3072 = tpu.vector_load %arg7[%get3A_3070, %get3A_3071] {strides = array<i32>} : memref<16x512xf32, #tpu.memory_space<vmem>>, vector<16xf32>,
      %add3A_3073 = arith.addf %add3A_3068, %get3A_3072 : vector<16xf32>
      %mul3A_3074 = arith.constant 4.34027781E-4 : f32
      %mul3A_3075 = vector.broadcast %mul3A_3074 : f32 to vector<16xf32>
      %mul3A_3076 = arith.mulf %add3A_3073, %mul3A_3075 : vector<16xf32>
      %add3A_3077 = arith.constant 1.000000e-10 : f32
      %add3A_3078 = vector.broadcast %add3A_3077 : f32 to vector<16xf32>
      %add3A_3079 = arith.addf %mul3A_3076, %add3A_3078 : vector<16xf32>
      %bitcast3A_3080 = vector.bitcast %add3A_3079 : vector<16xf32> to vector<16xi32>
      %shift_right_arithmetic3A_3081 = arith.constant 23 : i32
      %shift_right_arithmetic3A_3082 = vector.broadcast %shift_right_arithmetic3A_3081 : i32 to vector<16xi32>
      %shift_right_arithmetic3A_3083 = arith.shrsi %bitcast3A_3080, %shift_right_arithmetic3A_3082 : vector<16xi32>
      %sub3A_3084 = arith.constant 127 : i32
      %sub3A_3085 = vector.broadcast %sub3A_3084 : i32 to vector<16xi32>
      %sub3A_3086 = arith.subi %shift_right_arithmetic3A_3083, %sub3A_3085 : vector<16xi32>
      %and3A_3087 = arith.constant 8388607 : i32
      %and3A_3088 = vector.broadcast %and3A_3087 : i32 to vector<16xi32>
      %and3A_3089 = arith.andi %bitcast3A_3080, %and3A_3088 : vector<16xi32>
      %or3A_3090 = arith.constant 1065353216 : i32
      %or3A_3091 = vector.broadcast %or3A_3090 : i32 to vector<16xi32>
      %or3A_3092 = arith.ori %and3A_3089, %or3A_3091 : vector<16xi32>
      %bitcast3A_3093 = vector.bitcast %or3A_3092 : vector<16xi32> to vector<16xf32>
      %gt3A_3094 = arith.constant 1.41421354 : f32
      %gt3A_3095 = vector.broadcast %gt3A_3094 : f32 to vector<16xf32>
      %gt3A_3096 = arith.cmpf ogt, %bitcast3A_3093, %gt3A_3095 : vector<16xf32>
      %mul3A_3097 = arith.constant 5.000000e-01 : f32
      %mul3A_3098 = vector.broadcast %mul3A_3097 : f32 to vector<16xf32>
      %mul3A_3099 = arith.mulf %bitcast3A_3093, %mul3A_3098 : vector<16xf32>
      %select_n3A_3100 = arith.select %gt3A_3096, %mul3A_3099, %bitcast3A_3093 : vector<16xi1>, vector<16xf32>
      %add3A_3101 = arith.constant 1 : i32
      %add3A_3102 = vector.broadcast %add3A_3101 : i32 to vector<16xi32>
      %add3A_3103 = arith.addi %sub3A_3086, %add3A_3102 : vector<16xi32>
      %select_n3A_3104 = arith.select %gt3A_3096, %add3A_3103, %sub3A_3086 : vector<16xi1>, vector<16xi32>
      %sub3A_3105 = arith.constant 1.000000e+00 : f32
      %sub3A_3106 = vector.broadcast %sub3A_3105 : f32 to vector<16xf32>
      %sub3A_3107 = arith.subf %select_n3A_3100, %sub3A_3106 : vector<16xf32>
      %add3A_3108 = arith.constant 1.000000e+00 : f32
      %add3A_3109 = vector.broadcast %add3A_3108 : f32 to vector<16xf32>
      %add3A_3110 = arith.addf %select_n3A_3100, %add3A_3109 : vector<16xf32>
      %div3A_3111 = arith.divf %sub3A_3107, %add3A_3110 : vector<16xf32>
      %mul3A_3112 = arith.mulf %div3A_3111, %div3A_3111 : vector<16xf32>
      %mul3A_3113 = arith.constant 0.111111112 : f32
      %mul3A_3114 = vector.broadcast %mul3A_3113 : f32 to vector<16xf32>
      %mul3A_3115 = arith.mulf %mul3A_3114, %mul3A_3112 : vector<16xf32>
      %add3A_3116 = arith.constant 0.142857149 : f32
      %add3A_3117 = vector.broadcast %add3A_3116 : f32 to vector<16xf32>
      %add3A_3118 = arith.addf %mul3A_3115, %add3A_3117 : vector<16xf32>
      %mul3A_3119 = arith.mulf %add3A_3118, %mul3A_3112 : vector<16xf32>
      %add3A_3120 = arith.constant 2.000000e-01 : f32
      %add3A_3121 = vector.broadcast %add3A_3120 : f32 to vector<16xf32>
      %add3A_3122 = arith.addf %mul3A_3119, %add3A_3121 : vector<16xf32>
      %mul3A_3123 = arith.mulf %add3A_3122, %mul3A_3112 : vector<16xf32>
      %add3A_3124 = arith.constant 0.333333343 : f32
      %add3A_3125 = vector.broadcast %add3A_3124 : f32 to vector<16xf32>
      %add3A_3126 = arith.addf %mul3A_3123, %add3A_3125 : vector<16xf32>
      %mul3A_3127 = arith.mulf %add3A_3126, %mul3A_3112 : vector<16xf32>
      %add3A_3128 = arith.constant 1.000000e+00 : f32
      %add3A_3129 = vector.broadcast %add3A_3128 : f32 to vector<16xf32>
      %add3A_3130 = arith.addf %mul3A_3127, %add3A_3129 : vector<16xf32>
      %convert_element_type3A_3131 = arith.sitofp %select_n3A_3104 : vector<16xi32> to vector<16xf32>
      %mul3A_3132 = arith.constant 0.693147182 : f32
      %mul3A_3133 = vector.broadcast %mul3A_3132 : f32 to vector<16xf32>
      %mul3A_3134 = arith.mulf %convert_element_type3A_3131, %mul3A_3133 : vector<16xf32>
      %mul3A_3135 = arith.constant 2.000000e+00 : f32
      %mul3A_3136 = vector.broadcast %mul3A_3135 : f32 to vector<16xf32>
      %mul3A_3137 = arith.mulf %mul3A_3136, %div3A_3111 : vector<16xf32>
      %mul3A_3138 = arith.mulf %mul3A_3137, %add3A_3130 : vector<16xf32>
      %add3A_3139 = arith.addf %mul3A_3134, %mul3A_3138 : vector<16xf32>
      %mul3A_3140 = arith.mulf %mul3A_3076, %add3A_3139 : vector<16xf32>
      %add3A_3141 = arith.addf %add3A_2994, %mul3A_3140 : vector<16xf32>
      %get3A_3142 = arith.constant 0 : i32
      %get3A_3143 = arith.index_cast %get3A_3142 : i32 to index
      %get3A_3144 = arith.constant 336 : index
      %get3A_3145 = tpu.vector_load %arg7[%get3A_3143, %get3A_3144] {strides = array<i32>} : memref<16x512xf32, #tpu.memory_space<vmem>>, vector<16xf32>,
      %get3A_3146 = arith.constant 1 : i32
      %get3A_3147 = arith.index_cast %get3A_3146 : i32 to index
      %get3A_3148 = arith.constant 336 : index
      %get3A_3149 = tpu.vector_load %arg7[%get3A_3147, %get3A_3148] {strides = array<i32>} : memref<16x512xf32, #tpu.memory_space<vmem>>, vector<16xf32>,
      %add3A_3150 = arith.addf %get3A_3145, %get3A_3149 : vector<16xf32>
      %get3A_3151 = arith.constant 2 : i32
      %get3A_3152 = arith.index_cast %get3A_3151 : i32 to index
      %get3A_3153 = arith.constant 336 : index
      %get3A_3154 = tpu.vector_load %arg7[%get3A_3152, %get3A_3153] {strides = array<i32>} : memref<16x512xf32, #tpu.memory_space<vmem>>, vector<16xf32>,
      %add3A_3155 = arith.addf %add3A_3150, %get3A_3154 : vector<16xf32>
      %get3A_3156 = arith.constant 3 : i32
      %get3A_3157 = arith.index_cast %get3A_3156 : i32 to index
      %get3A_3158 = arith.constant 336 : index
      %get3A_3159 = tpu.vector_load %arg7[%get3A_3157, %get3A_3158] {strides = array<i32>} : memref<16x512xf32, #tpu.memory_space<vmem>>, vector<16xf32>,
      %add3A_3160 = arith.addf %add3A_3155, %get3A_3159 : vector<16xf32>
      %get3A_3161 = arith.constant 4 : i32
      %get3A_3162 = arith.index_cast %get3A_3161 : i32 to index
      %get3A_3163 = arith.constant 336 : index
      %get3A_3164 = tpu.vector_load %arg7[%get3A_3162, %get3A_3163] {strides = array<i32>} : memref<16x512xf32, #tpu.memory_space<vmem>>, vector<16xf32>,
      %add3A_3165 = arith.addf %add3A_3160, %get3A_3164 : vector<16xf32>
      %get3A_3166 = arith.constant 5 : i32
      %get3A_3167 = arith.index_cast %get3A_3166 : i32 to index
      %get3A_3168 = arith.constant 336 : index
      %get3A_3169 = tpu.vector_load %arg7[%get3A_3167, %get3A_3168] {strides = array<i32>} : memref<16x512xf32, #tpu.memory_space<vmem>>, vector<16xf32>,
      %add3A_3170 = arith.addf %add3A_3165, %get3A_3169 : vector<16xf32>
      %get3A_3171 = arith.constant 6 : i32
      %get3A_3172 = arith.index_cast %get3A_3171 : i32 to index
      %get3A_3173 = arith.constant 336 : index
      %get3A_3174 = tpu.vector_load %arg7[%get3A_3172, %get3A_3173] {strides = array<i32>} : memref<16x512xf32, #tpu.memory_space<vmem>>, vector<16xf32>,
      %add3A_3175 = arith.addf %add3A_3170, %get3A_3174 : vector<16xf32>
      %get3A_3176 = arith.constant 7 : i32
      %get3A_3177 = arith.index_cast %get3A_3176 : i32 to index
      %get3A_3178 = arith.constant 336 : index
      %get3A_3179 = tpu.vector_load %arg7[%get3A_3177, %get3A_3178] {strides = array<i32>} : memref<16x512xf32, #tpu.memory_space<vmem>>, vector<16xf32>,
      %add3A_3180 = arith.addf %add3A_3175, %get3A_3179 : vector<16xf32>
      %get3A_3181 = arith.constant 8 : i32
      %get3A_3182 = arith.index_cast %get3A_3181 : i32 to index
      %get3A_3183 = arith.constant 336 : index
      %get3A_3184 = tpu.vector_load %arg7[%get3A_3182, %get3A_3183] {strides = array<i32>} : memref<16x512xf32, #tpu.memory_space<vmem>>, vector<16xf32>,
      %add3A_3185 = arith.addf %add3A_3180, %get3A_3184 : vector<16xf32>
      %get3A_3186 = arith.constant 9 : i32
      %get3A_3187 = arith.index_cast %get3A_3186 : i32 to index
      %get3A_3188 = arith.constant 336 : index
      %get3A_3189 = tpu.vector_load %arg7[%get3A_3187, %get3A_3188] {strides = array<i32>} : memref<16x512xf32, #tpu.memory_space<vmem>>, vector<16xf32>,
      %add3A_3190 = arith.addf %add3A_3185, %get3A_3189 : vector<16xf32>
      %get3A_3191 = arith.constant 10 : i32
      %get3A_3192 = arith.index_cast %get3A_3191 : i32 to index
      %get3A_3193 = arith.constant 336 : index
      %get3A_3194 = tpu.vector_load %arg7[%get3A_3192, %get3A_3193] {strides = array<i32>} : memref<16x512xf32, #tpu.memory_space<vmem>>, vector<16xf32>,
      %add3A_3195 = arith.addf %add3A_3190, %get3A_3194 : vector<16xf32>
      %get3A_3196 = arith.constant 11 : i32
      %get3A_3197 = arith.index_cast %get3A_3196 : i32 to index
      %get3A_3198 = arith.constant 336 : index
      %get3A_3199 = tpu.vector_load %arg7[%get3A_3197, %get3A_3198] {strides = array<i32>} : memref<16x512xf32, #tpu.memory_space<vmem>>, vector<16xf32>,
      %add3A_3200 = arith.addf %add3A_3195, %get3A_3199 : vector<16xf32>
      %get3A_3201 = arith.constant 12 : i32
      %get3A_3202 = arith.index_cast %get3A_3201 : i32 to index
      %get3A_3203 = arith.constant 336 : index
      %get3A_3204 = tpu.vector_load %arg7[%get3A_3202, %get3A_3203] {strides = array<i32>} : memref<16x512xf32, #tpu.memory_space<vmem>>, vector<16xf32>,
      %add3A_3205 = arith.addf %add3A_3200, %get3A_3204 : vector<16xf32>
      %get3A_3206 = arith.constant 13 : i32
      %get3A_3207 = arith.index_cast %get3A_3206 : i32 to index
      %get3A_3208 = arith.constant 336 : index
      %get3A_3209 = tpu.vector_load %arg7[%get3A_3207, %get3A_3208] {strides = array<i32>} : memref<16x512xf32, #tpu.memory_space<vmem>>, vector<16xf32>,
      %add3A_3210 = arith.addf %add3A_3205, %get3A_3209 : vector<16xf32>
      %get3A_3211 = arith.constant 14 : i32
      %get3A_3212 = arith.index_cast %get3A_3211 : i32 to index
      %get3A_3213 = arith.constant 336 : index
      %get3A_3214 = tpu.vector_load %arg7[%get3A_3212, %get3A_3213] {strides = array<i32>} : memref<16x512xf32, #tpu.memory_space<vmem>>, vector<16xf32>,
      %add3A_3215 = arith.addf %add3A_3210, %get3A_3214 : vector<16xf32>
      %get3A_3216 = arith.constant 15 : i32
      %get3A_3217 = arith.index_cast %get3A_3216 : i32 to index
      %get3A_3218 = arith.constant 336 : index
      %get3A_3219 = tpu.vector_load %arg7[%get3A_3217, %get3A_3218] {strides = array<i32>} : memref<16x512xf32, #tpu.memory_space<vmem>>, vector<16xf32>,
      %add3A_3220 = arith.addf %add3A_3215, %get3A_3219 : vector<16xf32>
      %mul3A_3221 = arith.constant 4.34027781E-4 : f32
      %mul3A_3222 = vector.broadcast %mul3A_3221 : f32 to vector<16xf32>
      %mul3A_3223 = arith.mulf %add3A_3220, %mul3A_3222 : vector<16xf32>
      %add3A_3224 = arith.constant 1.000000e-10 : f32
      %add3A_3225 = vector.broadcast %add3A_3224 : f32 to vector<16xf32>
      %add3A_3226 = arith.addf %mul3A_3223, %add3A_3225 : vector<16xf32>
      %bitcast3A_3227 = vector.bitcast %add3A_3226 : vector<16xf32> to vector<16xi32>
      %shift_right_arithmetic3A_3228 = arith.constant 23 : i32
      %shift_right_arithmetic3A_3229 = vector.broadcast %shift_right_arithmetic3A_3228 : i32 to vector<16xi32>
      %shift_right_arithmetic3A_3230 = arith.shrsi %bitcast3A_3227, %shift_right_arithmetic3A_3229 : vector<16xi32>
      %sub3A_3231 = arith.constant 127 : i32
      %sub3A_3232 = vector.broadcast %sub3A_3231 : i32 to vector<16xi32>
      %sub3A_3233 = arith.subi %shift_right_arithmetic3A_3230, %sub3A_3232 : vector<16xi32>
      %and3A_3234 = arith.constant 8388607 : i32
      %and3A_3235 = vector.broadcast %and3A_3234 : i32 to vector<16xi32>
      %and3A_3236 = arith.andi %bitcast3A_3227, %and3A_3235 : vector<16xi32>
      %or3A_3237 = arith.constant 1065353216 : i32
      %or3A_3238 = vector.broadcast %or3A_3237 : i32 to vector<16xi32>
      %or3A_3239 = arith.ori %and3A_3236, %or3A_3238 : vector<16xi32>
      %bitcast3A_3240 = vector.bitcast %or3A_3239 : vector<16xi32> to vector<16xf32>
      %gt3A_3241 = arith.constant 1.41421354 : f32
      %gt3A_3242 = vector.broadcast %gt3A_3241 : f32 to vector<16xf32>
      %gt3A_3243 = arith.cmpf ogt, %bitcast3A_3240, %gt3A_3242 : vector<16xf32>
      %mul3A_3244 = arith.constant 5.000000e-01 : f32
      %mul3A_3245 = vector.broadcast %mul3A_3244 : f32 to vector<16xf32>
      %mul3A_3246 = arith.mulf %bitcast3A_3240, %mul3A_3245 : vector<16xf32>
      %select_n3A_3247 = arith.select %gt3A_3243, %mul3A_3246, %bitcast3A_3240 : vector<16xi1>, vector<16xf32>
      %add3A_3248 = arith.constant 1 : i32
      %add3A_3249 = vector.broadcast %add3A_3248 : i32 to vector<16xi32>
      %add3A_3250 = arith.addi %sub3A_3233, %add3A_3249 : vector<16xi32>
      %select_n3A_3251 = arith.select %gt3A_3243, %add3A_3250, %sub3A_3233 : vector<16xi1>, vector<16xi32>
      %sub3A_3252 = arith.constant 1.000000e+00 : f32
      %sub3A_3253 = vector.broadcast %sub3A_3252 : f32 to vector<16xf32>
      %sub3A_3254 = arith.subf %select_n3A_3247, %sub3A_3253 : vector<16xf32>
      %add3A_3255 = arith.constant 1.000000e+00 : f32
      %add3A_3256 = vector.broadcast %add3A_3255 : f32 to vector<16xf32>
      %add3A_3257 = arith.addf %select_n3A_3247, %add3A_3256 : vector<16xf32>
      %div3A_3258 = arith.divf %sub3A_3254, %add3A_3257 : vector<16xf32>
      %mul3A_3259 = arith.mulf %div3A_3258, %div3A_3258 : vector<16xf32>
      %mul3A_3260 = arith.constant 0.111111112 : f32
      %mul3A_3261 = vector.broadcast %mul3A_3260 : f32 to vector<16xf32>
      %mul3A_3262 = arith.mulf %mul3A_3261, %mul3A_3259 : vector<16xf32>
      %add3A_3263 = arith.constant 0.142857149 : f32
      %add3A_3264 = vector.broadcast %add3A_3263 : f32 to vector<16xf32>
      %add3A_3265 = arith.addf %mul3A_3262, %add3A_3264 : vector<16xf32>
      %mul3A_3266 = arith.mulf %add3A_3265, %mul3A_3259 : vector<16xf32>
      %add3A_3267 = arith.constant 2.000000e-01 : f32
      %add3A_3268 = vector.broadcast %add3A_3267 : f32 to vector<16xf32>
      %add3A_3269 = arith.addf %mul3A_3266, %add3A_3268 : vector<16xf32>
      %mul3A_3270 = arith.mulf %add3A_3269, %mul3A_3259 : vector<16xf32>
      %add3A_3271 = arith.constant 0.333333343 : f32
      %add3A_3272 = vector.broadcast %add3A_3271 : f32 to vector<16xf32>
      %add3A_3273 = arith.addf %mul3A_3270, %add3A_3272 : vector<16xf32>
      %mul3A_3274 = arith.mulf %add3A_3273, %mul3A_3259 : vector<16xf32>
      %add3A_3275 = arith.constant 1.000000e+00 : f32
      %add3A_3276 = vector.broadcast %add3A_3275 : f32 to vector<16xf32>
      %add3A_3277 = arith.addf %mul3A_3274, %add3A_3276 : vector<16xf32>
      %convert_element_type3A_3278 = arith.sitofp %select_n3A_3251 : vector<16xi32> to vector<16xf32>
      %mul3A_3279 = arith.constant 0.693147182 : f32
      %mul3A_3280 = vector.broadcast %mul3A_3279 : f32 to vector<16xf32>
      %mul3A_3281 = arith.mulf %convert_element_type3A_3278, %mul3A_3280 : vector<16xf32>
      %mul3A_3282 = arith.constant 2.000000e+00 : f32
      %mul3A_3283 = vector.broadcast %mul3A_3282 : f32 to vector<16xf32>
      %mul3A_3284 = arith.mulf %mul3A_3283, %div3A_3258 : vector<16xf32>
      %mul3A_3285 = arith.mulf %mul3A_3284, %add3A_3277 : vector<16xf32>
      %add3A_3286 = arith.addf %mul3A_3281, %mul3A_3285 : vector<16xf32>
      %mul3A_3287 = arith.mulf %mul3A_3223, %add3A_3286 : vector<16xf32>
      %add3A_3288 = arith.addf %add3A_3141, %mul3A_3287 : vector<16xf32>
      %get3A_3289 = arith.constant 0 : i32
      %get3A_3290 = arith.index_cast %get3A_3289 : i32 to index
      %get3A_3291 = arith.constant 352 : index
      %get3A_3292 = tpu.vector_load %arg7[%get3A_3290, %get3A_3291] {strides = array<i32>} : memref<16x512xf32, #tpu.memory_space<vmem>>, vector<16xf32>,
      %get3A_3293 = arith.constant 1 : i32
      %get3A_3294 = arith.index_cast %get3A_3293 : i32 to index
      %get3A_3295 = arith.constant 352 : index
      %get3A_3296 = tpu.vector_load %arg7[%get3A_3294, %get3A_3295] {strides = array<i32>} : memref<16x512xf32, #tpu.memory_space<vmem>>, vector<16xf32>,
      %add3A_3297 = arith.addf %get3A_3292, %get3A_3296 : vector<16xf32>
      %get3A_3298 = arith.constant 2 : i32
      %get3A_3299 = arith.index_cast %get3A_3298 : i32 to index
      %get3A_3300 = arith.constant 352 : index
      %get3A_3301 = tpu.vector_load %arg7[%get3A_3299, %get3A_3300] {strides = array<i32>} : memref<16x512xf32, #tpu.memory_space<vmem>>, vector<16xf32>,
      %add3A_3302 = arith.addf %add3A_3297, %get3A_3301 : vector<16xf32>
      %get3A_3303 = arith.constant 3 : i32
      %get3A_3304 = arith.index_cast %get3A_3303 : i32 to index
      %get3A_3305 = arith.constant 352 : index
      %get3A_3306 = tpu.vector_load %arg7[%get3A_3304, %get3A_3305] {strides = array<i32>} : memref<16x512xf32, #tpu.memory_space<vmem>>, vector<16xf32>,
      %add3A_3307 = arith.addf %add3A_3302, %get3A_3306 : vector<16xf32>
      %get3A_3308 = arith.constant 4 : i32
      %get3A_3309 = arith.index_cast %get3A_3308 : i32 to index
      %get3A_3310 = arith.constant 352 : index
      %get3A_3311 = tpu.vector_load %arg7[%get3A_3309, %get3A_3310] {strides = array<i32>} : memref<16x512xf32, #tpu.memory_space<vmem>>, vector<16xf32>,
      %add3A_3312 = arith.addf %add3A_3307, %get3A_3311 : vector<16xf32>
      %get3A_3313 = arith.constant 5 : i32
      %get3A_3314 = arith.index_cast %get3A_3313 : i32 to index
      %get3A_3315 = arith.constant 352 : index
      %get3A_3316 = tpu.vector_load %arg7[%get3A_3314, %get3A_3315] {strides = array<i32>} : memref<16x512xf32, #tpu.memory_space<vmem>>, vector<16xf32>,
      %add3A_3317 = arith.addf %add3A_3312, %get3A_3316 : vector<16xf32>
      %get3A_3318 = arith.constant 6 : i32
      %get3A_3319 = arith.index_cast %get3A_3318 : i32 to index
      %get3A_3320 = arith.constant 352 : index
      %get3A_3321 = tpu.vector_load %arg7[%get3A_3319, %get3A_3320] {strides = array<i32>} : memref<16x512xf32, #tpu.memory_space<vmem>>, vector<16xf32>,
      %add3A_3322 = arith.addf %add3A_3317, %get3A_3321 : vector<16xf32>
      %get3A_3323 = arith.constant 7 : i32
      %get3A_3324 = arith.index_cast %get3A_3323 : i32 to index
      %get3A_3325 = arith.constant 352 : index
      %get3A_3326 = tpu.vector_load %arg7[%get3A_3324, %get3A_3325] {strides = array<i32>} : memref<16x512xf32, #tpu.memory_space<vmem>>, vector<16xf32>,
      %add3A_3327 = arith.addf %add3A_3322, %get3A_3326 : vector<16xf32>
      %get3A_3328 = arith.constant 8 : i32
      %get3A_3329 = arith.index_cast %get3A_3328 : i32 to index
      %get3A_3330 = arith.constant 352 : index
      %get3A_3331 = tpu.vector_load %arg7[%get3A_3329, %get3A_3330] {strides = array<i32>} : memref<16x512xf32, #tpu.memory_space<vmem>>, vector<16xf32>,
      %add3A_3332 = arith.addf %add3A_3327, %get3A_3331 : vector<16xf32>
      %get3A_3333 = arith.constant 9 : i32
      %get3A_3334 = arith.index_cast %get3A_3333 : i32 to index
      %get3A_3335 = arith.constant 352 : index
      %get3A_3336 = tpu.vector_load %arg7[%get3A_3334, %get3A_3335] {strides = array<i32>} : memref<16x512xf32, #tpu.memory_space<vmem>>, vector<16xf32>,
      %add3A_3337 = arith.addf %add3A_3332, %get3A_3336 : vector<16xf32>
      %get3A_3338 = arith.constant 10 : i32
      %get3A_3339 = arith.index_cast %get3A_3338 : i32 to index
      %get3A_3340 = arith.constant 352 : index
      %get3A_3341 = tpu.vector_load %arg7[%get3A_3339, %get3A_3340] {strides = array<i32>} : memref<16x512xf32, #tpu.memory_space<vmem>>, vector<16xf32>,
      %add3A_3342 = arith.addf %add3A_3337, %get3A_3341 : vector<16xf32>
      %get3A_3343 = arith.constant 11 : i32
      %get3A_3344 = arith.index_cast %get3A_3343 : i32 to index
      %get3A_3345 = arith.constant 352 : index
      %get3A_3346 = tpu.vector_load %arg7[%get3A_3344, %get3A_3345] {strides = array<i32>} : memref<16x512xf32, #tpu.memory_space<vmem>>, vector<16xf32>,
      %add3A_3347 = arith.addf %add3A_3342, %get3A_3346 : vector<16xf32>
      %get3A_3348 = arith.constant 12 : i32
      %get3A_3349 = arith.index_cast %get3A_3348 : i32 to index
      %get3A_3350 = arith.constant 352 : index
      %get3A_3351 = tpu.vector_load %arg7[%get3A_3349, %get3A_3350] {strides = array<i32>} : memref<16x512xf32, #tpu.memory_space<vmem>>, vector<16xf32>,
      %add3A_3352 = arith.addf %add3A_3347, %get3A_3351 : vector<16xf32>
      %get3A_3353 = arith.constant 13 : i32
      %get3A_3354 = arith.index_cast %get3A_3353 : i32 to index
      %get3A_3355 = arith.constant 352 : index
      %get3A_3356 = tpu.vector_load %arg7[%get3A_3354, %get3A_3355] {strides = array<i32>} : memref<16x512xf32, #tpu.memory_space<vmem>>, vector<16xf32>,
      %add3A_3357 = arith.addf %add3A_3352, %get3A_3356 : vector<16xf32>
      %get3A_3358 = arith.constant 14 : i32
      %get3A_3359 = arith.index_cast %get3A_3358 : i32 to index
      %get3A_3360 = arith.constant 352 : index
      %get3A_3361 = tpu.vector_load %arg7[%get3A_3359, %get3A_3360] {strides = array<i32>} : memref<16x512xf32, #tpu.memory_space<vmem>>, vector<16xf32>,
      %add3A_3362 = arith.addf %add3A_3357, %get3A_3361 : vector<16xf32>
      %get3A_3363 = arith.constant 15 : i32
      %get3A_3364 = arith.index_cast %get3A_3363 : i32 to index
      %get3A_3365 = arith.constant 352 : index
      %get3A_3366 = tpu.vector_load %arg7[%get3A_3364, %get3A_3365] {strides = array<i32>} : memref<16x512xf32, #tpu.memory_space<vmem>>, vector<16xf32>,
      %add3A_3367 = arith.addf %add3A_3362, %get3A_3366 : vector<16xf32>
      %mul3A_3368 = arith.constant 4.34027781E-4 : f32
      %mul3A_3369 = vector.broadcast %mul3A_3368 : f32 to vector<16xf32>
      %mul3A_3370 = arith.mulf %add3A_3367, %mul3A_3369 : vector<16xf32>
      %add3A_3371 = arith.constant 1.000000e-10 : f32
      %add3A_3372 = vector.broadcast %add3A_3371 : f32 to vector<16xf32>
      %add3A_3373 = arith.addf %mul3A_3370, %add3A_3372 : vector<16xf32>
      %bitcast3A_3374 = vector.bitcast %add3A_3373 : vector<16xf32> to vector<16xi32>
      %shift_right_arithmetic3A_3375 = arith.constant 23 : i32
      %shift_right_arithmetic3A_3376 = vector.broadcast %shift_right_arithmetic3A_3375 : i32 to vector<16xi32>
      %shift_right_arithmetic3A_3377 = arith.shrsi %bitcast3A_3374, %shift_right_arithmetic3A_3376 : vector<16xi32>
      %sub3A_3378 = arith.constant 127 : i32
      %sub3A_3379 = vector.broadcast %sub3A_3378 : i32 to vector<16xi32>
      %sub3A_3380 = arith.subi %shift_right_arithmetic3A_3377, %sub3A_3379 : vector<16xi32>
      %and3A_3381 = arith.constant 8388607 : i32
      %and3A_3382 = vector.broadcast %and3A_3381 : i32 to vector<16xi32>
      %and3A_3383 = arith.andi %bitcast3A_3374, %and3A_3382 : vector<16xi32>
      %or3A_3384 = arith.constant 1065353216 : i32
      %or3A_3385 = vector.broadcast %or3A_3384 : i32 to vector<16xi32>
      %or3A_3386 = arith.ori %and3A_3383, %or3A_3385 : vector<16xi32>
      %bitcast3A_3387 = vector.bitcast %or3A_3386 : vector<16xi32> to vector<16xf32>
      %gt3A_3388 = arith.constant 1.41421354 : f32
      %gt3A_3389 = vector.broadcast %gt3A_3388 : f32 to vector<16xf32>
      %gt3A_3390 = arith.cmpf ogt, %bitcast3A_3387, %gt3A_3389 : vector<16xf32>
      %mul3A_3391 = arith.constant 5.000000e-01 : f32
      %mul3A_3392 = vector.broadcast %mul3A_3391 : f32 to vector<16xf32>
      %mul3A_3393 = arith.mulf %bitcast3A_3387, %mul3A_3392 : vector<16xf32>
      %select_n3A_3394 = arith.select %gt3A_3390, %mul3A_3393, %bitcast3A_3387 : vector<16xi1>, vector<16xf32>
      %add3A_3395 = arith.constant 1 : i32
      %add3A_3396 = vector.broadcast %add3A_3395 : i32 to vector<16xi32>
      %add3A_3397 = arith.addi %sub3A_3380, %add3A_3396 : vector<16xi32>
      %select_n3A_3398 = arith.select %gt3A_3390, %add3A_3397, %sub3A_3380 : vector<16xi1>, vector<16xi32>
      %sub3A_3399 = arith.constant 1.000000e+00 : f32
      %sub3A_3400 = vector.broadcast %sub3A_3399 : f32 to vector<16xf32>
      %sub3A_3401 = arith.subf %select_n3A_3394, %sub3A_3400 : vector<16xf32>
      %add3A_3402 = arith.constant 1.000000e+00 : f32
      %add3A_3403 = vector.broadcast %add3A_3402 : f32 to vector<16xf32>
      %add3A_3404 = arith.addf %select_n3A_3394, %add3A_3403 : vector<16xf32>
      %div3A_3405 = arith.divf %sub3A_3401, %add3A_3404 : vector<16xf32>
      %mul3A_3406 = arith.mulf %div3A_3405, %div3A_3405 : vector<16xf32>
      %mul3A_3407 = arith.constant 0.111111112 : f32
      %mul3A_3408 = vector.broadcast %mul3A_3407 : f32 to vector<16xf32>
      %mul3A_3409 = arith.mulf %mul3A_3408, %mul3A_3406 : vector<16xf32>
      %add3A_3410 = arith.constant 0.142857149 : f32
      %add3A_3411 = vector.broadcast %add3A_3410 : f32 to vector<16xf32>
      %add3A_3412 = arith.addf %mul3A_3409, %add3A_3411 : vector<16xf32>
      %mul3A_3413 = arith.mulf %add3A_3412, %mul3A_3406 : vector<16xf32>
      %add3A_3414 = arith.constant 2.000000e-01 : f32
      %add3A_3415 = vector.broadcast %add3A_3414 : f32 to vector<16xf32>
      %add3A_3416 = arith.addf %mul3A_3413, %add3A_3415 : vector<16xf32>
      %mul3A_3417 = arith.mulf %add3A_3416, %mul3A_3406 : vector<16xf32>
      %add3A_3418 = arith.constant 0.333333343 : f32
      %add3A_3419 = vector.broadcast %add3A_3418 : f32 to vector<16xf32>
      %add3A_3420 = arith.addf %mul3A_3417, %add3A_3419 : vector<16xf32>
      %mul3A_3421 = arith.mulf %add3A_3420, %mul3A_3406 : vector<16xf32>
      %add3A_3422 = arith.constant 1.000000e+00 : f32
      %add3A_3423 = vector.broadcast %add3A_3422 : f32 to vector<16xf32>
      %add3A_3424 = arith.addf %mul3A_3421, %add3A_3423 : vector<16xf32>
      %convert_element_type3A_3425 = arith.sitofp %select_n3A_3398 : vector<16xi32> to vector<16xf32>
      %mul3A_3426 = arith.constant 0.693147182 : f32
      %mul3A_3427 = vector.broadcast %mul3A_3426 : f32 to vector<16xf32>
      %mul3A_3428 = arith.mulf %convert_element_type3A_3425, %mul3A_3427 : vector<16xf32>
      %mul3A_3429 = arith.constant 2.000000e+00 : f32
      %mul3A_3430 = vector.broadcast %mul3A_3429 : f32 to vector<16xf32>
      %mul3A_3431 = arith.mulf %mul3A_3430, %div3A_3405 : vector<16xf32>
      %mul3A_3432 = arith.mulf %mul3A_3431, %add3A_3424 : vector<16xf32>
      %add3A_3433 = arith.addf %mul3A_3428, %mul3A_3432 : vector<16xf32>
      %mul3A_3434 = arith.mulf %mul3A_3370, %add3A_3433 : vector<16xf32>
      %add3A_3435 = arith.addf %add3A_3288, %mul3A_3434 : vector<16xf32>
      %get3A_3436 = arith.constant 0 : i32
      %get3A_3437 = arith.index_cast %get3A_3436 : i32 to index
      %get3A_3438 = arith.constant 368 : index
      %get3A_3439 = tpu.vector_load %arg7[%get3A_3437, %get3A_3438] {strides = array<i32>} : memref<16x512xf32, #tpu.memory_space<vmem>>, vector<16xf32>,
      %get3A_3440 = arith.constant 1 : i32
      %get3A_3441 = arith.index_cast %get3A_3440 : i32 to index
      %get3A_3442 = arith.constant 368 : index
      %get3A_3443 = tpu.vector_load %arg7[%get3A_3441, %get3A_3442] {strides = array<i32>} : memref<16x512xf32, #tpu.memory_space<vmem>>, vector<16xf32>,
      %add3A_3444 = arith.addf %get3A_3439, %get3A_3443 : vector<16xf32>
      %get3A_3445 = arith.constant 2 : i32
      %get3A_3446 = arith.index_cast %get3A_3445 : i32 to index
      %get3A_3447 = arith.constant 368 : index
      %get3A_3448 = tpu.vector_load %arg7[%get3A_3446, %get3A_3447] {strides = array<i32>} : memref<16x512xf32, #tpu.memory_space<vmem>>, vector<16xf32>,
      %add3A_3449 = arith.addf %add3A_3444, %get3A_3448 : vector<16xf32>
      %get3A_3450 = arith.constant 3 : i32
      %get3A_3451 = arith.index_cast %get3A_3450 : i32 to index
      %get3A_3452 = arith.constant 368 : index
      %get3A_3453 = tpu.vector_load %arg7[%get3A_3451, %get3A_3452] {strides = array<i32>} : memref<16x512xf32, #tpu.memory_space<vmem>>, vector<16xf32>,
      %add3A_3454 = arith.addf %add3A_3449, %get3A_3453 : vector<16xf32>
      %get3A_3455 = arith.constant 4 : i32
      %get3A_3456 = arith.index_cast %get3A_3455 : i32 to index
      %get3A_3457 = arith.constant 368 : index
      %get3A_3458 = tpu.vector_load %arg7[%get3A_3456, %get3A_3457] {strides = array<i32>} : memref<16x512xf32, #tpu.memory_space<vmem>>, vector<16xf32>,
      %add3A_3459 = arith.addf %add3A_3454, %get3A_3458 : vector<16xf32>
      %get3A_3460 = arith.constant 5 : i32
      %get3A_3461 = arith.index_cast %get3A_3460 : i32 to index
      %get3A_3462 = arith.constant 368 : index
      %get3A_3463 = tpu.vector_load %arg7[%get3A_3461, %get3A_3462] {strides = array<i32>} : memref<16x512xf32, #tpu.memory_space<vmem>>, vector<16xf32>,
      %add3A_3464 = arith.addf %add3A_3459, %get3A_3463 : vector<16xf32>
      %get3A_3465 = arith.constant 6 : i32
      %get3A_3466 = arith.index_cast %get3A_3465 : i32 to index
      %get3A_3467 = arith.constant 368 : index
      %get3A_3468 = tpu.vector_load %arg7[%get3A_3466, %get3A_3467] {strides = array<i32>} : memref<16x512xf32, #tpu.memory_space<vmem>>, vector<16xf32>,
      %add3A_3469 = arith.addf %add3A_3464, %get3A_3468 : vector<16xf32>
      %get3A_3470 = arith.constant 7 : i32
      %get3A_3471 = arith.index_cast %get3A_3470 : i32 to index
      %get3A_3472 = arith.constant 368 : index
      %get3A_3473 = tpu.vector_load %arg7[%get3A_3471, %get3A_3472] {strides = array<i32>} : memref<16x512xf32, #tpu.memory_space<vmem>>, vector<16xf32>,
      %add3A_3474 = arith.addf %add3A_3469, %get3A_3473 : vector<16xf32>
      %get3A_3475 = arith.constant 8 : i32
      %get3A_3476 = arith.index_cast %get3A_3475 : i32 to index
      %get3A_3477 = arith.constant 368 : index
      %get3A_3478 = tpu.vector_load %arg7[%get3A_3476, %get3A_3477] {strides = array<i32>} : memref<16x512xf32, #tpu.memory_space<vmem>>, vector<16xf32>,
      %add3A_3479 = arith.addf %add3A_3474, %get3A_3478 : vector<16xf32>
      %get3A_3480 = arith.constant 9 : i32
      %get3A_3481 = arith.index_cast %get3A_3480 : i32 to index
      %get3A_3482 = arith.constant 368 : index
      %get3A_3483 = tpu.vector_load %arg7[%get3A_3481, %get3A_3482] {strides = array<i32>} : memref<16x512xf32, #tpu.memory_space<vmem>>, vector<16xf32>,
      %add3A_3484 = arith.addf %add3A_3479, %get3A_3483 : vector<16xf32>
      %get3A_3485 = arith.constant 10 : i32
      %get3A_3486 = arith.index_cast %get3A_3485 : i32 to index
      %get3A_3487 = arith.constant 368 : index
      %get3A_3488 = tpu.vector_load %arg7[%get3A_3486, %get3A_3487] {strides = array<i32>} : memref<16x512xf32, #tpu.memory_space<vmem>>, vector<16xf32>,
      %add3A_3489 = arith.addf %add3A_3484, %get3A_3488 : vector<16xf32>
      %get3A_3490 = arith.constant 11 : i32
      %get3A_3491 = arith.index_cast %get3A_3490 : i32 to index
      %get3A_3492 = arith.constant 368 : index
      %get3A_3493 = tpu.vector_load %arg7[%get3A_3491, %get3A_3492] {strides = array<i32>} : memref<16x512xf32, #tpu.memory_space<vmem>>, vector<16xf32>,
      %add3A_3494 = arith.addf %add3A_3489, %get3A_3493 : vector<16xf32>
      %get3A_3495 = arith.constant 12 : i32
      %get3A_3496 = arith.index_cast %get3A_3495 : i32 to index
      %get3A_3497 = arith.constant 368 : index
      %get3A_3498 = tpu.vector_load %arg7[%get3A_3496, %get3A_3497] {strides = array<i32>} : memref<16x512xf32, #tpu.memory_space<vmem>>, vector<16xf32>,
      %add3A_3499 = arith.addf %add3A_3494, %get3A_3498 : vector<16xf32>
      %get3A_3500 = arith.constant 13 : i32
      %get3A_3501 = arith.index_cast %get3A_3500 : i32 to index
      %get3A_3502 = arith.constant 368 : index
      %get3A_3503 = tpu.vector_load %arg7[%get3A_3501, %get3A_3502] {strides = array<i32>} : memref<16x512xf32, #tpu.memory_space<vmem>>, vector<16xf32>,
      %add3A_3504 = arith.addf %add3A_3499, %get3A_3503 : vector<16xf32>
      %get3A_3505 = arith.constant 14 : i32
      %get3A_3506 = arith.index_cast %get3A_3505 : i32 to index
      %get3A_3507 = arith.constant 368 : index
      %get3A_3508 = tpu.vector_load %arg7[%get3A_3506, %get3A_3507] {strides = array<i32>} : memref<16x512xf32, #tpu.memory_space<vmem>>, vector<16xf32>,
      %add3A_3509 = arith.addf %add3A_3504, %get3A_3508 : vector<16xf32>
      %get3A_3510 = arith.constant 15 : i32
      %get3A_3511 = arith.index_cast %get3A_3510 : i32 to index
      %get3A_3512 = arith.constant 368 : index
      %get3A_3513 = tpu.vector_load %arg7[%get3A_3511, %get3A_3512] {strides = array<i32>} : memref<16x512xf32, #tpu.memory_space<vmem>>, vector<16xf32>,
      %add3A_3514 = arith.addf %add3A_3509, %get3A_3513 : vector<16xf32>
      %mul3A_3515 = arith.constant 4.34027781E-4 : f32
      %mul3A_3516 = vector.broadcast %mul3A_3515 : f32 to vector<16xf32>
      %mul3A_3517 = arith.mulf %add3A_3514, %mul3A_3516 : vector<16xf32>
      %add3A_3518 = arith.constant 1.000000e-10 : f32
      %add3A_3519 = vector.broadcast %add3A_3518 : f32 to vector<16xf32>
      %add3A_3520 = arith.addf %mul3A_3517, %add3A_3519 : vector<16xf32>
      %bitcast3A_3521 = vector.bitcast %add3A_3520 : vector<16xf32> to vector<16xi32>
      %shift_right_arithmetic3A_3522 = arith.constant 23 : i32
      %shift_right_arithmetic3A_3523 = vector.broadcast %shift_right_arithmetic3A_3522 : i32 to vector<16xi32>
      %shift_right_arithmetic3A_3524 = arith.shrsi %bitcast3A_3521, %shift_right_arithmetic3A_3523 : vector<16xi32>
      %sub3A_3525 = arith.constant 127 : i32
      %sub3A_3526 = vector.broadcast %sub3A_3525 : i32 to vector<16xi32>
      %sub3A_3527 = arith.subi %shift_right_arithmetic3A_3524, %sub3A_3526 : vector<16xi32>
      %and3A_3528 = arith.constant 8388607 : i32
      %and3A_3529 = vector.broadcast %and3A_3528 : i32 to vector<16xi32>
      %and3A_3530 = arith.andi %bitcast3A_3521, %and3A_3529 : vector<16xi32>
      %or3A_3531 = arith.constant 1065353216 : i32
      %or3A_3532 = vector.broadcast %or3A_3531 : i32 to vector<16xi32>
      %or3A_3533 = arith.ori %and3A_3530, %or3A_3532 : vector<16xi32>
      %bitcast3A_3534 = vector.bitcast %or3A_3533 : vector<16xi32> to vector<16xf32>
      %gt3A_3535 = arith.constant 1.41421354 : f32
      %gt3A_3536 = vector.broadcast %gt3A_3535 : f32 to vector<16xf32>
      %gt3A_3537 = arith.cmpf ogt, %bitcast3A_3534, %gt3A_3536 : vector<16xf32>
      %mul3A_3538 = arith.constant 5.000000e-01 : f32
      %mul3A_3539 = vector.broadcast %mul3A_3538 : f32 to vector<16xf32>
      %mul3A_3540 = arith.mulf %bitcast3A_3534, %mul3A_3539 : vector<16xf32>
      %select_n3A_3541 = arith.select %gt3A_3537, %mul3A_3540, %bitcast3A_3534 : vector<16xi1>, vector<16xf32>
      %add3A_3542 = arith.constant 1 : i32
      %add3A_3543 = vector.broadcast %add3A_3542 : i32 to vector<16xi32>
      %add3A_3544 = arith.addi %sub3A_3527, %add3A_3543 : vector<16xi32>
      %select_n3A_3545 = arith.select %gt3A_3537, %add3A_3544, %sub3A_3527 : vector<16xi1>, vector<16xi32>
      %sub3A_3546 = arith.constant 1.000000e+00 : f32
      %sub3A_3547 = vector.broadcast %sub3A_3546 : f32 to vector<16xf32>
      %sub3A_3548 = arith.subf %select_n3A_3541, %sub3A_3547 : vector<16xf32>
      %add3A_3549 = arith.constant 1.000000e+00 : f32
      %add3A_3550 = vector.broadcast %add3A_3549 : f32 to vector<16xf32>
      %add3A_3551 = arith.addf %select_n3A_3541, %add3A_3550 : vector<16xf32>
      %div3A_3552 = arith.divf %sub3A_3548, %add3A_3551 : vector<16xf32>
      %mul3A_3553 = arith.mulf %div3A_3552, %div3A_3552 : vector<16xf32>
      %mul3A_3554 = arith.constant 0.111111112 : f32
      %mul3A_3555 = vector.broadcast %mul3A_3554 : f32 to vector<16xf32>
      %mul3A_3556 = arith.mulf %mul3A_3555, %mul3A_3553 : vector<16xf32>
      %add3A_3557 = arith.constant 0.142857149 : f32
      %add3A_3558 = vector.broadcast %add3A_3557 : f32 to vector<16xf32>
      %add3A_3559 = arith.addf %mul3A_3556, %add3A_3558 : vector<16xf32>
      %mul3A_3560 = arith.mulf %add3A_3559, %mul3A_3553 : vector<16xf32>
      %add3A_3561 = arith.constant 2.000000e-01 : f32
      %add3A_3562 = vector.broadcast %add3A_3561 : f32 to vector<16xf32>
      %add3A_3563 = arith.addf %mul3A_3560, %add3A_3562 : vector<16xf32>
      %mul3A_3564 = arith.mulf %add3A_3563, %mul3A_3553 : vector<16xf32>
      %add3A_3565 = arith.constant 0.333333343 : f32
      %add3A_3566 = vector.broadcast %add3A_3565 : f32 to vector<16xf32>
      %add3A_3567 = arith.addf %mul3A_3564, %add3A_3566 : vector<16xf32>
      %mul3A_3568 = arith.mulf %add3A_3567, %mul3A_3553 : vector<16xf32>
      %add3A_3569 = arith.constant 1.000000e+00 : f32
      %add3A_3570 = vector.broadcast %add3A_3569 : f32 to vector<16xf32>
      %add3A_3571 = arith.addf %mul3A_3568, %add3A_3570 : vector<16xf32>
      %convert_element_type3A_3572 = arith.sitofp %select_n3A_3545 : vector<16xi32> to vector<16xf32>
      %mul3A_3573 = arith.constant 0.693147182 : f32
      %mul3A_3574 = vector.broadcast %mul3A_3573 : f32 to vector<16xf32>
      %mul3A_3575 = arith.mulf %convert_element_type3A_3572, %mul3A_3574 : vector<16xf32>
      %mul3A_3576 = arith.constant 2.000000e+00 : f32
      %mul3A_3577 = vector.broadcast %mul3A_3576 : f32 to vector<16xf32>
      %mul3A_3578 = arith.mulf %mul3A_3577, %div3A_3552 : vector<16xf32>
      %mul3A_3579 = arith.mulf %mul3A_3578, %add3A_3571 : vector<16xf32>
      %add3A_3580 = arith.addf %mul3A_3575, %mul3A_3579 : vector<16xf32>
      %mul3A_3581 = arith.mulf %mul3A_3517, %add3A_3580 : vector<16xf32>
      %add3A_3582 = arith.addf %add3A_3435, %mul3A_3581 : vector<16xf32>
      %get3A_3583 = arith.constant 0 : i32
      %get3A_3584 = arith.index_cast %get3A_3583 : i32 to index
      %get3A_3585 = arith.constant 384 : index
      %get3A_3586 = tpu.vector_load %arg7[%get3A_3584, %get3A_3585] {strides = array<i32>} : memref<16x512xf32, #tpu.memory_space<vmem>>, vector<16xf32>,
      %get3A_3587 = arith.constant 1 : i32
      %get3A_3588 = arith.index_cast %get3A_3587 : i32 to index
      %get3A_3589 = arith.constant 384 : index
      %get3A_3590 = tpu.vector_load %arg7[%get3A_3588, %get3A_3589] {strides = array<i32>} : memref<16x512xf32, #tpu.memory_space<vmem>>, vector<16xf32>,
      %add3A_3591 = arith.addf %get3A_3586, %get3A_3590 : vector<16xf32>
      %get3A_3592 = arith.constant 2 : i32
      %get3A_3593 = arith.index_cast %get3A_3592 : i32 to index
      %get3A_3594 = arith.constant 384 : index
      %get3A_3595 = tpu.vector_load %arg7[%get3A_3593, %get3A_3594] {strides = array<i32>} : memref<16x512xf32, #tpu.memory_space<vmem>>, vector<16xf32>,
      %add3A_3596 = arith.addf %add3A_3591, %get3A_3595 : vector<16xf32>
      %get3A_3597 = arith.constant 3 : i32
      %get3A_3598 = arith.index_cast %get3A_3597 : i32 to index
      %get3A_3599 = arith.constant 384 : index
      %get3A_3600 = tpu.vector_load %arg7[%get3A_3598, %get3A_3599] {strides = array<i32>} : memref<16x512xf32, #tpu.memory_space<vmem>>, vector<16xf32>,
      %add3A_3601 = arith.addf %add3A_3596, %get3A_3600 : vector<16xf32>
      %get3A_3602 = arith.constant 4 : i32
      %get3A_3603 = arith.index_cast %get3A_3602 : i32 to index
      %get3A_3604 = arith.constant 384 : index
      %get3A_3605 = tpu.vector_load %arg7[%get3A_3603, %get3A_3604] {strides = array<i32>} : memref<16x512xf32, #tpu.memory_space<vmem>>, vector<16xf32>,
      %add3A_3606 = arith.addf %add3A_3601, %get3A_3605 : vector<16xf32>
      %get3A_3607 = arith.constant 5 : i32
      %get3A_3608 = arith.index_cast %get3A_3607 : i32 to index
      %get3A_3609 = arith.constant 384 : index
      %get3A_3610 = tpu.vector_load %arg7[%get3A_3608, %get3A_3609] {strides = array<i32>} : memref<16x512xf32, #tpu.memory_space<vmem>>, vector<16xf32>,
      %add3A_3611 = arith.addf %add3A_3606, %get3A_3610 : vector<16xf32>
      %get3A_3612 = arith.constant 6 : i32
      %get3A_3613 = arith.index_cast %get3A_3612 : i32 to index
      %get3A_3614 = arith.constant 384 : index
      %get3A_3615 = tpu.vector_load %arg7[%get3A_3613, %get3A_3614] {strides = array<i32>} : memref<16x512xf32, #tpu.memory_space<vmem>>, vector<16xf32>,
      %add3A_3616 = arith.addf %add3A_3611, %get3A_3615 : vector<16xf32>
      %get3A_3617 = arith.constant 7 : i32
      %get3A_3618 = arith.index_cast %get3A_3617 : i32 to index
      %get3A_3619 = arith.constant 384 : index
      %get3A_3620 = tpu.vector_load %arg7[%get3A_3618, %get3A_3619] {strides = array<i32>} : memref<16x512xf32, #tpu.memory_space<vmem>>, vector<16xf32>,
      %add3A_3621 = arith.addf %add3A_3616, %get3A_3620 : vector<16xf32>
      %get3A_3622 = arith.constant 8 : i32
      %get3A_3623 = arith.index_cast %get3A_3622 : i32 to index
      %get3A_3624 = arith.constant 384 : index
      %get3A_3625 = tpu.vector_load %arg7[%get3A_3623, %get3A_3624] {strides = array<i32>} : memref<16x512xf32, #tpu.memory_space<vmem>>, vector<16xf32>,
      %add3A_3626 = arith.addf %add3A_3621, %get3A_3625 : vector<16xf32>
      %get3A_3627 = arith.constant 9 : i32
      %get3A_3628 = arith.index_cast %get3A_3627 : i32 to index
      %get3A_3629 = arith.constant 384 : index
      %get3A_3630 = tpu.vector_load %arg7[%get3A_3628, %get3A_3629] {strides = array<i32>} : memref<16x512xf32, #tpu.memory_space<vmem>>, vector<16xf32>,
      %add3A_3631 = arith.addf %add3A_3626, %get3A_3630 : vector<16xf32>
      %get3A_3632 = arith.constant 10 : i32
      %get3A_3633 = arith.index_cast %get3A_3632 : i32 to index
      %get3A_3634 = arith.constant 384 : index
      %get3A_3635 = tpu.vector_load %arg7[%get3A_3633, %get3A_3634] {strides = array<i32>} : memref<16x512xf32, #tpu.memory_space<vmem>>, vector<16xf32>,
      %add3A_3636 = arith.addf %add3A_3631, %get3A_3635 : vector<16xf32>
      %get3A_3637 = arith.constant 11 : i32
      %get3A_3638 = arith.index_cast %get3A_3637 : i32 to index
      %get3A_3639 = arith.constant 384 : index
      %get3A_3640 = tpu.vector_load %arg7[%get3A_3638, %get3A_3639] {strides = array<i32>} : memref<16x512xf32, #tpu.memory_space<vmem>>, vector<16xf32>,
      %add3A_3641 = arith.addf %add3A_3636, %get3A_3640 : vector<16xf32>
      %get3A_3642 = arith.constant 12 : i32
      %get3A_3643 = arith.index_cast %get3A_3642 : i32 to index
      %get3A_3644 = arith.constant 384 : index
      %get3A_3645 = tpu.vector_load %arg7[%get3A_3643, %get3A_3644] {strides = array<i32>} : memref<16x512xf32, #tpu.memory_space<vmem>>, vector<16xf32>,
      %add3A_3646 = arith.addf %add3A_3641, %get3A_3645 : vector<16xf32>
      %get3A_3647 = arith.constant 13 : i32
      %get3A_3648 = arith.index_cast %get3A_3647 : i32 to index
      %get3A_3649 = arith.constant 384 : index
      %get3A_3650 = tpu.vector_load %arg7[%get3A_3648, %get3A_3649] {strides = array<i32>} : memref<16x512xf32, #tpu.memory_space<vmem>>, vector<16xf32>,
      %add3A_3651 = arith.addf %add3A_3646, %get3A_3650 : vector<16xf32>
      %get3A_3652 = arith.constant 14 : i32
      %get3A_3653 = arith.index_cast %get3A_3652 : i32 to index
      %get3A_3654 = arith.constant 384 : index
      %get3A_3655 = tpu.vector_load %arg7[%get3A_3653, %get3A_3654] {strides = array<i32>} : memref<16x512xf32, #tpu.memory_space<vmem>>, vector<16xf32>,
      %add3A_3656 = arith.addf %add3A_3651, %get3A_3655 : vector<16xf32>
      %get3A_3657 = arith.constant 15 : i32
      %get3A_3658 = arith.index_cast %get3A_3657 : i32 to index
      %get3A_3659 = arith.constant 384 : index
      %get3A_3660 = tpu.vector_load %arg7[%get3A_3658, %get3A_3659] {strides = array<i32>} : memref<16x512xf32, #tpu.memory_space<vmem>>, vector<16xf32>,
      %add3A_3661 = arith.addf %add3A_3656, %get3A_3660 : vector<16xf32>
      %mul3A_3662 = arith.constant 4.34027781E-4 : f32
      %mul3A_3663 = vector.broadcast %mul3A_3662 : f32 to vector<16xf32>
      %mul3A_3664 = arith.mulf %add3A_3661, %mul3A_3663 : vector<16xf32>
      %add3A_3665 = arith.constant 1.000000e-10 : f32
      %add3A_3666 = vector.broadcast %add3A_3665 : f32 to vector<16xf32>
      %add3A_3667 = arith.addf %mul3A_3664, %add3A_3666 : vector<16xf32>
      %bitcast3A_3668 = vector.bitcast %add3A_3667 : vector<16xf32> to vector<16xi32>
      %shift_right_arithmetic3A_3669 = arith.constant 23 : i32
      %shift_right_arithmetic3A_3670 = vector.broadcast %shift_right_arithmetic3A_3669 : i32 to vector<16xi32>
      %shift_right_arithmetic3A_3671 = arith.shrsi %bitcast3A_3668, %shift_right_arithmetic3A_3670 : vector<16xi32>
      %sub3A_3672 = arith.constant 127 : i32
      %sub3A_3673 = vector.broadcast %sub3A_3672 : i32 to vector<16xi32>
      %sub3A_3674 = arith.subi %shift_right_arithmetic3A_3671, %sub3A_3673 : vector<16xi32>
      %and3A_3675 = arith.constant 8388607 : i32
      %and3A_3676 = vector.broadcast %and3A_3675 : i32 to vector<16xi32>
      %and3A_3677 = arith.andi %bitcast3A_3668, %and3A_3676 : vector<16xi32>
      %or3A_3678 = arith.constant 1065353216 : i32
      %or3A_3679 = vector.broadcast %or3A_3678 : i32 to vector<16xi32>
      %or3A_3680 = arith.ori %and3A_3677, %or3A_3679 : vector<16xi32>
      %bitcast3A_3681 = vector.bitcast %or3A_3680 : vector<16xi32> to vector<16xf32>
      %gt3A_3682 = arith.constant 1.41421354 : f32
      %gt3A_3683 = vector.broadcast %gt3A_3682 : f32 to vector<16xf32>
      %gt3A_3684 = arith.cmpf ogt, %bitcast3A_3681, %gt3A_3683 : vector<16xf32>
      %mul3A_3685 = arith.constant 5.000000e-01 : f32
      %mul3A_3686 = vector.broadcast %mul3A_3685 : f32 to vector<16xf32>
      %mul3A_3687 = arith.mulf %bitcast3A_3681, %mul3A_3686 : vector<16xf32>
      %select_n3A_3688 = arith.select %gt3A_3684, %mul3A_3687, %bitcast3A_3681 : vector<16xi1>, vector<16xf32>
      %add3A_3689 = arith.constant 1 : i32
      %add3A_3690 = vector.broadcast %add3A_3689 : i32 to vector<16xi32>
      %add3A_3691 = arith.addi %sub3A_3674, %add3A_3690 : vector<16xi32>
      %select_n3A_3692 = arith.select %gt3A_3684, %add3A_3691, %sub3A_3674 : vector<16xi1>, vector<16xi32>
      %sub3A_3693 = arith.constant 1.000000e+00 : f32
      %sub3A_3694 = vector.broadcast %sub3A_3693 : f32 to vector<16xf32>
      %sub3A_3695 = arith.subf %select_n3A_3688, %sub3A_3694 : vector<16xf32>
      %add3A_3696 = arith.constant 1.000000e+00 : f32
      %add3A_3697 = vector.broadcast %add3A_3696 : f32 to vector<16xf32>
      %add3A_3698 = arith.addf %select_n3A_3688, %add3A_3697 : vector<16xf32>
      %div3A_3699 = arith.divf %sub3A_3695, %add3A_3698 : vector<16xf32>
      %mul3A_3700 = arith.mulf %div3A_3699, %div3A_3699 : vector<16xf32>
      %mul3A_3701 = arith.constant 0.111111112 : f32
      %mul3A_3702 = vector.broadcast %mul3A_3701 : f32 to vector<16xf32>
      %mul3A_3703 = arith.mulf %mul3A_3702, %mul3A_3700 : vector<16xf32>
      %add3A_3704 = arith.constant 0.142857149 : f32
      %add3A_3705 = vector.broadcast %add3A_3704 : f32 to vector<16xf32>
      %add3A_3706 = arith.addf %mul3A_3703, %add3A_3705 : vector<16xf32>
      %mul3A_3707 = arith.mulf %add3A_3706, %mul3A_3700 : vector<16xf32>
      %add3A_3708 = arith.constant 2.000000e-01 : f32
      %add3A_3709 = vector.broadcast %add3A_3708 : f32 to vector<16xf32>
      %add3A_3710 = arith.addf %mul3A_3707, %add3A_3709 : vector<16xf32>
      %mul3A_3711 = arith.mulf %add3A_3710, %mul3A_3700 : vector<16xf32>
      %add3A_3712 = arith.constant 0.333333343 : f32
      %add3A_3713 = vector.broadcast %add3A_3712 : f32 to vector<16xf32>
      %add3A_3714 = arith.addf %mul3A_3711, %add3A_3713 : vector<16xf32>
      %mul3A_3715 = arith.mulf %add3A_3714, %mul3A_3700 : vector<16xf32>
      %add3A_3716 = arith.constant 1.000000e+00 : f32
      %add3A_3717 = vector.broadcast %add3A_3716 : f32 to vector<16xf32>
      %add3A_3718 = arith.addf %mul3A_3715, %add3A_3717 : vector<16xf32>
      %convert_element_type3A_3719 = arith.sitofp %select_n3A_3692 : vector<16xi32> to vector<16xf32>
      %mul3A_3720 = arith.constant 0.693147182 : f32
      %mul3A_3721 = vector.broadcast %mul3A_3720 : f32 to vector<16xf32>
      %mul3A_3722 = arith.mulf %convert_element_type3A_3719, %mul3A_3721 : vector<16xf32>
      %mul3A_3723 = arith.constant 2.000000e+00 : f32
      %mul3A_3724 = vector.broadcast %mul3A_3723 : f32 to vector<16xf32>
      %mul3A_3725 = arith.mulf %mul3A_3724, %div3A_3699 : vector<16xf32>
      %mul3A_3726 = arith.mulf %mul3A_3725, %add3A_3718 : vector<16xf32>
      %add3A_3727 = arith.addf %mul3A_3722, %mul3A_3726 : vector<16xf32>
      %mul3A_3728 = arith.mulf %mul3A_3664, %add3A_3727 : vector<16xf32>
      %add3A_3729 = arith.addf %add3A_3582, %mul3A_3728 : vector<16xf32>
      %get3A_3730 = arith.constant 0 : i32
      %get3A_3731 = arith.index_cast %get3A_3730 : i32 to index
      %get3A_3732 = arith.constant 400 : index
      %get3A_3733 = tpu.vector_load %arg7[%get3A_3731, %get3A_3732] {strides = array<i32>} : memref<16x512xf32, #tpu.memory_space<vmem>>, vector<16xf32>,
      %get3A_3734 = arith.constant 1 : i32
      %get3A_3735 = arith.index_cast %get3A_3734 : i32 to index
      %get3A_3736 = arith.constant 400 : index
      %get3A_3737 = tpu.vector_load %arg7[%get3A_3735, %get3A_3736] {strides = array<i32>} : memref<16x512xf32, #tpu.memory_space<vmem>>, vector<16xf32>,
      %add3A_3738 = arith.addf %get3A_3733, %get3A_3737 : vector<16xf32>
      %get3A_3739 = arith.constant 2 : i32
      %get3A_3740 = arith.index_cast %get3A_3739 : i32 to index
      %get3A_3741 = arith.constant 400 : index
      %get3A_3742 = tpu.vector_load %arg7[%get3A_3740, %get3A_3741] {strides = array<i32>} : memref<16x512xf32, #tpu.memory_space<vmem>>, vector<16xf32>,
      %add3A_3743 = arith.addf %add3A_3738, %get3A_3742 : vector<16xf32>
      %get3A_3744 = arith.constant 3 : i32
      %get3A_3745 = arith.index_cast %get3A_3744 : i32 to index
      %get3A_3746 = arith.constant 400 : index
      %get3A_3747 = tpu.vector_load %arg7[%get3A_3745, %get3A_3746] {strides = array<i32>} : memref<16x512xf32, #tpu.memory_space<vmem>>, vector<16xf32>,
      %add3A_3748 = arith.addf %add3A_3743, %get3A_3747 : vector<16xf32>
      %get3A_3749 = arith.constant 4 : i32
      %get3A_3750 = arith.index_cast %get3A_3749 : i32 to index
      %get3A_3751 = arith.constant 400 : index
      %get3A_3752 = tpu.vector_load %arg7[%get3A_3750, %get3A_3751] {strides = array<i32>} : memref<16x512xf32, #tpu.memory_space<vmem>>, vector<16xf32>,
      %add3A_3753 = arith.addf %add3A_3748, %get3A_3752 : vector<16xf32>
      %get3A_3754 = arith.constant 5 : i32
      %get3A_3755 = arith.index_cast %get3A_3754 : i32 to index
      %get3A_3756 = arith.constant 400 : index
      %get3A_3757 = tpu.vector_load %arg7[%get3A_3755, %get3A_3756] {strides = array<i32>} : memref<16x512xf32, #tpu.memory_space<vmem>>, vector<16xf32>,
      %add3A_3758 = arith.addf %add3A_3753, %get3A_3757 : vector<16xf32>
      %get3A_3759 = arith.constant 6 : i32
      %get3A_3760 = arith.index_cast %get3A_3759 : i32 to index
      %get3A_3761 = arith.constant 400 : index
      %get3A_3762 = tpu.vector_load %arg7[%get3A_3760, %get3A_3761] {strides = array<i32>} : memref<16x512xf32, #tpu.memory_space<vmem>>, vector<16xf32>,
      %add3A_3763 = arith.addf %add3A_3758, %get3A_3762 : vector<16xf32>
      %get3A_3764 = arith.constant 7 : i32
      %get3A_3765 = arith.index_cast %get3A_3764 : i32 to index
      %get3A_3766 = arith.constant 400 : index
      %get3A_3767 = tpu.vector_load %arg7[%get3A_3765, %get3A_3766] {strides = array<i32>} : memref<16x512xf32, #tpu.memory_space<vmem>>, vector<16xf32>,
      %add3A_3768 = arith.addf %add3A_3763, %get3A_3767 : vector<16xf32>
      %get3A_3769 = arith.constant 8 : i32
      %get3A_3770 = arith.index_cast %get3A_3769 : i32 to index
      %get3A_3771 = arith.constant 400 : index
      %get3A_3772 = tpu.vector_load %arg7[%get3A_3770, %get3A_3771] {strides = array<i32>} : memref<16x512xf32, #tpu.memory_space<vmem>>, vector<16xf32>,
      %add3A_3773 = arith.addf %add3A_3768, %get3A_3772 : vector<16xf32>
      %get3A_3774 = arith.constant 9 : i32
      %get3A_3775 = arith.index_cast %get3A_3774 : i32 to index
      %get3A_3776 = arith.constant 400 : index
      %get3A_3777 = tpu.vector_load %arg7[%get3A_3775, %get3A_3776] {strides = array<i32>} : memref<16x512xf32, #tpu.memory_space<vmem>>, vector<16xf32>,
      %add3A_3778 = arith.addf %add3A_3773, %get3A_3777 : vector<16xf32>
      %get3A_3779 = arith.constant 10 : i32
      %get3A_3780 = arith.index_cast %get3A_3779 : i32 to index
      %get3A_3781 = arith.constant 400 : index
      %get3A_3782 = tpu.vector_load %arg7[%get3A_3780, %get3A_3781] {strides = array<i32>} : memref<16x512xf32, #tpu.memory_space<vmem>>, vector<16xf32>,
      %add3A_3783 = arith.addf %add3A_3778, %get3A_3782 : vector<16xf32>
      %get3A_3784 = arith.constant 11 : i32
      %get3A_3785 = arith.index_cast %get3A_3784 : i32 to index
      %get3A_3786 = arith.constant 400 : index
      %get3A_3787 = tpu.vector_load %arg7[%get3A_3785, %get3A_3786] {strides = array<i32>} : memref<16x512xf32, #tpu.memory_space<vmem>>, vector<16xf32>,
      %add3A_3788 = arith.addf %add3A_3783, %get3A_3787 : vector<16xf32>
      %get3A_3789 = arith.constant 12 : i32
      %get3A_3790 = arith.index_cast %get3A_3789 : i32 to index
      %get3A_3791 = arith.constant 400 : index
      %get3A_3792 = tpu.vector_load %arg7[%get3A_3790, %get3A_3791] {strides = array<i32>} : memref<16x512xf32, #tpu.memory_space<vmem>>, vector<16xf32>,
      %add3A_3793 = arith.addf %add3A_3788, %get3A_3792 : vector<16xf32>
      %get3A_3794 = arith.constant 13 : i32
      %get3A_3795 = arith.index_cast %get3A_3794 : i32 to index
      %get3A_3796 = arith.constant 400 : index
      %get3A_3797 = tpu.vector_load %arg7[%get3A_3795, %get3A_3796] {strides = array<i32>} : memref<16x512xf32, #tpu.memory_space<vmem>>, vector<16xf32>,
      %add3A_3798 = arith.addf %add3A_3793, %get3A_3797 : vector<16xf32>
      %get3A_3799 = arith.constant 14 : i32
      %get3A_3800 = arith.index_cast %get3A_3799 : i32 to index
      %get3A_3801 = arith.constant 400 : index
      %get3A_3802 = tpu.vector_load %arg7[%get3A_3800, %get3A_3801] {strides = array<i32>} : memref<16x512xf32, #tpu.memory_space<vmem>>, vector<16xf32>,
      %add3A_3803 = arith.addf %add3A_3798, %get3A_3802 : vector<16xf32>
      %get3A_3804 = arith.constant 15 : i32
      %get3A_3805 = arith.index_cast %get3A_3804 : i32 to index
      %get3A_3806 = arith.constant 400 : index
      %get3A_3807 = tpu.vector_load %arg7[%get3A_3805, %get3A_3806] {strides = array<i32>} : memref<16x512xf32, #tpu.memory_space<vmem>>, vector<16xf32>,
      %add3A_3808 = arith.addf %add3A_3803, %get3A_3807 : vector<16xf32>
      %mul3A_3809 = arith.constant 4.34027781E-4 : f32
      %mul3A_3810 = vector.broadcast %mul3A_3809 : f32 to vector<16xf32>
      %mul3A_3811 = arith.mulf %add3A_3808, %mul3A_3810 : vector<16xf32>
      %add3A_3812 = arith.constant 1.000000e-10 : f32
      %add3A_3813 = vector.broadcast %add3A_3812 : f32 to vector<16xf32>
      %add3A_3814 = arith.addf %mul3A_3811, %add3A_3813 : vector<16xf32>
      %bitcast3A_3815 = vector.bitcast %add3A_3814 : vector<16xf32> to vector<16xi32>
      %shift_right_arithmetic3A_3816 = arith.constant 23 : i32
      %shift_right_arithmetic3A_3817 = vector.broadcast %shift_right_arithmetic3A_3816 : i32 to vector<16xi32>
      %shift_right_arithmetic3A_3818 = arith.shrsi %bitcast3A_3815, %shift_right_arithmetic3A_3817 : vector<16xi32>
      %sub3A_3819 = arith.constant 127 : i32
      %sub3A_3820 = vector.broadcast %sub3A_3819 : i32 to vector<16xi32>
      %sub3A_3821 = arith.subi %shift_right_arithmetic3A_3818, %sub3A_3820 : vector<16xi32>
      %and3A_3822 = arith.constant 8388607 : i32
      %and3A_3823 = vector.broadcast %and3A_3822 : i32 to vector<16xi32>
      %and3A_3824 = arith.andi %bitcast3A_3815, %and3A_3823 : vector<16xi32>
      %or3A_3825 = arith.constant 1065353216 : i32
      %or3A_3826 = vector.broadcast %or3A_3825 : i32 to vector<16xi32>
      %or3A_3827 = arith.ori %and3A_3824, %or3A_3826 : vector<16xi32>
      %bitcast3A_3828 = vector.bitcast %or3A_3827 : vector<16xi32> to vector<16xf32>
      %gt3A_3829 = arith.constant 1.41421354 : f32
      %gt3A_3830 = vector.broadcast %gt3A_3829 : f32 to vector<16xf32>
      %gt3A_3831 = arith.cmpf ogt, %bitcast3A_3828, %gt3A_3830 : vector<16xf32>
      %mul3A_3832 = arith.constant 5.000000e-01 : f32
      %mul3A_3833 = vector.broadcast %mul3A_3832 : f32 to vector<16xf32>
      %mul3A_3834 = arith.mulf %bitcast3A_3828, %mul3A_3833 : vector<16xf32>
      %select_n3A_3835 = arith.select %gt3A_3831, %mul3A_3834, %bitcast3A_3828 : vector<16xi1>, vector<16xf32>
      %add3A_3836 = arith.constant 1 : i32
      %add3A_3837 = vector.broadcast %add3A_3836 : i32 to vector<16xi32>
      %add3A_3838 = arith.addi %sub3A_3821, %add3A_3837 : vector<16xi32>
      %select_n3A_3839 = arith.select %gt3A_3831, %add3A_3838, %sub3A_3821 : vector<16xi1>, vector<16xi32>
      %sub3A_3840 = arith.constant 1.000000e+00 : f32
      %sub3A_3841 = vector.broadcast %sub3A_3840 : f32 to vector<16xf32>
      %sub3A_3842 = arith.subf %select_n3A_3835, %sub3A_3841 : vector<16xf32>
      %add3A_3843 = arith.constant 1.000000e+00 : f32
      %add3A_3844 = vector.broadcast %add3A_3843 : f32 to vector<16xf32>
      %add3A_3845 = arith.addf %select_n3A_3835, %add3A_3844 : vector<16xf32>
      %div3A_3846 = arith.divf %sub3A_3842, %add3A_3845 : vector<16xf32>
      %mul3A_3847 = arith.mulf %div3A_3846, %div3A_3846 : vector<16xf32>
      %mul3A_3848 = arith.constant 0.111111112 : f32
      %mul3A_3849 = vector.broadcast %mul3A_3848 : f32 to vector<16xf32>
      %mul3A_3850 = arith.mulf %mul3A_3849, %mul3A_3847 : vector<16xf32>
      %add3A_3851 = arith.constant 0.142857149 : f32
      %add3A_3852 = vector.broadcast %add3A_3851 : f32 to vector<16xf32>
      %add3A_3853 = arith.addf %mul3A_3850, %add3A_3852 : vector<16xf32>
      %mul3A_3854 = arith.mulf %add3A_3853, %mul3A_3847 : vector<16xf32>
      %add3A_3855 = arith.constant 2.000000e-01 : f32
      %add3A_3856 = vector.broadcast %add3A_3855 : f32 to vector<16xf32>
      %add3A_3857 = arith.addf %mul3A_3854, %add3A_3856 : vector<16xf32>
      %mul3A_3858 = arith.mulf %add3A_3857, %mul3A_3847 : vector<16xf32>
      %add3A_3859 = arith.constant 0.333333343 : f32
      %add3A_3860 = vector.broadcast %add3A_3859 : f32 to vector<16xf32>
      %add3A_3861 = arith.addf %mul3A_3858, %add3A_3860 : vector<16xf32>
      %mul3A_3862 = arith.mulf %add3A_3861, %mul3A_3847 : vector<16xf32>
      %add3A_3863 = arith.constant 1.000000e+00 : f32
      %add3A_3864 = vector.broadcast %add3A_3863 : f32 to vector<16xf32>
      %add3A_3865 = arith.addf %mul3A_3862, %add3A_3864 : vector<16xf32>
      %convert_element_type3A_3866 = arith.sitofp %select_n3A_3839 : vector<16xi32> to vector<16xf32>
      %mul3A_3867 = arith.constant 0.693147182 : f32
      %mul3A_3868 = vector.broadcast %mul3A_3867 : f32 to vector<16xf32>
      %mul3A_3869 = arith.mulf %convert_element_type3A_3866, %mul3A_3868 : vector<16xf32>
      %mul3A_3870 = arith.constant 2.000000e+00 : f32
      %mul3A_3871 = vector.broadcast %mul3A_3870 : f32 to vector<16xf32>
      %mul3A_3872 = arith.mulf %mul3A_3871, %div3A_3846 : vector<16xf32>
      %mul3A_3873 = arith.mulf %mul3A_3872, %add3A_3865 : vector<16xf32>
      %add3A_3874 = arith.addf %mul3A_3869, %mul3A_3873 : vector<16xf32>
      %mul3A_3875 = arith.mulf %mul3A_3811, %add3A_3874 : vector<16xf32>
      %add3A_3876 = arith.addf %add3A_3729, %mul3A_3875 : vector<16xf32>
      %get3A_3877 = arith.constant 0 : i32
      %get3A_3878 = arith.index_cast %get3A_3877 : i32 to index
      %get3A_3879 = arith.constant 416 : index
      %get3A_3880 = tpu.vector_load %arg7[%get3A_3878, %get3A_3879] {strides = array<i32>} : memref<16x512xf32, #tpu.memory_space<vmem>>, vector<16xf32>,
      %get3A_3881 = arith.constant 1 : i32
      %get3A_3882 = arith.index_cast %get3A_3881 : i32 to index
      %get3A_3883 = arith.constant 416 : index
      %get3A_3884 = tpu.vector_load %arg7[%get3A_3882, %get3A_3883] {strides = array<i32>} : memref<16x512xf32, #tpu.memory_space<vmem>>, vector<16xf32>,
      %add3A_3885 = arith.addf %get3A_3880, %get3A_3884 : vector<16xf32>
      %get3A_3886 = arith.constant 2 : i32
      %get3A_3887 = arith.index_cast %get3A_3886 : i32 to index
      %get3A_3888 = arith.constant 416 : index
      %get3A_3889 = tpu.vector_load %arg7[%get3A_3887, %get3A_3888] {strides = array<i32>} : memref<16x512xf32, #tpu.memory_space<vmem>>, vector<16xf32>,
      %add3A_3890 = arith.addf %add3A_3885, %get3A_3889 : vector<16xf32>
      %get3A_3891 = arith.constant 3 : i32
      %get3A_3892 = arith.index_cast %get3A_3891 : i32 to index
      %get3A_3893 = arith.constant 416 : index
      %get3A_3894 = tpu.vector_load %arg7[%get3A_3892, %get3A_3893] {strides = array<i32>} : memref<16x512xf32, #tpu.memory_space<vmem>>, vector<16xf32>,
      %add3A_3895 = arith.addf %add3A_3890, %get3A_3894 : vector<16xf32>
      %get3A_3896 = arith.constant 4 : i32
      %get3A_3897 = arith.index_cast %get3A_3896 : i32 to index
      %get3A_3898 = arith.constant 416 : index
      %get3A_3899 = tpu.vector_load %arg7[%get3A_3897, %get3A_3898] {strides = array<i32>} : memref<16x512xf32, #tpu.memory_space<vmem>>, vector<16xf32>,
      %add3A_3900 = arith.addf %add3A_3895, %get3A_3899 : vector<16xf32>
      %get3A_3901 = arith.constant 5 : i32
      %get3A_3902 = arith.index_cast %get3A_3901 : i32 to index
      %get3A_3903 = arith.constant 416 : index
      %get3A_3904 = tpu.vector_load %arg7[%get3A_3902, %get3A_3903] {strides = array<i32>} : memref<16x512xf32, #tpu.memory_space<vmem>>, vector<16xf32>,
      %add3A_3905 = arith.addf %add3A_3900, %get3A_3904 : vector<16xf32>
      %get3A_3906 = arith.constant 6 : i32
      %get3A_3907 = arith.index_cast %get3A_3906 : i32 to index
      %get3A_3908 = arith.constant 416 : index
      %get3A_3909 = tpu.vector_load %arg7[%get3A_3907, %get3A_3908] {strides = array<i32>} : memref<16x512xf32, #tpu.memory_space<vmem>>, vector<16xf32>,
      %add3A_3910 = arith.addf %add3A_3905, %get3A_3909 : vector<16xf32>
      %get3A_3911 = arith.constant 7 : i32
      %get3A_3912 = arith.index_cast %get3A_3911 : i32 to index
      %get3A_3913 = arith.constant 416 : index
      %get3A_3914 = tpu.vector_load %arg7[%get3A_3912, %get3A_3913] {strides = array<i32>} : memref<16x512xf32, #tpu.memory_space<vmem>>, vector<16xf32>,
      %add3A_3915 = arith.addf %add3A_3910, %get3A_3914 : vector<16xf32>
      %get3A_3916 = arith.constant 8 : i32
      %get3A_3917 = arith.index_cast %get3A_3916 : i32 to index
      %get3A_3918 = arith.constant 416 : index
      %get3A_3919 = tpu.vector_load %arg7[%get3A_3917, %get3A_3918] {strides = array<i32>} : memref<16x512xf32, #tpu.memory_space<vmem>>, vector<16xf32>,
      %add3A_3920 = arith.addf %add3A_3915, %get3A_3919 : vector<16xf32>
      %get3A_3921 = arith.constant 9 : i32
      %get3A_3922 = arith.index_cast %get3A_3921 : i32 to index
      %get3A_3923 = arith.constant 416 : index
      %get3A_3924 = tpu.vector_load %arg7[%get3A_3922, %get3A_3923] {strides = array<i32>} : memref<16x512xf32, #tpu.memory_space<vmem>>, vector<16xf32>,
      %add3A_3925 = arith.addf %add3A_3920, %get3A_3924 : vector<16xf32>
      %get3A_3926 = arith.constant 10 : i32
      %get3A_3927 = arith.index_cast %get3A_3926 : i32 to index
      %get3A_3928 = arith.constant 416 : index
      %get3A_3929 = tpu.vector_load %arg7[%get3A_3927, %get3A_3928] {strides = array<i32>} : memref<16x512xf32, #tpu.memory_space<vmem>>, vector<16xf32>,
      %add3A_3930 = arith.addf %add3A_3925, %get3A_3929 : vector<16xf32>
      %get3A_3931 = arith.constant 11 : i32
      %get3A_3932 = arith.index_cast %get3A_3931 : i32 to index
      %get3A_3933 = arith.constant 416 : index
      %get3A_3934 = tpu.vector_load %arg7[%get3A_3932, %get3A_3933] {strides = array<i32>} : memref<16x512xf32, #tpu.memory_space<vmem>>, vector<16xf32>,
      %add3A_3935 = arith.addf %add3A_3930, %get3A_3934 : vector<16xf32>
      %get3A_3936 = arith.constant 12 : i32
      %get3A_3937 = arith.index_cast %get3A_3936 : i32 to index
      %get3A_3938 = arith.constant 416 : index
      %get3A_3939 = tpu.vector_load %arg7[%get3A_3937, %get3A_3938] {strides = array<i32>} : memref<16x512xf32, #tpu.memory_space<vmem>>, vector<16xf32>,
      %add3A_3940 = arith.addf %add3A_3935, %get3A_3939 : vector<16xf32>
      %get3A_3941 = arith.constant 13 : i32
      %get3A_3942 = arith.index_cast %get3A_3941 : i32 to index
      %get3A_3943 = arith.constant 416 : index
      %get3A_3944 = tpu.vector_load %arg7[%get3A_3942, %get3A_3943] {strides = array<i32>} : memref<16x512xf32, #tpu.memory_space<vmem>>, vector<16xf32>,
      %add3A_3945 = arith.addf %add3A_3940, %get3A_3944 : vector<16xf32>
      %get3A_3946 = arith.constant 14 : i32
      %get3A_3947 = arith.index_cast %get3A_3946 : i32 to index
      %get3A_3948 = arith.constant 416 : index
      %get3A_3949 = tpu.vector_load %arg7[%get3A_3947, %get3A_3948] {strides = array<i32>} : memref<16x512xf32, #tpu.memory_space<vmem>>, vector<16xf32>,
      %add3A_3950 = arith.addf %add3A_3945, %get3A_3949 : vector<16xf32>
      %get3A_3951 = arith.constant 15 : i32
      %get3A_3952 = arith.index_cast %get3A_3951 : i32 to index
      %get3A_3953 = arith.constant 416 : index
      %get3A_3954 = tpu.vector_load %arg7[%get3A_3952, %get3A_3953] {strides = array<i32>} : memref<16x512xf32, #tpu.memory_space<vmem>>, vector<16xf32>,
      %add3A_3955 = arith.addf %add3A_3950, %get3A_3954 : vector<16xf32>
      %mul3A_3956 = arith.constant 4.34027781E-4 : f32
      %mul3A_3957 = vector.broadcast %mul3A_3956 : f32 to vector<16xf32>
      %mul3A_3958 = arith.mulf %add3A_3955, %mul3A_3957 : vector<16xf32>
      %add3A_3959 = arith.constant 1.000000e-10 : f32
      %add3A_3960 = vector.broadcast %add3A_3959 : f32 to vector<16xf32>
      %add3A_3961 = arith.addf %mul3A_3958, %add3A_3960 : vector<16xf32>
      %bitcast3A_3962 = vector.bitcast %add3A_3961 : vector<16xf32> to vector<16xi32>
      %shift_right_arithmetic3A_3963 = arith.constant 23 : i32
      %shift_right_arithmetic3A_3964 = vector.broadcast %shift_right_arithmetic3A_3963 : i32 to vector<16xi32>
      %shift_right_arithmetic3A_3965 = arith.shrsi %bitcast3A_3962, %shift_right_arithmetic3A_3964 : vector<16xi32>
      %sub3A_3966 = arith.constant 127 : i32
      %sub3A_3967 = vector.broadcast %sub3A_3966 : i32 to vector<16xi32>
      %sub3A_3968 = arith.subi %shift_right_arithmetic3A_3965, %sub3A_3967 : vector<16xi32>
      %and3A_3969 = arith.constant 8388607 : i32
      %and3A_3970 = vector.broadcast %and3A_3969 : i32 to vector<16xi32>
      %and3A_3971 = arith.andi %bitcast3A_3962, %and3A_3970 : vector<16xi32>
      %or3A_3972 = arith.constant 1065353216 : i32
      %or3A_3973 = vector.broadcast %or3A_3972 : i32 to vector<16xi32>
      %or3A_3974 = arith.ori %and3A_3971, %or3A_3973 : vector<16xi32>
      %bitcast3A_3975 = vector.bitcast %or3A_3974 : vector<16xi32> to vector<16xf32>
      %gt3A_3976 = arith.constant 1.41421354 : f32
      %gt3A_3977 = vector.broadcast %gt3A_3976 : f32 to vector<16xf32>
      %gt3A_3978 = arith.cmpf ogt, %bitcast3A_3975, %gt3A_3977 : vector<16xf32>
      %mul3A_3979 = arith.constant 5.000000e-01 : f32
      %mul3A_3980 = vector.broadcast %mul3A_3979 : f32 to vector<16xf32>
      %mul3A_3981 = arith.mulf %bitcast3A_3975, %mul3A_3980 : vector<16xf32>
      %select_n3A_3982 = arith.select %gt3A_3978, %mul3A_3981, %bitcast3A_3975 : vector<16xi1>, vector<16xf32>
      %add3A_3983 = arith.constant 1 : i32
      %add3A_3984 = vector.broadcast %add3A_3983 : i32 to vector<16xi32>
      %add3A_3985 = arith.addi %sub3A_3968, %add3A_3984 : vector<16xi32>
      %select_n3A_3986 = arith.select %gt3A_3978, %add3A_3985, %sub3A_3968 : vector<16xi1>, vector<16xi32>
      %sub3A_3987 = arith.constant 1.000000e+00 : f32
      %sub3A_3988 = vector.broadcast %sub3A_3987 : f32 to vector<16xf32>
      %sub3A_3989 = arith.subf %select_n3A_3982, %sub3A_3988 : vector<16xf32>
      %add3A_3990 = arith.constant 1.000000e+00 : f32
      %add3A_3991 = vector.broadcast %add3A_3990 : f32 to vector<16xf32>
      %add3A_3992 = arith.addf %select_n3A_3982, %add3A_3991 : vector<16xf32>
      %div3A_3993 = arith.divf %sub3A_3989, %add3A_3992 : vector<16xf32>
      %mul3A_3994 = arith.mulf %div3A_3993, %div3A_3993 : vector<16xf32>
      %mul3A_3995 = arith.constant 0.111111112 : f32
      %mul3A_3996 = vector.broadcast %mul3A_3995 : f32 to vector<16xf32>
      %mul3A_3997 = arith.mulf %mul3A_3996, %mul3A_3994 : vector<16xf32>
      %add3A_3998 = arith.constant 0.142857149 : f32
      %add3A_3999 = vector.broadcast %add3A_3998 : f32 to vector<16xf32>
      %add3A_4000 = arith.addf %mul3A_3997, %add3A_3999 : vector<16xf32>
      %mul3A_4001 = arith.mulf %add3A_4000, %mul3A_3994 : vector<16xf32>
      %add3A_4002 = arith.constant 2.000000e-01 : f32
      %add3A_4003 = vector.broadcast %add3A_4002 : f32 to vector<16xf32>
      %add3A_4004 = arith.addf %mul3A_4001, %add3A_4003 : vector<16xf32>
      %mul3A_4005 = arith.mulf %add3A_4004, %mul3A_3994 : vector<16xf32>
      %add3A_4006 = arith.constant 0.333333343 : f32
      %add3A_4007 = vector.broadcast %add3A_4006 : f32 to vector<16xf32>
      %add3A_4008 = arith.addf %mul3A_4005, %add3A_4007 : vector<16xf32>
      %mul3A_4009 = arith.mulf %add3A_4008, %mul3A_3994 : vector<16xf32>
      %add3A_4010 = arith.constant 1.000000e+00 : f32
      %add3A_4011 = vector.broadcast %add3A_4010 : f32 to vector<16xf32>
      %add3A_4012 = arith.addf %mul3A_4009, %add3A_4011 : vector<16xf32>
      %convert_element_type3A_4013 = arith.sitofp %select_n3A_3986 : vector<16xi32> to vector<16xf32>
      %mul3A_4014 = arith.constant 0.693147182 : f32
      %mul3A_4015 = vector.broadcast %mul3A_4014 : f32 to vector<16xf32>
      %mul3A_4016 = arith.mulf %convert_element_type3A_4013, %mul3A_4015 : vector<16xf32>
      %mul3A_4017 = arith.constant 2.000000e+00 : f32
      %mul3A_4018 = vector.broadcast %mul3A_4017 : f32 to vector<16xf32>
      %mul3A_4019 = arith.mulf %mul3A_4018, %div3A_3993 : vector<16xf32>
      %mul3A_4020 = arith.mulf %mul3A_4019, %add3A_4012 : vector<16xf32>
      %add3A_4021 = arith.addf %mul3A_4016, %mul3A_4020 : vector<16xf32>
      %mul3A_4022 = arith.mulf %mul3A_3958, %add3A_4021 : vector<16xf32>
      %add3A_4023 = arith.addf %add3A_3876, %mul3A_4022 : vector<16xf32>
      %get3A_4024 = arith.constant 0 : i32
      %get3A_4025 = arith.index_cast %get3A_4024 : i32 to index
      %get3A_4026 = arith.constant 432 : index
      %get3A_4027 = tpu.vector_load %arg7[%get3A_4025, %get3A_4026] {strides = array<i32>} : memref<16x512xf32, #tpu.memory_space<vmem>>, vector<16xf32>,
      %get3A_4028 = arith.constant 1 : i32
      %get3A_4029 = arith.index_cast %get3A_4028 : i32 to index
      %get3A_4030 = arith.constant 432 : index
      %get3A_4031 = tpu.vector_load %arg7[%get3A_4029, %get3A_4030] {strides = array<i32>} : memref<16x512xf32, #tpu.memory_space<vmem>>, vector<16xf32>,
      %add3A_4032 = arith.addf %get3A_4027, %get3A_4031 : vector<16xf32>
      %get3A_4033 = arith.constant 2 : i32
      %get3A_4034 = arith.index_cast %get3A_4033 : i32 to index
      %get3A_4035 = arith.constant 432 : index
      %get3A_4036 = tpu.vector_load %arg7[%get3A_4034, %get3A_4035] {strides = array<i32>} : memref<16x512xf32, #tpu.memory_space<vmem>>, vector<16xf32>,
      %add3A_4037 = arith.addf %add3A_4032, %get3A_4036 : vector<16xf32>
      %get3A_4038 = arith.constant 3 : i32
      %get3A_4039 = arith.index_cast %get3A_4038 : i32 to index
      %get3A_4040 = arith.constant 432 : index
      %get3A_4041 = tpu.vector_load %arg7[%get3A_4039, %get3A_4040] {strides = array<i32>} : memref<16x512xf32, #tpu.memory_space<vmem>>, vector<16xf32>,
      %add3A_4042 = arith.addf %add3A_4037, %get3A_4041 : vector<16xf32>
      %get3A_4043 = arith.constant 4 : i32
      %get3A_4044 = arith.index_cast %get3A_4043 : i32 to index
      %get3A_4045 = arith.constant 432 : index
      %get3A_4046 = tpu.vector_load %arg7[%get3A_4044, %get3A_4045] {strides = array<i32>} : memref<16x512xf32, #tpu.memory_space<vmem>>, vector<16xf32>,
      %add3A_4047 = arith.addf %add3A_4042, %get3A_4046 : vector<16xf32>
      %get3A_4048 = arith.constant 5 : i32
      %get3A_4049 = arith.index_cast %get3A_4048 : i32 to index
      %get3A_4050 = arith.constant 432 : index
      %get3A_4051 = tpu.vector_load %arg7[%get3A_4049, %get3A_4050] {strides = array<i32>} : memref<16x512xf32, #tpu.memory_space<vmem>>, vector<16xf32>,
      %add3A_4052 = arith.addf %add3A_4047, %get3A_4051 : vector<16xf32>
      %get3A_4053 = arith.constant 6 : i32
      %get3A_4054 = arith.index_cast %get3A_4053 : i32 to index
      %get3A_4055 = arith.constant 432 : index
      %get3A_4056 = tpu.vector_load %arg7[%get3A_4054, %get3A_4055] {strides = array<i32>} : memref<16x512xf32, #tpu.memory_space<vmem>>, vector<16xf32>,
      %add3A_4057 = arith.addf %add3A_4052, %get3A_4056 : vector<16xf32>
      %get3A_4058 = arith.constant 7 : i32
      %get3A_4059 = arith.index_cast %get3A_4058 : i32 to index
      %get3A_4060 = arith.constant 432 : index
      %get3A_4061 = tpu.vector_load %arg7[%get3A_4059, %get3A_4060] {strides = array<i32>} : memref<16x512xf32, #tpu.memory_space<vmem>>, vector<16xf32>,
      %add3A_4062 = arith.addf %add3A_4057, %get3A_4061 : vector<16xf32>
      %get3A_4063 = arith.constant 8 : i32
      %get3A_4064 = arith.index_cast %get3A_4063 : i32 to index
      %get3A_4065 = arith.constant 432 : index
      %get3A_4066 = tpu.vector_load %arg7[%get3A_4064, %get3A_4065] {strides = array<i32>} : memref<16x512xf32, #tpu.memory_space<vmem>>, vector<16xf32>,
      %add3A_4067 = arith.addf %add3A_4062, %get3A_4066 : vector<16xf32>
      %get3A_4068 = arith.constant 9 : i32
      %get3A_4069 = arith.index_cast %get3A_4068 : i32 to index
      %get3A_4070 = arith.constant 432 : index
      %get3A_4071 = tpu.vector_load %arg7[%get3A_4069, %get3A_4070] {strides = array<i32>} : memref<16x512xf32, #tpu.memory_space<vmem>>, vector<16xf32>,
      %add3A_4072 = arith.addf %add3A_4067, %get3A_4071 : vector<16xf32>
      %get3A_4073 = arith.constant 10 : i32
      %get3A_4074 = arith.index_cast %get3A_4073 : i32 to index
      %get3A_4075 = arith.constant 432 : index
      %get3A_4076 = tpu.vector_load %arg7[%get3A_4074, %get3A_4075] {strides = array<i32>} : memref<16x512xf32, #tpu.memory_space<vmem>>, vector<16xf32>,
      %add3A_4077 = arith.addf %add3A_4072, %get3A_4076 : vector<16xf32>
      %get3A_4078 = arith.constant 11 : i32
      %get3A_4079 = arith.index_cast %get3A_4078 : i32 to index
      %get3A_4080 = arith.constant 432 : index
      %get3A_4081 = tpu.vector_load %arg7[%get3A_4079, %get3A_4080] {strides = array<i32>} : memref<16x512xf32, #tpu.memory_space<vmem>>, vector<16xf32>,
      %add3A_4082 = arith.addf %add3A_4077, %get3A_4081 : vector<16xf32>
      %get3A_4083 = arith.constant 12 : i32
      %get3A_4084 = arith.index_cast %get3A_4083 : i32 to index
      %get3A_4085 = arith.constant 432 : index
      %get3A_4086 = tpu.vector_load %arg7[%get3A_4084, %get3A_4085] {strides = array<i32>} : memref<16x512xf32, #tpu.memory_space<vmem>>, vector<16xf32>,
      %add3A_4087 = arith.addf %add3A_4082, %get3A_4086 : vector<16xf32>
      %get3A_4088 = arith.constant 13 : i32
      %get3A_4089 = arith.index_cast %get3A_4088 : i32 to index
      %get3A_4090 = arith.constant 432 : index
      %get3A_4091 = tpu.vector_load %arg7[%get3A_4089, %get3A_4090] {strides = array<i32>} : memref<16x512xf32, #tpu.memory_space<vmem>>, vector<16xf32>,
      %add3A_4092 = arith.addf %add3A_4087, %get3A_4091 : vector<16xf32>
      %get3A_4093 = arith.constant 14 : i32
      %get3A_4094 = arith.index_cast %get3A_4093 : i32 to index
      %get3A_4095 = arith.constant 432 : index
      %get3A_4096 = tpu.vector_load %arg7[%get3A_4094, %get3A_4095] {strides = array<i32>} : memref<16x512xf32, #tpu.memory_space<vmem>>, vector<16xf32>,
      %add3A_4097 = arith.addf %add3A_4092, %get3A_4096 : vector<16xf32>
      %get3A_4098 = arith.constant 15 : i32
      %get3A_4099 = arith.index_cast %get3A_4098 : i32 to index
      %get3A_4100 = arith.constant 432 : index
      %get3A_4101 = tpu.vector_load %arg7[%get3A_4099, %get3A_4100] {strides = array<i32>} : memref<16x512xf32, #tpu.memory_space<vmem>>, vector<16xf32>,
      %add3A_4102 = arith.addf %add3A_4097, %get3A_4101 : vector<16xf32>
      %mul3A_4103 = arith.constant 4.34027781E-4 : f32
      %mul3A_4104 = vector.broadcast %mul3A_4103 : f32 to vector<16xf32>
      %mul3A_4105 = arith.mulf %add3A_4102, %mul3A_4104 : vector<16xf32>
      %add3A_4106 = arith.constant 1.000000e-10 : f32
      %add3A_4107 = vector.broadcast %add3A_4106 : f32 to vector<16xf32>
      %add3A_4108 = arith.addf %mul3A_4105, %add3A_4107 : vector<16xf32>
      %bitcast3A_4109 = vector.bitcast %add3A_4108 : vector<16xf32> to vector<16xi32>
      %shift_right_arithmetic3A_4110 = arith.constant 23 : i32
      %shift_right_arithmetic3A_4111 = vector.broadcast %shift_right_arithmetic3A_4110 : i32 to vector<16xi32>
      %shift_right_arithmetic3A_4112 = arith.shrsi %bitcast3A_4109, %shift_right_arithmetic3A_4111 : vector<16xi32>
      %sub3A_4113 = arith.constant 127 : i32
      %sub3A_4114 = vector.broadcast %sub3A_4113 : i32 to vector<16xi32>
      %sub3A_4115 = arith.subi %shift_right_arithmetic3A_4112, %sub3A_4114 : vector<16xi32>
      %and3A_4116 = arith.constant 8388607 : i32
      %and3A_4117 = vector.broadcast %and3A_4116 : i32 to vector<16xi32>
      %and3A_4118 = arith.andi %bitcast3A_4109, %and3A_4117 : vector<16xi32>
      %or3A_4119 = arith.constant 1065353216 : i32
      %or3A_4120 = vector.broadcast %or3A_4119 : i32 to vector<16xi32>
      %or3A_4121 = arith.ori %and3A_4118, %or3A_4120 : vector<16xi32>
      %bitcast3A_4122 = vector.bitcast %or3A_4121 : vector<16xi32> to vector<16xf32>
      %gt3A_4123 = arith.constant 1.41421354 : f32
      %gt3A_4124 = vector.broadcast %gt3A_4123 : f32 to vector<16xf32>
      %gt3A_4125 = arith.cmpf ogt, %bitcast3A_4122, %gt3A_4124 : vector<16xf32>
      %mul3A_4126 = arith.constant 5.000000e-01 : f32
      %mul3A_4127 = vector.broadcast %mul3A_4126 : f32 to vector<16xf32>
      %mul3A_4128 = arith.mulf %bitcast3A_4122, %mul3A_4127 : vector<16xf32>
      %select_n3A_4129 = arith.select %gt3A_4125, %mul3A_4128, %bitcast3A_4122 : vector<16xi1>, vector<16xf32>
      %add3A_4130 = arith.constant 1 : i32
      %add3A_4131 = vector.broadcast %add3A_4130 : i32 to vector<16xi32>
      %add3A_4132 = arith.addi %sub3A_4115, %add3A_4131 : vector<16xi32>
      %select_n3A_4133 = arith.select %gt3A_4125, %add3A_4132, %sub3A_4115 : vector<16xi1>, vector<16xi32>
      %sub3A_4134 = arith.constant 1.000000e+00 : f32
      %sub3A_4135 = vector.broadcast %sub3A_4134 : f32 to vector<16xf32>
      %sub3A_4136 = arith.subf %select_n3A_4129, %sub3A_4135 : vector<16xf32>
      %add3A_4137 = arith.constant 1.000000e+00 : f32
      %add3A_4138 = vector.broadcast %add3A_4137 : f32 to vector<16xf32>
      %add3A_4139 = arith.addf %select_n3A_4129, %add3A_4138 : vector<16xf32>
      %div3A_4140 = arith.divf %sub3A_4136, %add3A_4139 : vector<16xf32>
      %mul3A_4141 = arith.mulf %div3A_4140, %div3A_4140 : vector<16xf32>
      %mul3A_4142 = arith.constant 0.111111112 : f32
      %mul3A_4143 = vector.broadcast %mul3A_4142 : f32 to vector<16xf32>
      %mul3A_4144 = arith.mulf %mul3A_4143, %mul3A_4141 : vector<16xf32>
      %add3A_4145 = arith.constant 0.142857149 : f32
      %add3A_4146 = vector.broadcast %add3A_4145 : f32 to vector<16xf32>
      %add3A_4147 = arith.addf %mul3A_4144, %add3A_4146 : vector<16xf32>
      %mul3A_4148 = arith.mulf %add3A_4147, %mul3A_4141 : vector<16xf32>
      %add3A_4149 = arith.constant 2.000000e-01 : f32
      %add3A_4150 = vector.broadcast %add3A_4149 : f32 to vector<16xf32>
      %add3A_4151 = arith.addf %mul3A_4148, %add3A_4150 : vector<16xf32>
      %mul3A_4152 = arith.mulf %add3A_4151, %mul3A_4141 : vector<16xf32>
      %add3A_4153 = arith.constant 0.333333343 : f32
      %add3A_4154 = vector.broadcast %add3A_4153 : f32 to vector<16xf32>
      %add3A_4155 = arith.addf %mul3A_4152, %add3A_4154 : vector<16xf32>
      %mul3A_4156 = arith.mulf %add3A_4155, %mul3A_4141 : vector<16xf32>
      %add3A_4157 = arith.constant 1.000000e+00 : f32
      %add3A_4158 = vector.broadcast %add3A_4157 : f32 to vector<16xf32>
      %add3A_4159 = arith.addf %mul3A_4156, %add3A_4158 : vector<16xf32>
      %convert_element_type3A_4160 = arith.sitofp %select_n3A_4133 : vector<16xi32> to vector<16xf32>
      %mul3A_4161 = arith.constant 0.693147182 : f32
      %mul3A_4162 = vector.broadcast %mul3A_4161 : f32 to vector<16xf32>
      %mul3A_4163 = arith.mulf %convert_element_type3A_4160, %mul3A_4162 : vector<16xf32>
      %mul3A_4164 = arith.constant 2.000000e+00 : f32
      %mul3A_4165 = vector.broadcast %mul3A_4164 : f32 to vector<16xf32>
      %mul3A_4166 = arith.mulf %mul3A_4165, %div3A_4140 : vector<16xf32>
      %mul3A_4167 = arith.mulf %mul3A_4166, %add3A_4159 : vector<16xf32>
      %add3A_4168 = arith.addf %mul3A_4163, %mul3A_4167 : vector<16xf32>
      %mul3A_4169 = arith.mulf %mul3A_4105, %add3A_4168 : vector<16xf32>
      %add3A_4170 = arith.addf %add3A_4023, %mul3A_4169 : vector<16xf32>
      %get3A_4171 = arith.constant 0 : i32
      %get3A_4172 = arith.index_cast %get3A_4171 : i32 to index
      %get3A_4173 = arith.constant 448 : index
      %get3A_4174 = tpu.vector_load %arg7[%get3A_4172, %get3A_4173] {strides = array<i32>} : memref<16x512xf32, #tpu.memory_space<vmem>>, vector<16xf32>,
      %get3A_4175 = arith.constant 1 : i32
      %get3A_4176 = arith.index_cast %get3A_4175 : i32 to index
      %get3A_4177 = arith.constant 448 : index
      %get3A_4178 = tpu.vector_load %arg7[%get3A_4176, %get3A_4177] {strides = array<i32>} : memref<16x512xf32, #tpu.memory_space<vmem>>, vector<16xf32>,
      %add3A_4179 = arith.addf %get3A_4174, %get3A_4178 : vector<16xf32>
      %get3A_4180 = arith.constant 2 : i32
      %get3A_4181 = arith.index_cast %get3A_4180 : i32 to index
      %get3A_4182 = arith.constant 448 : index
      %get3A_4183 = tpu.vector_load %arg7[%get3A_4181, %get3A_4182] {strides = array<i32>} : memref<16x512xf32, #tpu.memory_space<vmem>>, vector<16xf32>,
      %add3A_4184 = arith.addf %add3A_4179, %get3A_4183 : vector<16xf32>
      %get3A_4185 = arith.constant 3 : i32
      %get3A_4186 = arith.index_cast %get3A_4185 : i32 to index
      %get3A_4187 = arith.constant 448 : index
      %get3A_4188 = tpu.vector_load %arg7[%get3A_4186, %get3A_4187] {strides = array<i32>} : memref<16x512xf32, #tpu.memory_space<vmem>>, vector<16xf32>,
      %add3A_4189 = arith.addf %add3A_4184, %get3A_4188 : vector<16xf32>
      %get3A_4190 = arith.constant 4 : i32
      %get3A_4191 = arith.index_cast %get3A_4190 : i32 to index
      %get3A_4192 = arith.constant 448 : index
      %get3A_4193 = tpu.vector_load %arg7[%get3A_4191, %get3A_4192] {strides = array<i32>} : memref<16x512xf32, #tpu.memory_space<vmem>>, vector<16xf32>,
      %add3A_4194 = arith.addf %add3A_4189, %get3A_4193 : vector<16xf32>
      %get3A_4195 = arith.constant 5 : i32
      %get3A_4196 = arith.index_cast %get3A_4195 : i32 to index
      %get3A_4197 = arith.constant 448 : index
      %get3A_4198 = tpu.vector_load %arg7[%get3A_4196, %get3A_4197] {strides = array<i32>} : memref<16x512xf32, #tpu.memory_space<vmem>>, vector<16xf32>,
      %add3A_4199 = arith.addf %add3A_4194, %get3A_4198 : vector<16xf32>
      %get3A_4200 = arith.constant 6 : i32
      %get3A_4201 = arith.index_cast %get3A_4200 : i32 to index
      %get3A_4202 = arith.constant 448 : index
      %get3A_4203 = tpu.vector_load %arg7[%get3A_4201, %get3A_4202] {strides = array<i32>} : memref<16x512xf32, #tpu.memory_space<vmem>>, vector<16xf32>,
      %add3A_4204 = arith.addf %add3A_4199, %get3A_4203 : vector<16xf32>
      %get3A_4205 = arith.constant 7 : i32
      %get3A_4206 = arith.index_cast %get3A_4205 : i32 to index
      %get3A_4207 = arith.constant 448 : index
      %get3A_4208 = tpu.vector_load %arg7[%get3A_4206, %get3A_4207] {strides = array<i32>} : memref<16x512xf32, #tpu.memory_space<vmem>>, vector<16xf32>,
      %add3A_4209 = arith.addf %add3A_4204, %get3A_4208 : vector<16xf32>
      %get3A_4210 = arith.constant 8 : i32
      %get3A_4211 = arith.index_cast %get3A_4210 : i32 to index
      %get3A_4212 = arith.constant 448 : index
      %get3A_4213 = tpu.vector_load %arg7[%get3A_4211, %get3A_4212] {strides = array<i32>} : memref<16x512xf32, #tpu.memory_space<vmem>>, vector<16xf32>,
      %add3A_4214 = arith.addf %add3A_4209, %get3A_4213 : vector<16xf32>
      %get3A_4215 = arith.constant 9 : i32
      %get3A_4216 = arith.index_cast %get3A_4215 : i32 to index
      %get3A_4217 = arith.constant 448 : index
      %get3A_4218 = tpu.vector_load %arg7[%get3A_4216, %get3A_4217] {strides = array<i32>} : memref<16x512xf32, #tpu.memory_space<vmem>>, vector<16xf32>,
      %add3A_4219 = arith.addf %add3A_4214, %get3A_4218 : vector<16xf32>
      %get3A_4220 = arith.constant 10 : i32
      %get3A_4221 = arith.index_cast %get3A_4220 : i32 to index
      %get3A_4222 = arith.constant 448 : index
      %get3A_4223 = tpu.vector_load %arg7[%get3A_4221, %get3A_4222] {strides = array<i32>} : memref<16x512xf32, #tpu.memory_space<vmem>>, vector<16xf32>,
      %add3A_4224 = arith.addf %add3A_4219, %get3A_4223 : vector<16xf32>
      %get3A_4225 = arith.constant 11 : i32
      %get3A_4226 = arith.index_cast %get3A_4225 : i32 to index
      %get3A_4227 = arith.constant 448 : index
      %get3A_4228 = tpu.vector_load %arg7[%get3A_4226, %get3A_4227] {strides = array<i32>} : memref<16x512xf32, #tpu.memory_space<vmem>>, vector<16xf32>,
      %add3A_4229 = arith.addf %add3A_4224, %get3A_4228 : vector<16xf32>
      %get3A_4230 = arith.constant 12 : i32
      %get3A_4231 = arith.index_cast %get3A_4230 : i32 to index
      %get3A_4232 = arith.constant 448 : index
      %get3A_4233 = tpu.vector_load %arg7[%get3A_4231, %get3A_4232] {strides = array<i32>} : memref<16x512xf32, #tpu.memory_space<vmem>>, vector<16xf32>,
      %add3A_4234 = arith.addf %add3A_4229, %get3A_4233 : vector<16xf32>
      %get3A_4235 = arith.constant 13 : i32
      %get3A_4236 = arith.index_cast %get3A_4235 : i32 to index
      %get3A_4237 = arith.constant 448 : index
      %get3A_4238 = tpu.vector_load %arg7[%get3A_4236, %get3A_4237] {strides = array<i32>} : memref<16x512xf32, #tpu.memory_space<vmem>>, vector<16xf32>,
      %add3A_4239 = arith.addf %add3A_4234, %get3A_4238 : vector<16xf32>
      %get3A_4240 = arith.constant 14 : i32
      %get3A_4241 = arith.index_cast %get3A_4240 : i32 to index
      %get3A_4242 = arith.constant 448 : index
      %get3A_4243 = tpu.vector_load %arg7[%get3A_4241, %get3A_4242] {strides = array<i32>} : memref<16x512xf32, #tpu.memory_space<vmem>>, vector<16xf32>,
      %add3A_4244 = arith.addf %add3A_4239, %get3A_4243 : vector<16xf32>
      %get3A_4245 = arith.constant 15 : i32
      %get3A_4246 = arith.index_cast %get3A_4245 : i32 to index
      %get3A_4247 = arith.constant 448 : index
      %get3A_4248 = tpu.vector_load %arg7[%get3A_4246, %get3A_4247] {strides = array<i32>} : memref<16x512xf32, #tpu.memory_space<vmem>>, vector<16xf32>,
      %add3A_4249 = arith.addf %add3A_4244, %get3A_4248 : vector<16xf32>
      %mul3A_4250 = arith.constant 4.34027781E-4 : f32
      %mul3A_4251 = vector.broadcast %mul3A_4250 : f32 to vector<16xf32>
      %mul3A_4252 = arith.mulf %add3A_4249, %mul3A_4251 : vector<16xf32>
      %add3A_4253 = arith.constant 1.000000e-10 : f32
      %add3A_4254 = vector.broadcast %add3A_4253 : f32 to vector<16xf32>
      %add3A_4255 = arith.addf %mul3A_4252, %add3A_4254 : vector<16xf32>
      %bitcast3A_4256 = vector.bitcast %add3A_4255 : vector<16xf32> to vector<16xi32>
      %shift_right_arithmetic3A_4257 = arith.constant 23 : i32
      %shift_right_arithmetic3A_4258 = vector.broadcast %shift_right_arithmetic3A_4257 : i32 to vector<16xi32>
      %shift_right_arithmetic3A_4259 = arith.shrsi %bitcast3A_4256, %shift_right_arithmetic3A_4258 : vector<16xi32>
      %sub3A_4260 = arith.constant 127 : i32
      %sub3A_4261 = vector.broadcast %sub3A_4260 : i32 to vector<16xi32>
      %sub3A_4262 = arith.subi %shift_right_arithmetic3A_4259, %sub3A_4261 : vector<16xi32>
      %and3A_4263 = arith.constant 8388607 : i32
      %and3A_4264 = vector.broadcast %and3A_4263 : i32 to vector<16xi32>
      %and3A_4265 = arith.andi %bitcast3A_4256, %and3A_4264 : vector<16xi32>
      %or3A_4266 = arith.constant 1065353216 : i32
      %or3A_4267 = vector.broadcast %or3A_4266 : i32 to vector<16xi32>
      %or3A_4268 = arith.ori %and3A_4265, %or3A_4267 : vector<16xi32>
      %bitcast3A_4269 = vector.bitcast %or3A_4268 : vector<16xi32> to vector<16xf32>
      %gt3A_4270 = arith.constant 1.41421354 : f32
      %gt3A_4271 = vector.broadcast %gt3A_4270 : f32 to vector<16xf32>
      %gt3A_4272 = arith.cmpf ogt, %bitcast3A_4269, %gt3A_4271 : vector<16xf32>
      %mul3A_4273 = arith.constant 5.000000e-01 : f32
      %mul3A_4274 = vector.broadcast %mul3A_4273 : f32 to vector<16xf32>
      %mul3A_4275 = arith.mulf %bitcast3A_4269, %mul3A_4274 : vector<16xf32>
      %select_n3A_4276 = arith.select %gt3A_4272, %mul3A_4275, %bitcast3A_4269 : vector<16xi1>, vector<16xf32>
      %add3A_4277 = arith.constant 1 : i32
      %add3A_4278 = vector.broadcast %add3A_4277 : i32 to vector<16xi32>
      %add3A_4279 = arith.addi %sub3A_4262, %add3A_4278 : vector<16xi32>
      %select_n3A_4280 = arith.select %gt3A_4272, %add3A_4279, %sub3A_4262 : vector<16xi1>, vector<16xi32>
      %sub3A_4281 = arith.constant 1.000000e+00 : f32
      %sub3A_4282 = vector.broadcast %sub3A_4281 : f32 to vector<16xf32>
      %sub3A_4283 = arith.subf %select_n3A_4276, %sub3A_4282 : vector<16xf32>
      %add3A_4284 = arith.constant 1.000000e+00 : f32
      %add3A_4285 = vector.broadcast %add3A_4284 : f32 to vector<16xf32>
      %add3A_4286 = arith.addf %select_n3A_4276, %add3A_4285 : vector<16xf32>
      %div3A_4287 = arith.divf %sub3A_4283, %add3A_4286 : vector<16xf32>
      %mul3A_4288 = arith.mulf %div3A_4287, %div3A_4287 : vector<16xf32>
      %mul3A_4289 = arith.constant 0.111111112 : f32
      %mul3A_4290 = vector.broadcast %mul3A_4289 : f32 to vector<16xf32>
      %mul3A_4291 = arith.mulf %mul3A_4290, %mul3A_4288 : vector<16xf32>
      %add3A_4292 = arith.constant 0.142857149 : f32
      %add3A_4293 = vector.broadcast %add3A_4292 : f32 to vector<16xf32>
      %add3A_4294 = arith.addf %mul3A_4291, %add3A_4293 : vector<16xf32>
      %mul3A_4295 = arith.mulf %add3A_4294, %mul3A_4288 : vector<16xf32>
      %add3A_4296 = arith.constant 2.000000e-01 : f32
      %add3A_4297 = vector.broadcast %add3A_4296 : f32 to vector<16xf32>
      %add3A_4298 = arith.addf %mul3A_4295, %add3A_4297 : vector<16xf32>
      %mul3A_4299 = arith.mulf %add3A_4298, %mul3A_4288 : vector<16xf32>
      %add3A_4300 = arith.constant 0.333333343 : f32
      %add3A_4301 = vector.broadcast %add3A_4300 : f32 to vector<16xf32>
      %add3A_4302 = arith.addf %mul3A_4299, %add3A_4301 : vector<16xf32>
      %mul3A_4303 = arith.mulf %add3A_4302, %mul3A_4288 : vector<16xf32>
      %add3A_4304 = arith.constant 1.000000e+00 : f32
      %add3A_4305 = vector.broadcast %add3A_4304 : f32 to vector<16xf32>
      %add3A_4306 = arith.addf %mul3A_4303, %add3A_4305 : vector<16xf32>
      %convert_element_type3A_4307 = arith.sitofp %select_n3A_4280 : vector<16xi32> to vector<16xf32>
      %mul3A_4308 = arith.constant 0.693147182 : f32
      %mul3A_4309 = vector.broadcast %mul3A_4308 : f32 to vector<16xf32>
      %mul3A_4310 = arith.mulf %convert_element_type3A_4307, %mul3A_4309 : vector<16xf32>
      %mul3A_4311 = arith.constant 2.000000e+00 : f32
      %mul3A_4312 = vector.broadcast %mul3A_4311 : f32 to vector<16xf32>
      %mul3A_4313 = arith.mulf %mul3A_4312, %div3A_4287 : vector<16xf32>
      %mul3A_4314 = arith.mulf %mul3A_4313, %add3A_4306 : vector<16xf32>
      %add3A_4315 = arith.addf %mul3A_4310, %mul3A_4314 : vector<16xf32>
      %mul3A_4316 = arith.mulf %mul3A_4252, %add3A_4315 : vector<16xf32>
      %add3A_4317 = arith.addf %add3A_4170, %mul3A_4316 : vector<16xf32>
      %get3A_4318 = arith.constant 0 : i32
      %get3A_4319 = arith.index_cast %get3A_4318 : i32 to index
      %get3A_4320 = arith.constant 464 : index
      %get3A_4321 = tpu.vector_load %arg7[%get3A_4319, %get3A_4320] {strides = array<i32>} : memref<16x512xf32, #tpu.memory_space<vmem>>, vector<16xf32>,
      %get3A_4322 = arith.constant 1 : i32
      %get3A_4323 = arith.index_cast %get3A_4322 : i32 to index
      %get3A_4324 = arith.constant 464 : index
      %get3A_4325 = tpu.vector_load %arg7[%get3A_4323, %get3A_4324] {strides = array<i32>} : memref<16x512xf32, #tpu.memory_space<vmem>>, vector<16xf32>,
      %add3A_4326 = arith.addf %get3A_4321, %get3A_4325 : vector<16xf32>
      %get3A_4327 = arith.constant 2 : i32
      %get3A_4328 = arith.index_cast %get3A_4327 : i32 to index
      %get3A_4329 = arith.constant 464 : index
      %get3A_4330 = tpu.vector_load %arg7[%get3A_4328, %get3A_4329] {strides = array<i32>} : memref<16x512xf32, #tpu.memory_space<vmem>>, vector<16xf32>,
      %add3A_4331 = arith.addf %add3A_4326, %get3A_4330 : vector<16xf32>
      %get3A_4332 = arith.constant 3 : i32
      %get3A_4333 = arith.index_cast %get3A_4332 : i32 to index
      %get3A_4334 = arith.constant 464 : index
      %get3A_4335 = tpu.vector_load %arg7[%get3A_4333, %get3A_4334] {strides = array<i32>} : memref<16x512xf32, #tpu.memory_space<vmem>>, vector<16xf32>,
      %add3A_4336 = arith.addf %add3A_4331, %get3A_4335 : vector<16xf32>
      %get3A_4337 = arith.constant 4 : i32
      %get3A_4338 = arith.index_cast %get3A_4337 : i32 to index
      %get3A_4339 = arith.constant 464 : index
      %get3A_4340 = tpu.vector_load %arg7[%get3A_4338, %get3A_4339] {strides = array<i32>} : memref<16x512xf32, #tpu.memory_space<vmem>>, vector<16xf32>,
      %add3A_4341 = arith.addf %add3A_4336, %get3A_4340 : vector<16xf32>
      %get3A_4342 = arith.constant 5 : i32
      %get3A_4343 = arith.index_cast %get3A_4342 : i32 to index
      %get3A_4344 = arith.constant 464 : index
      %get3A_4345 = tpu.vector_load %arg7[%get3A_4343, %get3A_4344] {strides = array<i32>} : memref<16x512xf32, #tpu.memory_space<vmem>>, vector<16xf32>,
      %add3A_4346 = arith.addf %add3A_4341, %get3A_4345 : vector<16xf32>
      %get3A_4347 = arith.constant 6 : i32
      %get3A_4348 = arith.index_cast %get3A_4347 : i32 to index
      %get3A_4349 = arith.constant 464 : index
      %get3A_4350 = tpu.vector_load %arg7[%get3A_4348, %get3A_4349] {strides = array<i32>} : memref<16x512xf32, #tpu.memory_space<vmem>>, vector<16xf32>,
      %add3A_4351 = arith.addf %add3A_4346, %get3A_4350 : vector<16xf32>
      %get3A_4352 = arith.constant 7 : i32
      %get3A_4353 = arith.index_cast %get3A_4352 : i32 to index
      %get3A_4354 = arith.constant 464 : index
      %get3A_4355 = tpu.vector_load %arg7[%get3A_4353, %get3A_4354] {strides = array<i32>} : memref<16x512xf32, #tpu.memory_space<vmem>>, vector<16xf32>,
      %add3A_4356 = arith.addf %add3A_4351, %get3A_4355 : vector<16xf32>
      %get3A_4357 = arith.constant 8 : i32
      %get3A_4358 = arith.index_cast %get3A_4357 : i32 to index
      %get3A_4359 = arith.constant 464 : index
      %get3A_4360 = tpu.vector_load %arg7[%get3A_4358, %get3A_4359] {strides = array<i32>} : memref<16x512xf32, #tpu.memory_space<vmem>>, vector<16xf32>,
      %add3A_4361 = arith.addf %add3A_4356, %get3A_4360 : vector<16xf32>
      %get3A_4362 = arith.constant 9 : i32
      %get3A_4363 = arith.index_cast %get3A_4362 : i32 to index
      %get3A_4364 = arith.constant 464 : index
      %get3A_4365 = tpu.vector_load %arg7[%get3A_4363, %get3A_4364] {strides = array<i32>} : memref<16x512xf32, #tpu.memory_space<vmem>>, vector<16xf32>,
      %add3A_4366 = arith.addf %add3A_4361, %get3A_4365 : vector<16xf32>
      %get3A_4367 = arith.constant 10 : i32
      %get3A_4368 = arith.index_cast %get3A_4367 : i32 to index
      %get3A_4369 = arith.constant 464 : index
      %get3A_4370 = tpu.vector_load %arg7[%get3A_4368, %get3A_4369] {strides = array<i32>} : memref<16x512xf32, #tpu.memory_space<vmem>>, vector<16xf32>,
      %add3A_4371 = arith.addf %add3A_4366, %get3A_4370 : vector<16xf32>
      %get3A_4372 = arith.constant 11 : i32
      %get3A_4373 = arith.index_cast %get3A_4372 : i32 to index
      %get3A_4374 = arith.constant 464 : index
      %get3A_4375 = tpu.vector_load %arg7[%get3A_4373, %get3A_4374] {strides = array<i32>} : memref<16x512xf32, #tpu.memory_space<vmem>>, vector<16xf32>,
      %add3A_4376 = arith.addf %add3A_4371, %get3A_4375 : vector<16xf32>
      %get3A_4377 = arith.constant 12 : i32
      %get3A_4378 = arith.index_cast %get3A_4377 : i32 to index
      %get3A_4379 = arith.constant 464 : index
      %get3A_4380 = tpu.vector_load %arg7[%get3A_4378, %get3A_4379] {strides = array<i32>} : memref<16x512xf32, #tpu.memory_space<vmem>>, vector<16xf32>,
      %add3A_4381 = arith.addf %add3A_4376, %get3A_4380 : vector<16xf32>
      %get3A_4382 = arith.constant 13 : i32
      %get3A_4383 = arith.index_cast %get3A_4382 : i32 to index
      %get3A_4384 = arith.constant 464 : index
      %get3A_4385 = tpu.vector_load %arg7[%get3A_4383, %get3A_4384] {strides = array<i32>} : memref<16x512xf32, #tpu.memory_space<vmem>>, vector<16xf32>,
      %add3A_4386 = arith.addf %add3A_4381, %get3A_4385 : vector<16xf32>
      %get3A_4387 = arith.constant 14 : i32
      %get3A_4388 = arith.index_cast %get3A_4387 : i32 to index
      %get3A_4389 = arith.constant 464 : index
      %get3A_4390 = tpu.vector_load %arg7[%get3A_4388, %get3A_4389] {strides = array<i32>} : memref<16x512xf32, #tpu.memory_space<vmem>>, vector<16xf32>,
      %add3A_4391 = arith.addf %add3A_4386, %get3A_4390 : vector<16xf32>
      %get3A_4392 = arith.constant 15 : i32
      %get3A_4393 = arith.index_cast %get3A_4392 : i32 to index
      %get3A_4394 = arith.constant 464 : index
      %get3A_4395 = tpu.vector_load %arg7[%get3A_4393, %get3A_4394] {strides = array<i32>} : memref<16x512xf32, #tpu.memory_space<vmem>>, vector<16xf32>,
      %add3A_4396 = arith.addf %add3A_4391, %get3A_4395 : vector<16xf32>
      %mul3A_4397 = arith.constant 4.34027781E-4 : f32
      %mul3A_4398 = vector.broadcast %mul3A_4397 : f32 to vector<16xf32>
      %mul3A_4399 = arith.mulf %add3A_4396, %mul3A_4398 : vector<16xf32>
      %add3A_4400 = arith.constant 1.000000e-10 : f32
      %add3A_4401 = vector.broadcast %add3A_4400 : f32 to vector<16xf32>
      %add3A_4402 = arith.addf %mul3A_4399, %add3A_4401 : vector<16xf32>
      %bitcast3A_4403 = vector.bitcast %add3A_4402 : vector<16xf32> to vector<16xi32>
      %shift_right_arithmetic3A_4404 = arith.constant 23 : i32
      %shift_right_arithmetic3A_4405 = vector.broadcast %shift_right_arithmetic3A_4404 : i32 to vector<16xi32>
      %shift_right_arithmetic3A_4406 = arith.shrsi %bitcast3A_4403, %shift_right_arithmetic3A_4405 : vector<16xi32>
      %sub3A_4407 = arith.constant 127 : i32
      %sub3A_4408 = vector.broadcast %sub3A_4407 : i32 to vector<16xi32>
      %sub3A_4409 = arith.subi %shift_right_arithmetic3A_4406, %sub3A_4408 : vector<16xi32>
      %and3A_4410 = arith.constant 8388607 : i32
      %and3A_4411 = vector.broadcast %and3A_4410 : i32 to vector<16xi32>
      %and3A_4412 = arith.andi %bitcast3A_4403, %and3A_4411 : vector<16xi32>
      %or3A_4413 = arith.constant 1065353216 : i32
      %or3A_4414 = vector.broadcast %or3A_4413 : i32 to vector<16xi32>
      %or3A_4415 = arith.ori %and3A_4412, %or3A_4414 : vector<16xi32>
      %bitcast3A_4416 = vector.bitcast %or3A_4415 : vector<16xi32> to vector<16xf32>
      %gt3A_4417 = arith.constant 1.41421354 : f32
      %gt3A_4418 = vector.broadcast %gt3A_4417 : f32 to vector<16xf32>
      %gt3A_4419 = arith.cmpf ogt, %bitcast3A_4416, %gt3A_4418 : vector<16xf32>
      %mul3A_4420 = arith.constant 5.000000e-01 : f32
      %mul3A_4421 = vector.broadcast %mul3A_4420 : f32 to vector<16xf32>
      %mul3A_4422 = arith.mulf %bitcast3A_4416, %mul3A_4421 : vector<16xf32>
      %select_n3A_4423 = arith.select %gt3A_4419, %mul3A_4422, %bitcast3A_4416 : vector<16xi1>, vector<16xf32>
      %add3A_4424 = arith.constant 1 : i32
      %add3A_4425 = vector.broadcast %add3A_4424 : i32 to vector<16xi32>
      %add3A_4426 = arith.addi %sub3A_4409, %add3A_4425 : vector<16xi32>
      %select_n3A_4427 = arith.select %gt3A_4419, %add3A_4426, %sub3A_4409 : vector<16xi1>, vector<16xi32>
      %sub3A_4428 = arith.constant 1.000000e+00 : f32
      %sub3A_4429 = vector.broadcast %sub3A_4428 : f32 to vector<16xf32>
      %sub3A_4430 = arith.subf %select_n3A_4423, %sub3A_4429 : vector<16xf32>
      %add3A_4431 = arith.constant 1.000000e+00 : f32
      %add3A_4432 = vector.broadcast %add3A_4431 : f32 to vector<16xf32>
      %add3A_4433 = arith.addf %select_n3A_4423, %add3A_4432 : vector<16xf32>
      %div3A_4434 = arith.divf %sub3A_4430, %add3A_4433 : vector<16xf32>
      %mul3A_4435 = arith.mulf %div3A_4434, %div3A_4434 : vector<16xf32>
      %mul3A_4436 = arith.constant 0.111111112 : f32
      %mul3A_4437 = vector.broadcast %mul3A_4436 : f32 to vector<16xf32>
      %mul3A_4438 = arith.mulf %mul3A_4437, %mul3A_4435 : vector<16xf32>
      %add3A_4439 = arith.constant 0.142857149 : f32
      %add3A_4440 = vector.broadcast %add3A_4439 : f32 to vector<16xf32>
      %add3A_4441 = arith.addf %mul3A_4438, %add3A_4440 : vector<16xf32>
      %mul3A_4442 = arith.mulf %add3A_4441, %mul3A_4435 : vector<16xf32>
      %add3A_4443 = arith.constant 2.000000e-01 : f32
      %add3A_4444 = vector.broadcast %add3A_4443 : f32 to vector<16xf32>
      %add3A_4445 = arith.addf %mul3A_4442, %add3A_4444 : vector<16xf32>
      %mul3A_4446 = arith.mulf %add3A_4445, %mul3A_4435 : vector<16xf32>
      %add3A_4447 = arith.constant 0.333333343 : f32
      %add3A_4448 = vector.broadcast %add3A_4447 : f32 to vector<16xf32>
      %add3A_4449 = arith.addf %mul3A_4446, %add3A_4448 : vector<16xf32>
      %mul3A_4450 = arith.mulf %add3A_4449, %mul3A_4435 : vector<16xf32>
      %add3A_4451 = arith.constant 1.000000e+00 : f32
      %add3A_4452 = vector.broadcast %add3A_4451 : f32 to vector<16xf32>
      %add3A_4453 = arith.addf %mul3A_4450, %add3A_4452 : vector<16xf32>
      %convert_element_type3A_4454 = arith.sitofp %select_n3A_4427 : vector<16xi32> to vector<16xf32>
      %mul3A_4455 = arith.constant 0.693147182 : f32
      %mul3A_4456 = vector.broadcast %mul3A_4455 : f32 to vector<16xf32>
      %mul3A_4457 = arith.mulf %convert_element_type3A_4454, %mul3A_4456 : vector<16xf32>
      %mul3A_4458 = arith.constant 2.000000e+00 : f32
      %mul3A_4459 = vector.broadcast %mul3A_4458 : f32 to vector<16xf32>
      %mul3A_4460 = arith.mulf %mul3A_4459, %div3A_4434 : vector<16xf32>
      %mul3A_4461 = arith.mulf %mul3A_4460, %add3A_4453 : vector<16xf32>
      %add3A_4462 = arith.addf %mul3A_4457, %mul3A_4461 : vector<16xf32>
      %mul3A_4463 = arith.mulf %mul3A_4399, %add3A_4462 : vector<16xf32>
      %add3A_4464 = arith.addf %add3A_4317, %mul3A_4463 : vector<16xf32>
      %get3A_4465 = arith.constant 0 : i32
      %get3A_4466 = arith.index_cast %get3A_4465 : i32 to index
      %get3A_4467 = arith.constant 480 : index
      %get3A_4468 = tpu.vector_load %arg7[%get3A_4466, %get3A_4467] {strides = array<i32>} : memref<16x512xf32, #tpu.memory_space<vmem>>, vector<16xf32>,
      %get3A_4469 = arith.constant 1 : i32
      %get3A_4470 = arith.index_cast %get3A_4469 : i32 to index
      %get3A_4471 = arith.constant 480 : index
      %get3A_4472 = tpu.vector_load %arg7[%get3A_4470, %get3A_4471] {strides = array<i32>} : memref<16x512xf32, #tpu.memory_space<vmem>>, vector<16xf32>,
      %add3A_4473 = arith.addf %get3A_4468, %get3A_4472 : vector<16xf32>
      %get3A_4474 = arith.constant 2 : i32
      %get3A_4475 = arith.index_cast %get3A_4474 : i32 to index
      %get3A_4476 = arith.constant 480 : index
      %get3A_4477 = tpu.vector_load %arg7[%get3A_4475, %get3A_4476] {strides = array<i32>} : memref<16x512xf32, #tpu.memory_space<vmem>>, vector<16xf32>,
      %add3A_4478 = arith.addf %add3A_4473, %get3A_4477 : vector<16xf32>
      %get3A_4479 = arith.constant 3 : i32
      %get3A_4480 = arith.index_cast %get3A_4479 : i32 to index
      %get3A_4481 = arith.constant 480 : index
      %get3A_4482 = tpu.vector_load %arg7[%get3A_4480, %get3A_4481] {strides = array<i32>} : memref<16x512xf32, #tpu.memory_space<vmem>>, vector<16xf32>,
      %add3A_4483 = arith.addf %add3A_4478, %get3A_4482 : vector<16xf32>
      %get3A_4484 = arith.constant 4 : i32
      %get3A_4485 = arith.index_cast %get3A_4484 : i32 to index
      %get3A_4486 = arith.constant 480 : index
      %get3A_4487 = tpu.vector_load %arg7[%get3A_4485, %get3A_4486] {strides = array<i32>} : memref<16x512xf32, #tpu.memory_space<vmem>>, vector<16xf32>,
      %add3A_4488 = arith.addf %add3A_4483, %get3A_4487 : vector<16xf32>
      %get3A_4489 = arith.constant 5 : i32
      %get3A_4490 = arith.index_cast %get3A_4489 : i32 to index
      %get3A_4491 = arith.constant 480 : index
      %get3A_4492 = tpu.vector_load %arg7[%get3A_4490, %get3A_4491] {strides = array<i32>} : memref<16x512xf32, #tpu.memory_space<vmem>>, vector<16xf32>,
      %add3A_4493 = arith.addf %add3A_4488, %get3A_4492 : vector<16xf32>
      %get3A_4494 = arith.constant 6 : i32
      %get3A_4495 = arith.index_cast %get3A_4494 : i32 to index
      %get3A_4496 = arith.constant 480 : index
      %get3A_4497 = tpu.vector_load %arg7[%get3A_4495, %get3A_4496] {strides = array<i32>} : memref<16x512xf32, #tpu.memory_space<vmem>>, vector<16xf32>,
      %add3A_4498 = arith.addf %add3A_4493, %get3A_4497 : vector<16xf32>
      %get3A_4499 = arith.constant 7 : i32
      %get3A_4500 = arith.index_cast %get3A_4499 : i32 to index
      %get3A_4501 = arith.constant 480 : index
      %get3A_4502 = tpu.vector_load %arg7[%get3A_4500, %get3A_4501] {strides = array<i32>} : memref<16x512xf32, #tpu.memory_space<vmem>>, vector<16xf32>,
      %add3A_4503 = arith.addf %add3A_4498, %get3A_4502 : vector<16xf32>
      %get3A_4504 = arith.constant 8 : i32
      %get3A_4505 = arith.index_cast %get3A_4504 : i32 to index
      %get3A_4506 = arith.constant 480 : index
      %get3A_4507 = tpu.vector_load %arg7[%get3A_4505, %get3A_4506] {strides = array<i32>} : memref<16x512xf32, #tpu.memory_space<vmem>>, vector<16xf32>,
      %add3A_4508 = arith.addf %add3A_4503, %get3A_4507 : vector<16xf32>
      %get3A_4509 = arith.constant 9 : i32
      %get3A_4510 = arith.index_cast %get3A_4509 : i32 to index
      %get3A_4511 = arith.constant 480 : index
      %get3A_4512 = tpu.vector_load %arg7[%get3A_4510, %get3A_4511] {strides = array<i32>} : memref<16x512xf32, #tpu.memory_space<vmem>>, vector<16xf32>,
      %add3A_4513 = arith.addf %add3A_4508, %get3A_4512 : vector<16xf32>
      %get3A_4514 = arith.constant 10 : i32
      %get3A_4515 = arith.index_cast %get3A_4514 : i32 to index
      %get3A_4516 = arith.constant 480 : index
      %get3A_4517 = tpu.vector_load %arg7[%get3A_4515, %get3A_4516] {strides = array<i32>} : memref<16x512xf32, #tpu.memory_space<vmem>>, vector<16xf32>,
      %add3A_4518 = arith.addf %add3A_4513, %get3A_4517 : vector<16xf32>
      %get3A_4519 = arith.constant 11 : i32
      %get3A_4520 = arith.index_cast %get3A_4519 : i32 to index
      %get3A_4521 = arith.constant 480 : index
      %get3A_4522 = tpu.vector_load %arg7[%get3A_4520, %get3A_4521] {strides = array<i32>} : memref<16x512xf32, #tpu.memory_space<vmem>>, vector<16xf32>,
      %add3A_4523 = arith.addf %add3A_4518, %get3A_4522 : vector<16xf32>
      %get3A_4524 = arith.constant 12 : i32
      %get3A_4525 = arith.index_cast %get3A_4524 : i32 to index
      %get3A_4526 = arith.constant 480 : index
      %get3A_4527 = tpu.vector_load %arg7[%get3A_4525, %get3A_4526] {strides = array<i32>} : memref<16x512xf32, #tpu.memory_space<vmem>>, vector<16xf32>,
      %add3A_4528 = arith.addf %add3A_4523, %get3A_4527 : vector<16xf32>
      %get3A_4529 = arith.constant 13 : i32
      %get3A_4530 = arith.index_cast %get3A_4529 : i32 to index
      %get3A_4531 = arith.constant 480 : index
      %get3A_4532 = tpu.vector_load %arg7[%get3A_4530, %get3A_4531] {strides = array<i32>} : memref<16x512xf32, #tpu.memory_space<vmem>>, vector<16xf32>,
      %add3A_4533 = arith.addf %add3A_4528, %get3A_4532 : vector<16xf32>
      %get3A_4534 = arith.constant 14 : i32
      %get3A_4535 = arith.index_cast %get3A_4534 : i32 to index
      %get3A_4536 = arith.constant 480 : index
      %get3A_4537 = tpu.vector_load %arg7[%get3A_4535, %get3A_4536] {strides = array<i32>} : memref<16x512xf32, #tpu.memory_space<vmem>>, vector<16xf32>,
      %add3A_4538 = arith.addf %add3A_4533, %get3A_4537 : vector<16xf32>
      %get3A_4539 = arith.constant 15 : i32
      %get3A_4540 = arith.index_cast %get3A_4539 : i32 to index
      %get3A_4541 = arith.constant 480 : index
      %get3A_4542 = tpu.vector_load %arg7[%get3A_4540, %get3A_4541] {strides = array<i32>} : memref<16x512xf32, #tpu.memory_space<vmem>>, vector<16xf32>,
      %add3A_4543 = arith.addf %add3A_4538, %get3A_4542 : vector<16xf32>
      %mul3A_4544 = arith.constant 4.34027781E-4 : f32
      %mul3A_4545 = vector.broadcast %mul3A_4544 : f32 to vector<16xf32>
      %mul3A_4546 = arith.mulf %add3A_4543, %mul3A_4545 : vector<16xf32>
      %add3A_4547 = arith.constant 1.000000e-10 : f32
      %add3A_4548 = vector.broadcast %add3A_4547 : f32 to vector<16xf32>
      %add3A_4549 = arith.addf %mul3A_4546, %add3A_4548 : vector<16xf32>
      %bitcast3A_4550 = vector.bitcast %add3A_4549 : vector<16xf32> to vector<16xi32>
      %shift_right_arithmetic3A_4551 = arith.constant 23 : i32
      %shift_right_arithmetic3A_4552 = vector.broadcast %shift_right_arithmetic3A_4551 : i32 to vector<16xi32>
      %shift_right_arithmetic3A_4553 = arith.shrsi %bitcast3A_4550, %shift_right_arithmetic3A_4552 : vector<16xi32>
      %sub3A_4554 = arith.constant 127 : i32
      %sub3A_4555 = vector.broadcast %sub3A_4554 : i32 to vector<16xi32>
      %sub3A_4556 = arith.subi %shift_right_arithmetic3A_4553, %sub3A_4555 : vector<16xi32>
      %and3A_4557 = arith.constant 8388607 : i32
      %and3A_4558 = vector.broadcast %and3A_4557 : i32 to vector<16xi32>
      %and3A_4559 = arith.andi %bitcast3A_4550, %and3A_4558 : vector<16xi32>
      %or3A_4560 = arith.constant 1065353216 : i32
      %or3A_4561 = vector.broadcast %or3A_4560 : i32 to vector<16xi32>
      %or3A_4562 = arith.ori %and3A_4559, %or3A_4561 : vector<16xi32>
      %bitcast3A_4563 = vector.bitcast %or3A_4562 : vector<16xi32> to vector<16xf32>
      %gt3A_4564 = arith.constant 1.41421354 : f32
      %gt3A_4565 = vector.broadcast %gt3A_4564 : f32 to vector<16xf32>
      %gt3A_4566 = arith.cmpf ogt, %bitcast3A_4563, %gt3A_4565 : vector<16xf32>
      %mul3A_4567 = arith.constant 5.000000e-01 : f32
      %mul3A_4568 = vector.broadcast %mul3A_4567 : f32 to vector<16xf32>
      %mul3A_4569 = arith.mulf %bitcast3A_4563, %mul3A_4568 : vector<16xf32>
      %select_n3A_4570 = arith.select %gt3A_4566, %mul3A_4569, %bitcast3A_4563 : vector<16xi1>, vector<16xf32>
      %add3A_4571 = arith.constant 1 : i32
      %add3A_4572 = vector.broadcast %add3A_4571 : i32 to vector<16xi32>
      %add3A_4573 = arith.addi %sub3A_4556, %add3A_4572 : vector<16xi32>
      %select_n3A_4574 = arith.select %gt3A_4566, %add3A_4573, %sub3A_4556 : vector<16xi1>, vector<16xi32>
      %sub3A_4575 = arith.constant 1.000000e+00 : f32
      %sub3A_4576 = vector.broadcast %sub3A_4575 : f32 to vector<16xf32>
      %sub3A_4577 = arith.subf %select_n3A_4570, %sub3A_4576 : vector<16xf32>
      %add3A_4578 = arith.constant 1.000000e+00 : f32
      %add3A_4579 = vector.broadcast %add3A_4578 : f32 to vector<16xf32>
      %add3A_4580 = arith.addf %select_n3A_4570, %add3A_4579 : vector<16xf32>
      %div3A_4581 = arith.divf %sub3A_4577, %add3A_4580 : vector<16xf32>
      %mul3A_4582 = arith.mulf %div3A_4581, %div3A_4581 : vector<16xf32>
      %mul3A_4583 = arith.constant 0.111111112 : f32
      %mul3A_4584 = vector.broadcast %mul3A_4583 : f32 to vector<16xf32>
      %mul3A_4585 = arith.mulf %mul3A_4584, %mul3A_4582 : vector<16xf32>
      %add3A_4586 = arith.constant 0.142857149 : f32
      %add3A_4587 = vector.broadcast %add3A_4586 : f32 to vector<16xf32>
      %add3A_4588 = arith.addf %mul3A_4585, %add3A_4587 : vector<16xf32>
      %mul3A_4589 = arith.mulf %add3A_4588, %mul3A_4582 : vector<16xf32>
      %add3A_4590 = arith.constant 2.000000e-01 : f32
      %add3A_4591 = vector.broadcast %add3A_4590 : f32 to vector<16xf32>
      %add3A_4592 = arith.addf %mul3A_4589, %add3A_4591 : vector<16xf32>
      %mul3A_4593 = arith.mulf %add3A_4592, %mul3A_4582 : vector<16xf32>
      %add3A_4594 = arith.constant 0.333333343 : f32
      %add3A_4595 = vector.broadcast %add3A_4594 : f32 to vector<16xf32>
      %add3A_4596 = arith.addf %mul3A_4593, %add3A_4595 : vector<16xf32>
      %mul3A_4597 = arith.mulf %add3A_4596, %mul3A_4582 : vector<16xf32>
      %add3A_4598 = arith.constant 1.000000e+00 : f32
      %add3A_4599 = vector.broadcast %add3A_4598 : f32 to vector<16xf32>
      %add3A_4600 = arith.addf %mul3A_4597, %add3A_4599 : vector<16xf32>
      %convert_element_type3A_4601 = arith.sitofp %select_n3A_4574 : vector<16xi32> to vector<16xf32>
      %mul3A_4602 = arith.constant 0.693147182 : f32
      %mul3A_4603 = vector.broadcast %mul3A_4602 : f32 to vector<16xf32>
      %mul3A_4604 = arith.mulf %convert_element_type3A_4601, %mul3A_4603 : vector<16xf32>
      %mul3A_4605 = arith.constant 2.000000e+00 : f32
      %mul3A_4606 = vector.broadcast %mul3A_4605 : f32 to vector<16xf32>
      %mul3A_4607 = arith.mulf %mul3A_4606, %div3A_4581 : vector<16xf32>
      %mul3A_4608 = arith.mulf %mul3A_4607, %add3A_4600 : vector<16xf32>
      %add3A_4609 = arith.addf %mul3A_4604, %mul3A_4608 : vector<16xf32>
      %mul3A_4610 = arith.mulf %mul3A_4546, %add3A_4609 : vector<16xf32>
      %add3A_4611 = arith.addf %add3A_4464, %mul3A_4610 : vector<16xf32>
      %get3A_4612 = arith.constant 0 : i32
      %get3A_4613 = arith.index_cast %get3A_4612 : i32 to index
      %get3A_4614 = arith.constant 496 : index
      %get3A_4615 = tpu.vector_load %arg7[%get3A_4613, %get3A_4614] {strides = array<i32>} : memref<16x512xf32, #tpu.memory_space<vmem>>, vector<16xf32>,
      %get3A_4616 = arith.constant 1 : i32
      %get3A_4617 = arith.index_cast %get3A_4616 : i32 to index
      %get3A_4618 = arith.constant 496 : index
      %get3A_4619 = tpu.vector_load %arg7[%get3A_4617, %get3A_4618] {strides = array<i32>} : memref<16x512xf32, #tpu.memory_space<vmem>>, vector<16xf32>,
      %add3A_4620 = arith.addf %get3A_4615, %get3A_4619 : vector<16xf32>
      %get3A_4621 = arith.constant 2 : i32
      %get3A_4622 = arith.index_cast %get3A_4621 : i32 to index
      %get3A_4623 = arith.constant 496 : index
      %get3A_4624 = tpu.vector_load %arg7[%get3A_4622, %get3A_4623] {strides = array<i32>} : memref<16x512xf32, #tpu.memory_space<vmem>>, vector<16xf32>,
      %add3A_4625 = arith.addf %add3A_4620, %get3A_4624 : vector<16xf32>
      %get3A_4626 = arith.constant 3 : i32
      %get3A_4627 = arith.index_cast %get3A_4626 : i32 to index
      %get3A_4628 = arith.constant 496 : index
      %get3A_4629 = tpu.vector_load %arg7[%get3A_4627, %get3A_4628] {strides = array<i32>} : memref<16x512xf32, #tpu.memory_space<vmem>>, vector<16xf32>,
      %add3A_4630 = arith.addf %add3A_4625, %get3A_4629 : vector<16xf32>
      %get3A_4631 = arith.constant 4 : i32
      %get3A_4632 = arith.index_cast %get3A_4631 : i32 to index
      %get3A_4633 = arith.constant 496 : index
      %get3A_4634 = tpu.vector_load %arg7[%get3A_4632, %get3A_4633] {strides = array<i32>} : memref<16x512xf32, #tpu.memory_space<vmem>>, vector<16xf32>,
      %add3A_4635 = arith.addf %add3A_4630, %get3A_4634 : vector<16xf32>
      %get3A_4636 = arith.constant 5 : i32
      %get3A_4637 = arith.index_cast %get3A_4636 : i32 to index
      %get3A_4638 = arith.constant 496 : index
      %get3A_4639 = tpu.vector_load %arg7[%get3A_4637, %get3A_4638] {strides = array<i32>} : memref<16x512xf32, #tpu.memory_space<vmem>>, vector<16xf32>,
      %add3A_4640 = arith.addf %add3A_4635, %get3A_4639 : vector<16xf32>
      %get3A_4641 = arith.constant 6 : i32
      %get3A_4642 = arith.index_cast %get3A_4641 : i32 to index
      %get3A_4643 = arith.constant 496 : index
      %get3A_4644 = tpu.vector_load %arg7[%get3A_4642, %get3A_4643] {strides = array<i32>} : memref<16x512xf32, #tpu.memory_space<vmem>>, vector<16xf32>,
      %add3A_4645 = arith.addf %add3A_4640, %get3A_4644 : vector<16xf32>
      %get3A_4646 = arith.constant 7 : i32
      %get3A_4647 = arith.index_cast %get3A_4646 : i32 to index
      %get3A_4648 = arith.constant 496 : index
      %get3A_4649 = tpu.vector_load %arg7[%get3A_4647, %get3A_4648] {strides = array<i32>} : memref<16x512xf32, #tpu.memory_space<vmem>>, vector<16xf32>,
      %add3A_4650 = arith.addf %add3A_4645, %get3A_4649 : vector<16xf32>
      %get3A_4651 = arith.constant 8 : i32
      %get3A_4652 = arith.index_cast %get3A_4651 : i32 to index
      %get3A_4653 = arith.constant 496 : index
      %get3A_4654 = tpu.vector_load %arg7[%get3A_4652, %get3A_4653] {strides = array<i32>} : memref<16x512xf32, #tpu.memory_space<vmem>>, vector<16xf32>,
      %add3A_4655 = arith.addf %add3A_4650, %get3A_4654 : vector<16xf32>
      %get3A_4656 = arith.constant 9 : i32
      %get3A_4657 = arith.index_cast %get3A_4656 : i32 to index
      %get3A_4658 = arith.constant 496 : index
      %get3A_4659 = tpu.vector_load %arg7[%get3A_4657, %get3A_4658] {strides = array<i32>} : memref<16x512xf32, #tpu.memory_space<vmem>>, vector<16xf32>,
      %add3A_4660 = arith.addf %add3A_4655, %get3A_4659 : vector<16xf32>
      %get3A_4661 = arith.constant 10 : i32
      %get3A_4662 = arith.index_cast %get3A_4661 : i32 to index
      %get3A_4663 = arith.constant 496 : index
      %get3A_4664 = tpu.vector_load %arg7[%get3A_4662, %get3A_4663] {strides = array<i32>} : memref<16x512xf32, #tpu.memory_space<vmem>>, vector<16xf32>,
      %add3A_4665 = arith.addf %add3A_4660, %get3A_4664 : vector<16xf32>
      %get3A_4666 = arith.constant 11 : i32
      %get3A_4667 = arith.index_cast %get3A_4666 : i32 to index
      %get3A_4668 = arith.constant 496 : index
      %get3A_4669 = tpu.vector_load %arg7[%get3A_4667, %get3A_4668] {strides = array<i32>} : memref<16x512xf32, #tpu.memory_space<vmem>>, vector<16xf32>,
      %add3A_4670 = arith.addf %add3A_4665, %get3A_4669 : vector<16xf32>
      %get3A_4671 = arith.constant 12 : i32
      %get3A_4672 = arith.index_cast %get3A_4671 : i32 to index
      %get3A_4673 = arith.constant 496 : index
      %get3A_4674 = tpu.vector_load %arg7[%get3A_4672, %get3A_4673] {strides = array<i32>} : memref<16x512xf32, #tpu.memory_space<vmem>>, vector<16xf32>,
      %add3A_4675 = arith.addf %add3A_4670, %get3A_4674 : vector<16xf32>
      %get3A_4676 = arith.constant 13 : i32
      %get3A_4677 = arith.index_cast %get3A_4676 : i32 to index
      %get3A_4678 = arith.constant 496 : index
      %get3A_4679 = tpu.vector_load %arg7[%get3A_4677, %get3A_4678] {strides = array<i32>} : memref<16x512xf32, #tpu.memory_space<vmem>>, vector<16xf32>,
      %add3A_4680 = arith.addf %add3A_4675, %get3A_4679 : vector<16xf32>
      %get3A_4681 = arith.constant 14 : i32
      %get3A_4682 = arith.index_cast %get3A_4681 : i32 to index
      %get3A_4683 = arith.constant 496 : index
      %get3A_4684 = tpu.vector_load %arg7[%get3A_4682, %get3A_4683] {strides = array<i32>} : memref<16x512xf32, #tpu.memory_space<vmem>>, vector<16xf32>,
      %add3A_4685 = arith.addf %add3A_4680, %get3A_4684 : vector<16xf32>
      %get3A_4686 = arith.constant 15 : i32
      %get3A_4687 = arith.index_cast %get3A_4686 : i32 to index
      %get3A_4688 = arith.constant 496 : index
      %get3A_4689 = tpu.vector_load %arg7[%get3A_4687, %get3A_4688] {strides = array<i32>} : memref<16x512xf32, #tpu.memory_space<vmem>>, vector<16xf32>,
      %add3A_4690 = arith.addf %add3A_4685, %get3A_4689 : vector<16xf32>
      %mul3A_4691 = arith.constant 4.34027781E-4 : f32
      %mul3A_4692 = vector.broadcast %mul3A_4691 : f32 to vector<16xf32>
      %mul3A_4693 = arith.mulf %add3A_4690, %mul3A_4692 : vector<16xf32>
      %add3A_4694 = arith.constant 1.000000e-10 : f32
      %add3A_4695 = vector.broadcast %add3A_4694 : f32 to vector<16xf32>
      %add3A_4696 = arith.addf %mul3A_4693, %add3A_4695 : vector<16xf32>
      %bitcast3A_4697 = vector.bitcast %add3A_4696 : vector<16xf32> to vector<16xi32>
      %shift_right_arithmetic3A_4698 = arith.constant 23 : i32
      %shift_right_arithmetic3A_4699 = vector.broadcast %shift_right_arithmetic3A_4698 : i32 to vector<16xi32>
      %shift_right_arithmetic3A_4700 = arith.shrsi %bitcast3A_4697, %shift_right_arithmetic3A_4699 : vector<16xi32>
      %sub3A_4701 = arith.constant 127 : i32
      %sub3A_4702 = vector.broadcast %sub3A_4701 : i32 to vector<16xi32>
      %sub3A_4703 = arith.subi %shift_right_arithmetic3A_4700, %sub3A_4702 : vector<16xi32>
      %and3A_4704 = arith.constant 8388607 : i32
      %and3A_4705 = vector.broadcast %and3A_4704 : i32 to vector<16xi32>
      %and3A_4706 = arith.andi %bitcast3A_4697, %and3A_4705 : vector<16xi32>
      %or3A_4707 = arith.constant 1065353216 : i32
      %or3A_4708 = vector.broadcast %or3A_4707 : i32 to vector<16xi32>
      %or3A_4709 = arith.ori %and3A_4706, %or3A_4708 : vector<16xi32>
      %bitcast3A_4710 = vector.bitcast %or3A_4709 : vector<16xi32> to vector<16xf32>
      %gt3A_4711 = arith.constant 1.41421354 : f32
      %gt3A_4712 = vector.broadcast %gt3A_4711 : f32 to vector<16xf32>
      %gt3A_4713 = arith.cmpf ogt, %bitcast3A_4710, %gt3A_4712 : vector<16xf32>
      %mul3A_4714 = arith.constant 5.000000e-01 : f32
      %mul3A_4715 = vector.broadcast %mul3A_4714 : f32 to vector<16xf32>
      %mul3A_4716 = arith.mulf %bitcast3A_4710, %mul3A_4715 : vector<16xf32>
      %select_n3A_4717 = arith.select %gt3A_4713, %mul3A_4716, %bitcast3A_4710 : vector<16xi1>, vector<16xf32>
      %add3A_4718 = arith.constant 1 : i32
      %add3A_4719 = vector.broadcast %add3A_4718 : i32 to vector<16xi32>
      %add3A_4720 = arith.addi %sub3A_4703, %add3A_4719 : vector<16xi32>
      %select_n3A_4721 = arith.select %gt3A_4713, %add3A_4720, %sub3A_4703 : vector<16xi1>, vector<16xi32>
      %sub3A_4722 = arith.constant 1.000000e+00 : f32
      %sub3A_4723 = vector.broadcast %sub3A_4722 : f32 to vector<16xf32>
      %sub3A_4724 = arith.subf %select_n3A_4717, %sub3A_4723 : vector<16xf32>
      %add3A_4725 = arith.constant 1.000000e+00 : f32
      %add3A_4726 = vector.broadcast %add3A_4725 : f32 to vector<16xf32>
      %add3A_4727 = arith.addf %select_n3A_4717, %add3A_4726 : vector<16xf32>
      %div3A_4728 = arith.divf %sub3A_4724, %add3A_4727 : vector<16xf32>
      %mul3A_4729 = arith.mulf %div3A_4728, %div3A_4728 : vector<16xf32>
      %mul3A_4730 = arith.constant 0.111111112 : f32
      %mul3A_4731 = vector.broadcast %mul3A_4730 : f32 to vector<16xf32>
      %mul3A_4732 = arith.mulf %mul3A_4731, %mul3A_4729 : vector<16xf32>
      %add3A_4733 = arith.constant 0.142857149 : f32
      %add3A_4734 = vector.broadcast %add3A_4733 : f32 to vector<16xf32>
      %add3A_4735 = arith.addf %mul3A_4732, %add3A_4734 : vector<16xf32>
      %mul3A_4736 = arith.mulf %add3A_4735, %mul3A_4729 : vector<16xf32>
      %add3A_4737 = arith.constant 2.000000e-01 : f32
      %add3A_4738 = vector.broadcast %add3A_4737 : f32 to vector<16xf32>
      %add3A_4739 = arith.addf %mul3A_4736, %add3A_4738 : vector<16xf32>
      %mul3A_4740 = arith.mulf %add3A_4739, %mul3A_4729 : vector<16xf32>
      %add3A_4741 = arith.constant 0.333333343 : f32
      %add3A_4742 = vector.broadcast %add3A_4741 : f32 to vector<16xf32>
      %add3A_4743 = arith.addf %mul3A_4740, %add3A_4742 : vector<16xf32>
      %mul3A_4744 = arith.mulf %add3A_4743, %mul3A_4729 : vector<16xf32>
      %add3A_4745 = arith.constant 1.000000e+00 : f32
      %add3A_4746 = vector.broadcast %add3A_4745 : f32 to vector<16xf32>
      %add3A_4747 = arith.addf %mul3A_4744, %add3A_4746 : vector<16xf32>
      %convert_element_type3A_4748 = arith.sitofp %select_n3A_4721 : vector<16xi32> to vector<16xf32>
      %mul3A_4749 = arith.constant 0.693147182 : f32
      %mul3A_4750 = vector.broadcast %mul3A_4749 : f32 to vector<16xf32>
      %mul3A_4751 = arith.mulf %convert_element_type3A_4748, %mul3A_4750 : vector<16xf32>
      %mul3A_4752 = arith.constant 2.000000e+00 : f32
      %mul3A_4753 = vector.broadcast %mul3A_4752 : f32 to vector<16xf32>
      %mul3A_4754 = arith.mulf %mul3A_4753, %div3A_4728 : vector<16xf32>
      %mul3A_4755 = arith.mulf %mul3A_4754, %add3A_4747 : vector<16xf32>
      %add3A_4756 = arith.addf %mul3A_4751, %mul3A_4755 : vector<16xf32>
      %mul3A_4757 = arith.mulf %mul3A_4693, %add3A_4756 : vector<16xf32>
      %add3A_4758 = arith.addf %add3A_4611, %mul3A_4757 : vector<16xf32>
      %reduce_sum3A = arith.constant true
      %reduce_sum3A_4759 = vector.broadcast %reduce_sum3A : i1 to vector<16xi1>
      %reduce_sum3A_4760 = tpu.scan <sum>, %add3A_4758 masked %reduce_sum3A_4759 : vector<16xf32>, vector<16xi1> -> vector<16xf32>
      %reduce_sum3A_4761 = vector.extract %reduce_sum3A_4760[15] : f32 from vector<16xf32>
      %neg3A = arith.constant 0.000000e+00 : f32
      %neg3A_4762 = arith.subf %neg3A, %reduce_sum3A_4761 : f32
      %broadcast_in_dim3A_4763 = vector.broadcast %neg3A_4762 : f32 to vector<16xf32>
      %exp3A = math.exp %broadcast_in_dim3A_4763 : vector<16xf32>
      %swap3A = arith.constant 0 : index
      %swap3A_4764 = tpu.vector_load %arg6[%swap3A] {strides = array<i32>} : memref<8192xf32, #tpu.memory_space<vmem>>, vector<16xf32>,
      tpu.vector_store %arg6[%swap3A], %exp3A {strides = array<i32>} : memref<8192xf32, #tpu.memory_space<vmem>>, vector<16xf32>,
      "tpu.region"() ({
        %run_scoped3A = tpu.sem_alloc : memref<!tpu.dma_semaphore, #tpu.memory_space<semaphore_mem>>
        %dma_start3A = arith.constant 0 : i32
        %dma_start3A_4765 = tpu.memref_slice %arg6[%dma_start3A] : memref<8192xf32, #tpu.memory_space<vmem>> -> memref<16xf32, #tpu.memory_space<vmem>>
        %dma_start3A_4766 = arith.constant 0 : i32
        %dma_start3A_4767 = tpu.memref_slice %arg6[%dma_start3A_4766] : memref<8192xf32, #tpu.memory_space<vmem>> -> memref<16xf32, #tpu.memory_space<vmem>>
        tpu.enqueue_dma source(%dma_start3A_4767 : memref<16xf32, #tpu.memory_space<vmem>>) target(%arg4 : memref<16xf32, #tpu.memory_space<hbm>>) target_semaphore(%run_scoped3A : memref<!tpu.dma_semaphore, #tpu.memory_space<semaphore_mem>>)
        %dma_wait3A = arith.constant 0 : i32
        %dma_wait3A_4768 = tpu.memref_slice %arg6[%dma_wait3A] : memref<8192xf32, #tpu.memory_space<vmem>> -> memref<16xf32, #tpu.memory_space<vmem>>
        %dma_wait3A_4769 = arith.constant 0 : i32
        %dma_wait3A_4770 = tpu.memref_slice %arg6[%dma_wait3A_4769] : memref<8192xf32, #tpu.memory_space<vmem>> -> memref<16xf32, #tpu.memory_space<vmem>>
        tpu.wait_dma2 semaphore(%run_scoped3A : memref<!tpu.dma_semaphore, #tpu.memory_space<semaphore_mem>>) src(%dma_wait3A_4770 : memref<16xf32, #tpu.memory_space<vmem>>) dst(%arg4 : memref<16xf32, #tpu.memory_space<hbm>>)
        tpu.yield
      }) : () -> ()
    } else {
    }
    return
  }
}

module attributes {stable_mosaic.version = 14 : i64} {
  func.func @_vq_body(%arg0: memref<4x64x576xf32, #tpu.memory_space<vmem>>, %arg1: memref<512x64xf32, #tpu.memory_space<vmem>>, %arg2: memref<4x64x576xf32, #tpu.memory_space<vmem>>, %arg3: memref<1x1x2304xi32, #tpu.memory_space<vmem>>, %arg4: memref<1x1xf32, #tpu.memory_space<smem>>) attributes {dimension_semantics = [], scalar_prefetch = 0 : i64, scratch_operands = 0 : i64, tpu.core_type = #tpu.core_type<tc>} {
    %get3A = arith.constant 0 : index
    %get3A_0 = arith.constant 0 : index
    %get3A_1 = vector.load %arg1[%get3A, %get3A_0] : memref<512x64xf32, #tpu.memory_space<vmem>>, vector<512x64xf32>
    %mul3A = arith.mulf %get3A_1, %get3A_1 : vector<512x64xf32>
    %reduce_sum3A = arith.constant dense<0.000000e+00> : vector<512xf32>
    %reduce_sum3A_2 = vector.multi_reduction <add>, %mul3A, %reduce_sum3A [1] : vector<512x64xf32> to vector<512xf32>
    %broadcast_in_dim3A = vector.shape_cast %reduce_sum3A_2 : vector<512xf32> to vector<512x1xf32>
    %get3A_3 = arith.constant 0 : index
    %get3A_4 = arith.constant 0 : index
    %get3A_5 = arith.constant 0 : index
    %get3A_6 = vector.load %arg0[%get3A_3, %get3A_4, %get3A_5] : memref<4x64x576xf32, #tpu.memory_space<vmem>>, vector<1x64x576xf32>
    %get3A_7 = vector.shape_cast %get3A_6 : vector<1x64x576xf32> to vector<64x576xf32>
    %get3A_8 = arith.constant 1 : index
    %get3A_9 = arith.constant 0 : index
    %get3A_10 = arith.constant 0 : index
    %get3A_11 = vector.load %arg0[%get3A_8, %get3A_9, %get3A_10] : memref<4x64x576xf32, #tpu.memory_space<vmem>>, vector<1x64x576xf32>
    %get3A_12 = vector.shape_cast %get3A_11 : vector<1x64x576xf32> to vector<64x576xf32>
    %get3A_13 = arith.constant 2 : index
    %get3A_14 = arith.constant 0 : index
    %get3A_15 = arith.constant 0 : index
    %get3A_16 = vector.load %arg0[%get3A_13, %get3A_14, %get3A_15] : memref<4x64x576xf32, #tpu.memory_space<vmem>>, vector<1x64x576xf32>
    %get3A_17 = vector.shape_cast %get3A_16 : vector<1x64x576xf32> to vector<64x576xf32>
    %get3A_18 = arith.constant 3 : index
    %get3A_19 = arith.constant 0 : index
    %get3A_20 = arith.constant 0 : index
    %get3A_21 = vector.load %arg0[%get3A_18, %get3A_19, %get3A_20] : memref<4x64x576xf32, #tpu.memory_space<vmem>>, vector<1x64x576xf32>
    %get3A_22 = vector.shape_cast %get3A_21 : vector<1x64x576xf32> to vector<64x576xf32>
    %concatenate3A = tpu.concatenate %get3A_7, %get3A_12, %get3A_17, %get3A_22 in 1 : vector<64x576xf32>, vector<64x576xf32>, vector<64x576xf32>, vector<64x576xf32> -> vector<64x2304xf32>
    %dot_general3A = arith.constant dense<0.000000e+00> : vector<512x2304xf32>
    %dot_general3A_23 = tpu.matmul %get3A_1, %concatenate3A, %dot_general3A {dimension_numbers = #tpu.dot_dimension_numbers<[1], [0], [0], [1], [0, 0, 1, 1], [], []>, precision = #tpu.contract_precision<fp32>, transpose_lhs_hint = false} : vector<512x64xf32>, vector<64x2304xf32>, vector<512x2304xf32> -> vector<512x2304xf32>
    %mul3A_24 = arith.constant 5.000000e-01 : f32
    %mul3A_25 = vector.broadcast %mul3A_24 : f32 to vector<512x1xf32>
    %mul3A_26 = arith.mulf %mul3A_25, %broadcast_in_dim3A : vector<512x1xf32>
    %sub3A = vector.broadcast %mul3A_26 : vector<512x1xf32> to vector<512x2304xf32>
    %sub3A_27 = arith.subf %sub3A, %dot_general3A_23 : vector<512x2304xf32>
    %iota3A = tpu.iota {dimensions = array<i32: 0>} : vector<512x2304xi32>
    %reduce_min3A = arith.constant dense<0x7F800000> : vector<2304xf32>
    %reduce_min3A_28 = vector.multi_reduction <minimumf>, %sub3A_27, %reduce_min3A [0] : vector<512x2304xf32> to vector<2304xf32>
    %broadcast_in_dim3A_29 = vector.shape_cast %reduce_min3A_28 : vector<2304xf32> to vector<1x2304xf32>
    %eq3A = vector.broadcast %broadcast_in_dim3A_29 : vector<1x2304xf32> to vector<512x2304xf32>
    %eq3A_30 = arith.cmpf oeq, %sub3A_27, %eq3A : vector<512x2304xf32>
    %jit3A = arith.constant 512 : i32
    %broadcast_in_dim3A_31 = vector.broadcast %jit3A : i32 to vector<512x2304xi32>
    %select_n3A = arith.select %eq3A_30, %iota3A, %broadcast_in_dim3A_31 : vector<512x2304xi1>, vector<512x2304xi32>
    %reduce_min3A_32 = arith.constant dense<2147483647> : vector<2304xi32>
    %reduce_min3A_33 = vector.multi_reduction <minsi>, %select_n3A, %reduce_min3A_32 [0] : vector<512x2304xi32> to vector<2304xi32>
    %broadcast_in_dim3A_34 = vector.shape_cast %reduce_min3A_33 : vector<2304xi32> to vector<1x2304xi32>
    %eq3A_35 = vector.broadcast %broadcast_in_dim3A_34 : vector<1x2304xi32> to vector<512x2304xi32>
    %eq3A_36 = arith.cmpi eq, %iota3A, %eq3A_35 : vector<512x2304xi32>
    %jit3A_37 = arith.constant 0x7F800000 : f32
    %broadcast_in_dim3A_38 = vector.broadcast %jit3A_37 : f32 to vector<512x2304xf32>
    %select_n3A_39 = arith.select %eq3A_36, %broadcast_in_dim3A_38, %sub3A_27 : vector<512x2304xi1>, vector<512x2304xf32>
    %reduce_min3A_40 = arith.constant dense<0x7F800000> : vector<2304xf32>
    %reduce_min3A_41 = vector.multi_reduction <minimumf>, %select_n3A_39, %reduce_min3A_40 [0] : vector<512x2304xf32> to vector<2304xf32>
    %broadcast_in_dim3A_42 = vector.shape_cast %reduce_min3A_41 : vector<2304xf32> to vector<1x2304xf32>
    %eq3A_43 = vector.broadcast %broadcast_in_dim3A_42 : vector<1x2304xf32> to vector<512x2304xf32>
    %eq3A_44 = arith.cmpf oeq, %select_n3A_39, %eq3A_43 : vector<512x2304xf32>
    %jit3A_45 = arith.constant 512 : i32
    %broadcast_in_dim3A_46 = vector.broadcast %jit3A_45 : i32 to vector<512x2304xi32>
    %select_n3A_47 = arith.select %eq3A_44, %iota3A, %broadcast_in_dim3A_46 : vector<512x2304xi1>, vector<512x2304xi32>
    %reduce_min3A_48 = arith.constant dense<2147483647> : vector<2304xi32>
    %reduce_min3A_49 = vector.multi_reduction <minsi>, %select_n3A_47, %reduce_min3A_48 [0] : vector<512x2304xi32> to vector<2304xi32>
    %broadcast_in_dim3A_50 = vector.shape_cast %reduce_min3A_49 : vector<2304xi32> to vector<1x2304xi32>
    %convert_element_type3A = arith.extui %eq3A_36 : vector<512x2304xi1> to vector<512x2304xi32>
    %convert_element_type3A_51 = arith.sitofp %convert_element_type3A : vector<512x2304xi32> to vector<512x2304xf32>
    %eq3A_52 = vector.broadcast %broadcast_in_dim3A_50 : vector<1x2304xi32> to vector<512x2304xi32>
    %eq3A_53 = arith.cmpi eq, %iota3A, %eq3A_52 : vector<512x2304xi32>
    %convert_element_type3A_54 = arith.extui %eq3A_53 : vector<512x2304xi1> to vector<512x2304xi32>
    %convert_element_type3A_55 = arith.sitofp %convert_element_type3A_54 : vector<512x2304xi32> to vector<512x2304xf32>
    %dot_general3A_56 = arith.constant dense<0.000000e+00> : vector<64x2304xf32>
    %dot_general3A_57 = tpu.matmul %get3A_1, %convert_element_type3A_51, %dot_general3A_56 {dimension_numbers = #tpu.dot_dimension_numbers<[0], [0], [1], [1], [0, 1, 1, 1], [], []>, precision = #tpu.contract_precision<fp32>, transpose_lhs_hint = false} : vector<512x64xf32>, vector<512x2304xf32>, vector<64x2304xf32> -> vector<64x2304xf32>
    %dot_general3A_58 = arith.constant dense<0.000000e+00> : vector<64x2304xf32>
    %dot_general3A_59 = tpu.matmul %get3A_1, %convert_element_type3A_55, %dot_general3A_58 {dimension_numbers = #tpu.dot_dimension_numbers<[0], [0], [1], [1], [0, 1, 1, 1], [], []>, precision = #tpu.contract_precision<fp32>, transpose_lhs_hint = false} : vector<512x64xf32>, vector<512x2304xf32>, vector<64x2304xf32> -> vector<64x2304xf32>
    %sub3A_60 = arith.subf %concatenate3A, %dot_general3A_57 : vector<64x2304xf32>
    %integer_pow3A = arith.mulf %sub3A_60, %sub3A_60 : vector<64x2304xf32>
    %reduce_sum3A_61 = arith.constant dense<0.000000e+00> : vector<2304xf32>
    %reduce_sum3A_62 = vector.multi_reduction <add>, %integer_pow3A, %reduce_sum3A_61 [0] : vector<64x2304xf32> to vector<2304xf32>
    %broadcast_in_dim3A_63 = vector.shape_cast %reduce_sum3A_62 : vector<2304xf32> to vector<1x2304xf32>
    %sub3A_64 = arith.subf %concatenate3A, %dot_general3A_59 : vector<64x2304xf32>
    %integer_pow3A_65 = arith.mulf %sub3A_64, %sub3A_64 : vector<64x2304xf32>
    %reduce_sum3A_66 = arith.constant dense<0.000000e+00> : vector<2304xf32>
    %reduce_sum3A_67 = vector.multi_reduction <add>, %integer_pow3A_65, %reduce_sum3A_66 [0] : vector<64x2304xf32> to vector<2304xf32>
    %broadcast_in_dim3A_68 = vector.shape_cast %reduce_sum3A_67 : vector<2304xf32> to vector<1x2304xf32>
    %lt3A = arith.cmpf olt, %broadcast_in_dim3A_63, %broadcast_in_dim3A_68 : vector<1x2304xf32>
    %eq3A_69 = arith.cmpf oeq, %broadcast_in_dim3A_63, %broadcast_in_dim3A_68 : vector<1x2304xf32>
    %lt3A_70 = arith.cmpi slt, %broadcast_in_dim3A_34, %broadcast_in_dim3A_50 : vector<1x2304xi32>
    %and3A = arith.andi %eq3A_69, %lt3A_70 : vector<1x2304xi1>
    %or3A = arith.ori %lt3A, %and3A : vector<1x2304xi1>
    %select_n3A_71 = arith.select %or3A, %broadcast_in_dim3A_34, %broadcast_in_dim3A_50 : vector<1x2304xi1>, vector<1x2304xi32>
    %broadcast_in_dim3A_72 = vector.shape_cast %or3A : vector<1x2304xi1> to vector<1x2304xi1>
    %broadcast_in_dim3A_73 = vector.broadcast %broadcast_in_dim3A_72 : vector<1x2304xi1> to vector<64x2304xi1>
    %select_n3A_74 = arith.select %broadcast_in_dim3A_73, %dot_general3A_57, %dot_general3A_59 : vector<64x2304xi1>, vector<64x2304xf32>
    %swap3A = arith.constant 0 : index
    %swap3A_75 = arith.constant 0 : index
    %swap3A_76 = arith.constant 0 : index
    %swap3A_77 = vector.load %arg3[%swap3A, %swap3A_75, %swap3A_76] : memref<1x1x2304xi32, #tpu.memory_space<vmem>>, vector<1x1x2304xi32>
    %swap3A_78 = vector.shape_cast %swap3A_77 : vector<1x1x2304xi32> to vector<1x2304xi32>
    %swap3A_79 = vector.shape_cast %select_n3A_71 : vector<1x2304xi32> to vector<1x1x2304xi32>
    tpu.vector_store %arg3[%swap3A, %swap3A_75, %swap3A_76], %swap3A_79 {strides = array<i32>} : memref<1x1x2304xi32, #tpu.memory_space<vmem>>, vector<1x1x2304xi32>,
    %slice3A = vector.extract_strided_slice %select_n3A_74 {offsets = [0, 0], sizes = [64, 576], strides = [1, 1]} : vector<64x2304xf32> to vector<64x576xf32>
    %swap3A_80 = arith.constant 0 : index
    %swap3A_81 = arith.constant 0 : index
    %swap3A_82 = arith.constant 0 : index
    %swap3A_83 = vector.load %arg2[%swap3A_80, %swap3A_81, %swap3A_82] : memref<4x64x576xf32, #tpu.memory_space<vmem>>, vector<1x64x576xf32>
    %swap3A_84 = vector.shape_cast %swap3A_83 : vector<1x64x576xf32> to vector<64x576xf32>
    %swap3A_85 = vector.shape_cast %slice3A : vector<64x576xf32> to vector<1x64x576xf32>
    tpu.vector_store %arg2[%swap3A_80, %swap3A_81, %swap3A_82], %swap3A_85 {strides = array<i32>} : memref<4x64x576xf32, #tpu.memory_space<vmem>>, vector<1x64x576xf32>,
    %slice3A_86 = vector.extract_strided_slice %select_n3A_74 {offsets = [0, 576], sizes = [64, 576], strides = [1, 1]} : vector<64x2304xf32> to vector<64x576xf32>
    %swap3A_87 = arith.constant 1 : index
    %swap3A_88 = arith.constant 0 : index
    %swap3A_89 = arith.constant 0 : index
    %swap3A_90 = vector.load %arg2[%swap3A_87, %swap3A_88, %swap3A_89] : memref<4x64x576xf32, #tpu.memory_space<vmem>>, vector<1x64x576xf32>
    %swap3A_91 = vector.shape_cast %swap3A_90 : vector<1x64x576xf32> to vector<64x576xf32>
    %swap3A_92 = vector.shape_cast %slice3A_86 : vector<64x576xf32> to vector<1x64x576xf32>
    tpu.vector_store %arg2[%swap3A_87, %swap3A_88, %swap3A_89], %swap3A_92 {strides = array<i32>} : memref<4x64x576xf32, #tpu.memory_space<vmem>>, vector<1x64x576xf32>,
    %slice3A_93 = vector.extract_strided_slice %select_n3A_74 {offsets = [0, 1152], sizes = [64, 576], strides = [1, 1]} : vector<64x2304xf32> to vector<64x576xf32>
    %swap3A_94 = arith.constant 2 : index
    %swap3A_95 = arith.constant 0 : index
    %swap3A_96 = arith.constant 0 : index
    %swap3A_97 = vector.load %arg2[%swap3A_94, %swap3A_95, %swap3A_96] : memref<4x64x576xf32, #tpu.memory_space<vmem>>, vector<1x64x576xf32>
    %swap3A_98 = vector.shape_cast %swap3A_97 : vector<1x64x576xf32> to vector<64x576xf32>
    %swap3A_99 = vector.shape_cast %slice3A_93 : vector<64x576xf32> to vector<1x64x576xf32>
    tpu.vector_store %arg2[%swap3A_94, %swap3A_95, %swap3A_96], %swap3A_99 {strides = array<i32>} : memref<4x64x576xf32, #tpu.memory_space<vmem>>, vector<1x64x576xf32>,
    %slice3A_100 = vector.extract_strided_slice %select_n3A_74 {offsets = [0, 1728], sizes = [64, 576], strides = [1, 1]} : vector<64x2304xf32> to vector<64x576xf32>
    %swap3A_101 = arith.constant 3 : index
    %swap3A_102 = arith.constant 0 : index
    %swap3A_103 = arith.constant 0 : index
    %swap3A_104 = vector.load %arg2[%swap3A_101, %swap3A_102, %swap3A_103] : memref<4x64x576xf32, #tpu.memory_space<vmem>>, vector<1x64x576xf32>
    %swap3A_105 = vector.shape_cast %swap3A_104 : vector<1x64x576xf32> to vector<64x576xf32>
    %swap3A_106 = vector.shape_cast %slice3A_100 : vector<64x576xf32> to vector<1x64x576xf32>
    tpu.vector_store %arg2[%swap3A_101, %swap3A_102, %swap3A_103], %swap3A_106 {strides = array<i32>} : memref<4x64x576xf32, #tpu.memory_space<vmem>>, vector<1x64x576xf32>,
    %select_n3A_107 = arith.select %or3A, %broadcast_in_dim3A_63, %broadcast_in_dim3A_68 : vector<1x2304xi1>, vector<1x2304xf32>
    %reduce_sum3A_108 = vector.shape_cast %select_n3A_107 : vector<1x2304xf32> to vector<1x1x2304xf32>
    %reduce_sum3A_109 = arith.constant dense<0.000000e+00> : vector<1xf32>
    %reduce_sum3A_110 = vector.multi_reduction <add>, %reduce_sum3A_108, %reduce_sum3A_109 [1, 2] : vector<1x1x2304xf32> to vector<1xf32>
    %reduce_sum3A_111 = vector.shape_cast %reduce_sum3A_110 : vector<1xf32> to vector<1x1x1xf32>
    %reduce_sum3A_112 = vector.extract %reduce_sum3A_111[0, 0, 0] : f32 from vector<1x1x1xf32>
    %mul3A_113 = arith.constant 8.47710543E-6 : f32
    %mul3A_114 = arith.mulf %mul3A_113, %reduce_sum3A_112 : f32
    %swap3A_115 = arith.constant 0 : index
    %swap3A_116 = arith.constant 0 : index
    %swap3A_117 = memref.load %arg4[%swap3A_115, %swap3A_116] : memref<1x1xf32, #tpu.memory_space<smem>>
    memref.store %mul3A_114, %arg4[%swap3A_115, %swap3A_116] : memref<1x1xf32, #tpu.memory_space<smem>>
    return
  }
}

</mosaic_0001>

<sc_bundles>
// kernel: kernel.4.cloned.1.call-start
scs
__scs_entry_jumppad:
0x0: {  	(pc) =	sbr.rel $0x88, $3  }
0x1: {  	(tag) =	ssettag $0x0;
	lr =	simm.s32 $0x1  }
0x2: {  	[smem:$0x3F9F] =	sst lr;
	_ =	strace $0xD0000000  }
0x3: {  	_ = 	snop  }
0x4: {  	_ = 	snop  }
0x5: {  	_ = 	snop  }
0x6: {  	_ = 	snop  }
0x7: {  	_ = 	snop  }
__scs_overlays_trampoline_lowered:
0x8: {  	[smem:$0x3FAE] =	sst s0  }
0x9: {  	[smem:$0x3FAF] =	sst s1  }
0xa: {  	[smem:$0x3FB0] =	sst s2  }
0xb: {  	[smem:$0x3FB1] =	sst s3  }
0xc: {  	[smem:$0x3FB2] =	sst s4  }
0xd: {  	[smem:$0x3FB3] =	sst s5  }
0xe: {  	[smem:$0x3FB4] =	sst s6  }
0xf: {  	[smem:$0x3FB5] =	sst s7  }
0x10: {  	[smem:$0x3FB6] =	sst s8  }
0x11: {  	[smem:$0x3FB7] =	sst s9;
	s0 =	simm.s32 @!p0 $0x0  }
0x12: {  	s1 =	sld [smem:$0x3F9D];
	s0 =	simm.s32 @p0 $0x1  }
0x13: {  	[smem:$0x3FB8] =	sst s0;
	s0 =	simm.s32 @!p1 $0x0  }
0x14: {  	s2 =	sld [smem:$0x3F9C];
	s0 =	simm.s32 @p1 $0x1  }
0x15: {  	[smem:$0x3FB9] =	sst s0;
	s0 =	simm.s32 @!p2 $0x0  }
0x16: {  	s3 =	sld [smem:$0x3FDB];
	s0 =	simm.s32 @p2 $0x1  }
0x17: {  	s4 =	simm.s32 $0x1BF5;
	[smem:$0x3FBB] =	sst s0  }
0x18: {  	s0 =	sld [smem:$0x3F9E];
	_ =	swait.ge [sflag:s4], $0x0  }
0x19: {  	s7 =	sld [smem:$0x3F9F]  }
0x1a: {  	s8 =	sadd.s32 $0xFFFFE003, lr  }
0x1b: {  	s9 =	sadd.s32 $0xFFFFFEF7, lr;
	s5 =	simm.s32 $0xFFFFFFFF;
	p2 =	slt.u32 s8, $0xFFFFF086  }
0x1c: {  	p1 =	slt.u32 s9, $0xF7A;
	s5 =	simm.s32 @!p2 $0x0  }
0x1d: {  	s5 =	simm.s32 @p1 $0x1;
	p0 =	seq.s32 s7, s2  }
0x1e: {  	s7 =	smul.u32 @!p0 $0xF7A, s2;
	p2 =	seq.s32 @!p0 s5, $0x0  }
0x1f: {  	s9 =	smul.u32 $0xF7A, s1;
	s8 =	simm.s32 @!p0 $0x1BF5;
	p2 =	por !p2, p0  }
0x20: {  	[sflag:s8] =	ssyncset.s32 @!p0 $0xFFFFF086;
	s6 =	sadd.s32 @!p0 s3, s7;
	s7 =	simm.s32 @!p0 $0x108  }
0x21: {  	s3 =	sadd.s32 s3, s9;
	s6 =	sadd.s32 @!p0 $0x88, s6;
	s7 =	simm.s32 @p2 $0x1082  }
0x22: {  	[simem:s7], [sflag:s8] =	dma.local @!p0 [hbm:s6], $0xF7A  }
0x23: {  	s9 =	sor.u32 $0xD0000000, s2;
	s6 =	simm.s32 $0x108;
	_ =	swait.ge @!p0 [sflag:s8], $0x0  }
0x24: {  	s3 =	sadd.s32 $0x88, s3;
	s6 =	simm.s32 @!p1 $0x1082;
	[sflag:s4] =	ssyncset.s32 $0xFFFFF086  }
0x25: {  	[simem:s6], [sflag:s4] =	dma.local [hbm:s3], $0xF7A  }
0x26: {  	[smem:$0x3F9F] =	sst s1;
	(tag) =	ssettag s2;
	_ =	strace s9  }
0x27: {  	s1 =	sld [smem:$0x3FAF]  }
0x28: {  	s2 =	sld [smem:$0x3FB0]  }
0x29: {  	s4 =	sld [smem:$0x3FB2]  }
0x2a: {  	p0 =	seq.s32 s5, $0x0;
	s5 =	sld [smem:$0x3FB3]  }
0x2b: {  	s6 =	sld [smem:$0x3FB4]  }
0x2c: {  	s7 =	sld [smem:$0x3FB5]  }
0x2d: {  	s3 =	simm.s32 $0x108;
	s8 =	sld [smem:$0x3FB6]  }
0x2e: {  	s3 =	simm.s32 @!p0 $0x1082;
	s9 =	sld [smem:$0x3FB7]  }
0x2f: {  	lr =	sadd.s32 s0, s3;
	s0 =	sld [smem:$0x3FAE]  }
0x30: {  	s3 =	sld [smem:$0x3FB1]  }
0x31: {  	[smem:$0x3FBA] =	sst s10  }
0x32: {  	s10 =	sld [smem:$0x3FB8];
	_ =	sdelay $0x3  }
0x33: {  	p0 =	seq.s32 s10, $0x1;
	s10 =	sld [smem:$0x3FBA];
	_ =	sdelay $0x3  }
0x34: {  	[smem:$0x3FBA] =	sst s10  }
0x35: {  	s10 =	sld [smem:$0x3FB9];
	_ =	sdelay $0x3  }
0x36: {  	p1 =	seq.s32 s10, $0x1;
	s10 =	sld [smem:$0x3FBA];
	_ =	sdelay $0x3  }
0x37: {  	[smem:$0x3FBA] =	sst s10  }
0x38: {  	s10 =	sld [smem:$0x3FBB]  }
0x39: {  	_ = 	snop;
	(pc) =	sbr.ind lr, $3  }
0x3a: {  	_ = 	snop  }
0x3b: {  	_ = 	snop  }
0x3c: {  	p2 =	seq.s32 s10, $0x1;
	s10 =	sld [smem:$0x3FBA]  }
0x3d: {  	_ =	shalt  }
0x3e: {  	_ =	shalt  }
0x3f: {  	_ =	shalt  }
0x40: {  	_ =	shalt  }
0x41: {  	_ =	shalt  }
0x42: {  	_ =	shalt  }
0x43: {  	_ =	shalt  }
0x44: {  	_ =	shalt  }
0x45: {  	_ =	shalt  }
0x46: {  	_ =	shalt  }
0x47: {  	_ =	shalt  }
0x48: {  	_ =	shalt  }
0x49: {  	_ =	shalt  }
0x4a: {  	_ =	shalt  }
0x4b: {  	_ =	shalt  }
0x4c: {  	_ =	shalt  }
0x4d: {  	_ =	shalt  }
0x4e: {  	_ =	shalt  }
0x4f: {  	_ =	shalt  }
0x50: {  	_ =	shalt  }
0x51: {  	_ =	shalt  }
0x52: {  	_ =	shalt  }
0x53: {  	_ =	shalt  }
0x54: {  	_ =	shalt  }
0x55: {  	_ =	shalt  }
0x56: {  	_ =	shalt  }
0x57: {  	_ =	shalt  }
0x58: {  	_ =	shalt  }
0x59: {  	_ =	shalt  }
0x5a: {  	_ =	shalt  }
0x5b: {  	_ =	shalt  }
0x5c: {  	_ =	shalt  }
0x5d: {  	_ =	shalt  }
0x5e: {  	_ =	shalt  }
0x5f: {  	_ =	shalt  }
0x60: {  	_ =	shalt  }
0x61: {  	_ =	shalt  }
0x62: {  	_ =	shalt  }
0x63: {  	_ =	shalt  }
0x64: {  	_ =	shalt  }
0x65: {  	_ =	shalt  }
0x66: {  	_ =	shalt  }
0x67: {  	_ =	shalt  }
0x68: {  	_ =	shalt  }
0x69: {  	_ =	shalt  }
0x6a: {  	_ =	shalt  }
0x6b: {  	_ =	shalt  }
0x6c: {  	_ =	shalt  }
0x6d: {  	_ =	shalt  }
0x6e: {  	_ =	shalt  }
0x6f: {  	_ =	shalt  }
0x70: {  	_ =	shalt  }
0x71: {  	_ =	shalt  }
0x72: {  	_ =	shalt  }
0x73: {  	_ =	shalt  }
0x74: {  	_ =	shalt  }
0x75: {  	_ =	shalt  }
0x76: {  	_ =	shalt  }
0x77: {  	_ =	shalt  }
0x78: {  	_ =	shalt  }
0x79: {  	_ =	shalt  }
0x7a: {  	_ =	shalt  }
0x7b: {  	_ =	shalt  }
0x7c: {  	_ =	shalt  }
0x7d: {  	_ =	shalt  }
0x7e: {  	_ =	shalt  }
0x7f: {  	_ =	shalt  }
0x80: {  	_ =	shalt  }
0x81: {  	_ =	shalt  }
0x82: {  	_ =	shalt  }
0x83: {  	_ =	shalt  }
0x84: {  	_ =	shalt  }
0x85: {  	_ =	shalt  }
0x86: {  	_ =	shalt  }
0x87: {  	_ =	shalt  }
.Lfunc_end0:
.L_simem_size_0:
called_computation_lowered:
.L_overlay_start_0:
0x88: {  	s0 =	sld [smem:$0x3FD9]  }
0x89: {  	s1 =	sld [smem:$0x3FFE];
	_ =	sdelay $0x3  }
0x8a: {  	s0 =	sadd.s32 s1, s0  }
0x8b: {  	[smem:$0x3FC6] =	sst s0  }
0x8c: {  	_ = 	snop  }
0x8d: {  	s0 =	sld [smem:$0x3FD0];
	_ =	sdelay $0x2  }
0x8e: {  	s13 =	simm.s32 $0xA;
	s2 =	simm.s32 $0x10  }
0x8f: {  	[smem:s2], [sflag:s13] =	dma.local [hbm:s0], $0x1  }
0x90: {  	_ =	swait.eq [sflag:s13], $0x1  }
0x91: {  	[sflag:s13] =	ssyncset.done $0x0  }
0x92: {  	[sflag:s13] =	ssyncadd.s32 $0xFFFFFFFF  }
0x93: {  	s14 =	sld [smem:$0x12];
	(tm) =	ssettm $0x1  }
0x94: {  	s15 =	sld [smem:$0x3FFB];
	_ =	sdelay $0x3  }
0x95: {  	_ =	strace s15  }
0x96: {  	s1 =	sld [smem:$0x3FFC];
	_ =	sdelay $0x3  }
0x97: {  	_ =	strace s1  }
0x98: {  	s1 =	sld [smem:$0x3FFD];
	_ =	sdelay $0x3  }
0x99: {  	_ =	strace s1  }
0x9a: {  	_ =	strace $0x8FFFFFFF  }
0x9b: {  	s16 =	sld [smem:$0x3FDB];
	_ =	sdelay $0x1  }
0x9c: {  	s17 =	simm.s32 $_scs_section_size  }
0x9d: {  	s3 =	simm.s32 $_size__tile_overlayer_lowered;
	s4 =	simm.s32 $_tile_overlayer_lowered  }
0x9e: {  	s20 =	simm.s32 $0x1BFF;
	s19 =	sshll.u32 s4, $0x1;
	s1 =	sadd.s32 s17, s16  }
0x9f: {  	s5 =	simm.s32 $0x0;
	s18 =	sshll.u32 s3, $0x1;
	s3 =	sadd.s32 s19, s1  }
0xa0: {  	[timem:s5], [sflag:s20] =	dma.local [hbm:s3], s18  }
0xa1: {  	_ =	swait.ge [sflag:s20], s18  }
0xa2: {  	s2 =	ssub.s32 $0x0, s18;
	[sflag:s20] =	ssyncset.done $0x0  }
0xa3: {  	[sflag:s20] =	ssyncadd.s32 s2;
	_ =	sdelay $0x1  }
0xa4: {  	s21 =	simm.s32 $0x1B8B  }
0xa5: {  	_ =	swait.ge [sflag:s21], $0x1  }
0xa6: {  	[sflag:s21] =	ssyncset.done $0x0  }
0xa7: {  	s23 =	simm.s32 $0x1B8E;
	s22 =	sld [smem:$0x3FFE];
	[sflag:s21] =	ssyncadd.s32 $0xFFFFFFFF  }
0xa8: {  	s24 =	simm.s32 $execute0_lowered;
	[smem:$0x3FD2] =	sst s23  }
0xa9: {  	s3 =	sshll.u32 s24, $0x1;
	_ =	strace $0x80000046;
	[dreg:$0x1] =	wrdreg $0xFFFFFFFF  }
0xaa: {  	s25 =	simm.s32 $_size_execute0_lowered;
	s1 =	sadd.s32 s1, s3;
	[dreg:$0x0] =	wrdreg $0x0  }
0xab: {  	s3 =	sshll.u32 s25, $0x1;
	[dreg:$0x2] =	wrdreg s1  }
0xac: {  	[dreg:$0x3] =	wrdreg s3  }
0xad: {  	[dreg:$0x4] =	wrdreg $0xC0  }
0xae: {  	_ =	task [dreg:s5], $0x5FFFF  }
0xaf: {  	[dreg:$0x1] =	wrdreg $0xFFFFFFFF  }
0xb0: {  	[dreg:$0x0] =	wrdreg $0x60  }
0xb1: {  	[dreg:$0x2] =	wrdreg s22  }
0xb2: {  	[dreg:$0x3] =	wrdreg s14  }
0xb3: {  	[dreg:$0x4] =	wrdreg $0x41000  }
0xb4: {  	[dreg:$0x5] =	wrdreg $0x9  }
0xb5: {  	_ =	task.clear_ibuf [dreg:s5], $0x6FFFF;
	_ =	strace $0x90000046  }
0xb6: {  	s26 =	simm.s32 $0x9;
	_ =	strace $0x80000048  }
0xb7: {  	_ =	swait.ge [sflag:s26], $0x1  }
0xb8: {  	[sflag:s26] =	ssyncadd.s32 $0xFFFFFFFF  }
0xb9: {  	_ =	strace $0x90000048  }
0xba: {  	_ =	sfence  }
0xbb: {  	s28 =	sld [smem:$0x0];
	_ =	sdelay $0x1  }
0xbc: {  	s29 =	srdreg.scid  }
0xbd: {  	s30 =	sshll.u32 s29, $0xD;
	s31 =	sshrl.u32 s29, $0x2  }
0xbe: {  	s2 =	sand.u32 $0x4000, s30;
	s1 =	sand.u32 $0x1, s29;
	s0 =	sadd.s32 s31, s28  }
0xbf: {  	s1 =	sor.u32 s2, s1;
	s0 =	sshll.u32 s0, $0x11  }
0xc0: {  	s0 =	sor.u32 s0, s1  }
0xc1: {  	s0 =	sadd.s32 $0x8F2B, s0  }
0xc2: {  	[sflag:s0] =	ssyncadd.remote.s32 $0x1  }
0xc3: {  	_ =	sfence.sel $0xFFFF  }
0xc4: {  	[dreg:$0x0] =	wrdreg $0xFFFFFFFF;
	(pc) =	sbr.abs _section_cstart, $3  }
0xc5: {  	[dreg:$0x1] =	wrdreg $0xFFFFFFFF  }
0xc6: {  	_ =	task.clear_ibuf [dreg:s5], $0x2FFFF;
	_ =	strace $0x9FFFFFFF  }
0xc7: {  	(tm) =	ssettm $0x7FFFFFFF  }
tec
execute0_lowered:
.L_overlay_start_1:
0x0: {  	(tag) =	ssettag $0x1  }
0x1: {  	s2 =	rddreg [dreg:$0x0]  }
0x2: {  	s1 =	rddreg [dreg:$0x1]  }
0x3: {  	s4 =	rddreg [dreg:$0x2];
	s5 =	stileid.u32  }
0x4: {  	s0 =	rddreg [dreg:$0x3];
	s3 =	simm.s32 $0x0;
	s6 =	smul.u32 $0x12, s5  }
0x5: {  	[smem:$0x7FF] =	sst s3;
	s7 =	sadd.s32 $0x400, s2  }
0x6: {  	_ =	strace $0x80000047;
	s6 =	sadd.s32 s6, s2;
	s2 =	simm.s32 $0x100  }
0x7: {  	[tilespmem:s2], [sflag:$0x1] =	stream.linear.gather [hbm4b:s7+s3], $0x2000, $0x38;
	[tilespmem:$0x4300] =	vst v63  }
0x8: {  	s30 =	simm.s32 $0x2;
	s6 =	sadd.s32 $0x200, s6  }
0x9: {  	[tilespmem:s3], [sflag:$0x2] =	stream.linear.gather [hbm4b:s6+s3], $0x90, $0x38;
	[tilespmem:$0x4300] =	vst v63  }
0xa: {  	_ =	swait.ge [sflag:s30], $0x90  }
0xb: {  	[sflag:s30] =	ssyncset.done $0x0  }
0xc: {  	s31 =	simm.s32 $0x1;
	[sflag:s30] =	ssyncadd.s32 $0xFFFFFF70  }
0xd: {  	_ =	swait.ge [sflag:s31], $0x2000  }
0xe: {  	[sflag:s31] =	ssyncset.done $0x0  }
0xf: {  	[sflag:s31] =	ssyncadd.s32 $0xFFFFE000  }
0x10: {  	v0 =	vld [tilespmem:$0x0];
	_ =	sdelay $0x1  }
0x11: {  	v1 =	vlaneseq.u32  }
0x12: {  	v1 =	vmul.u32 $0x200, v1;
	_ =	sdelay $0x1  }
0x13: {  	v0 =	vadd.s32 v1, v0;
	_ =	sdelay $0x3  }
0x14: {  	v2 =	vimm.f32 $1.000000000e+00  }
0x15: {  	[tilespmem:v0+s2+$0x0] =	vst.idx.add.f32.msk $0xffff, v2  }
0x16: {  	v0 =	vld [tilespmem:$0x10];
	_ =	sdelay $0x4  }
0x17: {  	v0 =	vadd.s32 v1, v0;
	_ =	sdelay $0x4  }
0x18: {  	[tilespmem:v0+s2+$0x0] =	vst.idx.add.f32.msk $0xffff, v2  }
0x19: {  	v0 =	vld [tilespmem:$0x20];
	_ =	sdelay $0x4  }
0x1a: {  	v0 =	vadd.s32 v1, v0;
	_ =	sdelay $0x4  }
0x1b: {  	[tilespmem:v0+s2+$0x0] =	vst.idx.add.f32.msk $0xffff, v2  }
0x1c: {  	v0 =	vld [tilespmem:$0x30];
	_ =	sdelay $0x4  }
0x1d: {  	v0 =	vadd.s32 v1, v0;
	_ =	sdelay $0x4  }
0x1e: {  	[tilespmem:v0+s2+$0x0] =	vst.idx.add.f32.msk $0xffff, v2  }
0x1f: {  	v0 =	vld [tilespmem:$0x40];
	_ =	sdelay $0x4  }
0x20: {  	v0 =	vadd.s32 v1, v0;
	_ =	sdelay $0x4  }
0x21: {  	[tilespmem:v0+s2+$0x0] =	vst.idx.add.f32.msk $0xffff, v2  }
0x22: {  	v0 =	vld [tilespmem:$0x50];
	_ =	sdelay $0x4  }
0x23: {  	v0 =	vadd.s32 v1, v0;
	_ =	sdelay $0x4  }
0x24: {  	[tilespmem:v0+s2+$0x0] =	vst.idx.add.f32.msk $0xffff, v2  }
0x25: {  	v0 =	vld [tilespmem:$0x60];
	_ =	sdelay $0x4  }
0x26: {  	v0 =	vadd.s32 v1, v0;
	_ =	sdelay $0x4  }
0x27: {  	[tilespmem:v0+s2+$0x0] =	vst.idx.add.f32.msk $0xffff, v2  }
0x28: {  	v0 =	vld [tilespmem:$0x70];
	_ =	sdelay $0x4  }
0x29: {  	v0 =	vadd.s32 v1, v0;
	_ =	sdelay $0x4  }
0x2a: {  	[tilespmem:v0+s2+$0x0] =	vst.idx.add.f32.msk $0xffff, v2  }
0x2b: {  	v0 =	vld [tilespmem:$0x80];
	_ =	sdelay $0x4  }
0x2c: {  	v0 =	vadd.s32 v1, v0;
	_ =	sdelay $0x4  }
0x2d: {  	s3 =	sand.u32 $0x1F0, s3;
	[tilespmem:v0+s2+$0x0] =	vst.idx.add.f32.msk $0xffff, v2  }
0x2e: {  	s6 =	simm.s32 $0x10;
	v0 =	vld [tilespmem:s3+$0x300]  }
.LBB2_1:
0x2f: {  	p0 =	sne.s32 s6, $0x1F0;
	v1 =	vld [tilespmem:s2+$0x0];
	_ =	sdelay $0x1  }
0x30: {  	v2 =	vld [tilespmem:s3+$0x500];
	_ =	sdelay $0x1  }
0x31: {  	v3 =	vld [tilespmem:s3+$0x700]  }
0x32: {  	v0 =	vadd.f32 v0, v1  }
0x33: {  	v1 =	vld [tilespmem:s3+$0x900]  }
0x34: {  	v0 =	vadd.f32 v2, v0  }
0x35: {  	v2 =	vld [tilespmem:s3+$0xB00]  }
0x36: {  	v0 =	vadd.f32 v3, v0  }
0x37: {  	v3 =	vld [tilespmem:s3+$0xD00]  }
0x38: {  	v0 =	vadd.f32 v1, v0  }
0x39: {  	v1 =	vld [tilespmem:s3+$0xF00]  }
0x3a: {  	v0 =	vadd.f32 v2, v0  }
0x3b: {  	v2 =	vld [tilespmem:s3+$0x1100]  }
0x3c: {  	v0 =	vadd.f32 v3, v0  }
0x3d: {  	v3 =	vld [tilespmem:s3+$0x1300]  }
0x3e: {  	v0 =	vadd.f32 v1, v0  }
0x3f: {  	v1 =	vld [tilespmem:s3+$0x1500]  }
0x40: {  	v0 =	vadd.f32 v2, v0  }
0x41: {  	v2 =	vld [tilespmem:s3+$0x1700]  }
0x42: {  	v0 =	vadd.f32 v3, v0  }
0x43: {  	v3 =	vld [tilespmem:s3+$0x1900]  }
0x44: {  	v0 =	vadd.f32 v1, v0  }
0x45: {  	v1 =	vld [tilespmem:s3+$0x1B00]  }
0x46: {  	v0 =	vadd.f32 v2, v0  }
0x47: {  	v2 =	vld [tilespmem:s3+$0x1D00]  }
0x48: {  	v0 =	vadd.f32 v3, v0  }
0x49: {  	v3 =	vld [tilespmem:s3+$0x1F00]  }
0x4a: {  	v0 =	vadd.f32 v1, v0;
	_ =	sdelay $0x1  }
0x4b: {  	v0 =	vadd.f32 v2, v0  }
.Ltmp0:
0x4c: {  	(pc) =	sbr.rel @p0 .LBB2_1-.Ltmp0, $3  }
0x4d: {  	v0 =	vadd.f32 v3, v0;
	_ =	sdelay $0x1  }
0x4e: {  	s3 =	sand.u32 $0x1F0, s6;
	[tilespmem:s2+$0x0] =	vst v0  }
0x4f: {  	s6 =	sadd.s32 $0x10, s6;
	s2 =	sadd.s32 $0x10, s2;
	v0 =	vld [tilespmem:s3+$0x300]  }
0x50: {  	v1 =	vld [tilespmem:s2+$0x0];
	_ =	sdelay $0x1  }
0x51: {  	v2 =	vld [tilespmem:s3+$0x500];
	_ =	sdelay $0x1  }
0x52: {  	v3 =	vld [tilespmem:s3+$0x700]  }
0x53: {  	v0 =	vadd.f32 v0, v1  }
0x54: {  	v52 =	vld [tilespmem:s3+$0x900]  }
0x55: {  	v0 =	vadd.f32 v2, v0  }
0x56: {  	v53 =	vld [tilespmem:s3+$0xB00]  }
0x57: {  	v0 =	vadd.f32 v3, v0  }
0x58: {  	v54 =	vld [tilespmem:s3+$0xD00]  }
0x59: {  	v0 =	vadd.f32 v52, v0  }
0x5a: {  	v55 =	vld [tilespmem:s3+$0xF00]  }
0x5b: {  	v0 =	vadd.f32 v53, v0  }
0x5c: {  	v56 =	vld [tilespmem:s3+$0x1100]  }
0x5d: {  	v0 =	vadd.f32 v54, v0  }
0x5e: {  	v57 =	vld [tilespmem:s3+$0x1300]  }
0x5f: {  	v0 =	vadd.f32 v55, v0  }
0x60: {  	v58 =	vld [tilespmem:s3+$0x1500]  }
0x61: {  	v0 =	vadd.f32 v56, v0  }
0x62: {  	v59 =	vld [tilespmem:s3+$0x1700]  }
0x63: {  	v0 =	vadd.f32 v57, v0  }
0x64: {  	v60 =	vld [tilespmem:s3+$0x1900]  }
0x65: {  	v0 =	vadd.f32 v58, v0  }
0x66: {  	v61 =	vld [tilespmem:s3+$0x1B00]  }
0x67: {  	v0 =	vadd.f32 v59, v0  }
0x68: {  	v62 =	vld [tilespmem:s3+$0x1D00]  }
0x69: {  	v0 =	vadd.f32 v60, v0  }
0x6a: {  	v63 =	vld [tilespmem:s3+$0x1F00]  }
0x6b: {  	v0 =	vadd.f32 v61, v0;
	_ =	sdelay $0x1  }
0x6c: {  	v0 =	vadd.f32 v62, v0  }
0x6d: {  	s30 =	sshll.u32 s5, $0x9  }
0x6e: {  	s6 =	sshll.u32 s5, $0x7;
	s31 =	simm.s32 $0x80;
	s3 =	sand.u32 $0x1000, s30;
	v0 =	vadd.f32 v63, v0  }
0x6f: {  	s7 =	simm.s32 $0x400;
	s6 =	sand.u32 $0x380, s6;
	s3 =	sadd.s32 s3, s4  }
0x70: {  	s6 =	sadd.s32 s6, s3;
	s3 =	simm.s32 $0x100;
	[tilespmem:s2+$0x0] =	vst v0;
	s2 =	simm.s32 $0x2  }
0x71: {  	[spmem:s6] =	stream.strided.scatter [tilespmem:s3], [sflag:$0x2], $0x200, s7, s31, $0x38;
	[tilespmem:$0x4300] =	vst v63  }
0x72: {  	_ =	swait.ge [sflag:s2], $0x200  }
0x73: {  	[sflag:s2] =	ssyncset.done $0x0  }
0x74: {  	[sflag:s2] =	ssyncadd.s32 $0xFFFFFE00  }
0x75: {  	p0 =	sne.s32 s5, $0x0;
	[bflag:$0x0] =	sbarrier.arrive $0xFFFF  }
0x76: {  	_ =	sfence.sel @p0 $0x180000  }
0x77: {  	[bflag:$0x0] =	sbarrier.arrive @p0 $0xFFFF  }
0x78: {  	_ =	strace @p0 $0x90000047  }
0x79: {  	[bflag:$0x2] =	sbarrier.arrive @p0 $0xFFFF  }
0x7a: {  	_ =	shalt @p0  }
.LBB2_3:
0x7b: {  	s5 =	simm.s32 $0x2100  }
0x7c: {  	[tilespmem:s5], [sflag:$0x2] =	stream.linear.gather [spmem:s4], $0x2000, $0x38;
	[tilespmem:$0x4300] =	vst v63  }
0x7d: {  	_ =	swait.ge [sflag:s2], $0x2000  }
0x7e: {  	[sflag:s2] =	ssyncset.done $0x0  }
0x7f: {  	[sflag:s2] =	ssyncadd.s32 $0xFFFFE000  }
0x80: {  	v0 =	vld [tilespmem:$0x2100]  }
0x81: {  	v1 =	vld [tilespmem:$0x2180]  }
0x82: {  	v2 =	vld [tilespmem:$0x2200]  }
0x83: {  	v3 =	vld [tilespmem:$0x2280]  }
0x84: {  	v4 =	vld [tilespmem:$0x2300]  }
0x85: {  	v5 =	vld [tilespmem:$0x2380]  }
0x86: {  	v6 =	vld [tilespmem:$0x2400]  }
0x87: {  	v7 =	vld [tilespmem:$0x2480]  }
0x88: {  	v8 =	vld [tilespmem:$0x3100]  }
0x89: {  	v9 =	vld [tilespmem:$0x3180]  }
0x8a: {  	v10 =	vld [tilespmem:$0x3200]  }
0x8b: {  	v11 =	vld [tilespmem:$0x3280]  }
0x8c: {  	v12 =	vld [tilespmem:$0x3300]  }
0x8d: {  	v13 =	vld [tilespmem:$0x3380]  }
0x8e: {  	v14 =	vld [tilespmem:$0x3400]  }
0x8f: {  	v15 =	vld [tilespmem:$0x3480]  }
0x90: {  	v16 =	vld [tilespmem:$0x2110]  }
0x91: {  	v17 =	vld [tilespmem:$0x2190]  }
0x92: {  	v18 =	vld [tilespmem:$0x2210]  }
0x93: {  	v19 =	vld [tilespmem:$0x2290]  }
0x94: {  	v20 =	vld [tilespmem:$0x2310]  }
0x95: {  	v21 =	vld [tilespmem:$0x2390]  }
0x96: {  	v22 =	vld [tilespmem:$0x2410]  }
0x97: {  	v23 =	vld [tilespmem:$0x2490]  }
0x98: {  	v24 =	vld [tilespmem:$0x3110]  }
0x99: {  	v25 =	vld [tilespmem:$0x3190]  }
0x9a: {  	v26 =	vld [tilespmem:$0x3210]  }
0x9b: {  	v27 =	vld [tilespmem:$0x3290]  }
0x9c: {  	v28 =	vld [tilespmem:$0x3310]  }
0x9d: {  	v29 =	vld [tilespmem:$0x3390]  }
0x9e: {  	v30 =	vld [tilespmem:$0x3410]  }
0x9f: {  	v32 =	vld [tilespmem:$0x2120]  }
0xa0: {  	v52 =	vld [tilespmem:$0x21A0]  }
0xa1: {  	v33 =	vld [tilespmem:$0x2130]  }
0xa2: {  	v53 =	vld [tilespmem:$0x21B0]  }
0xa3: {  	v34 =	vld [tilespmem:$0x2220]  }
0xa4: {  	v54 =	vld [tilespmem:$0x2230];
	v0 =	vadd.f32 v1, v0  }
0xa5: {  	v55 =	vld [tilespmem:$0x22A0]  }
0xa6: {  	v56 =	vld [tilespmem:$0x22B0];
	v16 =	vadd.f32 v17, v16;
	v0 =	vadd.f32 v2, v0  }
0xa7: {  	v57 =	vld [tilespmem:$0x2320];
	v1 =	vadd.f32 v52, v32;
	v2 =	vadd.f32 v53, v33  }
0xa8: {  	v58 =	vld [tilespmem:$0x2330];
	v16 =	vadd.f32 v18, v16;
	v0 =	vadd.f32 v3, v0  }
0xa9: {  	v59 =	vld [tilespmem:$0x23A0];
	v1 =	vadd.f32 v34, v1;
	v2 =	vadd.f32 v54, v2  }
0xaa: {  	v60 =	vld [tilespmem:$0x23B0];
	v16 =	vadd.f32 v19, v16;
	v0 =	vadd.f32 v4, v0  }
0xab: {  	v62 =	vld [tilespmem:$0x2420];
	v1 =	vadd.f32 v55, v1;
	v2 =	vadd.f32 v56, v2  }
0xac: {  	v63 =	vld [tilespmem:$0x2430];
	v61 =	vadd.f32 v20, v16;
	v0 =	vadd.f32 v5, v0  }
0xad: {  	v17 =	vld [tilespmem:$0x24A0];
	v1 =	vadd.f32 v57, v1;
	v2 =	vadd.f32 v58, v2  }
0xae: {  	v18 =	vld [tilespmem:$0x24B0];
	v0 =	vadd.f32 v6, v0;
	v6 =	vadd.f32 v21, v61  }
0xaf: {  	v19 =	vld [tilespmem:$0x3120];
	v1 =	vadd.f32 v59, v1;
	v2 =	vadd.f32 v60, v2  }
0xb0: {  	v20 =	vld [tilespmem:$0x3130];
	v0 =	vadd.f32 v7, v0;
	v6 =	vadd.f32 v22, v6  }
0xb1: {  	v1 =	vadd.f32 v62, v1;
	v21 =	vld [tilespmem:$0x31A0];
	v2 =	vadd.f32 v63, v2  }
0xb2: {  	v22 =	vld [tilespmem:$0x31B0];
	v0 =	vadd.f32 v8, v0;
	v6 =	vadd.f32 v23, v6  }
0xb3: {  	v1 =	vadd.f32 v17, v1;
	v23 =	vld [tilespmem:$0x3220];
	v2 =	vadd.f32 v18, v2  }
0xb4: {  	v0 =	vadd.f32 v9, v0;
	v6 =	vadd.f32 v24, v6;
	v24 =	vld [tilespmem:$0x3230]  }
0xb5: {  	v32 =	vld [tilespmem:$0x32B0];
	v1 =	vadd.f32 v19, v1;
	v2 =	vadd.f32 v20, v2  }
0xb6: {  	v0 =	vadd.f32 v10, v0;
	v6 =	vadd.f32 v25, v6;
	v25 =	vld [tilespmem:$0x32A0]  }
0xb7: {  	v33 =	vld [tilespmem:$0x3320];
	v1 =	vadd.f32 v21, v1;
	v2 =	vadd.f32 v22, v2  }
0xb8: {  	v34 =	vld [tilespmem:$0x3330];
	v0 =	vadd.f32 v11, v0;
	v6 =	vadd.f32 v26, v6  }
0xb9: {  	v35 =	vld [tilespmem:$0x33A0];
	v1 =	vadd.f32 v23, v1;
	v2 =	vadd.f32 v24, v2  }
0xba: {  	v36 =	vld [tilespmem:$0x33B0];
	v0 =	vadd.f32 v12, v0;
	v6 =	vadd.f32 v27, v6  }
0xbb: {  	v31 =	vld [tilespmem:$0x3490];
	v1 =	vadd.f32 v25, v1;
	v2 =	vadd.f32 v32, v2  }
0xbc: {  	v39 =	vld [tilespmem:$0x3430];
	v0 =	vadd.f32 v13, v0;
	v37 =	vadd.f32 v28, v6  }
0xbd: {  	v38 =	vld [tilespmem:$0x3420];
	v1 =	vadd.f32 v33, v1;
	v2 =	vadd.f32 v34, v2  }
0xbe: {  	v43 =	vld [tilespmem:$0x34B0];
	v0 =	vadd.f32 v14, v0;
	v40 =	vadd.f32 v29, v37  }
0xbf: {  	v41 =	vld [tilespmem:$0x34A0];
	v42 =	vadd.f32 v35, v1;
	v2 =	vadd.f32 v36, v2  }
0xc0: {  	v0 =	vadd.f32 v15, v0;
	v44 =	vadd.f32 v30, v40  }
0xc1: {  	v2 =	vadd.f32 v39, v2  }
0xc2: {  	v5 =	vmul.f32 $4.340277810e-04, v0;
	v0 =	vadd.f32 v38, v42;
	v4 =	vadd.f32 v31, v44  }
0xc3: {  	v1 =	vadd.f32 v43, v2  }
0xc4: {  	v7 =	vadd.f32 $1.000000010e-10, v5;
	v0 =	vadd.f32 v41, v0;
	v4 =	vmul.f32 $4.340277810e-04, v4  }
0xc5: {  	v1 =	vmul.f32 $4.340277810e-04, v1  }
0xc6: {  	v45 =	vand.u32 $0x7FFFFF, v7;
	v3 =	vmul.f32 $4.340277810e-04, v0;
	v10 =	vadd.f32 $1.000000010e-10, v4  }
0xc7: {  	v46 =	vor.u32 $0x3F800000, v45;
	v2 =	vadd.f32 $1.000000010e-10, v1  }
0xc8: {  	v47 =	vmul.f32 $5.000000000e-01, v46;
	v6 =	vadd.f32 $1.000000010e-10, v3;
	v48 =	vand.u32 $0x7FFFFF, v10  }
0xc9: {  	vm3 =	vgt.f32 v46, $1.414213540e+00;
	v8 =	vor.u32 $0x3F800000, v48  }
0xca: {  	v52 =	vand.u32 $0x7FFFFF, v2;
	v0 =	vsel vm3, v47, v46;
	v50 =	vand.u32 $0x7FFFFF, v6  }
0xcb: {  	v51 =	vmul.f32 $5.000000000e-01, v8;
	vm2 =	vgt.f32 v8, $1.414213540e+00;
	v11 =	vor.u32 $0x3F800000, v50  }
0xcc: {  	v13 =	vor.u32 $0x3F800000, v52;
	v49 =	vadd.f32 $1.000000000e+00, v0;
	v53 =	vmul.f32 $5.000000000e-01, v11  }
0xcd: {  	v56 =	vld [tilespmem:$0x21C0];
	v54 =	vmul.f32 $5.000000000e-01, v13;
	v8 =	vsel vm2, v51, v8;
	vm1 =	vgt.f32 v11, $1.414213540e+00  }
0xce: {  	v58 =	vld [tilespmem:$0x2240];
	vm0 =	vgt.f32 v13, $1.414213540e+00;
	v55 =	vadd.f32 $1.000000000e+00, v8;
	v11 =	vsel vm1, v53, v11  }
0xcf: {  	v60 =	vld [tilespmem:$0x24C0];
	(erf) = vrcp.f32 v49;
	v13 =	vsel vm0, v54, v13;
	v57 =	vadd.f32 $1.000000000e+00, v11  }
0xd0: {  	v17 =	vld [tilespmem:$0x22C0];
	v59 =	vadd.f32 $1.000000000e+00, v13;
	(erf) = vrcp.f32 v55  }
0xd1: {  	v18 =	vld [tilespmem:$0x23C0];
	(erf) = vrcp.f32 v57  }
0xd2: {  	v9 =	vld [tilespmem:$0x2340];
	(erf) = vrcp.f32 v59  }
0xd3: {  	v20 =	vld [tilespmem:$0x2440]  }
0xd4: {  	v24 =	vld [tilespmem:$0x3140]  }
0xd5: {  	v27 =	vld [tilespmem:$0x31C0]  }
0xd6: {  	v32 =	vld [tilespmem:$0x32C0]  }
0xd7: {  	v37 =	vld [tilespmem:$0x33C0]  }
0xd8: {  	v35 =	vld [tilespmem:$0x3340];
	v61 =	vpop (erf)  }
0xd9: {  	v15 =	vld [tilespmem:$0x2140];
	v62 =	vpop (erf)  }
0xda: {  	v30 =	vld [tilespmem:$0x3240];
	v36 =	vpop (erf)  }
0xdb: {  	v38 =	vld [tilespmem:$0x3440];
	v25 =	vpop (erf)  }
0xdc: {  	v39 =	vld [tilespmem:$0x34C0]  }
0xdd: {  	v40 =	vld [tilespmem:$0x2150]  }
0xde: {  	v41 =	vld [tilespmem:$0x21D0]  }
0xdf: {  	v42 =	vld [tilespmem:$0x2250]  }
0xe0: {  	v43 =	vld [tilespmem:$0x22D0]  }
0xe1: {  	v44 =	vld [tilespmem:$0x2350]  }
0xe2: {  	v45 =	vld [tilespmem:$0x23D0]  }
0xe3: {  	v46 =	vld [tilespmem:$0x2450]  }
0xe4: {  	v47 =	vld [tilespmem:$0x24D0]  }
0xe5: {  	v48 =	vld [tilespmem:$0x3150]  }
0xe6: {  	v14 =	vadd.f32 v56, v15;
	v49 =	vld [tilespmem:$0x31D0]  }
0xe7: {  	v50 =	vld [tilespmem:$0x3250]  }
0xe8: {  	v12 =	vadd.f32 v58, v14;
	v52 =	vld [tilespmem:$0x32D0]  }
0xe9: {  	v0 =	vadd.f32 $-1.000000000e+00, v0;
	v29 =	vld [tilespmem:$0x3350]  }
0xea: {  	v12 =	vadd.f32 v17, v12;
	v22 =	vld [tilespmem:$0x33D0]  }
0xeb: {  	v51 =	vmul.f32 v61, v0;
	v19 =	vld [tilespmem:$0x3450]  }
0xec: {  	v9 =	vadd.f32 v9, v12;
	v16 =	vld [tilespmem:$0x34D0]  }
0xed: {  	v53 =	vmul.f32 v51, v51;
	v54 =	vld [tilespmem:$0x2160]  }
0xee: {  	v9 =	vadd.f32 v18, v9;
	v55 =	vld [tilespmem:$0x21E0]  }
0xef: {  	v63 =	vmul.f32 $1.111111120e-01, v53;
	v56 =	vld [tilespmem:$0x2260]  }
0xf0: {  	v9 =	vadd.f32 v20, v9;
	v57 =	vld [tilespmem:$0x22E0]  }
0xf1: {  	v31 =	vld [tilespmem:$0x2360];
	v0 =	vadd.f32 $1.428571490e-01, v63  }
0xf2: {  	v9 =	vadd.f32 v60, v9;
	v33 =	vld [tilespmem:$0x23E0]  }
0xf3: {  	v28 =	vld [tilespmem:$0x2460];
	v0 =	vmul.f32 v0, v53  }
0xf4: {  	v21 =	vadd.f32 v24, v9;
	v26 =	vld [tilespmem:$0x24E0]  }
0xf5: {  	v23 =	vld [tilespmem:$0x3160];
	v0 =	vadd.f32 $2.000000030e-01, v0  }
0xf6: {  	v21 =	vadd.f32 v27, v21;
	v20 =	vld [tilespmem:$0x31E0]  }
0xf7: {  	v8 =	vadd.f32 $-1.000000000e+00, v8;
	v14 =	vld [tilespmem:$0x32E0];
	v17 =	vmul.f32 v0, v53  }
0xf8: {  	v7 =	vshra.s32 v7, $0x17;
	v60 =	vadd.f32 $-1.000000000e+00, v11;
	v21 =	vadd.f32 v30, v21;
	v11 =	vld [tilespmem:$0x3360]  }
0xf9: {  	v34 =	vmul.f32 v62, v8;
	v62 =	vadd.f32 v51, v51;
	v9 =	vld [tilespmem:$0x33E0];
	v12 =	vadd.f32 $3.333333430e-01, v17  }
0xfa: {  	v21 =	vadd.f32 v32, v21;
	v36 =	vmul.f32 v36, v60;
	v8 =	vld [tilespmem:$0x3460];
	v0 =	vimm.s32 $0xFFFFFF81  }
0xfb: {  	v51 =	vld [tilespmem:$0x2270];
	v58 =	vsel vm3, $0xFFFFFF82, v0;
	v59 =	vmul.f32 v12, v53;
	v12 =	vmul.f32 v34, v34  }
0xfc: {  	v21 =	vadd.f32 v35, v21;
	v35 =	vld [tilespmem:$0x2470];
	v7 =	vadd.s32 v7, v58;
	v58 =	vadd.f32 v41, v40  }
0xfd: {  	v32 =	vld [tilespmem:$0x24F0];
	v7 =	vcvt.s32.f32 v7;
	v61 =	vadd.f32 $1.000000000e+00, v59;
	v63 =	vmul.f32 $1.111111120e-01, v12  }
0xfe: {  	v24 =	vld [tilespmem:$0x3270];
	v40 =	vmul.f32 v36, v36;
	v27 =	vadd.f32 v42, v58  }
0xff: {  	v17 =	vld [tilespmem:$0x3260];
	v53 =	vmul.f32 $6.931471820e-01, v7;
	v18 =	vmul.f32 v61, v62;
	v59 =	vadd.f32 $1.428571490e-01, v63  }
0x100: {  	v41 =	vld [tilespmem:$0x2170];
	v27 =	vadd.f32 v43, v27;
	v61 =	vmul.f32 $1.111111120e-01, v40  }
0x101: {  	v42 =	vld [tilespmem:$0x21F0];
	v15 =	vadd.f32 v18, v53;
	v60 =	vmul.f32 v59, v12  }
0x102: {  	v10 =	vshra.s32 v10, $0x17;
	v7 =	vld [tilespmem:$0x34E0];
	v30 =	vadd.f32 v44, v27;
	v63 =	vadd.f32 $1.428571490e-01, v61  }
0x103: {  	v13 =	vadd.f32 $-1.000000000e+00, v13;
	v43 =	vld [tilespmem:$0x22F0];
	v5 =	vmul.f32 v15, v5;
	v62 =	vadd.f32 $2.000000030e-01, v60  }
0x104: {  	v36 =	vadd.f32 v36, v36;
	v44 =	vld [tilespmem:$0x23F0];
	v61 =	vmul.f32 v63, v40;
	v63 =	vadd.f32 v45, v30  }
0x105: {  	v27 =	vld [tilespmem:$0x31F0];
	v58 =	vadd.f32 $0.0e+00, v5;
	v60 =	vmul.f32 v62, v12;
	v62 =	vadd.f32 v37, v21  }
0x106: {  	v6 =	vshra.s32 v6, $0x17;
	v53 =	vld [tilespmem:$0x2370];
	v15 =	vadd.f32 $2.000000030e-01, v61;
	v21 =	vadd.f32 v46, v63  }
0x107: {  	v30 =	vld [tilespmem:$0x3170];
	v37 =	vsel vm2, $0xFFFFFF82, v0;
	v63 =	vsel vm1, $0xFFFFFF82, v0;
	v5 =	vadd.f32 $3.333333430e-01, v60  }
0x108: {  	v10 =	vadd.s32 v10, v37;
	v18 =	vadd.f32 v38, v62;
	v59 =	vadd.f32 v47, v21;
	v21 =	vld [tilespmem:$0x32F0]  }
0x109: {  	v6 =	vadd.s32 v6, v63;
	v45 =	vmul.f32 v15, v40;
	v10 =	vcvt.s32.f32 v10;
	v15 =	vld [tilespmem:$0x33F0]  }
0x10a: {  	v47 =	vld [tilespmem:$0x2580];
	v5 =	vmul.f32 v5, v12;
	v46 =	vadd.f32 v39, v18;
	v61 =	vadd.f32 v48, v59  }
0x10b: {  	v6 =	vcvt.s32.f32 v6;
	v12 =	vadd.f32 $3.333333430e-01, v45;
	v18 =	vld [tilespmem:$0x3370];
	v39 =	vmul.f32 $6.931471820e-01, v10  }
0x10c: {  	v10 =	vld [tilespmem:$0x34F0];
	v60 =	vadd.f32 $1.000000000e+00, v5;
	v5 =	vmul.f32 $4.340277810e-04, v46;
	v48 =	vadd.f32 v49, v61  }
0x10d: {  	v34 =	vadd.f32 v34, v34;
	v59 =	vadd.f32 v55, v54;
	v62 =	vmul.f32 v12, v40;
	v12 =	vld [tilespmem:$0x3470]  }
0x10e: {  	v6 =	vmul.f32 $6.931471820e-01, v6;
	v40 =	vld [tilespmem:$0x2500];
	v45 =	vadd.f32 $1.000000010e-10, v5;
	v46 =	vadd.f32 v50, v48  }
0x10f: {  	v34 =	vmul.f32 v60, v34;
	v50 =	vmul.f32 v25, v13;
	v48 =	vadd.f32 v56, v59;
	v56 =	vld [tilespmem:$0x2780]  }
0x110: {  	v38 =	vadd.f32 $1.000000000e+00, v62;
	v25 =	vld [tilespmem:$0x3600];
	v49 =	vand.u32 $0x7FFFFF, v45;
	v61 =	vadd.f32 v52, v46  }
0x111: {  	v46 =	vld [tilespmem:$0x2680];
	v54 =	vmul.f32 v50, v50;
	v48 =	vadd.f32 v57, v48;
	v37 =	vor.u32 $0x3F800000, v49  }
0x112: {  	v52 =	vld [tilespmem:$0x2700];
	v39 =	vadd.f32 v34, v39;
	v36 =	vmul.f32 v38, v36;
	v60 =	vmul.f32 $5.000000000e-01, v37  }
0x113: {  	v34 =	vld [tilespmem:$0x2880];
	vm12 =	vgt.f32 v37, $1.414213540e+00;
	v62 =	vadd.f32 v29, v61;
	v57 =	vmul.f32 $1.111111120e-01, v54  }
0x114: {  	v49 =	vld [tilespmem:$0x2600];
	v59 =	vadd.f32 v31, v48;
	v6 =	vadd.f32 v36, v6;
	v55 =	vsel vm12, v60, v37  }
0x115: {  	v31 =	vld [tilespmem:$0x3500];
	v4 =	vmul.f32 v39, v4;
	v13 =	vadd.f32 v22, v62;
	v63 =	vadd.f32 $1.000000000e+00, v55  }
0x116: {  	v29 =	vld [tilespmem:$0x3580];
	v60 =	vadd.f32 $1.428571490e-01, v57;
	v61 =	vadd.f32 v33, v59  }
0x117: {  	v36 =	vld [tilespmem:$0x2710];
	v4 =	vadd.f32 v4, v58;
	v13 =	vadd.f32 v19, v13;
	(erf) = vrcp.f32 v63  }
0x118: {  	v37 =	vld [tilespmem:$0x2800];
	v48 =	vadd.f32 $-1.000000000e+00, v55;
	v55 =	vadd.f32 v42, v41;
	v62 =	vmul.f32 v60, v54  }
0x119: {  	v22 =	vld [tilespmem:$0x3680];
	v28 =	vadd.f32 v28, v61;
	v13 =	vadd.f32 v16, v13  }
0x11a: {  	v3 =	vmul.f32 v6, v3;
	v41 =	vld [tilespmem:$0x2510];
	v33 =	vadd.f32 v51, v55;
	v63 =	vadd.f32 $2.000000030e-01, v62  }
0x11b: {  	v50 =	vadd.f32 v50, v50;
	v42 =	vld [tilespmem:$0x2590];
	v26 =	vadd.f32 v26, v28;
	v6 =	vmul.f32 $4.340277810e-04, v13  }
0x11c: {  	v19 =	vld [tilespmem:$0x3700];
	v38 =	vadd.f32 v3, v4;
	v60 =	vadd.f32 v43, v33;
	v4 =	vmul.f32 v63, v54  }
0x11d: {  	v3 =	vld [tilespmem:$0x3880];
	v23 =	vadd.f32 v23, v26;
	v39 =	vadd.f32 $1.000000010e-10, v6  }
0x11e: {  	v2 =	vshra.s32 v2, $0x17;
	v51 =	vld [tilespmem:$0x2610];
	v62 =	vadd.f32 v53, v60;
	v4 =	vadd.f32 $3.333333430e-01, v4  }
0x11f: {  	v16 =	vld [tilespmem:$0x3780];
	v60 =	vsel vm0, $0xFFFFFF82, v0;
	v20 =	vadd.f32 v20, v23;
	v58 =	vand.u32 $0x7FFFFF, v39  }
0x120: {  	v28 =	vld [tilespmem:$0x2810];
	v2 =	vadd.s32 v2, v60;
	v4 =	vmul.f32 v4, v54;
	v59 =	vor.u32 $0x3F800000, v58;
	v57 =	vpop (erf)  }
0x121: {  	v43 =	vld [tilespmem:$0x2690];
	v17 =	vadd.f32 v17, v20;
	v61 =	vmul.f32 $5.000000000e-01, v59;
	v48 =	vmul.f32 v57, v48  }
0x122: {  	v33 =	vld [tilespmem:$0x2790];
	v2 =	vcvt.s32.f32 v2;
	vm13 =	vgt.f32 v59, $1.414213540e+00;
	v4 =	vadd.f32 $1.000000000e+00, v4  }
0x123: {  	v13 =	vld [tilespmem:$0x3800];
	v14 =	vadd.f32 v14, v17;
	v54 =	vsel vm13, v61, v59;
	v55 =	vmul.f32 v48, v48  }
0x124: {  	v26 =	vld [tilespmem:$0x2890];
	v2 =	vmul.f32 $6.931471820e-01, v2;
	v4 =	vmul.f32 v4, v50;
	v61 =	vadd.f32 $1.000000000e+00, v54  }
0x125: {  	v23 =	vld [tilespmem:$0x3510];
	v60 =	vadd.f32 v47, v40;
	v11 =	vadd.f32 v11, v14;
	v63 =	vmul.f32 $1.111111120e-01, v55  }
0x126: {  	v40 =	vld [tilespmem:$0x25A0];
	v20 =	vadd.f32 v44, v62;
	v4 =	vadd.f32 v4, v2;
	(erf) = vrcp.f32 v61  }
0x127: {  	v47 =	vld [tilespmem:$0x26A0];
	v9 =	vadd.f32 v9, v11;
	v62 =	vadd.f32 $1.428571490e-01, v63  }
0x128: {  	v44 =	vld [tilespmem:$0x2620];
	v1 =	vmul.f32 v4, v1;
	v63 =	vadd.f32 v35, v20  }
0x129: {  	v17 =	vld [tilespmem:$0x3610];
	v58 =	vadd.f32 v8, v9;
	v53 =	vmul.f32 v62, v55  }
0x12a: {  	v14 =	vld [tilespmem:$0x3690];
	v1 =	vadd.f32 v1, v38;
	v32 =	vadd.f32 v32, v63  }
0x12b: {  	v11 =	vld [tilespmem:$0x3710];
	v62 =	vadd.f32 v7, v58;
	v57 =	vadd.f32 $2.000000030e-01, v53  }
0x12c: {  	v61 =	vshra.s32 v45, $0x17;
	v45 =	vld [tilespmem:$0x2520];
	v30 =	vadd.f32 v30, v32;
	v32 =	vadd.f32 v49, v60  }
0x12d: {  	v9 =	vld [tilespmem:$0x3790];
	v53 =	vadd.f32 $-1.000000000e+00, v54;
	v2 =	vmul.f32 $4.340277810e-04, v62;
	v59 =	vmul.f32 v57, v55  }
0x12e: {  	v8 =	vld [tilespmem:$0x3810];
	v63 =	vsel vm12, $0xFFFFFF82, v0;
	v27 =	vadd.f32 v27, v30;
	v32 =	vadd.f32 v46, v32  }
0x12f: {  	v20 =	vld [tilespmem:$0x3590];
	v54 =	vadd.s32 v61, v63;
	v46 =	vadd.f32 $1.000000010e-10, v2;
	v58 =	vpop (erf);
	v50 =	vadd.f32 $3.333333430e-01, v59  }
0x130: {  	v38 =	vld [tilespmem:$0x2630];
	v24 =	vadd.f32 v24, v27;
	v35 =	vmul.f32 v58, v53;
	v27 =	vcvt.s32.f32 v54  }
0x131: {  	v7 =	vld [tilespmem:$0x3890];
	v59 =	vadd.f32 v52, v32;
	v60 =	vand.u32 $0x7FFFFF, v46;
	v58 =	vadd.f32 v48, v48  }
0x132: {  	v49 =	vld [tilespmem:$0x2720];
	v61 =	vor.u32 $0x3F800000, v60;
	v57 =	vmul.f32 v50, v55;
	v21 =	vadd.f32 v21, v24  }
0x133: {  	v52 =	vld [tilespmem:$0x27A0];
	v50 =	vmul.f32 v35, v35;
	v30 =	vadd.f32 v56, v59;
	v63 =	vmul.f32 $5.000000000e-01, v61  }
0x134: {  	v53 =	vld [tilespmem:$0x2820];
	vm14 =	vgt.f32 v61, $1.414213540e+00;
	v35 =	vadd.f32 v35, v35;
	v24 =	vadd.f32 $1.000000000e+00, v57  }
0x135: {  	v32 =	vld [tilespmem:$0x3520];
	v18 =	vadd.f32 v18, v21;
	v62 =	vmul.f32 $1.111111120e-01, v50;
	v54 =	vsel vm14, v63, v61  }
0x136: {  	v56 =	vld [tilespmem:$0x28A0];
	v37 =	vadd.f32 v37, v30;
	v61 =	vadd.f32 $1.000000000e+00, v54  }
0x137: {  	v30 =	vld [tilespmem:$0x35A0];
	v15 =	vadd.f32 v15, v18;
	v59 =	vadd.f32 $1.428571490e-01, v62  }
0x138: {  	v21 =	vmul.f32 $6.931471820e-01, v27;
	v27 =	vld [tilespmem:$0x3620];
	v57 =	vadd.f32 v42, v41;
	v34 =	vadd.f32 v34, v37  }
0x139: {  	v41 =	vld [tilespmem:$0x25B0];
	(erf) = vrcp.f32 v61;
	v12 =	vadd.f32 v12, v15;
	v62 =	vmul.f32 v59, v50  }
0x13a: {  	v42 =	vld [tilespmem:$0x26B0];
	v54 =	vadd.f32 $-1.000000000e+00, v54;
	v34 =	vadd.f32 v31, v34  }
0x13b: {  	v60 =	vmul.f32 v24, v58;
	v24 =	vld [tilespmem:$0x36A0];
	v10 =	vadd.f32 v10, v12;
	v37 =	vadd.f32 $2.000000030e-01, v62  }
0x13c: {  	v18 =	vld [tilespmem:$0x37A0];
	v58 =	vshra.s32 v39, $0x17;
	v31 =	vadd.f32 v51, v57;
	v48 =	vadd.f32 v29, v34  }
0x13d: {  	v39 =	vld [tilespmem:$0x2530];
	v63 =	vadd.f32 v60, v21;
	v4 =	vmul.f32 $4.340277810e-04, v10;
	v55 =	vmul.f32 v37, v50  }
0x13e: {  	v21 =	vld [tilespmem:$0x3720];
	v59 =	vsel vm13, $0xFFFFFF82, v0;
	v31 =	vadd.f32 v43, v31;
	v12 =	vadd.f32 v25, v48  }
0x13f: {  	v15 =	vld [tilespmem:$0x3820];
	v5 =	vmul.f32 v63, v5;
	v34 =	vadd.f32 $1.000000010e-10, v4;
	v60 =	vadd.f32 $3.333333430e-01, v55  }
0x140: {  	v51 =	vld [tilespmem:$0x3530];
	v37 =	vadd.s32 v58, v59;
	v58 =	vadd.f32 v36, v31;
	v12 =	vadd.f32 v22, v12  }
0x141: {  	v10 =	vld [tilespmem:$0x38A0];
	v1 =	vadd.f32 v5, v1;
	v61 =	vand.u32 $0x7FFFFF, v34;
	v62 =	vmul.f32 v60, v50  }
0x142: {  	v48 =	vld [tilespmem:$0x2730];
	v12 =	vadd.f32 v19, v12;
	v57 =	vpop (erf);
	v60 =	vcvt.s32.f32 v37;
	v29 =	vor.u32 $0x3F800000, v61  }
0x143: {  	v36 =	vld [tilespmem:$0x27B0];
	v43 =	vmul.f32 v57, v54;
	v63 =	vmul.f32 $5.000000000e-01, v29;
	vm15 =	vgt.f32 v29, $1.414213540e+00  }
0x144: {  	v31 =	vld [tilespmem:$0x35B0];
	v55 =	vadd.f32 $1.000000000e+00, v62;
	v12 =	vadd.f32 v16, v12;
	v61 =	vmul.f32 $6.931471820e-01, v60  }
0x145: {  	v50 =	vld [tilespmem:$0x2830];
	v37 =	vmul.f32 v43, v43;
	v25 =	vsel vm15, v63, v29;
	v29 =	vadd.f32 v33, v58  }
0x146: {  	v19 =	vld [tilespmem:$0x37B0];
	v12 =	vadd.f32 v13, v12;
	v63 =	vmul.f32 v55, v35;
	v35 =	vadd.f32 v40, v45  }
0x147: {  	v16 =	vld [tilespmem:$0x3830];
	v59 =	vadd.f32 $1.000000000e+00, v25;
	v22 =	vmul.f32 $1.111111120e-01, v37;
	v25 =	vadd.f32 $-1.000000000e+00, v25  }
0x148: {  	v33 =	vld [tilespmem:$0x28B0];
	v62 =	vadd.f32 v28, v29;
	v3 =	vadd.f32 v3, v12  }
0x149: {  	v13 =	vld [tilespmem:$0x36B0];
	v5 =	vadd.f32 v63, v61;
	(erf) = vrcp.f32 v59;
	v40 =	vadd.f32 $1.428571490e-01, v22  }
0x14a: {  	v28 =	vld [tilespmem:$0x3630];
	v45 =	vadd.f32 v44, v35;
	v29 =	vadd.f32 v26, v62  }
0x14b: {  	v3 =	vmul.f32 $4.340277810e-04, v3;
	v54 =	vmul.f32 v40, v37;
	v40 =	vshra.s32 v46, $0x17;
	v46 =	vld [tilespmem:$0x25C0]  }
0x14c: {  	v12 =	vadd.f32 v23, v29;
	v23 =	vadd.f32 v47, v45;
	v45 =	vld [tilespmem:$0x2540]  }
0x14d: {  	v22 =	vld [tilespmem:$0x3730];
	v5 =	vmul.f32 v5, v6;
	v35 =	vadd.f32 $1.000000010e-10, v3;
	v6 =	vadd.f32 $2.000000030e-01, v54  }
0x14e: {  	v26 =	vld [tilespmem:$0x27C0];
	v20 =	vadd.f32 v20, v12;
	v58 =	vadd.f32 v49, v23  }
0x14f: {  	v44 =	vsel vm14, $0xFFFFFF82, v0;
	v57 =	vand.u32 $0x7FFFFF, v35;
	v49 =	vld [tilespmem:$0x2640];
	v6 =	vmul.f32 v6, v37  }
0x150: {  	v29 =	vld [tilespmem:$0x2740];
	v59 =	vor.u32 $0x3F800000, v57;
	v17 =	vadd.f32 v17, v20;
	v61 =	vadd.f32 v52, v58  }
0x151: {  	v12 =	vld [tilespmem:$0x38B0];
	v60 =	vmul.f32 $5.000000000e-01, v59;
	v6 =	vadd.f32 $3.333333430e-01, v6;
	v45 =	vadd.f32 v46, v45  }
0x152: {  	v23 =	vld [tilespmem:$0x28C0];
	vm4 =	vgt.f32 v59, $1.414213540e+00;
	v55 =	vpop (erf);
	v14 =	vadd.f32 v14, v17;
	v62 =	vadd.f32 v53, v61  }
0x153: {  	v52 =	vld [tilespmem:$0x26C0];
	v47 =	vmul.f32 v55, v25;
	v55 =	vsel vm4, v60, v59;
	v60 =	vadd.f32 v43, v43  }
0x154: {  	v20 =	vld [tilespmem:$0x3540];
	v6 =	vmul.f32 v6, v37;
	v37 =	vadd.f32 v5, v1;
	v45 =	vadd.f32 v49, v45  }
0x155: {  	v57 =	vadd.s32 v40, v44;
	v46 =	vld [tilespmem:$0x2560];
	v11 =	vadd.f32 v11, v14;
	v53 =	vadd.f32 $1.000000000e+00, v55  }
0x156: {  	v40 =	vcvt.s32.f32 v57;
	v25 =	vld [tilespmem:$0x2840];
	v58 =	vadd.f32 v56, v62;
	v62 =	vadd.f32 v41, v39  }
0x157: {  	v5 =	vld [tilespmem:$0x38C0];
	v57 =	vadd.f32 $-1.000000000e+00, v55;
	v54 =	vmul.f32 v47, v47;
	v6 =	vadd.f32 $1.000000000e+00, v6  }
0x158: {  	v49 =	vld [tilespmem:$0x25E0];
	v9 =	vadd.f32 v9, v11;
	(erf) = vrcp.f32 v53;
	v11 =	vadd.f32 v32, v58  }
0x159: {  	v14 =	vld [tilespmem:$0x3640];
	v47 =	vadd.f32 v47, v47;
	v41 =	vadd.f32 v38, v62;
	v63 =	vmul.f32 $1.111111120e-01, v54  }
0x15a: {  	v39 =	vld [tilespmem:$0x2550];
	v8 =	vadd.f32 v8, v9;
	v30 =	vadd.f32 v30, v11  }
0x15b: {  	v32 =	vld [tilespmem:$0x2850];
	v44 =	vadd.f32 v42, v41;
	v59 =	vadd.f32 $1.428571490e-01, v63  }
0x15c: {  	v56 =	vsel vm15, $0xFFFFFF82, v0;
	v38 =	vld [tilespmem:$0x28D0];
	v7 =	vadd.f32 v7, v8;
	v43 =	vadd.f32 v27, v30  }
0x15d: {  	v53 =	vshra.s32 v34, $0x17;
	v9 =	vld [tilespmem:$0x35C0];
	v30 =	vadd.f32 v48, v44;
	v61 =	vmul.f32 v59, v54  }
0x15e: {  	v6 =	vmul.f32 v6, v60;
	v11 =	vld [tilespmem:$0x36C0];
	v1 =	vmul.f32 $4.340277810e-04, v7;
	v24 =	vadd.f32 v24, v43  }
0x15f: {  	v42 =	vld [tilespmem:$0x25D0];
	v63 =	vmul.f32 $6.931471820e-01, v40;
	v30 =	vadd.f32 v36, v30;
	v40 =	vadd.f32 $2.000000030e-01, v61  }
0x160: {  	v62 =	vadd.s32 v53, v56;
	v8 =	vld [tilespmem:$0x3740];
	v34 =	vadd.f32 $1.000000010e-10, v1;
	v21 =	vadd.f32 v21, v24  }
0x161: {  	v44 =	vld [tilespmem:$0x2750];
	v27 =	vadd.f32 v6, v63;
	v61 =	vadd.f32 v50, v30;
	v17 =	vmul.f32 v40, v54;
	v59 =	vpop (erf)  }
0x162: {  	v6 =	vld [tilespmem:$0x3840];
	v58 =	vand.u32 $0x7FFFFF, v34;
	v40 =	vmul.f32 v59, v57;
	v18 =	vadd.f32 v18, v21  }
0x163: {  	v7 =	vld [tilespmem:$0x37C0];
	v21 =	vadd.f32 v33, v61;
	v57 =	vshra.s32 v35, $0x17;
	v41 =	vor.u32 $0x3F800000, v58  }
0x164: {  	v36 =	vld [tilespmem:$0x2650];
	v17 =	vadd.f32 $3.333333430e-01, v17;
	v60 =	vmul.f32 $5.000000000e-01, v41;
	vm5 =	vgt.f32 v41, $1.414213540e+00  }
0x165: {  	v43 =	vld [tilespmem:$0x26D0];
	v48 =	vmul.f32 v40, v40;
	v15 =	vadd.f32 v15, v18;
	v18 =	vcvt.s32.f32 v62  }
0x166: {  	v50 =	vld [tilespmem:$0x27D0];
	v21 =	vadd.f32 v51, v21;
	v51 =	vmul.f32 v27, v2;
	v41 =	vsel vm5, v60, v41  }
0x167: {  	v30 =	vld [tilespmem:$0x3550];
	v63 =	vmul.f32 $1.111111120e-01, v48;
	v10 =	vadd.f32 v10, v15;
	v24 =	vadd.f32 $1.000000000e+00, v41  }
0x168: {  	v27 =	vld [tilespmem:$0x35D0];
	v17 =	vmul.f32 v17, v54;
	v53 =	vmul.f32 $6.931471820e-01, v18;
	v54 =	vadd.f32 v31, v21  }
0x169: {  	v18 =	vld [tilespmem:$0x3650];
	v33 =	vadd.f32 $1.428571490e-01, v63;
	v2 =	vmul.f32 $4.340277810e-04, v10;
	(erf) = vrcp.f32 v24  }
0x16a: {  	v59 =	vsel vm4, $0xFFFFFF82, v0;
	v37 =	vadd.f32 v51, v37;
	v21 =	vld [tilespmem:$0x3750];
	v56 =	vadd.f32 v28, v54  }
0x16b: {  	v51 =	vld [tilespmem:$0x27E0];
	v17 =	vadd.f32 $1.000000000e+00, v17;
	v55 =	vmul.f32 v33, v48;
	v33 =	vadd.f32 $1.000000010e-10, v2  }
0x16c: {  	v41 =	vadd.f32 $-1.000000000e+00, v41;
	v54 =	vadd.s32 v57, v59;
	v24 =	vld [tilespmem:$0x36D0];
	v60 =	vadd.f32 v13, v56  }
0x16d: {  	v59 =	vadd.f32 v40, v40;
	v15 =	vmul.f32 v17, v47;
	v17 =	vld [tilespmem:$0x37D0];
	v58 =	vand.u32 $0x7FFFFF, v33  }
0x16e: {  	v13 =	vld [tilespmem:$0x38D0];
	v56 =	vadd.f32 v52, v45;
	v22 =	vadd.f32 v22, v60;
	v35 =	vor.u32 $0x3F800000, v58  }
0x16f: {  	v45 =	vld [tilespmem:$0x26E0];
	v10 =	vadd.f32 v15, v53;
	v31 =	vadd.f32 $2.000000030e-01, v55;
	v61 =	vmul.f32 $5.000000000e-01, v35  }
0x170: {  	v52 =	vld [tilespmem:$0x2860];
	v58 =	vadd.f32 v29, v56;
	vm6 =	vgt.f32 v35, $1.414213540e+00;
	v19 =	vadd.f32 v19, v22  }
0x171: {  	v15 =	vld [tilespmem:$0x3850];
	v31 =	vmul.f32 v31, v48;
	v22 =	vcvt.s32.f32 v54;
	v35 =	vsel vm6, v61, v35  }
0x172: {  	v53 =	vld [tilespmem:$0x2660];
	v10 =	vmul.f32 v10, v4;
	v16 =	vadd.f32 v16, v19;
	v63 =	vadd.f32 $1.000000000e+00, v35;
	v62 =	vpop (erf)  }
0x173: {  	v29 =	vld [tilespmem:$0x3560];
	v31 =	vadd.f32 $3.333333430e-01, v31;
	v61 =	vmul.f32 $6.931471820e-01, v22;
	v41 =	vmul.f32 v62, v41  }
0x174: {  	v22 =	vld [tilespmem:$0x3660];
	v12 =	vadd.f32 v12, v16;
	(erf) = vrcp.f32 v63;
	v62 =	vadd.f32 v26, v58  }
0x175: {  	v37 =	vadd.f32 v10, v37;
	v55 =	vmul.f32 v31, v48;
	v48 =	vld [tilespmem:$0x2760];
	v47 =	vmul.f32 v41, v41  }
0x176: {  	v35 =	vadd.f32 $-1.000000000e+00, v35;
	v31 =	vld [tilespmem:$0x28E0];
	v4 =	vmul.f32 $4.340277810e-04, v12;
	v40 =	vadd.f32 v25, v62  }
0x177: {  	v16 =	vld [tilespmem:$0x3760];
	v57 =	vadd.f32 $1.000000000e+00, v55;
	v55 =	vadd.f32 v42, v39;
	v60 =	vmul.f32 $1.111111120e-01, v47  }
0x178: {  	v26 =	vld [tilespmem:$0x35E0];
	v28 =	vadd.f32 $1.000000010e-10, v4;
	v10 =	vadd.f32 v23, v40  }
0x179: {  	v12 =	vld [tilespmem:$0x37E0];
	v19 =	vmul.f32 v57, v59;
	v23 =	vadd.f32 v36, v55;
	v63 =	vadd.f32 $1.428571490e-01, v60  }
0x17a: {  	v40 =	vld [tilespmem:$0x25F0];
	v55 =	vadd.f32 v41, v41;
	v58 =	vand.u32 $0x7FFFFF, v28;
	v20 =	vadd.f32 v20, v10  }
0x17b: {  	v41 =	vld [tilespmem:$0x3570];
	v25 =	vadd.f32 v19, v61;
	v60 =	vor.u32 $0x3F800000, v58;
	v54 =	vmul.f32 v63, v47  }
0x17c: {  	v19 =	vld [tilespmem:$0x36E0];
	v23 =	vadd.f32 v43, v23;
	v61 =	vmul.f32 $5.000000000e-01, v60;
	v20 =	vadd.f32 v9, v20  }
0x17d: {  	v10 =	vld [tilespmem:$0x3860];
	vm7 =	vgt.f32 v60, $1.414213540e+00;
	v3 =	vmul.f32 v25, v3;
	v57 =	vpop (erf);
	v56 =	vadd.f32 $2.000000030e-01, v54  }
0x17e: {  	v43 =	vld [tilespmem:$0x2570];
	v39 =	vsel vm7, v61, v60;
	v35 =	vmul.f32 v57, v35;
	v14 =	vadd.f32 v14, v20  }
0x17f: {  	v25 =	vld [tilespmem:$0x3900];
	v62 =	vadd.f32 v44, v23;
	v58 =	vadd.f32 $1.000000000e+00, v39;
	v59 =	vmul.f32 v56, v47  }
0x180: {  	v34 =	vshra.s32 v34, $0x17;
	v9 =	vld [tilespmem:$0x38E0];
	v42 =	vmul.f32 v35, v35;
	v11 =	vadd.f32 v11, v14  }
0x181: {  	v44 =	vld [tilespmem:$0x27F0];
	v60 =	vadd.f32 v50, v62;
	(erf) = vrcp.f32 v58;
	v36 =	vadd.f32 $3.333333430e-01, v59  }
0x182: {  	v50 =	vld [tilespmem:$0x26F0];
	v57 =	vmul.f32 $1.111111120e-01, v42;
	v59 =	vsel vm5, $0xFFFFFF82, v0;
	v8 =	vadd.f32 v8, v11  }
0x183: {  	v46 =	vadd.f32 v49, v46;
	v34 =	vadd.s32 v34, v59;
	v63 =	vmul.f32 v36, v47;
	v47 =	vld [tilespmem:$0x2670]  }
0x184: {  	v62 =	vadd.f32 $1.428571490e-01, v57;
	v36 =	vld [tilespmem:$0x2770];
	v54 =	vcvt.s32.f32 v34;
	v7 =	vadd.f32 v7, v8  }
0x185: {  	v34 =	vld [tilespmem:$0x2870];
	v61 =	vadd.f32 $1.000000000e+00, v63;
	v63 =	vadd.f32 v32, v60  }
0x186: {  	v37 =	vadd.f32 v3, v37;
	v23 =	vmul.f32 v62, v42;
	v57 =	vmul.f32 $6.931471820e-01, v54;
	v54 =	vld [tilespmem:$0x35F0]  }
0x187: {  	v6 =	vadd.f32 v6, v7;
	v32 =	vld [tilespmem:$0x3770];
	v56 =	vadd.f32 v38, v63  }
0x188: {  	v39 =	vadd.f32 $-1.000000000e+00, v39;
	v7 =	vld [tilespmem:$0x37F0];
	v58 =	vmul.f32 v61, v55;
	v59 =	vadd.f32 $2.000000030e-01, v23  }
0x189: {  	v38 =	vld [tilespmem:$0x28F0];
	v5 =	vadd.f32 v5, v6;
	v63 =	vshra.s32 v33, $0x17;
	v60 =	vadd.f32 v30, v56  }
0x18a: {  	v55 =	vld [tilespmem:$0x3670];
	v8 =	vadd.f32 v58, v57;
	v61 =	vmul.f32 v59, v42;
	v59 =	vsel vm6, $0xFFFFFF82, v0  }
0x18b: {  	v23 =	vld [tilespmem:$0x38F0];
	v57 =	vpop (erf);
	v3 =	vmul.f32 $4.340277810e-04, v5;
	v6 =	vadd.s32 v63, v59;
	v59 =	vadd.f32 v35, v35  }
0x18c: {  	v56 =	vld [tilespmem:$0x36F0];
	v33 =	vmul.f32 v57, v39;
	v62 =	vadd.f32 v27, v60;
	v49 =	vadd.f32 $3.333333430e-01, v61  }
0x18d: {  	v30 =	vld [tilespmem:$0x2C00];
	v60 =	vadd.f32 v53, v46;
	v6 =	vcvt.s32.f32 v6;
	v1 =	vmul.f32 v8, v1  }
0x18e: {  	v27 =	vld [tilespmem:$0x3870];
	v39 =	vmul.f32 v33, v33;
	v58 =	vadd.f32 v18, v62;
	v61 =	vmul.f32 v49, v42  }
0x18f: {  	v46 =	vld [tilespmem:$0x2A00];
	v18 =	vadd.f32 $1.000000010e-10, v3;
	v62 =	vadd.f32 v45, v60;
	v6 =	vmul.f32 $6.931471820e-01, v6  }
0x190: {  	v8 =	vld [tilespmem:$0x3C00];
	v1 =	vadd.f32 v1, v37;
	v53 =	vmul.f32 $1.111111120e-01, v39;
	v5 =	vadd.f32 v24, v58  }
0x191: {  	v42 =	vld [tilespmem:$0x2900];
	v63 =	vadd.f32 $1.000000000e+00, v61;
	v49 =	vand.u32 $0x7FFFFF, v18;
	v11 =	vadd.f32 v48, v62  }
0x192: {  	v45 =	vld [tilespmem:$0x2980];
	v62 =	vadd.f32 v40, v43;
	v20 =	vor.u32 $0x3F800000, v49;
	v58 =	vadd.f32 $1.428571490e-01, v53  }
0x193: {  	v37 =	vld [tilespmem:$0x2C10];
	v5 =	vadd.f32 v21, v5;
	v57 =	vmul.f32 $5.000000000e-01, v20;
	v11 =	vadd.f32 v51, v11  }
0x194: {  	v48 =	vld [tilespmem:$0x2A80];
	vm8 =	vgt.f32 v20, $1.414213540e+00;
	v14 =	vmul.f32 v63, v59;
	v63 =	vadd.f32 v47, v62  }
0x195: {  	v24 =	vld [tilespmem:$0x2C80];
	v60 =	vmul.f32 v58, v39;
	v5 =	vadd.f32 v17, v5;
	v11 =	vadd.f32 v52, v11  }
0x196: {  	v49 =	vld [tilespmem:$0x2B00];
	v35 =	vsel vm8, v57, v20;
	v21 =	vadd.f32 v14, v6;
	v47 =	vadd.f32 v50, v63  }
0x197: {  	v51 =	vld [tilespmem:$0x2B80];
	v61 =	vadd.f32 $1.000000000e+00, v35;
	v62 =	vadd.f32 $-1.000000000e+00, v35  }
0x198: {  	v20 =	vld [tilespmem:$0x3A00];
	v5 =	vadd.f32 v15, v5;
	v15 =	vadd.f32 $2.000000030e-01, v60  }
0x199: {  	v17 =	vld [tilespmem:$0x3A80];
	v50 =	vshra.s32 v28, $0x17;
	v11 =	vadd.f32 v31, v11;
	v57 =	vadd.f32 v36, v47  }
0x19a: {  	v14 =	vld [tilespmem:$0x3B00];
	(erf) = vrcp.f32 v61;
	v5 =	vadd.f32 v13, v5;
	v31 =	vmul.f32 v15, v39  }
0x19b: {  	v52 =	vsel vm7, $0xFFFFFF82, v0;
	v36 =	vld [tilespmem:$0x2910];
	v11 =	vadd.f32 v29, v11;
	v60 =	vadd.f32 v44, v57  }
0x19c: {  	v2 =	vmul.f32 v21, v2;
	v21 =	vld [tilespmem:$0x3A10];
	v5 =	vmul.f32 $4.340277810e-04, v5;
	v6 =	vadd.f32 $3.333333430e-01, v31  }
0x19d: {  	v15 =	vadd.s32 v50, v52;
	v26 =	vadd.f32 v26, v11;
	v63 =	vadd.f32 v34, v60;
	v34 =	vld [tilespmem:$0x2990]  }
0x19e: {  	v13 =	vld [tilespmem:$0x3980];
	v44 =	vadd.f32 v33, v33;
	v15 =	vcvt.s32.f32 v15;
	v40 =	vadd.f32 $1.000000010e-10, v5  }
0x19f: {  	v33 =	vld [tilespmem:$0x2A90];
	v1 =	vadd.f32 v2, v1;
	v58 =	vmul.f32 v6, v39;
	v22 =	vadd.f32 v22, v26  }
0x1a0: {  	v2 =	vld [tilespmem:$0x3910];
	v15 =	vmul.f32 $6.931471820e-01, v15;
	v26 =	vadd.f32 v38, v63;
	v53 =	vand.u32 $0x7FFFFF, v40  }
0x1a1: {  	v39 =	vld [tilespmem:$0x2A10];
	v61 =	vadd.f32 $1.000000000e+00, v58;
	v19 =	vadd.f32 v19, v22;
	v29 =	vor.u32 $0x3F800000, v53  }
0x1a2: {  	v11 =	vld [tilespmem:$0x3B80];
	v50 =	vadd.f32 v41, v26;
	v34 =	vadd.f32 v34, v36;
	v59 =	vmul.f32 $5.000000000e-01, v29  }
0x1a3: {  	v6 =	vld [tilespmem:$0x3C80];
	vm9 =	vgt.f32 v29, $1.414213540e+00;
	v43 =	vpop (erf);
	v16 =	vadd.f32 v16, v19;
	v47 =	vmul.f32 v61, v44  }
0x1a4: {  	v38 =	vld [tilespmem:$0x2B10];
	v57 =	vadd.f32 v54, v50;
	v22 =	vmul.f32 v43, v62;
	v35 =	vsel vm9, v59, v29  }
0x1a5: {  	v41 =	vld [tilespmem:$0x2B90];
	v12 =	vadd.f32 v12, v16;
	v29 =	vadd.f32 $1.000000000e+00, v35  }
0x1a6: {  	v26 =	vld [tilespmem:$0x3990];
	v34 =	vadd.f32 v39, v34;
	v52 =	vadd.f32 v47, v15;
	v28 =	vmul.f32 v22, v22  }
0x1a7: {  	v19 =	vld [tilespmem:$0x3A90];
	v60 =	vadd.f32 v55, v57;
	v10 =	vadd.f32 v10, v12;
	(erf) = vrcp.f32 v29  }
0x1a8: {  	v39 =	vld [tilespmem:$0x2BB0];
	v63 =	vadd.f32 $-1.000000000e+00, v35;
	v22 =	vadd.f32 v22, v22;
	v53 =	vmul.f32 $1.111111120e-01, v28  }
0x1a9: {  	v15 =	vld [tilespmem:$0x3B10];
	v33 =	vadd.f32 v33, v34;
	v9 =	vadd.f32 v9, v10  }
0x1aa: {  	v34 =	vld [tilespmem:$0x29B0];
	v58 =	vmul.f32 v52, v4;
	v52 =	vadd.f32 v45, v42;
	v59 =	vadd.f32 $1.428571490e-01, v53  }
0x1ab: {  	v62 =	vadd.f32 v56, v60;
	v12 =	vld [tilespmem:$0x3B90];
	v33 =	vadd.f32 v38, v33;
	v4 =	vmul.f32 $4.340277810e-04, v9  }
0x1ac: {  	v45 =	vld [tilespmem:$0x2920];
	v43 =	vadd.f32 v58, v1;
	v16 =	vadd.f32 v46, v52;
	v61 =	vmul.f32 v59, v28  }
0x1ad: {  	v29 =	vld [tilespmem:$0x2C90];
	v47 =	vadd.f32 v32, v62;
	v35 =	vadd.f32 $1.000000010e-10, v4  }
0x1ae: {  	v18 =	vshra.s32 v18, $0x17;
	v38 =	vld [tilespmem:$0x2AB0];
	v16 =	vadd.f32 v48, v16;
	v1 =	vadd.f32 $2.000000030e-01, v61  }
0x1af: {  	v46 =	vld [tilespmem:$0x29A0];
	v58 =	vsel vm8, $0xFFFFFF82, v0;
	v31 =	vadd.f32 v7, v47;
	v50 =	vand.u32 $0x7FFFFF, v35  }
0x1b0: {  	v9 =	vld [tilespmem:$0x3C10];
	v16 =	vadd.f32 v49, v16;
	v1 =	vmul.f32 v1, v28;
	v10 =	vor.u32 $0x3F800000, v50;
	v44 =	vpop (erf)  }
0x1b1: {  	v7 =	vld [tilespmem:$0x3C90];
	v27 =	vadd.f32 v27, v31;
	v53 =	vmul.f32 $5.000000000e-01, v10;
	v32 =	vmul.f32 v44, v63  }
0x1b2: {  	v48 =	vld [tilespmem:$0x2AA0];
	v16 =	vadd.f32 v51, v16;
	vm10 =	vgt.f32 v10, $1.414213540e+00;
	v1 =	vadd.f32 $3.333333430e-01, v1  }
0x1b3: {  	v47 =	vld [tilespmem:$0x2BA0];
	v23 =	vadd.f32 v23, v27;
	v10 =	vsel vm10, v53, v10;
	v42 =	vmul.f32 v32, v32  }
0x1b4: {  	v49 =	vld [tilespmem:$0x2B20];
	v16 =	vadd.f32 v30, v16;
	v55 =	vadd.f32 $1.000000000e+00, v10;
	v56 =	vmul.f32 v1, v28  }
0x1b5: {  	v18 =	vadd.s32 v18, v58;
	v31 =	vld [tilespmem:$0x2CA0];
	v1 =	vmul.f32 $4.340277810e-04, v23;
	v54 =	vmul.f32 $1.111111120e-01, v42  }
0x1b6: {  	v50 =	vld [tilespmem:$0x2C20];
	v30 =	vcvt.s32.f32 v18;
	v16 =	vadd.f32 v24, v16;
	(erf) = vrcp.f32 v55  }
0x1b7: {  	v40 =	vshra.s32 v40, $0x17;
	v18 =	vld [tilespmem:$0x3B20];
	v23 =	vadd.f32 $1.000000010e-10, v1;
	v57 =	vadd.f32 $1.428571490e-01, v54  }
0x1b8: {  	v62 =	vsel vm9, $0xFFFFFF82, v0;
	v44 =	vld [tilespmem:$0x2A20];
	v30 =	vmul.f32 $6.931471820e-01, v30;
	v25 =	vadd.f32 v25, v16  }
0x1b9: {  	v24 =	vld [tilespmem:$0x3A20];
	v27 =	vadd.f32 $1.000000000e+00, v56;
	v60 =	vand.u32 $0x7FFFFF, v23;
	v28 =	vmul.f32 v57, v42  }
0x1ba: {  	v10 =	vadd.f32 $-1.000000000e+00, v10;
	v16 =	vld [tilespmem:$0x3BA0];
	v25 =	vadd.f32 v13, v25;
	v61 =	vor.u32 $0x3F800000, v60  }
0x1bb: {  	v13 =	vld [tilespmem:$0x3C20];
	v52 =	vmul.f32 v27, v22;
	v63 =	vmul.f32 $5.000000000e-01, v61;
	v59 =	vadd.f32 $2.000000030e-01, v28  }
0x1bc: {  	v27 =	vld [tilespmem:$0x39A0];
	v20 =	vadd.f32 v20, v25;
	vm11 =	vgt.f32 v61, $1.414213540e+00;
	v57 =	vadd.s32 v40, v62  }
0x1bd: {  	v22 =	vld [tilespmem:$0x3AA0];
	v30 =	vadd.f32 v52, v30;
	v53 =	vsel vm11, v63, v61;
	v51 =	vmul.f32 v59, v42  }
0x1be: {  	v25 =	vld [tilespmem:$0x2930];
	v36 =	vcvt.s32.f32 v57;
	v17 =	vadd.f32 v17, v20;
	v59 =	vadd.f32 $1.000000000e+00, v53  }
0x1bf: {  	v20 =	vld [tilespmem:$0x2A30];
	v57 =	vadd.f32 v46, v45;
	v3 =	vmul.f32 v30, v3;
	v58 =	vpop (erf);
	v51 =	vadd.f32 $3.333333430e-01, v51  }
0x1c0: {  	v45 =	vld [tilespmem:$0x2940];
	v14 =	vadd.f32 v14, v17;
	v40 =	vmul.f32 v58, v10;
	(erf) = vrcp.f32 v59  }
0x1c1: {  	v33 =	vadd.f32 v41, v33;
	v32 =	vadd.f32 v32, v32;
	v28 =	vld [tilespmem:$0x3920];
	v42 =	vmul.f32 v51, v42  }
0x1c2: {  	v30 =	vld [tilespmem:$0x39B0];
	v3 =	vadd.f32 v3, v43;
	v11 =	vadd.f32 v11, v14;
	v61 =	vmul.f32 v40, v40  }
0x1c3: {  	v17 =	vld [tilespmem:$0x2B30];
	v43 =	vadd.f32 v37, v33;
	v60 =	vadd.f32 $1.000000000e+00, v42  }
0x1c4: {  	v36 =	vmul.f32 $6.931471820e-01, v36;
	v33 =	vld [tilespmem:$0x2CB0];
	v8 =	vadd.f32 v8, v11;
	v62 =	vmul.f32 $1.111111120e-01, v61  }
0x1c5: {  	v37 =	vld [tilespmem:$0x3B30];
	v29 =	vadd.f32 v29, v43;
	v51 =	vadd.f32 $-1.000000000e+00, v53;
	v32 =	vmul.f32 v60, v32  }
0x1c6: {  	v10 =	vld [tilespmem:$0x3CA0];
	v53 =	vadd.f32 v6, v8;
	v63 =	vadd.f32 $1.428571490e-01, v62  }
0x1c7: {  	v11 =	vld [tilespmem:$0x3930];
	v32 =	vadd.f32 v32, v36  }
0x1c8: {  	v56 =	vadd.f32 v2, v29;
	v29 =	vld [tilespmem:$0x3AB0];
	v2 =	vmul.f32 $4.340277810e-04, v53;
	v41 =	vmul.f32 v63, v61  }
0x1c9: {  	v54 =	vshra.s32 v35, $0x17;
	v40 =	vadd.f32 v40, v40;
	v8 =	vld [tilespmem:$0x3A30];
	v52 =	vpop (erf);
	v5 =	vmul.f32 v32, v5  }
0x1ca: {  	v46 =	vadd.f32 $1.000000010e-10, v2;
	v36 =	vld [tilespmem:$0x2C30];
	v14 =	vadd.f32 $2.000000030e-01, v41;
	v32 =	vmul.f32 v52, v51  }
0x1cb: {  	v58 =	vsel vm10, $0xFFFFFF82, v0;
	v52 =	vadd.f32 v34, v25;
	v25 =	vld [tilespmem:$0x2BC0];
	v41 =	vadd.f32 v5, v3  }
0x1cc: {  	v34 =	vld [tilespmem:$0x39C0];
	v55 =	vmul.f32 v14, v61;
	v35 =	vmul.f32 v32, v32;
	v14 =	vadd.f32 v26, v56  }
0x1cd: {  	v26 =	vld [tilespmem:$0x3BB0];
	v3 =	vadd.f32 v44, v57;
	v5 =	vadd.s32 v54, v58;
	v54 =	vadd.f32 v20, v52  }
0x1ce: {  	v44 =	vld [tilespmem:$0x3C30];
	v32 =	vadd.f32 v32, v32;
	v5 =	vcvt.s32.f32 v5;
	v6 =	vadd.f32 $3.333333430e-01, v55  }
0x1cf: {  	v14 =	vadd.f32 v21, v14;
	v3 =	vadd.f32 v48, v3;
	v48 =	vld [tilespmem:$0x29C0]  }
0x1d0: {  	v59 =	vmul.f32 $1.111111120e-01, v35;
	v56 =	vadd.f32 v38, v54;
	v38 =	vld [tilespmem:$0x2A50];
	v5 =	vmul.f32 $6.931471820e-01, v5  }
0x1d1: {  	v42 =	vmul.f32 v6, v61;
	v6 =	vld [tilespmem:$0x3CB0];
	v61 =	vand.u32 $0x7FFFFF, v46;
	v14 =	vadd.f32 v19, v14  }
0x1d2: {  	v60 =	vadd.f32 $1.428571490e-01, v59;
	v3 =	vadd.f32 v49, v3;
	v49 =	vld [tilespmem:$0x2A40];
	v43 =	vor.u32 $0x3F800000, v61  }
0x1d3: {  	v61 =	vsel vm11, $0xFFFFFF82, v0;
	v42 =	vadd.f32 $1.000000000e+00, v42;
	v14 =	vadd.f32 v15, v14;
	v15 =	vld [tilespmem:$0x2AC0]  }
0x1d4: {  	v62 =	vmul.f32 v60, v35;
	v63 =	vmul.f32 $5.000000000e-01, v43;
	v3 =	vadd.f32 v47, v3;
	v47 =	vld [tilespmem:$0x2C40]  }
0x1d5: {  	vm12 =	vgt.f32 v43, $1.414213540e+00;
	v60 =	vshra.s32 v23, $0x17;
	v23 =	vld [tilespmem:$0x2950];
	v12 =	vadd.f32 v12, v14  }
0x1d6: {  	v21 =	vsel vm12, v63, v43;
	v19 =	vadd.f32 $2.000000030e-01, v62;
	v43 =	vld [tilespmem:$0x2B40];
	v3 =	vadd.f32 v50, v3  }
0x1d7: {  	v50 =	vld [tilespmem:$0x2CC0];
	v55 =	vmul.f32 v42, v40;
	v53 =	vadd.f32 $1.000000000e+00, v21;
	v9 =	vadd.f32 v9, v12  }
0x1d8: {  	v20 =	vadd.s32 v60, v61;
	v14 =	vld [tilespmem:$0x3C40];
	v19 =	vmul.f32 v19, v35;
	v3 =	vadd.f32 v31, v3  }
0x1d9: {  	v31 =	vld [tilespmem:$0x3940];
	v57 =	vadd.f32 v55, v5;
	(erf) = vrcp.f32 v53;
	v7 =	vadd.f32 v7, v9  }
0x1da: {  	v20 =	vcvt.s32.f32 v20;
	v5 =	vld [tilespmem:$0x3B40];
	v58 =	vadd.f32 v28, v3;
	v9 =	vadd.f32 v17, v56  }
0x1db: {  	v21 =	vadd.f32 $-1.000000000e+00, v21;
	v12 =	vld [tilespmem:$0x3CC0];
	v59 =	vadd.f32 $3.333333430e-01, v19;
	v3 =	vmul.f32 $4.340277810e-04, v7  }
0x1dc: {  	v28 =	vld [tilespmem:$0x3A40];
	v4 =	vmul.f32 v57, v4;
	v27 =	vadd.f32 v27, v58;
	v9 =	vadd.f32 v39, v9  }
0x1dd: {  	v19 =	vld [tilespmem:$0x3BC0];
	v57 =	vadd.f32 v48, v45;
	v35 =	vmul.f32 v59, v35;
	v17 =	vadd.f32 $1.000000010e-10, v3  }
0x1de: {  	v45 =	vld [tilespmem:$0x2A60];
	v62 =	vadd.f32 v24, v27;
	v9 =	vadd.f32 v36, v9  }
0x1df: {  	v20 =	vmul.f32 $6.931471820e-01, v20;
	v48 =	vld [tilespmem:$0x2BE0];
	v4 =	vadd.f32 v4, v41;
	v63 =	vadd.f32 $1.000000000e+00, v35  }
0x1e0: {  	v7 =	vld [tilespmem:$0x3AC0];
	v42 =	vand.u32 $0x7FFFFF, v17;
	v22 =	vadd.f32 v22, v62;
	v9 =	vadd.f32 v33, v9  }
0x1e1: {  	v39 =	vld [tilespmem:$0x3950];
	v60 =	vadd.f32 v49, v57;
	v27 =	vor.u32 $0x3F800000, v42;
	v42 =	vmul.f32 v63, v32  }
0x1e2: {  	v35 =	vld [tilespmem:$0x2CD0];
	v51 =	vmul.f32 $5.000000000e-01, v27;
	v52 =	vpop (erf);
	v18 =	vadd.f32 v18, v22;
	v9 =	vadd.f32 v11, v9  }
0x1e3: {  	v24 =	vld [tilespmem:$0x2AE0];
	vm13 =	vgt.f32 v27, $1.414213540e+00;
	v36 =	vmul.f32 v52, v21;
	v54 =	vadd.f32 v42, v20  }
0x1e4: {  	v33 =	vld [tilespmem:$0x29D0];
	v53 =	vsel vm13, v51, v27;
	v16 =	vadd.f32 v16, v18;
	v9 =	vadd.f32 v30, v9  }
0x1e5: {  	v32 =	vld [tilespmem:$0x2C50];
	v40 =	vadd.f32 $1.000000000e+00, v53;
	v51 =	vmul.f32 v36, v36;
	v52 =	vadd.f32 $-1.000000000e+00, v53  }
0x1e6: {  	v63 =	vshra.s32 v46, $0x17;
	v46 =	vld [tilespmem:$0x2B60];
	v13 =	vadd.f32 v13, v16;
	v8 =	vadd.f32 v8, v9  }
0x1e7: {  	v11 =	vld [tilespmem:$0x2AD0];
	v9 =	vadd.f32 v15, v60;
	(erf) = vrcp.f32 v40;
	v55 =	vmul.f32 $1.111111120e-01, v51  }
0x1e8: {  	v22 =	vld [tilespmem:$0x3B50];
	v56 =	vadd.f32 v10, v13;
	v8 =	vadd.f32 v29, v8  }
0x1e9: {  	v20 =	vld [tilespmem:$0x3BD0];
	v58 =	vmul.f32 v54, v1;
	v9 =	vadd.f32 v43, v9;
	v59 =	vadd.f32 $1.428571490e-01, v55  }
0x1ea: {  	v21 =	vld [tilespmem:$0x3960];
	v33 =	vadd.f32 v33, v23;
	v1 =	vmul.f32 $4.340277810e-04, v56;
	v62 =	vadd.f32 v37, v8  }
0x1eb: {  	v27 =	vld [tilespmem:$0x2B50];
	v41 =	vadd.f32 v58, v4;
	v9 =	vadd.f32 v25, v9;
	v61 =	vmul.f32 v59, v51  }
0x1ec: {  	v30 =	vld [tilespmem:$0x2BD0];
	v8 =	vadd.f32 $1.000000010e-10, v1;
	v10 =	vadd.f32 v26, v62  }
0x1ed: {  	v57 =	vsel vm12, $0xFFFFFF82, v0;
	v23 =	vld [tilespmem:$0x2CE0];
	v9 =	vadd.f32 v47, v9;
	v4 =	vadd.f32 $2.000000030e-01, v61  }
0x1ee: {  	v15 =	vld [tilespmem:$0x3C50];
	v33 =	vadd.f32 v38, v33;
	v53 =	vand.u32 $0x7FFFFF, v8;
	v26 =	vadd.f32 v44, v10  }
0x1ef: {  	v16 =	vld [tilespmem:$0x39E0];
	v9 =	vadd.f32 v50, v9;
	v4 =	vmul.f32 v4, v51;
	v18 =	vor.u32 $0x3F800000, v53  }
0x1f0: {  	v40 =	vld [tilespmem:$0x3A50];
	v53 =	vadd.f32 v11, v33;
	v54 =	vpop (erf);
	v55 =	vmul.f32 $5.000000000e-01, v18;
	v6 =	vadd.f32 v6, v26  }
0x1f1: {  	v38 =	vld [tilespmem:$0x2BF0];
	v9 =	vadd.f32 v31, v9;
	v42 =	vmul.f32 v54, v52;
	v4 =	vadd.f32 $3.333333430e-01, v4  }
0x1f2: {  	v25 =	vld [tilespmem:$0x2960];
	vm14 =	vgt.f32 v18, $1.414213540e+00;
	v52 =	vadd.f32 v36, v36;
	v27 =	vadd.f32 v27, v53  }
0x1f3: {  	v26 =	vld [tilespmem:$0x29E0];
	v44 =	vsel vm14, v55, v18;
	v9 =	vadd.f32 v34, v9;
	v43 =	vmul.f32 v42, v42  }
0x1f4: {  	v29 =	vld [tilespmem:$0x39D0];
	v56 =	vmul.f32 v4, v51;
	v18 =	vadd.f32 $1.000000000e+00, v44;
	v4 =	vmul.f32 $4.340277810e-04, v6  }
0x1f5: {  	v37 =	vld [tilespmem:$0x3AD0];
	v6 =	vadd.s32 v63, v57;
	v44 =	vadd.f32 $-1.000000000e+00, v44;
	v27 =	vadd.f32 v30, v27  }
0x1f6: {  	v10 =	vld [tilespmem:$0x3CD0];
	v6 =	vcvt.s32.f32 v6;
	v9 =	vadd.f32 v28, v9;
	v58 =	vmul.f32 $1.111111120e-01, v43  }
0x1f7: {  	v11 =	vld [tilespmem:$0x3AE0];
	v59 =	vadd.f32 $1.000000000e+00, v56;
	(erf) = vrcp.f32 v18;
	v18 =	vadd.f32 $1.000000010e-10, v4  }
0x1f8: {  	v17 =	vshra.s32 v17, $0x17;
	v31 =	vld [tilespmem:$0x2C60];
	v27 =	vadd.f32 v32, v27;
	v25 =	vadd.f32 v26, v25  }
0x1f9: {  	v63 =	vmul.f32 $6.931471820e-01, v6;
	v60 =	vadd.f32 $1.428571490e-01, v58;
	v61 =	vand.u32 $0x7FFFFF, v18  }
0x1fa: {  	v26 =	vld [tilespmem:$0x3B70];
	v28 =	vmul.f32 v59, v52;
	v27 =	vadd.f32 v35, v27;
	v62 =	vor.u32 $0x3F800000, v61  }
0x1fb: {  	v56 =	vadd.f32 v7, v9;
	v9 =	vld [tilespmem:$0x3B60];
	v13 =	vmul.f32 v60, v43;
	v50 =	vmul.f32 $5.000000000e-01, v62  }
0x1fc: {  	v7 =	vld [tilespmem:$0x3BE0];
	v25 =	vadd.f32 v45, v25;
	vm15 =	vgt.f32 v62, $1.414213540e+00;
	v27 =	vadd.f32 v39, v27  }
0x1fd: {  	v6 =	vld [tilespmem:$0x3C60];
	v58 =	vadd.f32 v5, v56;
	v51 =	vadd.f32 $2.000000030e-01, v13;
	v36 =	vsel vm15, v50, v62  }
0x1fe: {  	v8 =	vshra.s32 v8, $0x17;
	v35 =	vld [tilespmem:$0x2AF0];
	v27 =	vadd.f32 v29, v27;
	v55 =	vadd.f32 $1.000000000e+00, v36  }
0x1ff: {  	v45 =	vld [tilespmem:$0x3C70];
	v28 =	vadd.f32 v28, v63;
	v60 =	vsel vm13, $0xFFFFFF82, v0;
	v19 =	vadd.f32 v19, v58  }
0x200: {  	v5 =	vld [tilespmem:$0x3CE0];
	v54 =	vmul.f32 v51, v43;
	v27 =	vadd.f32 v40, v27;
	v57 =	vpop (erf);
	(erf) = vrcp.f32 v55  }
0x201: {  	v63 =	vld [tilespmem:$0x2A70];
	v17 =	vadd.s32 v17, v60;
	v14 =	vadd.f32 v14, v19;
	v34 =	vmul.f32 v57, v44  }
0x202: {  	v39 =	vld [tilespmem:$0x2C70];
	v17 =	vcvt.s32.f32 v17;
	v33 =	vadd.f32 $3.333333430e-01, v54;
	v27 =	vadd.f32 v37, v27  }
0x203: {  	v62 =	vld [tilespmem:$0x29F0];
	v28 =	vmul.f32 v28, v2;
	v36 =	vadd.f32 $-1.000000000e+00, v36;
	v61 =	vmul.f32 v34, v34  }
0x204: {  	v12 =	vadd.f32 v12, v14;
	v59 =	vmul.f32 v33, v43;
	v33 =	vld [tilespmem:$0x2970];
	v22 =	vadd.f32 v22, v27  }
0x205: {  	v13 =	vld [tilespmem:$0x3A60];
	v51 =	vadd.f32 v42, v42;
	v28 =	vadd.f32 v28, v41;
	v50 =	vmul.f32 $1.111111120e-01, v61  }
0x206: {  	v29 =	vld [tilespmem:$0x2CF0];
	v2 =	vmul.f32 $4.340277810e-04, v12;
	v30 =	vadd.f32 $1.000000000e+00, v59;
	v20 =	vadd.f32 v20, v22  }
0x207: {  	v19 =	vld [tilespmem:$0x2F80];
	v52 =	vmul.f32 $6.931471820e-01, v17;
	v34 =	vadd.f32 v34, v34;
	v53 =	vadd.f32 $1.428571490e-01, v50  }
0x208: {  	v42 =	vld [tilespmem:$0x2B70];
	v12 =	vadd.f32 $1.000000010e-10, v2;
	v30 =	vmul.f32 v30, v51;
	v15 =	vadd.f32 v15, v20  }
0x209: {  	v40 =	vld [tilespmem:$0x39F0];
	v59 =	vadd.f32 v24, v25;
	v32 =	vadd.f32 v62, v33;
	v17 =	vmul.f32 v53, v61;
	v54 =	vpop (erf)  }
0x20a: {  	v44 =	vld [tilespmem:$0x3A70];
	v14 =	vadd.f32 v30, v52;
	v10 =	vadd.f32 v10, v15;
	v30 =	vmul.f32 v54, v36  }
0x20b: {  	v37 =	vld [tilespmem:$0x3AF0];
	v55 =	vand.u32 $0x7FFFFF, v12;
	v62 =	vadd.f32 v63, v32;
	v17 =	vadd.f32 $2.000000030e-01, v17  }
0x20c: {  	v27 =	vld [tilespmem:$0x3BF0];
	v3 =	vmul.f32 v14, v3;
	v14 =	vor.u32 $0x3F800000, v55;
	v41 =	vmul.f32 v30, v30  }
0x20d: {  	v43 =	vld [tilespmem:$0x2E00];
	v53 =	vshra.s32 v18, $0x17;
	v57 =	vmul.f32 $5.000000000e-01, v14;
	v17 =	vmul.f32 v17, v61  }
0x20e: {  	v22 =	vld [tilespmem:$0x3CF0];
	v55 =	vsel vm15, $0xFFFFFF82, v0;
	vm4 =	vgt.f32 v14, $1.414213540e+00;
	v52 =	vadd.f32 v35, v62  }
0x20f: {  	v24 =	vld [tilespmem:$0x2D00];
	v56 =	vmul.f32 $1.111111120e-01, v41;
	v14 =	vsel vm4, v57, v14;
	v17 =	vadd.f32 $3.333333430e-01, v17  }
0x210: {  	v20 =	vld [tilespmem:$0x2D80];
	v35 =	vadd.s32 v53, v55;
	v30 =	vadd.f32 v30, v30;
	v49 =	vadd.f32 $1.000000000e+00, v14  }
0x211: {  	v33 =	vld [tilespmem:$0x2E80];
	v47 =	vadd.f32 $1.428571490e-01, v56;
	v58 =	vmul.f32 v17, v61;
	v17 =	vadd.f32 v46, v59  }
0x212: {  	v15 =	vld [tilespmem:$0x3F80];
	v28 =	vadd.f32 v3, v28;
	v35 =	vcvt.s32.f32 v35;
	(erf) = vrcp.f32 v49  }
0x213: {  	v36 =	vld [tilespmem:$0x3970];
	v61 =	vsel vm14, $0xFFFFFF82, v0;
	v60 =	vmul.f32 v47, v41;
	v17 =	vadd.f32 v48, v17  }
0x214: {  	v32 =	vld [tilespmem:$0x2D10];
	v54 =	vadd.f32 $-1.000000000e+00, v14;
	v8 =	vadd.s32 v8, v61;
	v3 =	vadd.f32 $1.000000000e+00, v58  }
0x215: {  	v46 =	vld [tilespmem:$0x2F00];
	v63 =	vcvt.s32.f32 v8;
	v25 =	vadd.f32 $2.000000030e-01, v60;
	v51 =	vadd.f32 v31, v17  }
0x216: {  	v34 =	vmul.f32 v3, v34;
	v17 =	vld [tilespmem:$0x3000];
	v3 =	vmul.f32 $4.340277810e-04, v10;
	v10 =	vadd.f32 v42, v52  }
0x217: {  	v31 =	vld [tilespmem:$0x3080];
	v52 =	vadd.f32 v20, v24;
	v25 =	vmul.f32 v25, v41;
	v8 =	vadd.f32 v23, v51  }
0x218: {  	v42 =	vld [tilespmem:$0x3D80];
	v14 =	vadd.f32 $1.000000010e-10, v3;
	v10 =	vadd.f32 v38, v10  }
0x219: {  	v35 =	vmul.f32 $6.931471820e-01, v35;
	v20 =	vld [tilespmem:$0x3010];
	v53 =	vadd.f32 v43, v52;
	v25 =	vadd.f32 $3.333333430e-01, v25  }
0x21a: {  	v63 =	vmul.f32 $6.931471820e-01, v63;
	v24 =	vld [tilespmem:$0x3090];
	v8 =	vadd.f32 v21, v8;
	v58 =	vand.u32 $0x7FFFFF, v14  }
0x21b: {  	v23 =	vld [tilespmem:$0x3D00];
	v10 =	vadd.f32 v39, v10;
	v55 =	vadd.f32 v33, v53;
	v56 =	vmul.f32 v25, v41;
	v57 =	vpop (erf)  }
0x21c: {  	v38 =	vld [tilespmem:$0x3E80];
	v25 =	vor.u32 $0x3F800000, v58;
	v18 =	vmul.f32 v57, v54;
	v8 =	vadd.f32 v16, v8  }
0x21d: {  	v21 =	vld [tilespmem:$0x3E00];
	v60 =	vmul.f32 $5.000000000e-01, v25;
	vm5 =	vgt.f32 v25, $1.414213540e+00;
	v10 =	vadd.f32 v29, v10  }
0x21e: {  	v39 =	vld [tilespmem:$0x2E90];
	v29 =	vadd.f32 v34, v63;
	v41 =	vadd.f32 $1.000000000e+00, v56;
	v59 =	vmul.f32 v18, v18  }
0x21f: {  	v33 =	vld [tilespmem:$0x3F10];
	v61 =	vadd.f32 v13, v8;
	v25 =	vsel vm5, v60, v25;
	v10 =	vadd.f32 v36, v10  }
0x220: {  	v53 =	vld [tilespmem:$0x2E20];
	v1 =	vmul.f32 v29, v1;
	v49 =	vadd.f32 $1.000000000e+00, v25;
	v62 =	vmul.f32 $1.111111120e-01, v59  }
0x221: {  	v36 =	vld [tilespmem:$0x2D90];
	v30 =	vmul.f32 v41, v30;
	v11 =	vadd.f32 v11, v61;
	v10 =	vadd.f32 v40, v10  }
0x222: {  	v16 =	vld [tilespmem:$0x3F00];
	v56 =	vadd.f32 $-1.000000000e+00, v25;
	(erf) = vrcp.f32 v49;
	v48 =	vadd.f32 $1.428571490e-01, v62  }
0x223: {  	v57 =	vshra.s32 v12, $0x17;
	v9 =	vadd.f32 v9, v11;
	v11 =	vld [tilespmem:$0x2E10];
	v10 =	vadd.f32 v44, v10  }
0x224: {  	v12 =	vld [tilespmem:$0x4090];
	v1 =	vadd.f32 v1, v28;
	v30 =	vadd.f32 v30, v35;
	v50 =	vmul.f32 v48, v59  }
0x225: {  	v13 =	vld [tilespmem:$0x4000];
	v7 =	vadd.f32 v7, v9;
	v10 =	vadd.f32 v37, v10  }
0x226: {  	v14 =	vshra.s32 v14, $0x17;
	v8 =	vld [tilespmem:$0x4080];
	v32 =	vadd.f32 v36, v32;
	v51 =	vadd.f32 $2.000000030e-01, v50  }
0x227: {  	v58 =	vsel vm4, $0xFFFFFF82, v0;
	v29 =	vld [tilespmem:$0x2F90];
	v6 =	vadd.f32 v6, v7;
	v54 =	vadd.f32 v26, v10  }
0x228: {  	v35 =	vld [tilespmem:$0x2F10];
	v4 =	vmul.f32 v30, v4;
	v11 =	vadd.f32 v11, v32;
	v9 =	vmul.f32 v51, v59  }
0x229: {  	v25 =	vld [tilespmem:$0x3E90];
	v5 =	vadd.f32 v5, v6;
	v7 =	vadd.f32 v27, v54;
	v27 =	vadd.s32 v57, v58  }
0x22a: {  	v18 =	vadd.f32 v18, v18;
	v28 =	vld [tilespmem:$0x3D10];
	v1 =	vadd.f32 v4, v1;
	v27 =	vcvt.s32.f32 v27  }
0x22b: {  	v30 =	vld [tilespmem:$0x3E10];
	v11 =	vadd.f32 v39, v11;
	v9 =	vadd.f32 $3.333333430e-01, v9;
	v4 =	vmul.f32 $4.340277810e-04, v5;
	v60 =	vpop (erf)  }
0x22c: {  	v36 =	vld [tilespmem:$0x2FA0];
	v5 =	vadd.f32 v46, v55;
	v61 =	vadd.f32 v45, v7;
	v40 =	vmul.f32 v60, v56  }
0x22d: {  	v37 =	vld [tilespmem:$0x2D30];
	v27 =	vmul.f32 $6.931471820e-01, v27;
	v11 =	vadd.f32 v35, v11;
	v6 =	vadd.f32 $1.000000010e-10, v4  }
0x22e: {  	v26 =	vld [tilespmem:$0x3D90];
	v59 =	vmul.f32 v9, v59;
	v5 =	vadd.f32 v19, v5;
	v22 =	vadd.f32 v22, v61  }
0x22f: {  	v50 =	vld [tilespmem:$0x2D20];
	v48 =	vmul.f32 v40, v40;
	v11 =	vadd.f32 v29, v11;
	v62 =	vand.u32 $0x7FFFFF, v6  }
0x230: {  	v51 =	vld [tilespmem:$0x2DA0];
	v63 =	vadd.f32 $1.000000000e+00, v59;
	v17 =	vadd.f32 v17, v5;
	v5 =	vmul.f32 $4.340277810e-04, v22  }
0x231: {  	v32 =	vld [tilespmem:$0x30A0];
	v10 =	vor.u32 $0x3F800000, v62;
	v52 =	vmul.f32 $1.111111120e-01, v48;
	v11 =	vadd.f32 v20, v11  }
0x232: {  	v39 =	vld [tilespmem:$0x4020];
	v49 =	vmul.f32 $5.000000000e-01, v10;
	vm6 =	vgt.f32 v10, $1.414213540e+00;
	v17 =	vadd.f32 v31, v17  }
0x233: {  	v7 =	vld [tilespmem:$0x3F90];
	v18 =	vmul.f32 v63, v18;
	v44 =	vadd.f32 $1.428571490e-01, v52;
	v11 =	vadd.f32 v24, v11  }
0x234: {  	v55 =	vld [tilespmem:$0x2EA0];
	v41 =	vsel vm6, v49, v10;
	v10 =	vadd.f32 $1.000000010e-10, v5;
	v17 =	vadd.f32 v23, v17  }
0x235: {  	v45 =	vld [tilespmem:$0x3FC0];
	v61 =	vsel vm5, $0xFFFFFF82, v0;
	v18 =	vadd.f32 v18, v27;
	v49 =	vadd.f32 v51, v50  }
0x236: {  	v9 =	vld [tilespmem:$0x4010];
	v14 =	vadd.s32 v14, v61;
	v50 =	vadd.f32 v40, v40;
	v54 =	vadd.f32 $1.000000000e+00, v41  }
0x237: {  	v24 =	vld [tilespmem:$0x2DB0];
	v44 =	vmul.f32 v44, v48;
	v41 =	vadd.f32 $-1.000000000e+00, v41;
	v11 =	vadd.f32 v28, v11  }
0x238: {  	v29 =	vld [tilespmem:$0x3FA0];
	v56 =	vand.u32 $0x7FFFFF, v10;
	v17 =	vadd.f32 v42, v17;
	v2 =	vmul.f32 v18, v2  }
0x239: {  	v22 =	vld [tilespmem:$0x2E30];
	(erf) = vrcp.f32 v54;
	v34 =	vor.u32 $0x3F800000, v56;
	v44 =	vadd.f32 $2.000000030e-01, v44  }
0x23a: {  	v20 =	vld [tilespmem:$0x40A0];
	v11 =	vadd.f32 v26, v11;
	v57 =	vmul.f32 $5.000000000e-01, v34;
	v17 =	vadd.f32 v21, v17  }
0x23b: {  	v23 =	vld [tilespmem:$0x2F20];
	vm7 =	vgt.f32 v34, $1.414213540e+00;
	v35 =	vadd.f32 v2, v1;
	v2 =	vadd.f32 v53, v49  }
0x23c: {  	v27 =	vld [tilespmem:$0x3EA0];
	v24 =	vadd.f32 v24, v37;
	v58 =	vmul.f32 v44, v48;
	v11 =	vadd.f32 v30, v11  }
0x23d: {  	v28 =	vld [tilespmem:$0x2EB0];
	v19 =	vsel vm7, v57, v34;
	v17 =	vadd.f32 v38, v17;
	v2 =	vadd.f32 v55, v2  }
0x23e: {  	v6 =	vshra.s32 v6, $0x17;
	v40 =	vld [tilespmem:$0x3030];
	v22 =	vadd.f32 v22, v24;
	v59 =	vadd.f32 $1.000000000e+00, v19  }
0x23f: {  	v61 =	vsel vm6, $0xFFFFFF82, v0;
	v42 =	vld [tilespmem:$0x3020];
	v60 =	vadd.f32 $3.333333430e-01, v58;
	v16 =	vadd.f32 v16, v17  }
0x240: {  	v6 =	vadd.s32 v6, v61;
	v26 =	vld [tilespmem:$0x2FB0];
	v52 =	vadd.f32 $-1.000000000e+00, v19;
	v11 =	vadd.f32 v25, v11  }
0x241: {  	v19 =	vld [tilespmem:$0x2F30];
	v2 =	vadd.f32 v23, v2;
	(erf) = vrcp.f32 v59;
	v15 =	vadd.f32 v15, v16  }
0x242: {  	v21 =	vld [tilespmem:$0x3D20];
	v22 =	vadd.f32 v28, v22;
	v63 =	vmul.f32 v60, v48;
	v11 =	vadd.f32 v33, v11  }
0x243: {  	v37 =	vld [tilespmem:$0x3D40];
	v44 =	vcvt.s32.f32 v14;
	v2 =	vadd.f32 v36, v2;
	v62 =	vpop (erf);
	v46 =	vadd.f32 v13, v15  }
0x244: {  	v30 =	vld [tilespmem:$0x30B0];
	v47 =	vadd.f32 $1.000000000e+00, v63;
	v63 =	vadd.f32 v7, v11;
	v18 =	vmul.f32 v62, v41  }
0x245: {  	v34 =	vld [tilespmem:$0x3DA0];
	v14 =	vmul.f32 $6.931471820e-01, v44;
	v2 =	vadd.f32 v42, v2;
	v48 =	vadd.f32 v8, v46  }
0x246: {  	v38 =	vld [tilespmem:$0x3E20];
	v19 =	vadd.f32 v19, v22;
	v49 =	vadd.f32 v9, v63;
	v41 =	vmul.f32 v18, v18  }
0x247: {  	v24 =	vld [tilespmem:$0x3E40];
	v8 =	vmul.f32 v47, v50;
	v2 =	vadd.f32 v32, v2;
	v1 =	vmul.f32 $4.340277810e-04, v48  }
0x248: {  	v25 =	vld [tilespmem:$0x3DB0];
	v19 =	vadd.f32 v26, v19;
	v12 =	vadd.f32 v12, v49;
	v51 =	vmul.f32 $1.111111120e-01, v41  }
0x249: {  	v6 =	vcvt.s32.f32 v6;
	v17 =	vld [tilespmem:$0x3F20];
	v18 =	vadd.f32 v18, v18;
	v13 =	vadd.f32 $1.000000010e-10, v1  }
0x24a: {  	v10 =	vshra.s32 v10, $0x17;
	v23 =	vld [tilespmem:$0x3D30];
	v8 =	vadd.f32 v8, v14;
	v53 =	vpop (erf);
	v15 =	vadd.f32 $1.428571490e-01, v51  }
0x24b: {  	v28 =	vld [tilespmem:$0x3F40];
	v2 =	vadd.f32 v21, v2;
	v31 =	vmul.f32 v53, v52;
	v55 =	vand.u32 $0x7FFFFF, v13  }
0x24c: {  	v33 =	vld [tilespmem:$0x2F70];
	v19 =	vadd.f32 v40, v19;
	v54 =	vmul.f32 v15, v41;
	v56 =	vor.u32 $0x3F800000, v55  }
0x24d: {  	v16 =	vld [tilespmem:$0x3E30];
	v34 =	vadd.f32 v34, v2;
	v43 =	vmul.f32 v31, v31;
	v58 =	vmul.f32 $5.000000000e-01, v56  }
0x24e: {  	v36 =	vld [tilespmem:$0x2E40];
	v3 =	vmul.f32 v8, v3;
	vm8 =	vgt.f32 v56, $1.414213540e+00;
	v14 =	vadd.f32 $2.000000030e-01, v54  }
0x24f: {  	v7 =	vld [tilespmem:$0x3FB0];
	v53 =	vadd.f32 v38, v34;
	v57 =	vmul.f32 $1.111111120e-01, v43;
	v44 =	vsel vm8, v58, v56  }
0x250: {  	v11 =	vld [tilespmem:$0x4030];
	v19 =	vadd.f32 v30, v19;
	v59 =	vmul.f32 v14, v41;
	v62 =	vadd.f32 $1.000000000e+00, v44  }
0x251: {  	v50 =	vld [tilespmem:$0x2D40];
	v52 =	vmul.f32 $6.931471820e-01, v6;
	v6 =	vadd.f32 v27, v53;
	v60 =	vadd.f32 $1.428571490e-01, v57  }
0x252: {  	v51 =	vld [tilespmem:$0x2DC0];
	v19 =	vadd.f32 v23, v19;
	v47 =	vadd.f32 $3.333333430e-01, v59;
	(erf) = vrcp.f32 v62  }
0x253: {  	v2 =	vmul.f32 $4.340277810e-04, v12;
	v15 =	vld [tilespmem:$0x3EB0];
	v6 =	vadd.f32 v17, v6;
	v48 =	vmul.f32 v60, v43  }
0x254: {  	v42 =	vld [tilespmem:$0x3DC0];
	v35 =	vadd.f32 v3, v35;
	v19 =	vadd.f32 v25, v19;
	v8 =	vmul.f32 v47, v41  }
0x255: {  	v55 =	vsel vm7, $0xFFFFFF82, v0;
	v14 =	vld [tilespmem:$0x3F30];
	v6 =	vadd.f32 v29, v6;
	v32 =	vadd.f32 $2.000000030e-01, v48  }
0x256: {  	v9 =	vld [tilespmem:$0x40B0];
	v10 =	vadd.s32 v10, v55;
	v16 =	vadd.f32 v16, v19;
	v8 =	vadd.f32 $1.000000000e+00, v8  }
0x257: {  	v26 =	vld [tilespmem:$0x4050];
	v21 =	vadd.f32 v51, v50;
	v6 =	vadd.f32 v39, v6;
	v32 =	vmul.f32 v32, v43  }
0x258: {  	v34 =	vld [tilespmem:$0x2F40];
	v15 =	vadd.f32 v15, v16;
	v18 =	vmul.f32 v8, v18;
	v8 =	vadd.f32 $1.000000010e-10, v2  }
0x259: {  	v38 =	vld [tilespmem:$0x3EC0];
	v10 =	vcvt.s32.f32 v10;
	v6 =	vadd.f32 v20, v6;
	v54 =	vadd.f32 $3.333333430e-01, v32  }
0x25a: {  	v50 =	vld [tilespmem:$0x2DD0];
	v56 =	vadd.f32 $-1.000000000e+00, v44;
	v14 =	vadd.f32 v14, v15;
	v57 =	vand.u32 $0x7FFFFF, v8  }
0x25b: {  	v48 =	vld [tilespmem:$0x2D50];
	v3 =	vmul.f32 $4.340277810e-04, v6;
	v12 =	vmul.f32 v54, v43;
	v58 =	vpop (erf);
	v43 =	vor.u32 $0x3F800000, v57  }
0x25c: {  	v23 =	vld [tilespmem:$0x3050];
	v17 =	vmul.f32 v58, v56;
	v59 =	vmul.f32 $5.000000000e-01, v43  }
0x25d: {  	v27 =	vld [tilespmem:$0x3040];
	v60 =	vadd.f32 v31, v31;
	v14 =	vadd.f32 v7, v14;
	vm9 =	vgt.f32 v43, $1.414213540e+00  }
0x25e: {  	v41 =	vld [tilespmem:$0x2EC0];
	v6 =	vadd.f32 $1.000000010e-10, v3;
	v61 =	vsel vm9, v59, v43;
	v62 =	vmul.f32 v17, v17  }
0x25f: {  	v53 =	vld [tilespmem:$0x2ED0];
	v47 =	vmul.f32 $6.931471820e-01, v10;
	v12 =	vadd.f32 $1.000000000e+00, v12;
	v63 =	vadd.f32 $1.000000000e+00, v61  }
0x260: {  	v55 =	vld [tilespmem:$0x2F50];
	v22 =	vadd.f32 v50, v48;
	v18 =	vadd.f32 v18, v52;
	v46 =	vmul.f32 $1.111111120e-01, v62  }
0x261: {  	v51 =	vld [tilespmem:$0x2E50];
	v52 =	vadd.f32 v36, v21;
	v29 =	vmul.f32 v12, v60;
	(erf) = vrcp.f32 v63  }
0x262: {  	v32 =	vld [tilespmem:$0x2FC0];
	v54 =	vand.u32 $0x7FFFFF, v6;
	v4 =	vmul.f32 v18, v4;
	v20 =	vadd.f32 $1.428571490e-01, v46  }
0x263: {  	v19 =	vld [tilespmem:$0x3ED0];
	v56 =	vor.u32 $0x3F800000, v54;
	v18 =	vadd.f32 v41, v52;
	v49 =	vadd.f32 v29, v47  }
0x264: {  	v44 =	vld [tilespmem:$0x30C0];
	v11 =	vadd.f32 v11, v14;
	v58 =	vmul.f32 $5.000000000e-01, v56;
	v20 =	vmul.f32 v20, v62  }
0x265: {  	v39 =	vld [tilespmem:$0x3E50];
	v4 =	vadd.f32 v4, v35;
	v18 =	vadd.f32 v34, v18;
	v5 =	vmul.f32 v49, v5  }
0x266: {  	v10 =	vld [tilespmem:$0x40C0];
	v22 =	vadd.f32 v51, v22;
	vm10 =	vgt.f32 v56, $1.414213540e+00;
	v20 =	vadd.f32 $2.000000030e-01, v20  }
0x267: {  	v36 =	vld [tilespmem:$0x3F50];
	v18 =	vadd.f32 v32, v18;
	v4 =	vadd.f32 v5, v4;
	v5 =	vsel vm10, v58, v56  }
0x268: {  	v52 =	vld [tilespmem:$0x2D70];
	v31 =	vadd.f32 $-1.000000000e+00, v61;
	v61 =	vadd.f32 $1.000000000e+00, v5;
	v20 =	vmul.f32 v20, v62  }
0x269: {  	v13 =	vshra.s32 v13, $0x17;
	v48 =	vadd.f32 v53, v22;
	v53 =	vld [tilespmem:$0x2DF0];
	v18 =	vadd.f32 v27, v18  }
0x26a: {  	v59 =	vsel vm8, $0xFFFFFF82, v0;
	v43 =	vld [tilespmem:$0x2D60];
	v20 =	vadd.f32 $3.333333430e-01, v20;
	v60 =	vpop (erf);
	(erf) = vrcp.f32 v61  }
0x26b: {  	v13 =	vadd.s32 v13, v59;
	v46 =	vld [tilespmem:$0x2DE0];
	v63 =	vadd.f32 v44, v18;
	v25 =	vmul.f32 v60, v31  }
0x26c: {  	v57 =	vld [tilespmem:$0x2FD0];
	v13 =	vcvt.s32.f32 v13;
	v20 =	vmul.f32 v20, v62  }
0x26d: {  	v51 =	vld [tilespmem:$0x2EE0];
	v9 =	vadd.f32 v9, v11;
	v41 =	vadd.f32 v37, v63;
	v62 =	vmul.f32 v25, v25  }
0x26e: {  	v12 =	vld [tilespmem:$0x4040];
	v17 =	vadd.f32 v17, v17;
	v13 =	vmul.f32 $6.931471820e-01, v13;
	v20 =	vadd.f32 $1.000000000e+00, v20  }
0x26f: {  	v49 =	vld [tilespmem:$0x2E60];
	v21 =	vadd.f32 v53, v52;
	v15 =	vadd.f32 v42, v41;
	v40 =	vmul.f32 $1.111111120e-01, v62  }
0x270: {  	v58 =	vld [tilespmem:$0x2E70];
	v5 =	vadd.f32 $-1.000000000e+00, v5;
	v16 =	vadd.f32 v46, v43;
	v17 =	vmul.f32 v20, v17  }
0x271: {  	v34 =	vld [tilespmem:$0x30D0];
	v50 =	vadd.f32 v24, v15;
	v44 =	vadd.f32 $1.428571490e-01, v40  }
0x272: {  	v60 =	vld [tilespmem:$0x2EF0];
	v7 =	vadd.f32 v17, v13;
	v17 =	vadd.f32 v55, v48  }
0x273: {  	v35 =	vld [tilespmem:$0x3D50];
	v56 =	vadd.f32 v38, v50;
	v43 =	vadd.f32 v25, v25;
	v47 =	vmul.f32 v44, v62;
	v54 =	vpop (erf)  }
0x274: {  	v55 =	vld [tilespmem:$0x2F60];
	v17 =	vadd.f32 v57, v17;
	v11 =	vmul.f32 v54, v5;
	v57 =	vadd.f32 v49, v16  }
0x275: {  	v8 =	vshra.s32 v8, $0x17;
	v59 =	vld [tilespmem:$0x2FE0];
	v16 =	vadd.f32 v58, v21;
	v13 =	vadd.f32 $2.000000030e-01, v47  }
0x276: {  	v32 =	vld [tilespmem:$0x3DD0];
	v5 =	vadd.f32 v28, v56;
	v17 =	vadd.f32 v23, v17;
	v23 =	vmul.f32 v11, v11  }
0x277: {  	v53 =	vld [tilespmem:$0x3EE0];
	v14 =	vadd.f32 v51, v57;
	v41 =	vadd.f32 v60, v16;
	v13 =	vmul.f32 v13, v62  }
0x278: {  	v61 =	vld [tilespmem:$0x3060];
	v1 =	vmul.f32 v7, v1;
	v11 =	vadd.f32 v11, v11;
	v17 =	vadd.f32 v34, v17  }
0x279: {  	v18 =	vld [tilespmem:$0x3FD0];
	v63 =	vmul.f32 $1.111111120e-01, v23;
	v14 =	vadd.f32 v55, v14;
	v13 =	vadd.f32 $3.333333430e-01, v13  }
0x27a: {  	v6 =	vshra.s32 v6, $0x17;
	v38 =	vld [tilespmem:$0x2FF0];
	v1 =	vadd.f32 v1, v4;
	v17 =	vadd.f32 v35, v17  }
0x27b: {  	v34 =	vld [tilespmem:$0x30E0];
	v37 =	vadd.f32 $1.428571490e-01, v63;
	v14 =	vadd.f32 v59, v14;
	v13 =	vmul.f32 v13, v62  }
0x27c: {  	v62 =	vadd.f32 v45, v5;
	v5 =	vmul.f32 $4.340277810e-04, v9;
	v45 =	vld [tilespmem:$0x3070];
	v9 =	vadd.f32 v33, v41  }
0x27d: {  	v42 =	vld [tilespmem:$0x3D60];
	v35 =	vsel vm9, $0xFFFFFF82, v0;
	v14 =	vadd.f32 v61, v14;
	v47 =	vadd.f32 v32, v17  }
0x27e: {  	v48 =	vld [tilespmem:$0x30F0];
	v8 =	vadd.s32 v8, v35;
	v40 =	vadd.f32 $1.000000000e+00, v13;
	v13 =	vadd.f32 $1.000000010e-10, v5  }
0x27f: {  	v46 =	vld [tilespmem:$0x3DE0];
	v44 =	vmul.f32 v37, v23;
	v9 =	vadd.f32 v38, v9;
	v12 =	vadd.f32 v12, v62  }
0x280: {  	v51 =	vld [tilespmem:$0x3D70];
	v28 =	vcvt.s32.f32 v8;
	v14 =	vadd.f32 v34, v14;
	v8 =	vadd.f32 v39, v47  }
0x281: {  	v50 =	vld [tilespmem:$0x3E60];
	v60 =	vsel vm10, $0xFFFFFF82, v0;
	v25 =	vadd.f32 $2.000000030e-01, v44;
	v9 =	vadd.f32 v45, v9  }
0x282: {  	v55 =	vld [tilespmem:$0x3DF0];
	v49 =	vand.u32 $0x7FFFFF, v13;
	v14 =	vadd.f32 v42, v14;
	v54 =	vadd.f32 v19, v8  }
0x283: {  	v31 =	vld [tilespmem:$0x40D0];
	v10 =	vadd.f32 v10, v12;
	v21 =	vor.u32 $0x3F800000, v49;
	v9 =	vadd.f32 v48, v9  }
0x284: {  	v59 =	vld [tilespmem:$0x3E70];
	v52 =	vmul.f32 $5.000000000e-01, v21;
	v14 =	vadd.f32 v46, v14;
	v58 =	vadd.f32 v36, v54  }
0x285: {  	v56 =	vld [tilespmem:$0x3F60];
	vm11 =	vgt.f32 v21, $1.414213540e+00;
	v8 =	vmul.f32 $4.340277810e-04, v10;
	v9 =	vadd.f32 v51, v9  }
0x286: {  	v63 =	vld [tilespmem:$0x3EF0];
	v21 =	vsel vm11, v52, v21;
	v14 =	vadd.f32 v50, v14;
	v10 =	vadd.f32 v18, v58  }
0x287: {  	v24 =	vadd.s32 v6, v60;
	v61 =	vld [tilespmem:$0x3FE0];
	v57 =	vadd.f32 $1.000000000e+00, v21;
	v9 =	vadd.f32 v55, v9  }
0x288: {  	v24 =	vcvt.s32.f32 v24;
	v32 =	vld [tilespmem:$0x3F70];
	v14 =	vadd.f32 v53, v14;
	v10 =	vadd.f32 v26, v10  }
0x289: {  	v29 =	vld [tilespmem:$0x4060];
	v62 =	vmul.f32 $6.931471820e-01, v28;
	v16 =	vmul.f32 v40, v43;
	v9 =	vadd.f32 v59, v9  }
0x28a: {  	v37 =	vld [tilespmem:$0x3FF0];
	(erf) = vrcp.f32 v57;
	v14 =	vadd.f32 v56, v14;
	v10 =	vadd.f32 v31, v10  }
0x28b: {  	v34 =	vld [tilespmem:$0x40E0];
	v30 =	vmul.f32 v25, v23;
	v16 =	vadd.f32 v16, v62;
	v18 =	vadd.f32 v63, v9  }
0x28c: {  	v39 =	vld [tilespmem:$0x4070];
	v28 =	vadd.f32 $1.000000010e-10, v8;
	v14 =	vadd.f32 v61, v14;
	v9 =	vmul.f32 $4.340277810e-04, v10  }
0x28d: {  	v24 =	vmul.f32 $6.931471820e-01, v24;
	v35 =	vadd.f32 $3.333333430e-01, v30;
	v40 =	vadd.f32 v32, v18  }
0x28e: {  	v42 =	vld [tilespmem:$0x40F0];
	v33 =	vand.u32 $0x7FFFFF, v28;
	v14 =	vadd.f32 v29, v14;
	v18 =	vadd.f32 $1.000000010e-10, v9  }
0x28f: {  	v45 =	vadd.f32 $-1.000000000e+00, v21;
	v36 =	vor.u32 $0x3F800000, v33;
	v44 =	vadd.f32 v37, v40  }
0x290: {  	v38 =	vmul.f32 $5.000000000e-01, v36;
	v43 =	vadd.f32 v34, v14;
	v46 =	vand.u32 $0x7FFFFF, v18  }
0x291: {  	vm12 =	vgt.f32 v36, $1.414213540e+00;
	v17 =	vor.u32 $0x3F800000, v46;
	v10 =	vadd.f32 v39, v44  }
0x292: {  	v19 =	vsel vm12, v38, v36;
	v6 =	vmul.f32 $4.340277810e-04, v43;
	v49 =	vmul.f32 $5.000000000e-01, v17  }
0x293: {  	v41 =	vadd.f32 $1.000000000e+00, v19;
	v47 =	vpop (erf);
	vm13 =	vgt.f32 v17, $1.414213540e+00;
	v10 =	vadd.f32 v42, v10  }
0x294: {  	v48 =	vmul.f32 v47, v45;
	v22 =	vadd.f32 $1.000000010e-10, v6;
	v17 =	vsel vm13, v49, v17  }
0x295: {  	(erf) = vrcp.f32 v41;
	v21 =	vadd.f32 $1.000000000e+00, v17;
	v10 =	vmul.f32 $4.340277810e-04, v10  }
0x296: {  	v12 =	vmul.f32 v35, v23;
	v50 =	vmul.f32 v48, v48;
	v51 =	vand.u32 $0x7FFFFF, v22  }
0x297: {  	v25 =	vor.u32 $0x3F800000, v51;
	(erf) = vrcp.f32 v21;
	v29 =	vadd.f32 $1.000000010e-10, v10  }
0x298: {  	v20 =	vsel vm11, $0xFFFFFF82, v0;
	v12 =	vadd.f32 $1.000000000e+00, v12;
	v53 =	vmul.f32 $5.000000000e-01, v25  }
0x299: {  	v52 =	vmul.f32 $1.111111120e-01, v50;
	vm14 =	vgt.f32 v25, $1.414213540e+00;
	v55 =	vand.u32 $0x7FFFFF, v29  }
0x29a: {  	v2 =	vmul.f32 v16, v2;
	v21 =	vsel vm14, v53, v25;
	v25 =	vor.u32 $0x3F800000, v55  }
0x29b: {  	v11 =	vmul.f32 v12, v11;
	v26 =	vadd.f32 $1.428571490e-01, v52;
	v58 =	vmul.f32 $5.000000000e-01, v25  }
0x29c: {  	v1 =	vadd.f32 v2, v1;
	v57 =	vadd.f32 $1.000000000e+00, v21;
	vm15 =	vgt.f32 v25, $1.414213540e+00  }
0x29d: {  	v11 =	vadd.f32 v11, v24;
	v26 =	vmul.f32 v26, v50;
	v25 =	vsel vm15, v58, v25  }
0x29e: {  	v19 =	vadd.f32 $-1.000000000e+00, v19;
	v56 =	vpop (erf);
	(erf) = vrcp.f32 v57;
	v31 =	vadd.f32 $1.000000000e+00, v25  }
0x29f: {  	v36 =	vshra.s32 v13, $0x17;
	v3 =	vmul.f32 v11, v3;
	v26 =	vadd.f32 $2.000000030e-01, v26  }
0x2a0: {  	v11 =	vadd.s32 v36, v20;
	v19 =	vmul.f32 v56, v19;
	v61 =	vpop (erf);
	(erf) = vrcp.f32 v31  }
0x2a1: {  	v11 =	vcvt.s32.f32 v11;
	v26 =	vmul.f32 v26, v50  }
0x2a2: {  	v15 =	vsel vm12, $0xFFFFFF82, v0;
	v1 =	vadd.f32 v3, v1;
	v60 =	vmul.f32 v19, v19  }
0x2a3: {  	v11 =	vmul.f32 $6.931471820e-01, v11;
	v17 =	vadd.f32 $-1.000000000e+00, v17;
	v27 =	vadd.f32 $3.333333430e-01, v26  }
0x2a4: {  	v54 =	vsel vm13, $0xFFFFFF82, v0;
	v14 =	vadd.f32 v48, v48;
	v62 =	vmul.f32 $1.111111120e-01, v60  }
0x2a5: {  	v48 =	vshra.s32 v28, $0x17;
	v63 =	vmul.f32 v61, v17;
	v34 =	vmul.f32 v27, v50  }
0x2a6: {  	v51 =	vshra.s32 v18, $0x17;
	v21 =	vadd.f32 $-1.000000000e+00, v21;
	v33 =	vadd.f32 $1.428571490e-01, v62  }
0x2a7: {  	v56 =	vshra.s32 v22, $0x17;
	v35 =	vmul.f32 v63, v63;
	v4 =	vadd.f32 $1.000000000e+00, v34;
	v39 =	vpop (erf)  }
0x2a8: {  	v41 =	vadd.f32 $-1.000000000e+00, v25;
	v37 =	vmul.f32 v33, v60;
	v40 =	vmul.f32 v39, v21  }
0x2a9: {  	v59 =	vsel vm14, $0xFFFFFF82, v0;
	v38 =	vmul.f32 $1.111111120e-01, v35;
	v4 =	vmul.f32 v4, v14;
	v44 =	vpop (erf)  }
0x2aa: {  	v57 =	vadd.s32 v56, v59;
	v43 =	vmul.f32 v40, v40;
	v14 =	vmul.f32 v44, v41  }
0x2ab: {  	v0 =	vsel vm15, $0xFFFFFF82, v0;
	v59 =	vshra.s32 v29, $0x17;
	v13 =	vadd.f32 $2.000000030e-01, v37  }
0x2ac: {  	v16 =	vadd.f32 $1.428571490e-01, v38;
	v45 =	vmul.f32 $1.111111120e-01, v43;
	v47 =	vmul.f32 v14, v14  }
0x2ad: {  	v19 =	vadd.f32 v19, v19;
	v0 =	vadd.s32 v59, v0;
	v13 =	vmul.f32 v13, v60  }
0x2ae: {  	v42 =	vmul.f32 v16, v35;
	v3 =	vadd.f32 $1.428571490e-01, v45;
	v49 =	vmul.f32 $1.111111120e-01, v47  }
0x2af: {  	v0 =	vcvt.s32.f32 v0;
	v17 =	vadd.s32 v51, v54;
	v13 =	vadd.f32 $3.333333430e-01, v13  }
0x2b0: {  	v2 =	vadd.f32 $2.000000030e-01, v42;
	v3 =	vmul.f32 v3, v43;
	v50 =	vadd.f32 $1.428571490e-01, v49  }
0x2b1: {  	v52 =	vcvt.s32.f32 v17;
	v46 =	vmul.f32 v13, v60;
	v13 =	vadd.s32 v48, v15  }
0x2b2: {  	v2 =	vmul.f32 v2, v35;
	v3 =	vadd.f32 $2.000000030e-01, v3;
	v15 =	vmul.f32 v50, v47  }
0x2b3: {  	v7 =	vadd.f32 v63, v63;
	v53 =	vmul.f32 $6.931471820e-01, v52;
	v4 =	vadd.f32 v4, v11  }
0x2b4: {  	v2 =	vadd.f32 $3.333333430e-01, v2;
	v3 =	vmul.f32 v3, v43;
	v15 =	vadd.f32 $2.000000030e-01, v15  }
0x2b5: {  	v13 =	vcvt.s32.f32 v13;
	v11 =	vadd.f32 $1.000000000e+00, v46;
	v4 =	vmul.f32 v4, v5  }
0x2b6: {  	v2 =	vmul.f32 v2, v35;
	v3 =	vadd.f32 $3.333333430e-01, v3;
	v54 =	vmul.f32 v15, v47  }
0x2b7: {  	v58 =	vadd.f32 v40, v40;
	v13 =	vmul.f32 $6.931471820e-01, v13;
	v11 =	vmul.f32 v11, v19  }
0x2b8: {  	v2 =	vadd.f32 $1.000000000e+00, v2;
	v3 =	vmul.f32 v3, v43;
	v5 =	vadd.f32 $3.333333430e-01, v54  }
0x2b9: {  	v1 =	vadd.f32 v4, v1;
	v4 =	vcvt.s32.f32 v57;
	v11 =	vadd.f32 v11, v13  }
0x2ba: {  	v2 =	vmul.f32 v2, v7;
	v3 =	vadd.f32 $1.000000000e+00, v3;
	v5 =	vmul.f32 v5, v47  }
0x2bb: {  	v60 =	vadd.f32 v14, v14;
	v4 =	vmul.f32 $6.931471820e-01, v4;
	v55 =	vmul.f32 v11, v8  }
0x2bc: {  	v2 =	vadd.f32 v2, v53;
	v3 =	vmul.f32 v3, v58;
	v5 =	vadd.f32 $1.000000000e+00, v5  }
0x2bd: {  	v0 =	vmul.f32 $6.931471820e-01, v0;
	v1 =	vadd.f32 v55, v1  }
0x2be: {  	v2 =	vmul.f32 v2, v9;
	v3 =	vadd.f32 v3, v4;
	v61 =	vmul.f32 v5, v60;
	_ =	sdelay $0x1  }
0x2bf: {  	v1 =	vadd.f32 v2, v1;
	v62 =	vmul.f32 v3, v6;
	v0 =	vadd.f32 v61, v0;
	_ =	sdelay $0x1  }
0x2c0: {  	v1 =	vadd.f32 v62, v1;
	v0 =	vmul.f32 v0, v10;
	_ =	sdelay $0x1  }
0x2c1: {  	v0 =	vadd.f32 v0, v1;
	_ =	sdelay $0x1  }
0x2c2: {  	(xrf2) =	vadd.scan.msk.f32 $0xffff, v0;
	_ =	sdelay $0x9  }
0x2c3: {  	v0, _, _ =	vpop (xrf2)  }
0x2c4: {  	(v2sf) =	vpush v0, $0xF;
	_ =	sdelay $0xe  }
0x2c5: {  	s30 =	spop (v2sf)  }
0x2c6: {  	s4 =	ssub.f32 $0.0e+00, s30;
	_ =	sdelay $0x1  }
0x2c7: {  	v63 =	vmov s4  }
0x2c8: {  	v0 =	vmul.f32 $1.442695020e+00, v63;
	_ =	sdelay $0x1  }
0x2c9: {  	v0 =	vbroadcast v0, $0x0;
	_ =	sdelay $0x1  }
0x2ca: {  	(erf) = vpow2.f32 v0;
	_ =	sdelay $0x8  }
0x2cb: {  	v0 =	vpop (erf)  }
0x2cc: {  	s31 =	simm.s32 $0x0;
	[tilespmem:$0x100] =	vst v0  }
0x2cd: {  	[hbm4b:s1+s31] =	stream.linear.scatter [tilespmem:s3], [sflag:$0x2], $0x10, $0x38;
	[tilespmem:$0x4300] =	vst v63  }
0x2ce: {  	_ =	swait.ge [sflag:s2], $0x10  }
0x2cf: {  	[sflag:s2] =	ssyncset.done $0x0  }
0x2d0: {  	[sflag:s2] =	ssyncadd.s32 $0xFFFFFFF0  }
0x2d1: {  	_ =	sfence.sel $0x180000  }
0x2d2: {  	[bflag:$0x0] =	sbarrier.arrive $0xFFFF  }
0x2d3: {  	_ =	strace $0x90000047  }
0x2d4: {  	s0 =	sadd.s32 $0x100000, s0;
	[bflag:$0x2] =	sbarrier.arrive $0xFFFF  }
0x2d5: {  	[sflag:s0] =	ssyncadd.tile.s32 $0x1;
	_ =	shalt  }
.Lfunc_end2:
_tile_overlayer_lowered:
.L_overlay_start_2:
0x2d6: {  	(tag) =	ssettag $0x2  }
0x2d7: {  	s0 =	rddreg [dreg:$0x0];
	s2 =	stileid.u32  }
0x2d8: {  	s1 =	rddreg [dreg:$0x1];
	p0 =	sne.s32 s2, $0x0  }
0x2d9: {  	s3 =	rddreg [dreg:$0x2];
	[bflag:$0x3] =	sbarrier.arrive $0xFFFF;
	s2 =	simm.s32 @!p0 $0x1C02  }
0x2da: {  	[timem:s3], [sflag:s2] =	dma.local @!p0 [hbm:s0], s1  }
0x2db: {  	s0 =	simm.s32 @!p0 $0x2  }
0x2dc: {  	_ =	swait.ge @!p0 [sflag:s0], s1  }
0x2dd: {  	s1 =	ssub.s32 @!p0 $0x0, s1;
	[sflag:s0] =	ssyncset.done @!p0 $0x0  }
0x2de: {  	[sflag:s0] =	ssyncadd.s32 @!p0 s1  }
0x2df: {  	[bflag:$0x3] =	sbarrier.arrive $0xFFFF  }
0x2e0: {  	_ =	shalt  }

</sc_bundles>
